<compile_context>
chip_gen: v7x
topology: tpu7x:2x2x1
jax: 0.10.2.dev20260603
libtpu: 0.0.44.dev20260713+nightly
codegen_flags: <defaults>
</compile_context>

<pallas_src>
import functools

import jax
import jax.numpy as jnp
from jax import lax
from jax.experimental import pallas as pl
from jax.experimental.pallas import tpu as pltpu
from jax.experimental.pallas import tpu_sc as plsc

N = 10000
D = 128
E = 320000
NC, NS = 2, 16
NW = NC * NS
K = 128
NB = 80
KP = 48
NP = 210
NP0, NP1 = 108, 102
NRING = 6
PS = 448
NA = N + PS
ZR = 208
RPS = 624


@functools.cache
def _sc_mesh():
    return plsc.VectorSubcoreMesh(
        core_axis_name="c", subcore_axis_name="s", num_cores=NC, num_subcores=NS)


def _zero_rows(ref, nrows, width):
    z = jnp.zeros((16,), jnp.float32)

    def body(i, carry):
        for k in range(width // 16):
            ref[i, pl.ds(16 * k, 16)] = z
        return carry

    lax.fori_loop(0, nrows, body, 0)


def _copy_out(c, s, acc, out_hbm):
    r0 = s * RPS
    pltpu.sync_copy(acc.at[pl.ds(r0, RPS)], out_hbm.at[c, pl.ds(r0, RPS)])

    @pl.when(s == NS - 1)
    def _():
        pltpu.sync_copy(acc.at[pl.ds(NS * RPS, N - NS * RPS)],
                        out_hbm.at[c, pl.ds(NS * RPS, N - NS * RPS)])


def _deg_body(dst_hbm, out_hbm, didx, onesb, zed, accd):
    c = lax.axis_index("c")
    s = lax.axis_index("s")
    g = c * NS + s

    one = jnp.ones((16,), jnp.float32)

    def fill(i, carry):
        onesb[i, :] = one
        return carry

    lax.fori_loop(0, KP, fill, 0)
    _zero_rows(zed, ZR, 16)
    r0 = s * RPS
    for t in range(3):
        pltpu.sync_copy(zed, accd.at[pl.ds(r0 + t * ZR, ZR)])

    @pl.when(s == NS - 1)
    def _():
        pltpu.sync_copy(zed.at[pl.ds(0, N - NS * RPS)],
                        accd.at[pl.ds(NS * RPS, N - NS * RPS)])

    plsc.subcore_barrier()

    pltpu.sync_copy(dst_hbm.at[pl.ds(g * NP, NP)], didx)

    def body(i, carry):
        pltpu.sync_copy(onesb, accd.at[didx.at[i]], add=True)
        return carry

    lax.fori_loop(0, NP, body, 0)

    plsc.subcore_barrier()
    _copy_out(c, s, accd, out_hbm)


@functools.cache
def _deg_call():
    return pl.kernel(
        _deg_body,
        out_type=jax.ShapeDtypeStruct((NC, N, 16), jnp.float32),
        mesh=_sc_mesh(),
        compiler_params=pltpu.CompilerParams(use_tc_tiling_on_sc=False),
        scratch_types=[
            pltpu.VMEM((NP, KP), jnp.int32),
            pltpu.VMEM((KP, 16), jnp.float32),
            pltpu.VMEM((ZR, 16), jnp.float32),
            pltpu.VMEM_SHARED((NA, 16), jnp.float32),
        ],
    )


def _prop_body(y_hbm, src_hbm, dst_hbm, out_hbm,
               sidx, didx, buf0, buf1, buf2, buf3, buf4, buf5, acc,
               gs0, gs1, gs2, gs3, gs4, gs5, ss0, ss1, ss2, ss3, ss4, ss5):
    c = lax.axis_index("c")
    s = lax.axis_index("s")
    base = c * (NS * NP) + s * NP

    bufs = (buf0, buf1, buf2, buf3, buf4, buf5)
    gsems = (gs0, gs1, gs2, gs3, gs4, gs5)
    ssems = (ss0, ss1, ss2, ss3, ss4, ss5)

    for b in range(NRING):
        _zero_rows(bufs[b], KP, D)
    r0 = s * RPS
    nz = RPS // KP
    rem = RPS - nz * KP
    for t in range(nz):
        b = t % NRING
        pltpu.async_copy(bufs[b], acc.at[pl.ds(r0 + t * KP, KP)], gsems[b])
    if rem:
        br = nz % NRING
        pltpu.async_copy(bufs[br].at[pl.ds(0, rem)],
                         acc.at[pl.ds(r0 + nz * KP, rem)], gsems[br])
    for t in range(nz):
        b = t % NRING
        pltpu.make_async_copy(bufs[b], acc.at[pl.ds(0, KP)], gsems[b]).wait()
    if rem:
        br = nz % NRING
        pltpu.make_async_copy(bufs[br].at[pl.ds(0, rem)],
                              acc.at[pl.ds(0, rem)], gsems[br]).wait()

    @pl.when(s == NS - 1)
    def _():
        pltpu.sync_copy(buf0.at[pl.ds(0, N - NS * RPS)],
                        acc.at[pl.ds(NS * RPS, N - NS * RPS)])

    plsc.subcore_barrier()

    def g_start(i, b):
        pltpu.async_copy(y_hbm.at[sidx.at[i]], bufs[b], gsems[b])

    def g_wait(b):
        pltpu.make_async_copy(y_hbm.at[sidx.at[0]], bufs[b], gsems[b]).wait()

    def s_start(i, b):
        pltpu.async_copy(bufs[b], acc.at[didx.at[i]], ssems[b], add=True)

    def s_wait(b):
        pltpu.make_async_copy(bufs[b], acc.at[didx.at[0]], ssems[b]).wait()

    off = 0
    for np_ in (NP0, NP1):
        pltpu.sync_copy(src_hbm.at[pl.ds(base + off, np_)],
                        sidx.at[pl.ds(0, np_)])
        pltpu.sync_copy(dst_hbm.at[pl.ds(base + off, np_)],
                        didx.at[pl.ds(0, np_)])

        for b in range(NRING):
            g_start(b, b)

        def body(j, carry):
            a = NRING * j
            for b in range(NRING):
                g_wait(b)
                s_start(a + b, b)
            for b in range(NRING):
                s_wait(b)
                g_start(a + NRING + b, b)
            return carry

        lax.fori_loop(0, np_ // NRING - 1, body, 0)

        a = np_ - NRING
        for b in range(NRING):
            g_wait(b)
            s_start(a + b, b)
        for b in range(NRING):
            s_wait(b)
        off += np_

    plsc.subcore_barrier()
    _copy_out(c, s, acc, out_hbm)


@functools.cache
def _prop_call():
    return pl.kernel(
        _prop_body,
        out_type=jax.ShapeDtypeStruct((NC, N, D), jnp.float32),
        mesh=_sc_mesh(),
        compiler_params=pltpu.CompilerParams(use_tc_tiling_on_sc=False),
        scratch_types=[
            pltpu.VMEM((NP0, KP), jnp.int32),
            pltpu.VMEM((NP0, KP), jnp.int32),
        ] + [pltpu.VMEM((KP, D), jnp.float32)] * NRING + [
            pltpu.VMEM_SHARED((NA, D), jnp.float32),
        ] + [pltpu.SemaphoreType.DMA] * (2 * NRING),
    )


_BR = 1000
_GRID = N // _BR


def _tc1_body(degp_ref, x_ref, w1_ref, y1_ref, dinv_ref):
    deg16 = degp_ref[0] + degp_ref[1] + 1.0
    dinv16 = lax.rsqrt(deg16)
    dinv = dinv16[:, 0:1]
    dinv_ref[...] = dinv
    y1_ref[...] = jnp.dot(x_ref[...], w1_ref[...],
                          preferred_element_type=jnp.float32) * dinv


_tc1_call = pl.pallas_call(
    _tc1_body,
    grid=(_GRID,),
    in_specs=[
        pl.BlockSpec((NC, _BR, 16), lambda i: (0, i, 0)),
        pl.BlockSpec((_BR, D), lambda i: (i, 0)),
        pl.BlockSpec((D, D), lambda i: (0, 0)),
    ],
    out_specs=[
        pl.BlockSpec((_BR, D), lambda i: (i, 0)),
        pl.BlockSpec((_BR, 1), lambda i: (i, 0)),
    ],
    out_shape=[
        jax.ShapeDtypeStruct((N, D), jnp.float32),
        jax.ShapeDtypeStruct((N, 1), jnp.float32),
    ],
)


def _tc2_body(s_ref, y1_ref, dinv_ref, b1_ref, y2_ref):
    dinv = dinv_ref[...]
    p = (s_ref[0] + s_ref[1] + y1_ref[...]) * dinv + b1_ref[...]
    y2_ref[...] = jnp.maximum(p, 0.0) * dinv


_tc2_call = pl.pallas_call(
    _tc2_body,
    grid=(_GRID,),
    in_specs=[
        pl.BlockSpec((NC, _BR, D), lambda i: (0, i, 0)),
        pl.BlockSpec((_BR, D), lambda i: (i, 0)),
        pl.BlockSpec((_BR, 1), lambda i: (i, 0)),
        pl.BlockSpec((1, D), lambda i: (0, 0)),
    ],
    out_specs=pl.BlockSpec((_BR, D), lambda i: (i, 0)),
    out_shape=jax.ShapeDtypeStruct((N, D), jnp.float32),
)


def _tc3_body(s_ref, y2_ref, dinv_ref, wmu_ref, wlv_ref, bmu_ref, blv_ref,
              zmu_ref, zlv_ref):
    p2 = (s_ref[0] + s_ref[1] + y2_ref[...]) * dinv_ref[...]
    zmu_ref[...] = jnp.dot(p2, wmu_ref[...],
                           preferred_element_type=jnp.float32) + bmu_ref[...]
    zlv_ref[...] = jnp.dot(p2, wlv_ref[...],
                           preferred_element_type=jnp.float32) + blv_ref[...]


_tc3_call = pl.pallas_call(
    _tc3_body,
    grid=(_GRID,),
    in_specs=[
        pl.BlockSpec((NC, _BR, D), lambda i: (0, i, 0)),
        pl.BlockSpec((_BR, D), lambda i: (i, 0)),
        pl.BlockSpec((_BR, 1), lambda i: (i, 0)),
        pl.BlockSpec((D, D), lambda i: (0, 0)),
        pl.BlockSpec((D, D), lambda i: (0, 0)),
        pl.BlockSpec((1, D), lambda i: (0, 0)),
        pl.BlockSpec((1, D), lambda i: (0, 0)),
    ],
    out_specs=[
        pl.BlockSpec((_BR, D), lambda i: (i, 0)),
        pl.BlockSpec((_BR, D), lambda i: (i, 0)),
    ],
    out_shape=[
        jax.ShapeDtypeStruct((N, D), jnp.float32),
        jax.ShapeDtypeStruct((N, D), jnp.float32),
    ],
)


def kernel(x, edge_index, W1, b1, W_mu, b_mu, W_lv, b_lv):
    ei = edge_index.astype(jnp.int32)
    pad = NW * NP * KP - E
    r = jnp.arange(pad, dtype=jnp.int32)
    src2 = jnp.concatenate([ei[0], r % N]).reshape(NW * NP, KP)
    dst2 = jnp.concatenate([ei[1], N + (r % PS)]).reshape(NW * NP, KP)

    degp = _deg_call()(dst2)
    y1, dinv = _tc1_call(degp, x, W1)
    s1 = _prop_call()(y1, src2, dst2)
    y2 = _tc2_call(s1, y1, dinv, b1.reshape(1, D))
    s2 = _prop_call()(y2, src2, dst2)
    z_mu, z_lv = _tc3_call(s2, y2, dinv, W_mu, W_lv,
                           b_mu.reshape(1, D), b_lv.reshape(1, D))
    return (z_mu, z_lv)

# --- scband reference (transcript-rebuilt; emitter-appended) ---
"""Pipeline reference for scband-vgcnencoder-38654705664008 (READ-ONLY COPY).

The authoritative reference and input builder live on the scoring server;
editing this copy changes nothing except your own understanding.
"""

import jax, jax.numpy as jnp
import numpy as np

IN_DIM = 128
HIDDEN_DIM = 128
N_NODES = 10000
N_EDGES = 320000


def setup_inputs(seed: int = 0) -> dict:
    key = jax.random.key(seed)
    ks = jax.random.split(key, 8)
    x = jax.random.normal(ks[0], (N_NODES, IN_DIM), dtype=jnp.float32)
    edge_index = jax.random.randint(ks[1], (2, N_EDGES), 0, N_NODES, dtype=jnp.int64)
    # GCNConv weights (PyG-style: x @ W then propagate, + bias)
    def glorot(k, fan_in, fan_out):
        limit = jnp.sqrt(6.0 / (fan_in + fan_out))
        return jax.random.uniform(k, (fan_in, fan_out), minval=-limit, maxval=limit, dtype=jnp.float32)
    W1 = glorot(ks[2], IN_DIM, HIDDEN_DIM)
    b1 = jnp.zeros((HIDDEN_DIM,), dtype=jnp.float32)
    W_mu = glorot(ks[3], HIDDEN_DIM, HIDDEN_DIM)
    b_mu = jnp.zeros((HIDDEN_DIM,), dtype=jnp.float32)
    W_lv = glorot(ks[4], HIDDEN_DIM, HIDDEN_DIM)
    b_lv = jnp.zeros((HIDDEN_DIM,), dtype=jnp.float32)
    return {"x": x, "edge_index": edge_index, "W1": W1, "b1": b1,
            "W_mu": W_mu, "b_mu": b_mu, "W_lv": W_lv, "b_lv": b_lv}


def _gcn_conv(x, edge_index, W, b):
    # PyG GCNConv: linear transform, add self-loops, symmetric norm, scatter-add
    n = x.shape[0]
    x = x @ W
    loop = jnp.arange(n, dtype=edge_index.dtype)
    src = jnp.concatenate([edge_index[0], loop])
    dst = jnp.concatenate([edge_index[1], loop])
    deg = jax.ops.segment_sum(jnp.ones_like(dst, dtype=x.dtype), dst, num_segments=n)
    deg_inv_sqrt = jnp.where(deg > 0, deg ** -0.5, 0.0)
    norm = deg_inv_sqrt[src] * deg_inv_sqrt[dst]
    msg = x[src] * norm[:, None]
    out = jax.ops.segment_sum(msg, dst, num_segments=n)
    return out + b


def reference(x, edge_index, W1, b1, W_mu, b_mu, W_lv, b_lv):
    # dropout is identity in eval / deterministic reference
    h = jax.nn.relu(_gcn_conv(x, edge_index, W1, b1))
    z_mu = _gcn_conv(h, edge_index, W_mu, b_mu)
    z_logvar = _gcn_conv(h, edge_index, W_lv, b_lv)
    return (z_mu, z_logvar)

if __name__ == "__main__":
    import jax
    _d = setup_inputs()
    print(jax.jit(kernel)(*tuple(_d.values())))

</pallas_src>

<mosaic_0001>
#map = affine_map<(d0, d1) -> (0, 0)>
#map1 = affine_map<(d0, d1) -> (0, 0, 0)>
module attributes {stable_mosaic.version = 14 : i64} {
  func.func @_prop_body(%arg0: i32, %arg1: i32, %arg2: memref<10000x128xf32, #tpu.memory_space<hbm>>, %arg3: memref<6720x48xi32, #tpu.memory_space<hbm>>, %arg4: memref<6720x48xi32, #tpu.memory_space<hbm>>, %arg5: memref<2x10000x128xf32, #tpu.memory_space<hbm>>, %arg6: memref<108x48xi32, #tpu.memory_space<vmem>>, %arg7: memref<108x48xi32, #tpu.memory_space<vmem>>, %arg8: memref<48x128xf32, #tpu.memory_space<vmem>>, %arg9: memref<48x128xf32, #tpu.memory_space<vmem>>, %arg10: memref<48x128xf32, #tpu.memory_space<vmem>>, %arg11: memref<48x128xf32, #tpu.memory_space<vmem>>, %arg12: memref<48x128xf32, #tpu.memory_space<vmem>>, %arg13: memref<48x128xf32, #tpu.memory_space<vmem>>, %arg14: memref<10448x128xf32, #tpu.memory_space<vmem_shared>>, %arg15: memref<!tpu.dma_semaphore, #tpu.memory_space<semaphore_mem>>, %arg16: memref<!tpu.dma_semaphore, #tpu.memory_space<semaphore_mem>>, %arg17: memref<!tpu.dma_semaphore, #tpu.memory_space<semaphore_mem>>, %arg18: memref<!tpu.dma_semaphore, #tpu.memory_space<semaphore_mem>>, %arg19: memref<!tpu.dma_semaphore, #tpu.memory_space<semaphore_mem>>, %arg20: memref<!tpu.dma_semaphore, #tpu.memory_space<semaphore_mem>>, %arg21: memref<!tpu.dma_semaphore, #tpu.memory_space<semaphore_mem>>, %arg22: memref<!tpu.dma_semaphore, #tpu.memory_space<semaphore_mem>>, %arg23: memref<!tpu.dma_semaphore, #tpu.memory_space<semaphore_mem>>, %arg24: memref<!tpu.dma_semaphore, #tpu.memory_space<semaphore_mem>>, %arg25: memref<!tpu.dma_semaphore, #tpu.memory_space<semaphore_mem>>, %arg26: memref<!tpu.dma_semaphore, #tpu.memory_space<semaphore_mem>>) attributes {dimension_semantics = [#tpu.dimension_semantics<core_parallel>, #tpu.dimension_semantics<subcore_parallel>], iteration_bounds = array<i64: 2, 16>, scalar_prefetch = 0 : i64, scratch_operands = 21 : i64, tpu.core_type = #tpu.core_type<sc_vector_subcore>, window_params = [{transform_indices = #map}, {transform_indices = #map}, {transform_indices = #map}, {transform_indices = #map1}]} {
    %mul3A = arith.constant 3360 : i32
    %mul3A_0 = arith.muli %arg0, %mul3A : i32
    %mul3A_1 = arith.constant 210 : i32
    %mul3A_2 = arith.muli %arg1, %mul3A_1 : i32
    %add3A = arith.addi %mul3A_0, %mul3A_2 : i32
    %broadcast_in_dim3A = arith.constant 0.000000e+00 : f32
    %broadcast_in_dim3A_3 = vector.broadcast %broadcast_in_dim3A : f32 to vector<16xf32>
    %scan3A = arith.constant 0 : i32
    %scan3A_4 = arith.constant 0 : i32
    %scan3A_5 = arith.constant 48 : i32
    %scan3A_6 = arith.addi %scan3A_4, %scan3A_5 : i32
    %scan3A_7 = arith.constant 1 : i32
    scf.for %scan3A_571 = %scan3A_4 to %scan3A_6 step %scan3A_7  : i32 {
      %swap3A = arith.index_cast %scan3A_571 : i32 to index
      %swap3A_572 = arith.constant 0 : index
      %swap3A_573 = tpu.vector_load %arg8[%swap3A, %swap3A_572] {strides = array<i32>} : memref<48x128xf32, #tpu.memory_space<vmem>>, vector<1x16xf32>,
      %swap3A_574 = vector.shape_cast %swap3A_573 : vector<1x16xf32> to vector<16xf32>
      %swap3A_575 = vector.shape_cast %broadcast_in_dim3A_3 : vector<16xf32> to vector<1x16xf32>
      tpu.vector_store %arg8[%swap3A, %swap3A_572], %swap3A_575 {strides = array<i32>} : memref<48x128xf32, #tpu.memory_space<vmem>>, vector<1x16xf32>,
      %swap3A_576 = arith.index_cast %scan3A_571 : i32 to index
      %swap3A_577 = arith.constant 16 : index
      %swap3A_578 = tpu.vector_load %arg8[%swap3A_576, %swap3A_577] {strides = array<i32>} : memref<48x128xf32, #tpu.memory_space<vmem>>, vector<1x16xf32>,
      %swap3A_579 = vector.shape_cast %swap3A_578 : vector<1x16xf32> to vector<16xf32>
      %swap3A_580 = vector.shape_cast %broadcast_in_dim3A_3 : vector<16xf32> to vector<1x16xf32>
      tpu.vector_store %arg8[%swap3A_576, %swap3A_577], %swap3A_580 {strides = array<i32>} : memref<48x128xf32, #tpu.memory_space<vmem>>, vector<1x16xf32>,
      %swap3A_581 = arith.index_cast %scan3A_571 : i32 to index
      %swap3A_582 = arith.constant 32 : index
      %swap3A_583 = tpu.vector_load %arg8[%swap3A_581, %swap3A_582] {strides = array<i32>} : memref<48x128xf32, #tpu.memory_space<vmem>>, vector<1x16xf32>,
      %swap3A_584 = vector.shape_cast %swap3A_583 : vector<1x16xf32> to vector<16xf32>
      %swap3A_585 = vector.shape_cast %broadcast_in_dim3A_3 : vector<16xf32> to vector<1x16xf32>
      tpu.vector_store %arg8[%swap3A_581, %swap3A_582], %swap3A_585 {strides = array<i32>} : memref<48x128xf32, #tpu.memory_space<vmem>>, vector<1x16xf32>,
      %swap3A_586 = arith.index_cast %scan3A_571 : i32 to index
      %swap3A_587 = arith.constant 48 : index
      %swap3A_588 = tpu.vector_load %arg8[%swap3A_586, %swap3A_587] {strides = array<i32>} : memref<48x128xf32, #tpu.memory_space<vmem>>, vector<1x16xf32>,
      %swap3A_589 = vector.shape_cast %swap3A_588 : vector<1x16xf32> to vector<16xf32>
      %swap3A_590 = vector.shape_cast %broadcast_in_dim3A_3 : vector<16xf32> to vector<1x16xf32>
      tpu.vector_store %arg8[%swap3A_586, %swap3A_587], %swap3A_590 {strides = array<i32>} : memref<48x128xf32, #tpu.memory_space<vmem>>, vector<1x16xf32>,
      %swap3A_591 = arith.index_cast %scan3A_571 : i32 to index
      %swap3A_592 = arith.constant 64 : index
      %swap3A_593 = tpu.vector_load %arg8[%swap3A_591, %swap3A_592] {strides = array<i32>} : memref<48x128xf32, #tpu.memory_space<vmem>>, vector<1x16xf32>,
      %swap3A_594 = vector.shape_cast %swap3A_593 : vector<1x16xf32> to vector<16xf32>
      %swap3A_595 = vector.shape_cast %broadcast_in_dim3A_3 : vector<16xf32> to vector<1x16xf32>
      tpu.vector_store %arg8[%swap3A_591, %swap3A_592], %swap3A_595 {strides = array<i32>} : memref<48x128xf32, #tpu.memory_space<vmem>>, vector<1x16xf32>,
      %swap3A_596 = arith.index_cast %scan3A_571 : i32 to index
      %swap3A_597 = arith.constant 80 : index
      %swap3A_598 = tpu.vector_load %arg8[%swap3A_596, %swap3A_597] {strides = array<i32>} : memref<48x128xf32, #tpu.memory_space<vmem>>, vector<1x16xf32>,
      %swap3A_599 = vector.shape_cast %swap3A_598 : vector<1x16xf32> to vector<16xf32>
      %swap3A_600 = vector.shape_cast %broadcast_in_dim3A_3 : vector<16xf32> to vector<1x16xf32>
      tpu.vector_store %arg8[%swap3A_596, %swap3A_597], %swap3A_600 {strides = array<i32>} : memref<48x128xf32, #tpu.memory_space<vmem>>, vector<1x16xf32>,
      %swap3A_601 = arith.index_cast %scan3A_571 : i32 to index
      %swap3A_602 = arith.constant 96 : index
      %swap3A_603 = tpu.vector_load %arg8[%swap3A_601, %swap3A_602] {strides = array<i32>} : memref<48x128xf32, #tpu.memory_space<vmem>>, vector<1x16xf32>,
      %swap3A_604 = vector.shape_cast %swap3A_603 : vector<1x16xf32> to vector<16xf32>
      %swap3A_605 = vector.shape_cast %broadcast_in_dim3A_3 : vector<16xf32> to vector<1x16xf32>
      tpu.vector_store %arg8[%swap3A_601, %swap3A_602], %swap3A_605 {strides = array<i32>} : memref<48x128xf32, #tpu.memory_space<vmem>>, vector<1x16xf32>,
      %swap3A_606 = arith.index_cast %scan3A_571 : i32 to index
      %swap3A_607 = arith.constant 112 : index
      %swap3A_608 = tpu.vector_load %arg8[%swap3A_606, %swap3A_607] {strides = array<i32>} : memref<48x128xf32, #tpu.memory_space<vmem>>, vector<1x16xf32>,
      %swap3A_609 = vector.shape_cast %swap3A_608 : vector<1x16xf32> to vector<16xf32>
      %swap3A_610 = vector.shape_cast %broadcast_in_dim3A_3 : vector<16xf32> to vector<1x16xf32>
      tpu.vector_store %arg8[%swap3A_606, %swap3A_607], %swap3A_610 {strides = array<i32>} : memref<48x128xf32, #tpu.memory_space<vmem>>, vector<1x16xf32>,
    }
    %scan3A_8 = arith.constant 48 : i32
    %broadcast_in_dim3A_9 = arith.constant 0.000000e+00 : f32
    %broadcast_in_dim3A_10 = vector.broadcast %broadcast_in_dim3A_9 : f32 to vector<16xf32>
    %scan3A_11 = arith.constant 0 : i32
    %scan3A_12 = arith.constant 0 : i32
    %scan3A_13 = arith.constant 48 : i32
    %scan3A_14 = arith.addi %scan3A_12, %scan3A_13 : i32
    %scan3A_15 = arith.constant 1 : i32
    scf.for %scan3A_571 = %scan3A_12 to %scan3A_14 step %scan3A_15  : i32 {
      %swap3A = arith.index_cast %scan3A_571 : i32 to index
      %swap3A_572 = arith.constant 0 : index
      %swap3A_573 = tpu.vector_load %arg9[%swap3A, %swap3A_572] {strides = array<i32>} : memref<48x128xf32, #tpu.memory_space<vmem>>, vector<1x16xf32>,
      %swap3A_574 = vector.shape_cast %swap3A_573 : vector<1x16xf32> to vector<16xf32>
      %swap3A_575 = vector.shape_cast %broadcast_in_dim3A_10 : vector<16xf32> to vector<1x16xf32>
      tpu.vector_store %arg9[%swap3A, %swap3A_572], %swap3A_575 {strides = array<i32>} : memref<48x128xf32, #tpu.memory_space<vmem>>, vector<1x16xf32>,
      %swap3A_576 = arith.index_cast %scan3A_571 : i32 to index
      %swap3A_577 = arith.constant 16 : index
      %swap3A_578 = tpu.vector_load %arg9[%swap3A_576, %swap3A_577] {strides = array<i32>} : memref<48x128xf32, #tpu.memory_space<vmem>>, vector<1x16xf32>,
      %swap3A_579 = vector.shape_cast %swap3A_578 : vector<1x16xf32> to vector<16xf32>
      %swap3A_580 = vector.shape_cast %broadcast_in_dim3A_10 : vector<16xf32> to vector<1x16xf32>
      tpu.vector_store %arg9[%swap3A_576, %swap3A_577], %swap3A_580 {strides = array<i32>} : memref<48x128xf32, #tpu.memory_space<vmem>>, vector<1x16xf32>,
      %swap3A_581 = arith.index_cast %scan3A_571 : i32 to index
      %swap3A_582 = arith.constant 32 : index
      %swap3A_583 = tpu.vector_load %arg9[%swap3A_581, %swap3A_582] {strides = array<i32>} : memref<48x128xf32, #tpu.memory_space<vmem>>, vector<1x16xf32>,
      %swap3A_584 = vector.shape_cast %swap3A_583 : vector<1x16xf32> to vector<16xf32>
      %swap3A_585 = vector.shape_cast %broadcast_in_dim3A_10 : vector<16xf32> to vector<1x16xf32>
      tpu.vector_store %arg9[%swap3A_581, %swap3A_582], %swap3A_585 {strides = array<i32>} : memref<48x128xf32, #tpu.memory_space<vmem>>, vector<1x16xf32>,
      %swap3A_586 = arith.index_cast %scan3A_571 : i32 to index
      %swap3A_587 = arith.constant 48 : index
      %swap3A_588 = tpu.vector_load %arg9[%swap3A_586, %swap3A_587] {strides = array<i32>} : memref<48x128xf32, #tpu.memory_space<vmem>>, vector<1x16xf32>,
      %swap3A_589 = vector.shape_cast %swap3A_588 : vector<1x16xf32> to vector<16xf32>
      %swap3A_590 = vector.shape_cast %broadcast_in_dim3A_10 : vector<16xf32> to vector<1x16xf32>
      tpu.vector_store %arg9[%swap3A_586, %swap3A_587], %swap3A_590 {strides = array<i32>} : memref<48x128xf32, #tpu.memory_space<vmem>>, vector<1x16xf32>,
      %swap3A_591 = arith.index_cast %scan3A_571 : i32 to index
      %swap3A_592 = arith.constant 64 : index
      %swap3A_593 = tpu.vector_load %arg9[%swap3A_591, %swap3A_592] {strides = array<i32>} : memref<48x128xf32, #tpu.memory_space<vmem>>, vector<1x16xf32>,
      %swap3A_594 = vector.shape_cast %swap3A_593 : vector<1x16xf32> to vector<16xf32>
      %swap3A_595 = vector.shape_cast %broadcast_in_dim3A_10 : vector<16xf32> to vector<1x16xf32>
      tpu.vector_store %arg9[%swap3A_591, %swap3A_592], %swap3A_595 {strides = array<i32>} : memref<48x128xf32, #tpu.memory_space<vmem>>, vector<1x16xf32>,
      %swap3A_596 = arith.index_cast %scan3A_571 : i32 to index
      %swap3A_597 = arith.constant 80 : index
      %swap3A_598 = tpu.vector_load %arg9[%swap3A_596, %swap3A_597] {strides = array<i32>} : memref<48x128xf32, #tpu.memory_space<vmem>>, vector<1x16xf32>,
      %swap3A_599 = vector.shape_cast %swap3A_598 : vector<1x16xf32> to vector<16xf32>
      %swap3A_600 = vector.shape_cast %broadcast_in_dim3A_10 : vector<16xf32> to vector<1x16xf32>
      tpu.vector_store %arg9[%swap3A_596, %swap3A_597], %swap3A_600 {strides = array<i32>} : memref<48x128xf32, #tpu.memory_space<vmem>>, vector<1x16xf32>,
      %swap3A_601 = arith.index_cast %scan3A_571 : i32 to index
      %swap3A_602 = arith.constant 96 : index
      %swap3A_603 = tpu.vector_load %arg9[%swap3A_601, %swap3A_602] {strides = array<i32>} : memref<48x128xf32, #tpu.memory_space<vmem>>, vector<1x16xf32>,
      %swap3A_604 = vector.shape_cast %swap3A_603 : vector<1x16xf32> to vector<16xf32>
      %swap3A_605 = vector.shape_cast %broadcast_in_dim3A_10 : vector<16xf32> to vector<1x16xf32>
      tpu.vector_store %arg9[%swap3A_601, %swap3A_602], %swap3A_605 {strides = array<i32>} : memref<48x128xf32, #tpu.memory_space<vmem>>, vector<1x16xf32>,
      %swap3A_606 = arith.index_cast %scan3A_571 : i32 to index
      %swap3A_607 = arith.constant 112 : index
      %swap3A_608 = tpu.vector_load %arg9[%swap3A_606, %swap3A_607] {strides = array<i32>} : memref<48x128xf32, #tpu.memory_space<vmem>>, vector<1x16xf32>,
      %swap3A_609 = vector.shape_cast %swap3A_608 : vector<1x16xf32> to vector<16xf32>
      %swap3A_610 = vector.shape_cast %broadcast_in_dim3A_10 : vector<16xf32> to vector<1x16xf32>
      tpu.vector_store %arg9[%swap3A_606, %swap3A_607], %swap3A_610 {strides = array<i32>} : memref<48x128xf32, #tpu.memory_space<vmem>>, vector<1x16xf32>,
    }
    %scan3A_16 = arith.constant 48 : i32
    %broadcast_in_dim3A_17 = arith.constant 0.000000e+00 : f32
    %broadcast_in_dim3A_18 = vector.broadcast %broadcast_in_dim3A_17 : f32 to vector<16xf32>
    %scan3A_19 = arith.constant 0 : i32
    %scan3A_20 = arith.constant 0 : i32
    %scan3A_21 = arith.constant 48 : i32
    %scan3A_22 = arith.addi %scan3A_20, %scan3A_21 : i32
    %scan3A_23 = arith.constant 1 : i32
    scf.for %scan3A_571 = %scan3A_20 to %scan3A_22 step %scan3A_23  : i32 {
      %swap3A = arith.index_cast %scan3A_571 : i32 to index
      %swap3A_572 = arith.constant 0 : index
      %swap3A_573 = tpu.vector_load %arg10[%swap3A, %swap3A_572] {strides = array<i32>} : memref<48x128xf32, #tpu.memory_space<vmem>>, vector<1x16xf32>,
      %swap3A_574 = vector.shape_cast %swap3A_573 : vector<1x16xf32> to vector<16xf32>
      %swap3A_575 = vector.shape_cast %broadcast_in_dim3A_18 : vector<16xf32> to vector<1x16xf32>
      tpu.vector_store %arg10[%swap3A, %swap3A_572], %swap3A_575 {strides = array<i32>} : memref<48x128xf32, #tpu.memory_space<vmem>>, vector<1x16xf32>,
      %swap3A_576 = arith.index_cast %scan3A_571 : i32 to index
      %swap3A_577 = arith.constant 16 : index
      %swap3A_578 = tpu.vector_load %arg10[%swap3A_576, %swap3A_577] {strides = array<i32>} : memref<48x128xf32, #tpu.memory_space<vmem>>, vector<1x16xf32>,
      %swap3A_579 = vector.shape_cast %swap3A_578 : vector<1x16xf32> to vector<16xf32>
      %swap3A_580 = vector.shape_cast %broadcast_in_dim3A_18 : vector<16xf32> to vector<1x16xf32>
      tpu.vector_store %arg10[%swap3A_576, %swap3A_577], %swap3A_580 {strides = array<i32>} : memref<48x128xf32, #tpu.memory_space<vmem>>, vector<1x16xf32>,
      %swap3A_581 = arith.index_cast %scan3A_571 : i32 to index
      %swap3A_582 = arith.constant 32 : index
      %swap3A_583 = tpu.vector_load %arg10[%swap3A_581, %swap3A_582] {strides = array<i32>} : memref<48x128xf32, #tpu.memory_space<vmem>>, vector<1x16xf32>,
      %swap3A_584 = vector.shape_cast %swap3A_583 : vector<1x16xf32> to vector<16xf32>
      %swap3A_585 = vector.shape_cast %broadcast_in_dim3A_18 : vector<16xf32> to vector<1x16xf32>
      tpu.vector_store %arg10[%swap3A_581, %swap3A_582], %swap3A_585 {strides = array<i32>} : memref<48x128xf32, #tpu.memory_space<vmem>>, vector<1x16xf32>,
      %swap3A_586 = arith.index_cast %scan3A_571 : i32 to index
      %swap3A_587 = arith.constant 48 : index
      %swap3A_588 = tpu.vector_load %arg10[%swap3A_586, %swap3A_587] {strides = array<i32>} : memref<48x128xf32, #tpu.memory_space<vmem>>, vector<1x16xf32>,
      %swap3A_589 = vector.shape_cast %swap3A_588 : vector<1x16xf32> to vector<16xf32>
      %swap3A_590 = vector.shape_cast %broadcast_in_dim3A_18 : vector<16xf32> to vector<1x16xf32>
      tpu.vector_store %arg10[%swap3A_586, %swap3A_587], %swap3A_590 {strides = array<i32>} : memref<48x128xf32, #tpu.memory_space<vmem>>, vector<1x16xf32>,
      %swap3A_591 = arith.index_cast %scan3A_571 : i32 to index
      %swap3A_592 = arith.constant 64 : index
      %swap3A_593 = tpu.vector_load %arg10[%swap3A_591, %swap3A_592] {strides = array<i32>} : memref<48x128xf32, #tpu.memory_space<vmem>>, vector<1x16xf32>,
      %swap3A_594 = vector.shape_cast %swap3A_593 : vector<1x16xf32> to vector<16xf32>
      %swap3A_595 = vector.shape_cast %broadcast_in_dim3A_18 : vector<16xf32> to vector<1x16xf32>
      tpu.vector_store %arg10[%swap3A_591, %swap3A_592], %swap3A_595 {strides = array<i32>} : memref<48x128xf32, #tpu.memory_space<vmem>>, vector<1x16xf32>,
      %swap3A_596 = arith.index_cast %scan3A_571 : i32 to index
      %swap3A_597 = arith.constant 80 : index
      %swap3A_598 = tpu.vector_load %arg10[%swap3A_596, %swap3A_597] {strides = array<i32>} : memref<48x128xf32, #tpu.memory_space<vmem>>, vector<1x16xf32>,
      %swap3A_599 = vector.shape_cast %swap3A_598 : vector<1x16xf32> to vector<16xf32>
      %swap3A_600 = vector.shape_cast %broadcast_in_dim3A_18 : vector<16xf32> to vector<1x16xf32>
      tpu.vector_store %arg10[%swap3A_596, %swap3A_597], %swap3A_600 {strides = array<i32>} : memref<48x128xf32, #tpu.memory_space<vmem>>, vector<1x16xf32>,
      %swap3A_601 = arith.index_cast %scan3A_571 : i32 to index
      %swap3A_602 = arith.constant 96 : index
      %swap3A_603 = tpu.vector_load %arg10[%swap3A_601, %swap3A_602] {strides = array<i32>} : memref<48x128xf32, #tpu.memory_space<vmem>>, vector<1x16xf32>,
      %swap3A_604 = vector.shape_cast %swap3A_603 : vector<1x16xf32> to vector<16xf32>
      %swap3A_605 = vector.shape_cast %broadcast_in_dim3A_18 : vector<16xf32> to vector<1x16xf32>
      tpu.vector_store %arg10[%swap3A_601, %swap3A_602], %swap3A_605 {strides = array<i32>} : memref<48x128xf32, #tpu.memory_space<vmem>>, vector<1x16xf32>,
      %swap3A_606 = arith.index_cast %scan3A_571 : i32 to index
      %swap3A_607 = arith.constant 112 : index
      %swap3A_608 = tpu.vector_load %arg10[%swap3A_606, %swap3A_607] {strides = array<i32>} : memref<48x128xf32, #tpu.memory_space<vmem>>, vector<1x16xf32>,
      %swap3A_609 = vector.shape_cast %swap3A_608 : vector<1x16xf32> to vector<16xf32>
      %swap3A_610 = vector.shape_cast %broadcast_in_dim3A_18 : vector<16xf32> to vector<1x16xf32>
      tpu.vector_store %arg10[%swap3A_606, %swap3A_607], %swap3A_610 {strides = array<i32>} : memref<48x128xf32, #tpu.memory_space<vmem>>, vector<1x16xf32>,
    }
    %scan3A_24 = arith.constant 48 : i32
    %broadcast_in_dim3A_25 = arith.constant 0.000000e+00 : f32
    %broadcast_in_dim3A_26 = vector.broadcast %broadcast_in_dim3A_25 : f32 to vector<16xf32>
    %scan3A_27 = arith.constant 0 : i32
    %scan3A_28 = arith.constant 0 : i32
    %scan3A_29 = arith.constant 48 : i32
    %scan3A_30 = arith.addi %scan3A_28, %scan3A_29 : i32
    %scan3A_31 = arith.constant 1 : i32
    scf.for %scan3A_571 = %scan3A_28 to %scan3A_30 step %scan3A_31  : i32 {
      %swap3A = arith.index_cast %scan3A_571 : i32 to index
      %swap3A_572 = arith.constant 0 : index
      %swap3A_573 = tpu.vector_load %arg11[%swap3A, %swap3A_572] {strides = array<i32>} : memref<48x128xf32, #tpu.memory_space<vmem>>, vector<1x16xf32>,
      %swap3A_574 = vector.shape_cast %swap3A_573 : vector<1x16xf32> to vector<16xf32>
      %swap3A_575 = vector.shape_cast %broadcast_in_dim3A_26 : vector<16xf32> to vector<1x16xf32>
      tpu.vector_store %arg11[%swap3A, %swap3A_572], %swap3A_575 {strides = array<i32>} : memref<48x128xf32, #tpu.memory_space<vmem>>, vector<1x16xf32>,
      %swap3A_576 = arith.index_cast %scan3A_571 : i32 to index
      %swap3A_577 = arith.constant 16 : index
      %swap3A_578 = tpu.vector_load %arg11[%swap3A_576, %swap3A_577] {strides = array<i32>} : memref<48x128xf32, #tpu.memory_space<vmem>>, vector<1x16xf32>,
      %swap3A_579 = vector.shape_cast %swap3A_578 : vector<1x16xf32> to vector<16xf32>
      %swap3A_580 = vector.shape_cast %broadcast_in_dim3A_26 : vector<16xf32> to vector<1x16xf32>
      tpu.vector_store %arg11[%swap3A_576, %swap3A_577], %swap3A_580 {strides = array<i32>} : memref<48x128xf32, #tpu.memory_space<vmem>>, vector<1x16xf32>,
      %swap3A_581 = arith.index_cast %scan3A_571 : i32 to index
      %swap3A_582 = arith.constant 32 : index
      %swap3A_583 = tpu.vector_load %arg11[%swap3A_581, %swap3A_582] {strides = array<i32>} : memref<48x128xf32, #tpu.memory_space<vmem>>, vector<1x16xf32>,
      %swap3A_584 = vector.shape_cast %swap3A_583 : vector<1x16xf32> to vector<16xf32>
      %swap3A_585 = vector.shape_cast %broadcast_in_dim3A_26 : vector<16xf32> to vector<1x16xf32>
      tpu.vector_store %arg11[%swap3A_581, %swap3A_582], %swap3A_585 {strides = array<i32>} : memref<48x128xf32, #tpu.memory_space<vmem>>, vector<1x16xf32>,
      %swap3A_586 = arith.index_cast %scan3A_571 : i32 to index
      %swap3A_587 = arith.constant 48 : index
      %swap3A_588 = tpu.vector_load %arg11[%swap3A_586, %swap3A_587] {strides = array<i32>} : memref<48x128xf32, #tpu.memory_space<vmem>>, vector<1x16xf32>,
      %swap3A_589 = vector.shape_cast %swap3A_588 : vector<1x16xf32> to vector<16xf32>
      %swap3A_590 = vector.shape_cast %broadcast_in_dim3A_26 : vector<16xf32> to vector<1x16xf32>
      tpu.vector_store %arg11[%swap3A_586, %swap3A_587], %swap3A_590 {strides = array<i32>} : memref<48x128xf32, #tpu.memory_space<vmem>>, vector<1x16xf32>,
      %swap3A_591 = arith.index_cast %scan3A_571 : i32 to index
      %swap3A_592 = arith.constant 64 : index
      %swap3A_593 = tpu.vector_load %arg11[%swap3A_591, %swap3A_592] {strides = array<i32>} : memref<48x128xf32, #tpu.memory_space<vmem>>, vector<1x16xf32>,
      %swap3A_594 = vector.shape_cast %swap3A_593 : vector<1x16xf32> to vector<16xf32>
      %swap3A_595 = vector.shape_cast %broadcast_in_dim3A_26 : vector<16xf32> to vector<1x16xf32>
      tpu.vector_store %arg11[%swap3A_591, %swap3A_592], %swap3A_595 {strides = array<i32>} : memref<48x128xf32, #tpu.memory_space<vmem>>, vector<1x16xf32>,
      %swap3A_596 = arith.index_cast %scan3A_571 : i32 to index
      %swap3A_597 = arith.constant 80 : index
      %swap3A_598 = tpu.vector_load %arg11[%swap3A_596, %swap3A_597] {strides = array<i32>} : memref<48x128xf32, #tpu.memory_space<vmem>>, vector<1x16xf32>,
      %swap3A_599 = vector.shape_cast %swap3A_598 : vector<1x16xf32> to vector<16xf32>
      %swap3A_600 = vector.shape_cast %broadcast_in_dim3A_26 : vector<16xf32> to vector<1x16xf32>
      tpu.vector_store %arg11[%swap3A_596, %swap3A_597], %swap3A_600 {strides = array<i32>} : memref<48x128xf32, #tpu.memory_space<vmem>>, vector<1x16xf32>,
      %swap3A_601 = arith.index_cast %scan3A_571 : i32 to index
      %swap3A_602 = arith.constant 96 : index
      %swap3A_603 = tpu.vector_load %arg11[%swap3A_601, %swap3A_602] {strides = array<i32>} : memref<48x128xf32, #tpu.memory_space<vmem>>, vector<1x16xf32>,
      %swap3A_604 = vector.shape_cast %swap3A_603 : vector<1x16xf32> to vector<16xf32>
      %swap3A_605 = vector.shape_cast %broadcast_in_dim3A_26 : vector<16xf32> to vector<1x16xf32>
      tpu.vector_store %arg11[%swap3A_601, %swap3A_602], %swap3A_605 {strides = array<i32>} : memref<48x128xf32, #tpu.memory_space<vmem>>, vector<1x16xf32>,
      %swap3A_606 = arith.index_cast %scan3A_571 : i32 to index
      %swap3A_607 = arith.constant 112 : index
      %swap3A_608 = tpu.vector_load %arg11[%swap3A_606, %swap3A_607] {strides = array<i32>} : memref<48x128xf32, #tpu.memory_space<vmem>>, vector<1x16xf32>,
      %swap3A_609 = vector.shape_cast %swap3A_608 : vector<1x16xf32> to vector<16xf32>
      %swap3A_610 = vector.shape_cast %broadcast_in_dim3A_26 : vector<16xf32> to vector<1x16xf32>
      tpu.vector_store %arg11[%swap3A_606, %swap3A_607], %swap3A_610 {strides = array<i32>} : memref<48x128xf32, #tpu.memory_space<vmem>>, vector<1x16xf32>,
    }
    %scan3A_32 = arith.constant 48 : i32
    %broadcast_in_dim3A_33 = arith.constant 0.000000e+00 : f32
    %broadcast_in_dim3A_34 = vector.broadcast %broadcast_in_dim3A_33 : f32 to vector<16xf32>
    %scan3A_35 = arith.constant 0 : i32
    %scan3A_36 = arith.constant 0 : i32
    %scan3A_37 = arith.constant 48 : i32
    %scan3A_38 = arith.addi %scan3A_36, %scan3A_37 : i32
    %scan3A_39 = arith.constant 1 : i32
    scf.for %scan3A_571 = %scan3A_36 to %scan3A_38 step %scan3A_39  : i32 {
      %swap3A = arith.index_cast %scan3A_571 : i32 to index
      %swap3A_572 = arith.constant 0 : index
      %swap3A_573 = tpu.vector_load %arg12[%swap3A, %swap3A_572] {strides = array<i32>} : memref<48x128xf32, #tpu.memory_space<vmem>>, vector<1x16xf32>,
      %swap3A_574 = vector.shape_cast %swap3A_573 : vector<1x16xf32> to vector<16xf32>
      %swap3A_575 = vector.shape_cast %broadcast_in_dim3A_34 : vector<16xf32> to vector<1x16xf32>
      tpu.vector_store %arg12[%swap3A, %swap3A_572], %swap3A_575 {strides = array<i32>} : memref<48x128xf32, #tpu.memory_space<vmem>>, vector<1x16xf32>,
      %swap3A_576 = arith.index_cast %scan3A_571 : i32 to index
      %swap3A_577 = arith.constant 16 : index
      %swap3A_578 = tpu.vector_load %arg12[%swap3A_576, %swap3A_577] {strides = array<i32>} : memref<48x128xf32, #tpu.memory_space<vmem>>, vector<1x16xf32>,
      %swap3A_579 = vector.shape_cast %swap3A_578 : vector<1x16xf32> to vector<16xf32>
      %swap3A_580 = vector.shape_cast %broadcast_in_dim3A_34 : vector<16xf32> to vector<1x16xf32>
      tpu.vector_store %arg12[%swap3A_576, %swap3A_577], %swap3A_580 {strides = array<i32>} : memref<48x128xf32, #tpu.memory_space<vmem>>, vector<1x16xf32>,
      %swap3A_581 = arith.index_cast %scan3A_571 : i32 to index
      %swap3A_582 = arith.constant 32 : index
      %swap3A_583 = tpu.vector_load %arg12[%swap3A_581, %swap3A_582] {strides = array<i32>} : memref<48x128xf32, #tpu.memory_space<vmem>>, vector<1x16xf32>,
      %swap3A_584 = vector.shape_cast %swap3A_583 : vector<1x16xf32> to vector<16xf32>
      %swap3A_585 = vector.shape_cast %broadcast_in_dim3A_34 : vector<16xf32> to vector<1x16xf32>
      tpu.vector_store %arg12[%swap3A_581, %swap3A_582], %swap3A_585 {strides = array<i32>} : memref<48x128xf32, #tpu.memory_space<vmem>>, vector<1x16xf32>,
      %swap3A_586 = arith.index_cast %scan3A_571 : i32 to index
      %swap3A_587 = arith.constant 48 : index
      %swap3A_588 = tpu.vector_load %arg12[%swap3A_586, %swap3A_587] {strides = array<i32>} : memref<48x128xf32, #tpu.memory_space<vmem>>, vector<1x16xf32>,
      %swap3A_589 = vector.shape_cast %swap3A_588 : vector<1x16xf32> to vector<16xf32>
      %swap3A_590 = vector.shape_cast %broadcast_in_dim3A_34 : vector<16xf32> to vector<1x16xf32>
      tpu.vector_store %arg12[%swap3A_586, %swap3A_587], %swap3A_590 {strides = array<i32>} : memref<48x128xf32, #tpu.memory_space<vmem>>, vector<1x16xf32>,
      %swap3A_591 = arith.index_cast %scan3A_571 : i32 to index
      %swap3A_592 = arith.constant 64 : index
      %swap3A_593 = tpu.vector_load %arg12[%swap3A_591, %swap3A_592] {strides = array<i32>} : memref<48x128xf32, #tpu.memory_space<vmem>>, vector<1x16xf32>,
      %swap3A_594 = vector.shape_cast %swap3A_593 : vector<1x16xf32> to vector<16xf32>
      %swap3A_595 = vector.shape_cast %broadcast_in_dim3A_34 : vector<16xf32> to vector<1x16xf32>
      tpu.vector_store %arg12[%swap3A_591, %swap3A_592], %swap3A_595 {strides = array<i32>} : memref<48x128xf32, #tpu.memory_space<vmem>>, vector<1x16xf32>,
      %swap3A_596 = arith.index_cast %scan3A_571 : i32 to index
      %swap3A_597 = arith.constant 80 : index
      %swap3A_598 = tpu.vector_load %arg12[%swap3A_596, %swap3A_597] {strides = array<i32>} : memref<48x128xf32, #tpu.memory_space<vmem>>, vector<1x16xf32>,
      %swap3A_599 = vector.shape_cast %swap3A_598 : vector<1x16xf32> to vector<16xf32>
      %swap3A_600 = vector.shape_cast %broadcast_in_dim3A_34 : vector<16xf32> to vector<1x16xf32>
      tpu.vector_store %arg12[%swap3A_596, %swap3A_597], %swap3A_600 {strides = array<i32>} : memref<48x128xf32, #tpu.memory_space<vmem>>, vector<1x16xf32>,
      %swap3A_601 = arith.index_cast %scan3A_571 : i32 to index
      %swap3A_602 = arith.constant 96 : index
      %swap3A_603 = tpu.vector_load %arg12[%swap3A_601, %swap3A_602] {strides = array<i32>} : memref<48x128xf32, #tpu.memory_space<vmem>>, vector<1x16xf32>,
      %swap3A_604 = vector.shape_cast %swap3A_603 : vector<1x16xf32> to vector<16xf32>
      %swap3A_605 = vector.shape_cast %broadcast_in_dim3A_34 : vector<16xf32> to vector<1x16xf32>
      tpu.vector_store %arg12[%swap3A_601, %swap3A_602], %swap3A_605 {strides = array<i32>} : memref<48x128xf32, #tpu.memory_space<vmem>>, vector<1x16xf32>,
      %swap3A_606 = arith.index_cast %scan3A_571 : i32 to index
      %swap3A_607 = arith.constant 112 : index
      %swap3A_608 = tpu.vector_load %arg12[%swap3A_606, %swap3A_607] {strides = array<i32>} : memref<48x128xf32, #tpu.memory_space<vmem>>, vector<1x16xf32>,
      %swap3A_609 = vector.shape_cast %swap3A_608 : vector<1x16xf32> to vector<16xf32>
      %swap3A_610 = vector.shape_cast %broadcast_in_dim3A_34 : vector<16xf32> to vector<1x16xf32>
      tpu.vector_store %arg12[%swap3A_606, %swap3A_607], %swap3A_610 {strides = array<i32>} : memref<48x128xf32, #tpu.memory_space<vmem>>, vector<1x16xf32>,
    }
    %scan3A_40 = arith.constant 48 : i32
    %broadcast_in_dim3A_41 = arith.constant 0.000000e+00 : f32
    %broadcast_in_dim3A_42 = vector.broadcast %broadcast_in_dim3A_41 : f32 to vector<16xf32>
    %scan3A_43 = arith.constant 0 : i32
    %scan3A_44 = arith.constant 0 : i32
    %scan3A_45 = arith.constant 48 : i32
    %scan3A_46 = arith.addi %scan3A_44, %scan3A_45 : i32
    %scan3A_47 = arith.constant 1 : i32
    scf.for %scan3A_571 = %scan3A_44 to %scan3A_46 step %scan3A_47  : i32 {
      %swap3A = arith.index_cast %scan3A_571 : i32 to index
      %swap3A_572 = arith.constant 0 : index
      %swap3A_573 = tpu.vector_load %arg13[%swap3A, %swap3A_572] {strides = array<i32>} : memref<48x128xf32, #tpu.memory_space<vmem>>, vector<1x16xf32>,
      %swap3A_574 = vector.shape_cast %swap3A_573 : vector<1x16xf32> to vector<16xf32>
      %swap3A_575 = vector.shape_cast %broadcast_in_dim3A_42 : vector<16xf32> to vector<1x16xf32>
      tpu.vector_store %arg13[%swap3A, %swap3A_572], %swap3A_575 {strides = array<i32>} : memref<48x128xf32, #tpu.memory_space<vmem>>, vector<1x16xf32>,
      %swap3A_576 = arith.index_cast %scan3A_571 : i32 to index
      %swap3A_577 = arith.constant 16 : index
      %swap3A_578 = tpu.vector_load %arg13[%swap3A_576, %swap3A_577] {strides = array<i32>} : memref<48x128xf32, #tpu.memory_space<vmem>>, vector<1x16xf32>,
      %swap3A_579 = vector.shape_cast %swap3A_578 : vector<1x16xf32> to vector<16xf32>
      %swap3A_580 = vector.shape_cast %broadcast_in_dim3A_42 : vector<16xf32> to vector<1x16xf32>
      tpu.vector_store %arg13[%swap3A_576, %swap3A_577], %swap3A_580 {strides = array<i32>} : memref<48x128xf32, #tpu.memory_space<vmem>>, vector<1x16xf32>,
      %swap3A_581 = arith.index_cast %scan3A_571 : i32 to index
      %swap3A_582 = arith.constant 32 : index
      %swap3A_583 = tpu.vector_load %arg13[%swap3A_581, %swap3A_582] {strides = array<i32>} : memref<48x128xf32, #tpu.memory_space<vmem>>, vector<1x16xf32>,
      %swap3A_584 = vector.shape_cast %swap3A_583 : vector<1x16xf32> to vector<16xf32>
      %swap3A_585 = vector.shape_cast %broadcast_in_dim3A_42 : vector<16xf32> to vector<1x16xf32>
      tpu.vector_store %arg13[%swap3A_581, %swap3A_582], %swap3A_585 {strides = array<i32>} : memref<48x128xf32, #tpu.memory_space<vmem>>, vector<1x16xf32>,
      %swap3A_586 = arith.index_cast %scan3A_571 : i32 to index
      %swap3A_587 = arith.constant 48 : index
      %swap3A_588 = tpu.vector_load %arg13[%swap3A_586, %swap3A_587] {strides = array<i32>} : memref<48x128xf32, #tpu.memory_space<vmem>>, vector<1x16xf32>,
      %swap3A_589 = vector.shape_cast %swap3A_588 : vector<1x16xf32> to vector<16xf32>
      %swap3A_590 = vector.shape_cast %broadcast_in_dim3A_42 : vector<16xf32> to vector<1x16xf32>
      tpu.vector_store %arg13[%swap3A_586, %swap3A_587], %swap3A_590 {strides = array<i32>} : memref<48x128xf32, #tpu.memory_space<vmem>>, vector<1x16xf32>,
      %swap3A_591 = arith.index_cast %scan3A_571 : i32 to index
      %swap3A_592 = arith.constant 64 : index
      %swap3A_593 = tpu.vector_load %arg13[%swap3A_591, %swap3A_592] {strides = array<i32>} : memref<48x128xf32, #tpu.memory_space<vmem>>, vector<1x16xf32>,
      %swap3A_594 = vector.shape_cast %swap3A_593 : vector<1x16xf32> to vector<16xf32>
      %swap3A_595 = vector.shape_cast %broadcast_in_dim3A_42 : vector<16xf32> to vector<1x16xf32>
      tpu.vector_store %arg13[%swap3A_591, %swap3A_592], %swap3A_595 {strides = array<i32>} : memref<48x128xf32, #tpu.memory_space<vmem>>, vector<1x16xf32>,
      %swap3A_596 = arith.index_cast %scan3A_571 : i32 to index
      %swap3A_597 = arith.constant 80 : index
      %swap3A_598 = tpu.vector_load %arg13[%swap3A_596, %swap3A_597] {strides = array<i32>} : memref<48x128xf32, #tpu.memory_space<vmem>>, vector<1x16xf32>,
      %swap3A_599 = vector.shape_cast %swap3A_598 : vector<1x16xf32> to vector<16xf32>
      %swap3A_600 = vector.shape_cast %broadcast_in_dim3A_42 : vector<16xf32> to vector<1x16xf32>
      tpu.vector_store %arg13[%swap3A_596, %swap3A_597], %swap3A_600 {strides = array<i32>} : memref<48x128xf32, #tpu.memory_space<vmem>>, vector<1x16xf32>,
      %swap3A_601 = arith.index_cast %scan3A_571 : i32 to index
      %swap3A_602 = arith.constant 96 : index
      %swap3A_603 = tpu.vector_load %arg13[%swap3A_601, %swap3A_602] {strides = array<i32>} : memref<48x128xf32, #tpu.memory_space<vmem>>, vector<1x16xf32>,
      %swap3A_604 = vector.shape_cast %swap3A_603 : vector<1x16xf32> to vector<16xf32>
      %swap3A_605 = vector.shape_cast %broadcast_in_dim3A_42 : vector<16xf32> to vector<1x16xf32>
      tpu.vector_store %arg13[%swap3A_601, %swap3A_602], %swap3A_605 {strides = array<i32>} : memref<48x128xf32, #tpu.memory_space<vmem>>, vector<1x16xf32>,
      %swap3A_606 = arith.index_cast %scan3A_571 : i32 to index
      %swap3A_607 = arith.constant 112 : index
      %swap3A_608 = tpu.vector_load %arg13[%swap3A_606, %swap3A_607] {strides = array<i32>} : memref<48x128xf32, #tpu.memory_space<vmem>>, vector<1x16xf32>,
      %swap3A_609 = vector.shape_cast %swap3A_608 : vector<1x16xf32> to vector<16xf32>
      %swap3A_610 = vector.shape_cast %broadcast_in_dim3A_42 : vector<16xf32> to vector<1x16xf32>
      tpu.vector_store %arg13[%swap3A_606, %swap3A_607], %swap3A_610 {strides = array<i32>} : memref<48x128xf32, #tpu.memory_space<vmem>>, vector<1x16xf32>,
    }
    %scan3A_48 = arith.constant 48 : i32
    %mul3A_49 = arith.constant 624 : i32
    %mul3A_50 = arith.muli %arg1, %mul3A_49 : i32
    %add3A_51 = arith.constant 0 : i32
    %add3A_52 = arith.addi %mul3A_50, %add3A_51 : i32
    %dma_start3A = arith.constant 0 : i32
    %dma_start3A_53 = tpu.memref_slice %arg14[%add3A_52, %dma_start3A] : memref<10448x128xf32, #tpu.memory_space<vmem_shared>> -> memref<48x128xf32, #tpu.memory_space<vmem_shared>>
    %dma_start3A_54 = arith.constant 0 : i32
    %dma_start3A_55 = tpu.memref_slice %arg14[%add3A_52, %dma_start3A_54] : memref<10448x128xf32, #tpu.memory_space<vmem_shared>> -> memref<48x128xf32, #tpu.memory_space<vmem_shared>>
    tpu.enqueue_dma source(%arg8 : memref<48x128xf32, #tpu.memory_space<vmem>>) target(%dma_start3A_55 : memref<48x128xf32, #tpu.memory_space<vmem_shared>>) target_semaphore(%arg15 : memref<!tpu.dma_semaphore, #tpu.memory_space<semaphore_mem>>)
    %add3A_56 = arith.constant 48 : i32
    %add3A_57 = arith.addi %mul3A_50, %add3A_56 : i32
    %dma_start3A_58 = arith.constant 0 : i32
    %dma_start3A_59 = tpu.memref_slice %arg14[%add3A_57, %dma_start3A_58] : memref<10448x128xf32, #tpu.memory_space<vmem_shared>> -> memref<48x128xf32, #tpu.memory_space<vmem_shared>>
    %dma_start3A_60 = arith.constant 0 : i32
    %dma_start3A_61 = tpu.memref_slice %arg14[%add3A_57, %dma_start3A_60] : memref<10448x128xf32, #tpu.memory_space<vmem_shared>> -> memref<48x128xf32, #tpu.memory_space<vmem_shared>>
    tpu.enqueue_dma source(%arg9 : memref<48x128xf32, #tpu.memory_space<vmem>>) target(%dma_start3A_61 : memref<48x128xf32, #tpu.memory_space<vmem_shared>>) target_semaphore(%arg16 : memref<!tpu.dma_semaphore, #tpu.memory_space<semaphore_mem>>)
    %add3A_62 = arith.constant 96 : i32
    %add3A_63 = arith.addi %mul3A_50, %add3A_62 : i32
    %dma_start3A_64 = arith.constant 0 : i32
    %dma_start3A_65 = tpu.memref_slice %arg14[%add3A_63, %dma_start3A_64] : memref<10448x128xf32, #tpu.memory_space<vmem_shared>> -> memref<48x128xf32, #tpu.memory_space<vmem_shared>>
    %dma_start3A_66 = arith.constant 0 : i32
    %dma_start3A_67 = tpu.memref_slice %arg14[%add3A_63, %dma_start3A_66] : memref<10448x128xf32, #tpu.memory_space<vmem_shared>> -> memref<48x128xf32, #tpu.memory_space<vmem_shared>>
    tpu.enqueue_dma source(%arg10 : memref<48x128xf32, #tpu.memory_space<vmem>>) target(%dma_start3A_67 : memref<48x128xf32, #tpu.memory_space<vmem_shared>>) target_semaphore(%arg17 : memref<!tpu.dma_semaphore, #tpu.memory_space<semaphore_mem>>)
    %add3A_68 = arith.constant 144 : i32
    %add3A_69 = arith.addi %mul3A_50, %add3A_68 : i32
    %dma_start3A_70 = arith.constant 0 : i32
    %dma_start3A_71 = tpu.memref_slice %arg14[%add3A_69, %dma_start3A_70] : memref<10448x128xf32, #tpu.memory_space<vmem_shared>> -> memref<48x128xf32, #tpu.memory_space<vmem_shared>>
    %dma_start3A_72 = arith.constant 0 : i32
    %dma_start3A_73 = tpu.memref_slice %arg14[%add3A_69, %dma_start3A_72] : memref<10448x128xf32, #tpu.memory_space<vmem_shared>> -> memref<48x128xf32, #tpu.memory_space<vmem_shared>>
    tpu.enqueue_dma source(%arg11 : memref<48x128xf32, #tpu.memory_space<vmem>>) target(%dma_start3A_73 : memref<48x128xf32, #tpu.memory_space<vmem_shared>>) target_semaphore(%arg18 : memref<!tpu.dma_semaphore, #tpu.memory_space<semaphore_mem>>)
    %add3A_74 = arith.constant 192 : i32
    %add3A_75 = arith.addi %mul3A_50, %add3A_74 : i32
    %dma_start3A_76 = arith.constant 0 : i32
    %dma_start3A_77 = tpu.memref_slice %arg14[%add3A_75, %dma_start3A_76] : memref<10448x128xf32, #tpu.memory_space<vmem_shared>> -> memref<48x128xf32, #tpu.memory_space<vmem_shared>>
    %dma_start3A_78 = arith.constant 0 : i32
    %dma_start3A_79 = tpu.memref_slice %arg14[%add3A_75, %dma_start3A_78] : memref<10448x128xf32, #tpu.memory_space<vmem_shared>> -> memref<48x128xf32, #tpu.memory_space<vmem_shared>>
    tpu.enqueue_dma source(%arg12 : memref<48x128xf32, #tpu.memory_space<vmem>>) target(%dma_start3A_79 : memref<48x128xf32, #tpu.memory_space<vmem_shared>>) target_semaphore(%arg19 : memref<!tpu.dma_semaphore, #tpu.memory_space<semaphore_mem>>)
    %add3A_80 = arith.constant 240 : i32
    %add3A_81 = arith.addi %mul3A_50, %add3A_80 : i32
    %dma_start3A_82 = arith.constant 0 : i32
    %dma_start3A_83 = tpu.memref_slice %arg14[%add3A_81, %dma_start3A_82] : memref<10448x128xf32, #tpu.memory_space<vmem_shared>> -> memref<48x128xf32, #tpu.memory_space<vmem_shared>>
    %dma_start3A_84 = arith.constant 0 : i32
    %dma_start3A_85 = tpu.memref_slice %arg14[%add3A_81, %dma_start3A_84] : memref<10448x128xf32, #tpu.memory_space<vmem_shared>> -> memref<48x128xf32, #tpu.memory_space<vmem_shared>>
    tpu.enqueue_dma source(%arg13 : memref<48x128xf32, #tpu.memory_space<vmem>>) target(%dma_start3A_85 : memref<48x128xf32, #tpu.memory_space<vmem_shared>>) target_semaphore(%arg20 : memref<!tpu.dma_semaphore, #tpu.memory_space<semaphore_mem>>)
    %add3A_86 = arith.constant 288 : i32
    %add3A_87 = arith.addi %mul3A_50, %add3A_86 : i32
    %dma_start3A_88 = arith.constant 0 : i32
    %dma_start3A_89 = tpu.memref_slice %arg14[%add3A_87, %dma_start3A_88] : memref<10448x128xf32, #tpu.memory_space<vmem_shared>> -> memref<48x128xf32, #tpu.memory_space<vmem_shared>>
    %dma_start3A_90 = arith.constant 0 : i32
    %dma_start3A_91 = tpu.memref_slice %arg14[%add3A_87, %dma_start3A_90] : memref<10448x128xf32, #tpu.memory_space<vmem_shared>> -> memref<48x128xf32, #tpu.memory_space<vmem_shared>>
    tpu.enqueue_dma source(%arg8 : memref<48x128xf32, #tpu.memory_space<vmem>>) target(%dma_start3A_91 : memref<48x128xf32, #tpu.memory_space<vmem_shared>>) target_semaphore(%arg15 : memref<!tpu.dma_semaphore, #tpu.memory_space<semaphore_mem>>)
    %add3A_92 = arith.constant 336 : i32
    %add3A_93 = arith.addi %mul3A_50, %add3A_92 : i32
    %dma_start3A_94 = arith.constant 0 : i32
    %dma_start3A_95 = tpu.memref_slice %arg14[%add3A_93, %dma_start3A_94] : memref<10448x128xf32, #tpu.memory_space<vmem_shared>> -> memref<48x128xf32, #tpu.memory_space<vmem_shared>>
    %dma_start3A_96 = arith.constant 0 : i32
    %dma_start3A_97 = tpu.memref_slice %arg14[%add3A_93, %dma_start3A_96] : memref<10448x128xf32, #tpu.memory_space<vmem_shared>> -> memref<48x128xf32, #tpu.memory_space<vmem_shared>>
    tpu.enqueue_dma source(%arg9 : memref<48x128xf32, #tpu.memory_space<vmem>>) target(%dma_start3A_97 : memref<48x128xf32, #tpu.memory_space<vmem_shared>>) target_semaphore(%arg16 : memref<!tpu.dma_semaphore, #tpu.memory_space<semaphore_mem>>)
    %add3A_98 = arith.constant 384 : i32
    %add3A_99 = arith.addi %mul3A_50, %add3A_98 : i32
    %dma_start3A_100 = arith.constant 0 : i32
    %dma_start3A_101 = tpu.memref_slice %arg14[%add3A_99, %dma_start3A_100] : memref<10448x128xf32, #tpu.memory_space<vmem_shared>> -> memref<48x128xf32, #tpu.memory_space<vmem_shared>>
    %dma_start3A_102 = arith.constant 0 : i32
    %dma_start3A_103 = tpu.memref_slice %arg14[%add3A_99, %dma_start3A_102] : memref<10448x128xf32, #tpu.memory_space<vmem_shared>> -> memref<48x128xf32, #tpu.memory_space<vmem_shared>>
    tpu.enqueue_dma source(%arg10 : memref<48x128xf32, #tpu.memory_space<vmem>>) target(%dma_start3A_103 : memref<48x128xf32, #tpu.memory_space<vmem_shared>>) target_semaphore(%arg17 : memref<!tpu.dma_semaphore, #tpu.memory_space<semaphore_mem>>)
    %add3A_104 = arith.constant 432 : i32
    %add3A_105 = arith.addi %mul3A_50, %add3A_104 : i32
    %dma_start3A_106 = arith.constant 0 : i32
    %dma_start3A_107 = tpu.memref_slice %arg14[%add3A_105, %dma_start3A_106] : memref<10448x128xf32, #tpu.memory_space<vmem_shared>> -> memref<48x128xf32, #tpu.memory_space<vmem_shared>>
    %dma_start3A_108 = arith.constant 0 : i32
    %dma_start3A_109 = tpu.memref_slice %arg14[%add3A_105, %dma_start3A_108] : memref<10448x128xf32, #tpu.memory_space<vmem_shared>> -> memref<48x128xf32, #tpu.memory_space<vmem_shared>>
    tpu.enqueue_dma source(%arg11 : memref<48x128xf32, #tpu.memory_space<vmem>>) target(%dma_start3A_109 : memref<48x128xf32, #tpu.memory_space<vmem_shared>>) target_semaphore(%arg18 : memref<!tpu.dma_semaphore, #tpu.memory_space<semaphore_mem>>)
    %add3A_110 = arith.constant 480 : i32
    %add3A_111 = arith.addi %mul3A_50, %add3A_110 : i32
    %dma_start3A_112 = arith.constant 0 : i32
    %dma_start3A_113 = tpu.memref_slice %arg14[%add3A_111, %dma_start3A_112] : memref<10448x128xf32, #tpu.memory_space<vmem_shared>> -> memref<48x128xf32, #tpu.memory_space<vmem_shared>>
    %dma_start3A_114 = arith.constant 0 : i32
    %dma_start3A_115 = tpu.memref_slice %arg14[%add3A_111, %dma_start3A_114] : memref<10448x128xf32, #tpu.memory_space<vmem_shared>> -> memref<48x128xf32, #tpu.memory_space<vmem_shared>>
    tpu.enqueue_dma source(%arg12 : memref<48x128xf32, #tpu.memory_space<vmem>>) target(%dma_start3A_115 : memref<48x128xf32, #tpu.memory_space<vmem_shared>>) target_semaphore(%arg19 : memref<!tpu.dma_semaphore, #tpu.memory_space<semaphore_mem>>)
    %add3A_116 = arith.constant 528 : i32
    %add3A_117 = arith.addi %mul3A_50, %add3A_116 : i32
    %dma_start3A_118 = arith.constant 0 : i32
    %dma_start3A_119 = tpu.memref_slice %arg14[%add3A_117, %dma_start3A_118] : memref<10448x128xf32, #tpu.memory_space<vmem_shared>> -> memref<48x128xf32, #tpu.memory_space<vmem_shared>>
    %dma_start3A_120 = arith.constant 0 : i32
    %dma_start3A_121 = tpu.memref_slice %arg14[%add3A_117, %dma_start3A_120] : memref<10448x128xf32, #tpu.memory_space<vmem_shared>> -> memref<48x128xf32, #tpu.memory_space<vmem_shared>>
    tpu.enqueue_dma source(%arg13 : memref<48x128xf32, #tpu.memory_space<vmem>>) target(%dma_start3A_121 : memref<48x128xf32, #tpu.memory_space<vmem_shared>>) target_semaphore(%arg20 : memref<!tpu.dma_semaphore, #tpu.memory_space<semaphore_mem>>)
    %add3A_122 = arith.constant 576 : i32
    %add3A_123 = arith.addi %mul3A_50, %add3A_122 : i32
    %dma_start3A_124 = arith.constant 0 : i32
    %dma_start3A_125 = tpu.memref_slice %arg14[%add3A_123, %dma_start3A_124] : memref<10448x128xf32, #tpu.memory_space<vmem_shared>> -> memref<48x128xf32, #tpu.memory_space<vmem_shared>>
    %dma_start3A_126 = arith.constant 0 : i32
    %dma_start3A_127 = tpu.memref_slice %arg14[%add3A_123, %dma_start3A_126] : memref<10448x128xf32, #tpu.memory_space<vmem_shared>> -> memref<48x128xf32, #tpu.memory_space<vmem_shared>>
    tpu.enqueue_dma source(%arg8 : memref<48x128xf32, #tpu.memory_space<vmem>>) target(%dma_start3A_127 : memref<48x128xf32, #tpu.memory_space<vmem_shared>>) target_semaphore(%arg15 : memref<!tpu.dma_semaphore, #tpu.memory_space<semaphore_mem>>)
    %dma_wait3A = arith.constant 0 : i32
    %dma_wait3A_128 = arith.constant 0 : i32
    %dma_wait3A_129 = tpu.memref_slice %arg14[%dma_wait3A, %dma_wait3A_128] : memref<10448x128xf32, #tpu.memory_space<vmem_shared>> -> memref<48x128xf32, #tpu.memory_space<vmem_shared>>
    %dma_wait3A_130 = arith.constant 0 : i32
    %dma_wait3A_131 = arith.constant 0 : i32
    %dma_wait3A_132 = tpu.memref_slice %arg14[%dma_wait3A_130, %dma_wait3A_131] : memref<10448x128xf32, #tpu.memory_space<vmem_shared>> -> memref<48x128xf32, #tpu.memory_space<vmem_shared>>
    tpu.wait_dma2 semaphore(%arg15 : memref<!tpu.dma_semaphore, #tpu.memory_space<semaphore_mem>>) src(%arg8 : memref<48x128xf32, #tpu.memory_space<vmem>>) dst(%dma_wait3A_132 : memref<48x128xf32, #tpu.memory_space<vmem_shared>>)
    %dma_wait3A_133 = arith.constant 0 : i32
    %dma_wait3A_134 = arith.constant 0 : i32
    %dma_wait3A_135 = tpu.memref_slice %arg14[%dma_wait3A_133, %dma_wait3A_134] : memref<10448x128xf32, #tpu.memory_space<vmem_shared>> -> memref<48x128xf32, #tpu.memory_space<vmem_shared>>
    %dma_wait3A_136 = arith.constant 0 : i32
    %dma_wait3A_137 = arith.constant 0 : i32
    %dma_wait3A_138 = tpu.memref_slice %arg14[%dma_wait3A_136, %dma_wait3A_137] : memref<10448x128xf32, #tpu.memory_space<vmem_shared>> -> memref<48x128xf32, #tpu.memory_space<vmem_shared>>
    tpu.wait_dma2 semaphore(%arg16 : memref<!tpu.dma_semaphore, #tpu.memory_space<semaphore_mem>>) src(%arg9 : memref<48x128xf32, #tpu.memory_space<vmem>>) dst(%dma_wait3A_138 : memref<48x128xf32, #tpu.memory_space<vmem_shared>>)
    %dma_wait3A_139 = arith.constant 0 : i32
    %dma_wait3A_140 = arith.constant 0 : i32
    %dma_wait3A_141 = tpu.memref_slice %arg14[%dma_wait3A_139, %dma_wait3A_140] : memref<10448x128xf32, #tpu.memory_space<vmem_shared>> -> memref<48x128xf32, #tpu.memory_space<vmem_shared>>
    %dma_wait3A_142 = arith.constant 0 : i32
    %dma_wait3A_143 = arith.constant 0 : i32
    %dma_wait3A_144 = tpu.memref_slice %arg14[%dma_wait3A_142, %dma_wait3A_143] : memref<10448x128xf32, #tpu.memory_space<vmem_shared>> -> memref<48x128xf32, #tpu.memory_space<vmem_shared>>
    tpu.wait_dma2 semaphore(%arg17 : memref<!tpu.dma_semaphore, #tpu.memory_space<semaphore_mem>>) src(%arg10 : memref<48x128xf32, #tpu.memory_space<vmem>>) dst(%dma_wait3A_144 : memref<48x128xf32, #tpu.memory_space<vmem_shared>>)
    %dma_wait3A_145 = arith.constant 0 : i32
    %dma_wait3A_146 = arith.constant 0 : i32
    %dma_wait3A_147 = tpu.memref_slice %arg14[%dma_wait3A_145, %dma_wait3A_146] : memref<10448x128xf32, #tpu.memory_space<vmem_shared>> -> memref<48x128xf32, #tpu.memory_space<vmem_shared>>
    %dma_wait3A_148 = arith.constant 0 : i32
    %dma_wait3A_149 = arith.constant 0 : i32
    %dma_wait3A_150 = tpu.memref_slice %arg14[%dma_wait3A_148, %dma_wait3A_149] : memref<10448x128xf32, #tpu.memory_space<vmem_shared>> -> memref<48x128xf32, #tpu.memory_space<vmem_shared>>
    tpu.wait_dma2 semaphore(%arg18 : memref<!tpu.dma_semaphore, #tpu.memory_space<semaphore_mem>>) src(%arg11 : memref<48x128xf32, #tpu.memory_space<vmem>>) dst(%dma_wait3A_150 : memref<48x128xf32, #tpu.memory_space<vmem_shared>>)
    %dma_wait3A_151 = arith.constant 0 : i32
    %dma_wait3A_152 = arith.constant 0 : i32
    %dma_wait3A_153 = tpu.memref_slice %arg14[%dma_wait3A_151, %dma_wait3A_152] : memref<10448x128xf32, #tpu.memory_space<vmem_shared>> -> memref<48x128xf32, #tpu.memory_space<vmem_shared>>
    %dma_wait3A_154 = arith.constant 0 : i32
    %dma_wait3A_155 = arith.constant 0 : i32
    %dma_wait3A_156 = tpu.memref_slice %arg14[%dma_wait3A_154, %dma_wait3A_155] : memref<10448x128xf32, #tpu.memory_space<vmem_shared>> -> memref<48x128xf32, #tpu.memory_space<vmem_shared>>
    tpu.wait_dma2 semaphore(%arg19 : memref<!tpu.dma_semaphore, #tpu.memory_space<semaphore_mem>>) src(%arg12 : memref<48x128xf32, #tpu.memory_space<vmem>>) dst(%dma_wait3A_156 : memref<48x128xf32, #tpu.memory_space<vmem_shared>>)
    %dma_wait3A_157 = arith.constant 0 : i32
    %dma_wait3A_158 = arith.constant 0 : i32
    %dma_wait3A_159 = tpu.memref_slice %arg14[%dma_wait3A_157, %dma_wait3A_158] : memref<10448x128xf32, #tpu.memory_space<vmem_shared>> -> memref<48x128xf32, #tpu.memory_space<vmem_shared>>
    %dma_wait3A_160 = arith.constant 0 : i32
    %dma_wait3A_161 = arith.constant 0 : i32
    %dma_wait3A_162 = tpu.memref_slice %arg14[%dma_wait3A_160, %dma_wait3A_161] : memref<10448x128xf32, #tpu.memory_space<vmem_shared>> -> memref<48x128xf32, #tpu.memory_space<vmem_shared>>
    tpu.wait_dma2 semaphore(%arg20 : memref<!tpu.dma_semaphore, #tpu.memory_space<semaphore_mem>>) src(%arg13 : memref<48x128xf32, #tpu.memory_space<vmem>>) dst(%dma_wait3A_162 : memref<48x128xf32, #tpu.memory_space<vmem_shared>>)
    %dma_wait3A_163 = arith.constant 0 : i32
    %dma_wait3A_164 = arith.constant 0 : i32
    %dma_wait3A_165 = tpu.memref_slice %arg14[%dma_wait3A_163, %dma_wait3A_164] : memref<10448x128xf32, #tpu.memory_space<vmem_shared>> -> memref<48x128xf32, #tpu.memory_space<vmem_shared>>
    %dma_wait3A_166 = arith.constant 0 : i32
    %dma_wait3A_167 = arith.constant 0 : i32
    %dma_wait3A_168 = tpu.memref_slice %arg14[%dma_wait3A_166, %dma_wait3A_167] : memref<10448x128xf32, #tpu.memory_space<vmem_shared>> -> memref<48x128xf32, #tpu.memory_space<vmem_shared>>
    tpu.wait_dma2 semaphore(%arg15 : memref<!tpu.dma_semaphore, #tpu.memory_space<semaphore_mem>>) src(%arg8 : memref<48x128xf32, #tpu.memory_space<vmem>>) dst(%dma_wait3A_168 : memref<48x128xf32, #tpu.memory_space<vmem_shared>>)
    %dma_wait3A_169 = arith.constant 0 : i32
    %dma_wait3A_170 = arith.constant 0 : i32
    %dma_wait3A_171 = tpu.memref_slice %arg14[%dma_wait3A_169, %dma_wait3A_170] : memref<10448x128xf32, #tpu.memory_space<vmem_shared>> -> memref<48x128xf32, #tpu.memory_space<vmem_shared>>
    %dma_wait3A_172 = arith.constant 0 : i32
    %dma_wait3A_173 = arith.constant 0 : i32
    %dma_wait3A_174 = tpu.memref_slice %arg14[%dma_wait3A_172, %dma_wait3A_173] : memref<10448x128xf32, #tpu.memory_space<vmem_shared>> -> memref<48x128xf32, #tpu.memory_space<vmem_shared>>
    tpu.wait_dma2 semaphore(%arg16 : memref<!tpu.dma_semaphore, #tpu.memory_space<semaphore_mem>>) src(%arg9 : memref<48x128xf32, #tpu.memory_space<vmem>>) dst(%dma_wait3A_174 : memref<48x128xf32, #tpu.memory_space<vmem_shared>>)
    %dma_wait3A_175 = arith.constant 0 : i32
    %dma_wait3A_176 = arith.constant 0 : i32
    %dma_wait3A_177 = tpu.memref_slice %arg14[%dma_wait3A_175, %dma_wait3A_176] : memref<10448x128xf32, #tpu.memory_space<vmem_shared>> -> memref<48x128xf32, #tpu.memory_space<vmem_shared>>
    %dma_wait3A_178 = arith.constant 0 : i32
    %dma_wait3A_179 = arith.constant 0 : i32
    %dma_wait3A_180 = tpu.memref_slice %arg14[%dma_wait3A_178, %dma_wait3A_179] : memref<10448x128xf32, #tpu.memory_space<vmem_shared>> -> memref<48x128xf32, #tpu.memory_space<vmem_shared>>
    tpu.wait_dma2 semaphore(%arg17 : memref<!tpu.dma_semaphore, #tpu.memory_space<semaphore_mem>>) src(%arg10 : memref<48x128xf32, #tpu.memory_space<vmem>>) dst(%dma_wait3A_180 : memref<48x128xf32, #tpu.memory_space<vmem_shared>>)
    %dma_wait3A_181 = arith.constant 0 : i32
    %dma_wait3A_182 = arith.constant 0 : i32
    %dma_wait3A_183 = tpu.memref_slice %arg14[%dma_wait3A_181, %dma_wait3A_182] : memref<10448x128xf32, #tpu.memory_space<vmem_shared>> -> memref<48x128xf32, #tpu.memory_space<vmem_shared>>
    %dma_wait3A_184 = arith.constant 0 : i32
    %dma_wait3A_185 = arith.constant 0 : i32
    %dma_wait3A_186 = tpu.memref_slice %arg14[%dma_wait3A_184, %dma_wait3A_185] : memref<10448x128xf32, #tpu.memory_space<vmem_shared>> -> memref<48x128xf32, #tpu.memory_space<vmem_shared>>
    tpu.wait_dma2 semaphore(%arg18 : memref<!tpu.dma_semaphore, #tpu.memory_space<semaphore_mem>>) src(%arg11 : memref<48x128xf32, #tpu.memory_space<vmem>>) dst(%dma_wait3A_186 : memref<48x128xf32, #tpu.memory_space<vmem_shared>>)
    %dma_wait3A_187 = arith.constant 0 : i32
    %dma_wait3A_188 = arith.constant 0 : i32
    %dma_wait3A_189 = tpu.memref_slice %arg14[%dma_wait3A_187, %dma_wait3A_188] : memref<10448x128xf32, #tpu.memory_space<vmem_shared>> -> memref<48x128xf32, #tpu.memory_space<vmem_shared>>
    %dma_wait3A_190 = arith.constant 0 : i32
    %dma_wait3A_191 = arith.constant 0 : i32
    %dma_wait3A_192 = tpu.memref_slice %arg14[%dma_wait3A_190, %dma_wait3A_191] : memref<10448x128xf32, #tpu.memory_space<vmem_shared>> -> memref<48x128xf32, #tpu.memory_space<vmem_shared>>
    tpu.wait_dma2 semaphore(%arg19 : memref<!tpu.dma_semaphore, #tpu.memory_space<semaphore_mem>>) src(%arg12 : memref<48x128xf32, #tpu.memory_space<vmem>>) dst(%dma_wait3A_192 : memref<48x128xf32, #tpu.memory_space<vmem_shared>>)
    %dma_wait3A_193 = arith.constant 0 : i32
    %dma_wait3A_194 = arith.constant 0 : i32
    %dma_wait3A_195 = tpu.memref_slice %arg14[%dma_wait3A_193, %dma_wait3A_194] : memref<10448x128xf32, #tpu.memory_space<vmem_shared>> -> memref<48x128xf32, #tpu.memory_space<vmem_shared>>
    %dma_wait3A_196 = arith.constant 0 : i32
    %dma_wait3A_197 = arith.constant 0 : i32
    %dma_wait3A_198 = tpu.memref_slice %arg14[%dma_wait3A_196, %dma_wait3A_197] : memref<10448x128xf32, #tpu.memory_space<vmem_shared>> -> memref<48x128xf32, #tpu.memory_space<vmem_shared>>
    tpu.wait_dma2 semaphore(%arg20 : memref<!tpu.dma_semaphore, #tpu.memory_space<semaphore_mem>>) src(%arg13 : memref<48x128xf32, #tpu.memory_space<vmem>>) dst(%dma_wait3A_198 : memref<48x128xf32, #tpu.memory_space<vmem_shared>>)
    %dma_wait3A_199 = arith.constant 0 : i32
    %dma_wait3A_200 = arith.constant 0 : i32
    %dma_wait3A_201 = tpu.memref_slice %arg14[%dma_wait3A_199, %dma_wait3A_200] : memref<10448x128xf32, #tpu.memory_space<vmem_shared>> -> memref<48x128xf32, #tpu.memory_space<vmem_shared>>
    %dma_wait3A_202 = arith.constant 0 : i32
    %dma_wait3A_203 = arith.constant 0 : i32
    %dma_wait3A_204 = tpu.memref_slice %arg14[%dma_wait3A_202, %dma_wait3A_203] : memref<10448x128xf32, #tpu.memory_space<vmem_shared>> -> memref<48x128xf32, #tpu.memory_space<vmem_shared>>
    tpu.wait_dma2 semaphore(%arg15 : memref<!tpu.dma_semaphore, #tpu.memory_space<semaphore_mem>>) src(%arg8 : memref<48x128xf32, #tpu.memory_space<vmem>>) dst(%dma_wait3A_204 : memref<48x128xf32, #tpu.memory_space<vmem_shared>>)
    %eq3A = arith.constant 15 : i32
    %eq3A_205 = arith.cmpi eq, %arg1, %eq3A : i32
    %convert_element_type3A = arith.extui %eq3A_205 : i1 to i32
    %cond3A = arith.constant 0 : i32
    %cond3A_206 = arith.cmpi ne, %convert_element_type3A, %cond3A : i32
    scf.if %cond3A_206 {
      "tpu.region"() ({
        %run_scoped3A = tpu.sem_alloc : memref<!tpu.dma_semaphore, #tpu.memory_space<semaphore_mem>>
        %dma_start3A_571 = arith.constant 0 : i32
        %dma_start3A_572 = arith.constant 0 : i32
        %dma_start3A_573 = tpu.memref_slice %arg8[%dma_start3A_571, %dma_start3A_572] : memref<48x128xf32, #tpu.memory_space<vmem>> -> memref<16x128xf32, #tpu.memory_space<vmem>>
        %dma_start3A_574 = arith.constant 9984 : i32
        %dma_start3A_575 = arith.constant 0 : i32
        %dma_start3A_576 = tpu.memref_slice %arg14[%dma_start3A_574, %dma_start3A_575] : memref<10448x128xf32, #tpu.memory_space<vmem_shared>> -> memref<16x128xf32, #tpu.memory_space<vmem_shared>>
        %dma_start3A_577 = arith.constant 9984 : i32
        %dma_start3A_578 = arith.constant 0 : i32
        %dma_start3A_579 = tpu.memref_slice %arg14[%dma_start3A_577, %dma_start3A_578] : memref<10448x128xf32, #tpu.memory_space<vmem_shared>> -> memref<16x128xf32, #tpu.memory_space<vmem_shared>>
        %dma_start3A_580 = arith.constant 0 : i32
        %dma_start3A_581 = arith.constant 0 : i32
        %dma_start3A_582 = tpu.memref_slice %arg8[%dma_start3A_580, %dma_start3A_581] : memref<48x128xf32, #tpu.memory_space<vmem>> -> memref<16x128xf32, #tpu.memory_space<vmem>>
        tpu.enqueue_dma source(%dma_start3A_582 : memref<16x128xf32, #tpu.memory_space<vmem>>) target(%dma_start3A_579 : memref<16x128xf32, #tpu.memory_space<vmem_shared>>) target_semaphore(%run_scoped3A : memref<!tpu.dma_semaphore, #tpu.memory_space<semaphore_mem>>)
        %dma_wait3A_583 = arith.constant 0 : i32
        %dma_wait3A_584 = arith.constant 0 : i32
        %dma_wait3A_585 = tpu.memref_slice %arg8[%dma_wait3A_583, %dma_wait3A_584] : memref<48x128xf32, #tpu.memory_space<vmem>> -> memref<16x128xf32, #tpu.memory_space<vmem>>
        %dma_wait3A_586 = arith.constant 9984 : i32
        %dma_wait3A_587 = arith.constant 0 : i32
        %dma_wait3A_588 = tpu.memref_slice %arg14[%dma_wait3A_586, %dma_wait3A_587] : memref<10448x128xf32, #tpu.memory_space<vmem_shared>> -> memref<16x128xf32, #tpu.memory_space<vmem_shared>>
        %dma_wait3A_589 = arith.constant 9984 : i32
        %dma_wait3A_590 = arith.constant 0 : i32
        %dma_wait3A_591 = tpu.memref_slice %arg14[%dma_wait3A_589, %dma_wait3A_590] : memref<10448x128xf32, #tpu.memory_space<vmem_shared>> -> memref<16x128xf32, #tpu.memory_space<vmem_shared>>
        %dma_wait3A_592 = arith.constant 0 : i32
        %dma_wait3A_593 = arith.constant 0 : i32
        %dma_wait3A_594 = tpu.memref_slice %arg8[%dma_wait3A_592, %dma_wait3A_593] : memref<48x128xf32, #tpu.memory_space<vmem>> -> memref<16x128xf32, #tpu.memory_space<vmem>>
        tpu.wait_dma2 semaphore(%run_scoped3A : memref<!tpu.dma_semaphore, #tpu.memory_space<semaphore_mem>>) src(%dma_wait3A_594 : memref<16x128xf32, #tpu.memory_space<vmem>>) dst(%dma_wait3A_591 : memref<16x128xf32, #tpu.memory_space<vmem_shared>>)
        tpu.yield
      }) : () -> ()
    } else {
    }
    %barrier3A = arith.constant 0 : index
    tpu.barrier barrier_id(%barrier3A)
    %add3A_207 = arith.constant 0 : i32
    %add3A_208 = arith.addi %add3A, %add3A_207 : i32
    "tpu.region"() ({
      %run_scoped3A = tpu.sem_alloc : memref<!tpu.dma_semaphore, #tpu.memory_space<semaphore_mem>>
      %dma_start3A_571 = arith.constant 0 : i32
      %dma_start3A_572 = arith.constant 0 : i32
      %dma_start3A_573 = tpu.memref_slice %arg6[%dma_start3A_571, %dma_start3A_572] : memref<108x48xi32, #tpu.memory_space<vmem>> -> memref<108x48xi32, #tpu.memory_space<vmem>>
      %dma_start3A_574 = arith.constant 0 : i32
      %dma_start3A_575 = tpu.memref_slice %arg3[%add3A_208, %dma_start3A_574] : memref<6720x48xi32, #tpu.memory_space<hbm>> -> memref<108x48xi32, #tpu.memory_space<hbm>>
      %dma_start3A_576 = arith.constant 0 : i32
      %dma_start3A_577 = arith.constant 0 : i32
      %dma_start3A_578 = tpu.memref_slice %arg6[%dma_start3A_576, %dma_start3A_577] : memref<108x48xi32, #tpu.memory_space<vmem>> -> memref<108x48xi32, #tpu.memory_space<vmem>>
      %dma_start3A_579 = arith.constant 0 : i32
      %dma_start3A_580 = tpu.memref_slice %arg3[%add3A_208, %dma_start3A_579] : memref<6720x48xi32, #tpu.memory_space<hbm>> -> memref<108x48xi32, #tpu.memory_space<hbm>>
      tpu.enqueue_dma source(%dma_start3A_580 : memref<108x48xi32, #tpu.memory_space<hbm>>) target(%dma_start3A_578 : memref<108x48xi32, #tpu.memory_space<vmem>>) target_semaphore(%run_scoped3A : memref<!tpu.dma_semaphore, #tpu.memory_space<semaphore_mem>>)
      %dma_wait3A_581 = arith.constant 0 : i32
      %dma_wait3A_582 = arith.constant 0 : i32
      %dma_wait3A_583 = tpu.memref_slice %arg6[%dma_wait3A_581, %dma_wait3A_582] : memref<108x48xi32, #tpu.memory_space<vmem>> -> memref<108x48xi32, #tpu.memory_space<vmem>>
      %dma_wait3A_584 = arith.constant 0 : i32
      %dma_wait3A_585 = tpu.memref_slice %arg3[%add3A_208, %dma_wait3A_584] : memref<6720x48xi32, #tpu.memory_space<hbm>> -> memref<108x48xi32, #tpu.memory_space<hbm>>
      %dma_wait3A_586 = arith.constant 0 : i32
      %dma_wait3A_587 = arith.constant 0 : i32
      %dma_wait3A_588 = tpu.memref_slice %arg6[%dma_wait3A_586, %dma_wait3A_587] : memref<108x48xi32, #tpu.memory_space<vmem>> -> memref<108x48xi32, #tpu.memory_space<vmem>>
      %dma_wait3A_589 = arith.constant 0 : i32
      %dma_wait3A_590 = tpu.memref_slice %arg3[%add3A_208, %dma_wait3A_589] : memref<6720x48xi32, #tpu.memory_space<hbm>> -> memref<108x48xi32, #tpu.memory_space<hbm>>
      tpu.wait_dma2 semaphore(%run_scoped3A : memref<!tpu.dma_semaphore, #tpu.memory_space<semaphore_mem>>) src(%dma_wait3A_590 : memref<108x48xi32, #tpu.memory_space<hbm>>) dst(%dma_wait3A_588 : memref<108x48xi32, #tpu.memory_space<vmem>>)
      tpu.yield
    }) : () -> ()
    %add3A_209 = arith.constant 0 : i32
    %add3A_210 = arith.addi %add3A, %add3A_209 : i32
    "tpu.region"() ({
      %run_scoped3A = tpu.sem_alloc : memref<!tpu.dma_semaphore, #tpu.memory_space<semaphore_mem>>
      %dma_start3A_571 = arith.constant 0 : i32
      %dma_start3A_572 = arith.constant 0 : i32
      %dma_start3A_573 = tpu.memref_slice %arg7[%dma_start3A_571, %dma_start3A_572] : memref<108x48xi32, #tpu.memory_space<vmem>> -> memref<108x48xi32, #tpu.memory_space<vmem>>
      %dma_start3A_574 = arith.constant 0 : i32
      %dma_start3A_575 = tpu.memref_slice %arg4[%add3A_210, %dma_start3A_574] : memref<6720x48xi32, #tpu.memory_space<hbm>> -> memref<108x48xi32, #tpu.memory_space<hbm>>
      %dma_start3A_576 = arith.constant 0 : i32
      %dma_start3A_577 = arith.constant 0 : i32
      %dma_start3A_578 = tpu.memref_slice %arg7[%dma_start3A_576, %dma_start3A_577] : memref<108x48xi32, #tpu.memory_space<vmem>> -> memref<108x48xi32, #tpu.memory_space<vmem>>
      %dma_start3A_579 = arith.constant 0 : i32
      %dma_start3A_580 = tpu.memref_slice %arg4[%add3A_210, %dma_start3A_579] : memref<6720x48xi32, #tpu.memory_space<hbm>> -> memref<108x48xi32, #tpu.memory_space<hbm>>
      tpu.enqueue_dma source(%dma_start3A_580 : memref<108x48xi32, #tpu.memory_space<hbm>>) target(%dma_start3A_578 : memref<108x48xi32, #tpu.memory_space<vmem>>) target_semaphore(%run_scoped3A : memref<!tpu.dma_semaphore, #tpu.memory_space<semaphore_mem>>)
      %dma_wait3A_581 = arith.constant 0 : i32
      %dma_wait3A_582 = arith.constant 0 : i32
      %dma_wait3A_583 = tpu.memref_slice %arg7[%dma_wait3A_581, %dma_wait3A_582] : memref<108x48xi32, #tpu.memory_space<vmem>> -> memref<108x48xi32, #tpu.memory_space<vmem>>
      %dma_wait3A_584 = arith.constant 0 : i32
      %dma_wait3A_585 = tpu.memref_slice %arg4[%add3A_210, %dma_wait3A_584] : memref<6720x48xi32, #tpu.memory_space<hbm>> -> memref<108x48xi32, #tpu.memory_space<hbm>>
      %dma_wait3A_586 = arith.constant 0 : i32
      %dma_wait3A_587 = arith.constant 0 : i32
      %dma_wait3A_588 = tpu.memref_slice %arg7[%dma_wait3A_586, %dma_wait3A_587] : memref<108x48xi32, #tpu.memory_space<vmem>> -> memref<108x48xi32, #tpu.memory_space<vmem>>
      %dma_wait3A_589 = arith.constant 0 : i32
      %dma_wait3A_590 = tpu.memref_slice %arg4[%add3A_210, %dma_wait3A_589] : memref<6720x48xi32, #tpu.memory_space<hbm>> -> memref<108x48xi32, #tpu.memory_space<hbm>>
      tpu.wait_dma2 semaphore(%run_scoped3A : memref<!tpu.dma_semaphore, #tpu.memory_space<semaphore_mem>>) src(%dma_wait3A_590 : memref<108x48xi32, #tpu.memory_space<hbm>>) dst(%dma_wait3A_588 : memref<108x48xi32, #tpu.memory_space<vmem>>)
      tpu.yield
    }) : () -> ()
    %dma_start3A_211 = arith.constant 0 : i32
    %dma_start3A_212 = arith.constant 0 : i32
    %dma_start3A_213 = tpu.memref_slice %arg6[%dma_start3A_211, %dma_start3A_212] : memref<108x48xi32, #tpu.memory_space<vmem>> -> memref<1x48xi32, #tpu.memory_space<vmem>>
    %dma_start3A_214 = tpu.memref_squeeze %dma_start3A_213 : memref<1x48xi32, #tpu.memory_space<vmem>> -> memref<48xi32, #tpu.memory_space<vmem>>
    %dma_start3A_215 = arith.constant 0 : i32
    %dma_start3A_216 = arith.constant 0 : i32
    %dma_start3A_217 = tpu.memref_slice %arg2[%dma_start3A_215, %dma_start3A_216] : memref<10000x128xf32, #tpu.memory_space<hbm>> -> memref<10000x128xf32, #tpu.memory_space<hbm>>
    tpu.enqueue_indirect_dma source(%dma_start3A_217 : memref<10000x128xf32, #tpu.memory_space<hbm>>) target(%arg8 : memref<48x128xf32, #tpu.memory_space<vmem>>) offsets(%dma_start3A_214 : memref<48xi32, #tpu.memory_space<vmem>>) semaphore(%arg15 : memref<!tpu.dma_semaphore, #tpu.memory_space<semaphore_mem>>)
    %dma_start3A_218 = arith.constant 1 : i32
    %dma_start3A_219 = arith.constant 0 : i32
    %dma_start3A_220 = tpu.memref_slice %arg6[%dma_start3A_218, %dma_start3A_219] : memref<108x48xi32, #tpu.memory_space<vmem>> -> memref<1x48xi32, #tpu.memory_space<vmem>>
    %dma_start3A_221 = tpu.memref_squeeze %dma_start3A_220 : memref<1x48xi32, #tpu.memory_space<vmem>> -> memref<48xi32, #tpu.memory_space<vmem>>
    %dma_start3A_222 = arith.constant 0 : i32
    %dma_start3A_223 = arith.constant 0 : i32
    %dma_start3A_224 = tpu.memref_slice %arg2[%dma_start3A_222, %dma_start3A_223] : memref<10000x128xf32, #tpu.memory_space<hbm>> -> memref<10000x128xf32, #tpu.memory_space<hbm>>
    tpu.enqueue_indirect_dma source(%dma_start3A_224 : memref<10000x128xf32, #tpu.memory_space<hbm>>) target(%arg9 : memref<48x128xf32, #tpu.memory_space<vmem>>) offsets(%dma_start3A_221 : memref<48xi32, #tpu.memory_space<vmem>>) semaphore(%arg16 : memref<!tpu.dma_semaphore, #tpu.memory_space<semaphore_mem>>)
    %dma_start3A_225 = arith.constant 2 : i32
    %dma_start3A_226 = arith.constant 0 : i32
    %dma_start3A_227 = tpu.memref_slice %arg6[%dma_start3A_225, %dma_start3A_226] : memref<108x48xi32, #tpu.memory_space<vmem>> -> memref<1x48xi32, #tpu.memory_space<vmem>>
    %dma_start3A_228 = tpu.memref_squeeze %dma_start3A_227 : memref<1x48xi32, #tpu.memory_space<vmem>> -> memref<48xi32, #tpu.memory_space<vmem>>
    %dma_start3A_229 = arith.constant 0 : i32
    %dma_start3A_230 = arith.constant 0 : i32
    %dma_start3A_231 = tpu.memref_slice %arg2[%dma_start3A_229, %dma_start3A_230] : memref<10000x128xf32, #tpu.memory_space<hbm>> -> memref<10000x128xf32, #tpu.memory_space<hbm>>
    tpu.enqueue_indirect_dma source(%dma_start3A_231 : memref<10000x128xf32, #tpu.memory_space<hbm>>) target(%arg10 : memref<48x128xf32, #tpu.memory_space<vmem>>) offsets(%dma_start3A_228 : memref<48xi32, #tpu.memory_space<vmem>>) semaphore(%arg17 : memref<!tpu.dma_semaphore, #tpu.memory_space<semaphore_mem>>)
    %dma_start3A_232 = arith.constant 3 : i32
    %dma_start3A_233 = arith.constant 0 : i32
    %dma_start3A_234 = tpu.memref_slice %arg6[%dma_start3A_232, %dma_start3A_233] : memref<108x48xi32, #tpu.memory_space<vmem>> -> memref<1x48xi32, #tpu.memory_space<vmem>>
    %dma_start3A_235 = tpu.memref_squeeze %dma_start3A_234 : memref<1x48xi32, #tpu.memory_space<vmem>> -> memref<48xi32, #tpu.memory_space<vmem>>
    %dma_start3A_236 = arith.constant 0 : i32
    %dma_start3A_237 = arith.constant 0 : i32
    %dma_start3A_238 = tpu.memref_slice %arg2[%dma_start3A_236, %dma_start3A_237] : memref<10000x128xf32, #tpu.memory_space<hbm>> -> memref<10000x128xf32, #tpu.memory_space<hbm>>
    tpu.enqueue_indirect_dma source(%dma_start3A_238 : memref<10000x128xf32, #tpu.memory_space<hbm>>) target(%arg11 : memref<48x128xf32, #tpu.memory_space<vmem>>) offsets(%dma_start3A_235 : memref<48xi32, #tpu.memory_space<vmem>>) semaphore(%arg18 : memref<!tpu.dma_semaphore, #tpu.memory_space<semaphore_mem>>)
    %dma_start3A_239 = arith.constant 4 : i32
    %dma_start3A_240 = arith.constant 0 : i32
    %dma_start3A_241 = tpu.memref_slice %arg6[%dma_start3A_239, %dma_start3A_240] : memref<108x48xi32, #tpu.memory_space<vmem>> -> memref<1x48xi32, #tpu.memory_space<vmem>>
    %dma_start3A_242 = tpu.memref_squeeze %dma_start3A_241 : memref<1x48xi32, #tpu.memory_space<vmem>> -> memref<48xi32, #tpu.memory_space<vmem>>
    %dma_start3A_243 = arith.constant 0 : i32
    %dma_start3A_244 = arith.constant 0 : i32
    %dma_start3A_245 = tpu.memref_slice %arg2[%dma_start3A_243, %dma_start3A_244] : memref<10000x128xf32, #tpu.memory_space<hbm>> -> memref<10000x128xf32, #tpu.memory_space<hbm>>
    tpu.enqueue_indirect_dma source(%dma_start3A_245 : memref<10000x128xf32, #tpu.memory_space<hbm>>) target(%arg12 : memref<48x128xf32, #tpu.memory_space<vmem>>) offsets(%dma_start3A_242 : memref<48xi32, #tpu.memory_space<vmem>>) semaphore(%arg19 : memref<!tpu.dma_semaphore, #tpu.memory_space<semaphore_mem>>)
    %dma_start3A_246 = arith.constant 5 : i32
    %dma_start3A_247 = arith.constant 0 : i32
    %dma_start3A_248 = tpu.memref_slice %arg6[%dma_start3A_246, %dma_start3A_247] : memref<108x48xi32, #tpu.memory_space<vmem>> -> memref<1x48xi32, #tpu.memory_space<vmem>>
    %dma_start3A_249 = tpu.memref_squeeze %dma_start3A_248 : memref<1x48xi32, #tpu.memory_space<vmem>> -> memref<48xi32, #tpu.memory_space<vmem>>
    %dma_start3A_250 = arith.constant 0 : i32
    %dma_start3A_251 = arith.constant 0 : i32
    %dma_start3A_252 = tpu.memref_slice %arg2[%dma_start3A_250, %dma_start3A_251] : memref<10000x128xf32, #tpu.memory_space<hbm>> -> memref<10000x128xf32, #tpu.memory_space<hbm>>
    tpu.enqueue_indirect_dma source(%dma_start3A_252 : memref<10000x128xf32, #tpu.memory_space<hbm>>) target(%arg13 : memref<48x128xf32, #tpu.memory_space<vmem>>) offsets(%dma_start3A_249 : memref<48xi32, #tpu.memory_space<vmem>>) semaphore(%arg20 : memref<!tpu.dma_semaphore, #tpu.memory_space<semaphore_mem>>)
    %scan3A_253 = arith.constant 0 : i32
    %scan3A_254 = arith.constant 0 : i32
    %scan3A_255 = arith.constant 17 : i32
    %scan3A_256 = arith.addi %scan3A_254, %scan3A_255 : i32
    %scan3A_257 = arith.constant 1 : i32
    scf.for %scan3A_571 = %scan3A_254 to %scan3A_256 step %scan3A_257  : i32 {
      %mul3A_572 = arith.constant 6 : i32
      %mul3A_573 = arith.muli %mul3A_572, %scan3A_571 : i32
      %dma_wait3A_574 = arith.constant 0 : i32
      %dma_wait3A_575 = arith.constant 0 : i32
      %dma_wait3A_576 = tpu.memref_slice %arg6[%dma_wait3A_574, %dma_wait3A_575] : memref<108x48xi32, #tpu.memory_space<vmem>> -> memref<1x48xi32, #tpu.memory_space<vmem>>
      %dma_wait3A_577 = tpu.memref_squeeze %dma_wait3A_576 : memref<1x48xi32, #tpu.memory_space<vmem>> -> memref<48xi32, #tpu.memory_space<vmem>>
      %dma_wait3A_578 = arith.constant 0 : i32
      %dma_wait3A_579 = arith.constant 0 : i32
      %dma_wait3A_580 = tpu.memref_slice %arg2[%dma_wait3A_578, %dma_wait3A_579] : memref<10000x128xf32, #tpu.memory_space<hbm>> -> memref<10000x128xf32, #tpu.memory_space<hbm>>
      tpu.wait_indirect_dma semaphore(%arg15 : memref<!tpu.dma_semaphore, #tpu.memory_space<semaphore_mem>>) src(%dma_wait3A_580 : memref<10000x128xf32, #tpu.memory_space<hbm>>) dst(%arg8 : memref<48x128xf32, #tpu.memory_space<vmem>>)
      %add3A_581 = arith.constant 0 : i32
      %add3A_582 = arith.addi %mul3A_573, %add3A_581 : i32
      %dma_start3A_583 = arith.constant 0 : i32
      %dma_start3A_584 = tpu.memref_slice %arg7[%add3A_582, %dma_start3A_583] : memref<108x48xi32, #tpu.memory_space<vmem>> -> memref<1x48xi32, #tpu.memory_space<vmem>>
      %dma_start3A_585 = tpu.memref_squeeze %dma_start3A_584 : memref<1x48xi32, #tpu.memory_space<vmem>> -> memref<48xi32, #tpu.memory_space<vmem>>
      %dma_start3A_586 = arith.constant 0 : i32
      %dma_start3A_587 = arith.constant 0 : i32
      %dma_start3A_588 = tpu.memref_slice %arg14[%dma_start3A_586, %dma_start3A_587] : memref<10448x128xf32, #tpu.memory_space<vmem_shared>> -> memref<10448x128xf32, #tpu.memory_space<vmem_shared>>
      tpu.enqueue_indirect_dma source(%arg8 : memref<48x128xf32, #tpu.memory_space<vmem>>) target(%dma_start3A_588 : memref<10448x128xf32, #tpu.memory_space<vmem_shared>>) offsets(%dma_start3A_585 : memref<48xi32, #tpu.memory_space<vmem>>) semaphore(%arg21 : memref<!tpu.dma_semaphore, #tpu.memory_space<semaphore_mem>>) {add = true}
      %dma_wait3A_589 = arith.constant 0 : i32
      %dma_wait3A_590 = arith.constant 0 : i32
      %dma_wait3A_591 = tpu.memref_slice %arg6[%dma_wait3A_589, %dma_wait3A_590] : memref<108x48xi32, #tpu.memory_space<vmem>> -> memref<1x48xi32, #tpu.memory_space<vmem>>
      %dma_wait3A_592 = tpu.memref_squeeze %dma_wait3A_591 : memref<1x48xi32, #tpu.memory_space<vmem>> -> memref<48xi32, #tpu.memory_space<vmem>>
      %dma_wait3A_593 = arith.constant 0 : i32
      %dma_wait3A_594 = arith.constant 0 : i32
      %dma_wait3A_595 = tpu.memref_slice %arg2[%dma_wait3A_593, %dma_wait3A_594] : memref<10000x128xf32, #tpu.memory_space<hbm>> -> memref<10000x128xf32, #tpu.memory_space<hbm>>
      tpu.wait_indirect_dma semaphore(%arg16 : memref<!tpu.dma_semaphore, #tpu.memory_space<semaphore_mem>>) src(%dma_wait3A_595 : memref<10000x128xf32, #tpu.memory_space<hbm>>) dst(%arg9 : memref<48x128xf32, #tpu.memory_space<vmem>>)
      %add3A_596 = arith.constant 1 : i32
      %add3A_597 = arith.addi %mul3A_573, %add3A_596 : i32
      %dma_start3A_598 = arith.constant 0 : i32
      %dma_start3A_599 = tpu.memref_slice %arg7[%add3A_597, %dma_start3A_598] : memref<108x48xi32, #tpu.memory_space<vmem>> -> memref<1x48xi32, #tpu.memory_space<vmem>>
      %dma_start3A_600 = tpu.memref_squeeze %dma_start3A_599 : memref<1x48xi32, #tpu.memory_space<vmem>> -> memref<48xi32, #tpu.memory_space<vmem>>
      %dma_start3A_601 = arith.constant 0 : i32
      %dma_start3A_602 = arith.constant 0 : i32
      %dma_start3A_603 = tpu.memref_slice %arg14[%dma_start3A_601, %dma_start3A_602] : memref<10448x128xf32, #tpu.memory_space<vmem_shared>> -> memref<10448x128xf32, #tpu.memory_space<vmem_shared>>
      tpu.enqueue_indirect_dma source(%arg9 : memref<48x128xf32, #tpu.memory_space<vmem>>) target(%dma_start3A_603 : memref<10448x128xf32, #tpu.memory_space<vmem_shared>>) offsets(%dma_start3A_600 : memref<48xi32, #tpu.memory_space<vmem>>) semaphore(%arg22 : memref<!tpu.dma_semaphore, #tpu.memory_space<semaphore_mem>>) {add = true}
      %dma_wait3A_604 = arith.constant 0 : i32
      %dma_wait3A_605 = arith.constant 0 : i32
      %dma_wait3A_606 = tpu.memref_slice %arg6[%dma_wait3A_604, %dma_wait3A_605] : memref<108x48xi32, #tpu.memory_space<vmem>> -> memref<1x48xi32, #tpu.memory_space<vmem>>
      %dma_wait3A_607 = tpu.memref_squeeze %dma_wait3A_606 : memref<1x48xi32, #tpu.memory_space<vmem>> -> memref<48xi32, #tpu.memory_space<vmem>>
      %dma_wait3A_608 = arith.constant 0 : i32
      %dma_wait3A_609 = arith.constant 0 : i32
      %dma_wait3A_610 = tpu.memref_slice %arg2[%dma_wait3A_608, %dma_wait3A_609] : memref<10000x128xf32, #tpu.memory_space<hbm>> -> memref<10000x128xf32, #tpu.memory_space<hbm>>
      tpu.wait_indirect_dma semaphore(%arg17 : memref<!tpu.dma_semaphore, #tpu.memory_space<semaphore_mem>>) src(%dma_wait3A_610 : memref<10000x128xf32, #tpu.memory_space<hbm>>) dst(%arg10 : memref<48x128xf32, #tpu.memory_space<vmem>>)
      %add3A_611 = arith.constant 2 : i32
      %add3A_612 = arith.addi %mul3A_573, %add3A_611 : i32
      %dma_start3A_613 = arith.constant 0 : i32
      %dma_start3A_614 = tpu.memref_slice %arg7[%add3A_612, %dma_start3A_613] : memref<108x48xi32, #tpu.memory_space<vmem>> -> memref<1x48xi32, #tpu.memory_space<vmem>>
      %dma_start3A_615 = tpu.memref_squeeze %dma_start3A_614 : memref<1x48xi32, #tpu.memory_space<vmem>> -> memref<48xi32, #tpu.memory_space<vmem>>
      %dma_start3A_616 = arith.constant 0 : i32
      %dma_start3A_617 = arith.constant 0 : i32
      %dma_start3A_618 = tpu.memref_slice %arg14[%dma_start3A_616, %dma_start3A_617] : memref<10448x128xf32, #tpu.memory_space<vmem_shared>> -> memref<10448x128xf32, #tpu.memory_space<vmem_shared>>
      tpu.enqueue_indirect_dma source(%arg10 : memref<48x128xf32, #tpu.memory_space<vmem>>) target(%dma_start3A_618 : memref<10448x128xf32, #tpu.memory_space<vmem_shared>>) offsets(%dma_start3A_615 : memref<48xi32, #tpu.memory_space<vmem>>) semaphore(%arg23 : memref<!tpu.dma_semaphore, #tpu.memory_space<semaphore_mem>>) {add = true}
      %dma_wait3A_619 = arith.constant 0 : i32
      %dma_wait3A_620 = arith.constant 0 : i32
      %dma_wait3A_621 = tpu.memref_slice %arg6[%dma_wait3A_619, %dma_wait3A_620] : memref<108x48xi32, #tpu.memory_space<vmem>> -> memref<1x48xi32, #tpu.memory_space<vmem>>
      %dma_wait3A_622 = tpu.memref_squeeze %dma_wait3A_621 : memref<1x48xi32, #tpu.memory_space<vmem>> -> memref<48xi32, #tpu.memory_space<vmem>>
      %dma_wait3A_623 = arith.constant 0 : i32
      %dma_wait3A_624 = arith.constant 0 : i32
      %dma_wait3A_625 = tpu.memref_slice %arg2[%dma_wait3A_623, %dma_wait3A_624] : memref<10000x128xf32, #tpu.memory_space<hbm>> -> memref<10000x128xf32, #tpu.memory_space<hbm>>
      tpu.wait_indirect_dma semaphore(%arg18 : memref<!tpu.dma_semaphore, #tpu.memory_space<semaphore_mem>>) src(%dma_wait3A_625 : memref<10000x128xf32, #tpu.memory_space<hbm>>) dst(%arg11 : memref<48x128xf32, #tpu.memory_space<vmem>>)
      %add3A_626 = arith.constant 3 : i32
      %add3A_627 = arith.addi %mul3A_573, %add3A_626 : i32
      %dma_start3A_628 = arith.constant 0 : i32
      %dma_start3A_629 = tpu.memref_slice %arg7[%add3A_627, %dma_start3A_628] : memref<108x48xi32, #tpu.memory_space<vmem>> -> memref<1x48xi32, #tpu.memory_space<vmem>>
      %dma_start3A_630 = tpu.memref_squeeze %dma_start3A_629 : memref<1x48xi32, #tpu.memory_space<vmem>> -> memref<48xi32, #tpu.memory_space<vmem>>
      %dma_start3A_631 = arith.constant 0 : i32
      %dma_start3A_632 = arith.constant 0 : i32
      %dma_start3A_633 = tpu.memref_slice %arg14[%dma_start3A_631, %dma_start3A_632] : memref<10448x128xf32, #tpu.memory_space<vmem_shared>> -> memref<10448x128xf32, #tpu.memory_space<vmem_shared>>
      tpu.enqueue_indirect_dma source(%arg11 : memref<48x128xf32, #tpu.memory_space<vmem>>) target(%dma_start3A_633 : memref<10448x128xf32, #tpu.memory_space<vmem_shared>>) offsets(%dma_start3A_630 : memref<48xi32, #tpu.memory_space<vmem>>) semaphore(%arg24 : memref<!tpu.dma_semaphore, #tpu.memory_space<semaphore_mem>>) {add = true}
      %dma_wait3A_634 = arith.constant 0 : i32
      %dma_wait3A_635 = arith.constant 0 : i32
      %dma_wait3A_636 = tpu.memref_slice %arg6[%dma_wait3A_634, %dma_wait3A_635] : memref<108x48xi32, #tpu.memory_space<vmem>> -> memref<1x48xi32, #tpu.memory_space<vmem>>
      %dma_wait3A_637 = tpu.memref_squeeze %dma_wait3A_636 : memref<1x48xi32, #tpu.memory_space<vmem>> -> memref<48xi32, #tpu.memory_space<vmem>>
      %dma_wait3A_638 = arith.constant 0 : i32
      %dma_wait3A_639 = arith.constant 0 : i32
      %dma_wait3A_640 = tpu.memref_slice %arg2[%dma_wait3A_638, %dma_wait3A_639] : memref<10000x128xf32, #tpu.memory_space<hbm>> -> memref<10000x128xf32, #tpu.memory_space<hbm>>
      tpu.wait_indirect_dma semaphore(%arg19 : memref<!tpu.dma_semaphore, #tpu.memory_space<semaphore_mem>>) src(%dma_wait3A_640 : memref<10000x128xf32, #tpu.memory_space<hbm>>) dst(%arg12 : memref<48x128xf32, #tpu.memory_space<vmem>>)
      %add3A_641 = arith.constant 4 : i32
      %add3A_642 = arith.addi %mul3A_573, %add3A_641 : i32
      %dma_start3A_643 = arith.constant 0 : i32
      %dma_start3A_644 = tpu.memref_slice %arg7[%add3A_642, %dma_start3A_643] : memref<108x48xi32, #tpu.memory_space<vmem>> -> memref<1x48xi32, #tpu.memory_space<vmem>>
      %dma_start3A_645 = tpu.memref_squeeze %dma_start3A_644 : memref<1x48xi32, #tpu.memory_space<vmem>> -> memref<48xi32, #tpu.memory_space<vmem>>
      %dma_start3A_646 = arith.constant 0 : i32
      %dma_start3A_647 = arith.constant 0 : i32
      %dma_start3A_648 = tpu.memref_slice %arg14[%dma_start3A_646, %dma_start3A_647] : memref<10448x128xf32, #tpu.memory_space<vmem_shared>> -> memref<10448x128xf32, #tpu.memory_space<vmem_shared>>
      tpu.enqueue_indirect_dma source(%arg12 : memref<48x128xf32, #tpu.memory_space<vmem>>) target(%dma_start3A_648 : memref<10448x128xf32, #tpu.memory_space<vmem_shared>>) offsets(%dma_start3A_645 : memref<48xi32, #tpu.memory_space<vmem>>) semaphore(%arg25 : memref<!tpu.dma_semaphore, #tpu.memory_space<semaphore_mem>>) {add = true}
      %dma_wait3A_649 = arith.constant 0 : i32
      %dma_wait3A_650 = arith.constant 0 : i32
      %dma_wait3A_651 = tpu.memref_slice %arg6[%dma_wait3A_649, %dma_wait3A_650] : memref<108x48xi32, #tpu.memory_space<vmem>> -> memref<1x48xi32, #tpu.memory_space<vmem>>
      %dma_wait3A_652 = tpu.memref_squeeze %dma_wait3A_651 : memref<1x48xi32, #tpu.memory_space<vmem>> -> memref<48xi32, #tpu.memory_space<vmem>>
      %dma_wait3A_653 = arith.constant 0 : i32
      %dma_wait3A_654 = arith.constant 0 : i32
      %dma_wait3A_655 = tpu.memref_slice %arg2[%dma_wait3A_653, %dma_wait3A_654] : memref<10000x128xf32, #tpu.memory_space<hbm>> -> memref<10000x128xf32, #tpu.memory_space<hbm>>
      tpu.wait_indirect_dma semaphore(%arg20 : memref<!tpu.dma_semaphore, #tpu.memory_space<semaphore_mem>>) src(%dma_wait3A_655 : memref<10000x128xf32, #tpu.memory_space<hbm>>) dst(%arg13 : memref<48x128xf32, #tpu.memory_space<vmem>>)
      %add3A_656 = arith.constant 5 : i32
      %add3A_657 = arith.addi %mul3A_573, %add3A_656 : i32
      %dma_start3A_658 = arith.constant 0 : i32
      %dma_start3A_659 = tpu.memref_slice %arg7[%add3A_657, %dma_start3A_658] : memref<108x48xi32, #tpu.memory_space<vmem>> -> memref<1x48xi32, #tpu.memory_space<vmem>>
      %dma_start3A_660 = tpu.memref_squeeze %dma_start3A_659 : memref<1x48xi32, #tpu.memory_space<vmem>> -> memref<48xi32, #tpu.memory_space<vmem>>
      %dma_start3A_661 = arith.constant 0 : i32
      %dma_start3A_662 = arith.constant 0 : i32
      %dma_start3A_663 = tpu.memref_slice %arg14[%dma_start3A_661, %dma_start3A_662] : memref<10448x128xf32, #tpu.memory_space<vmem_shared>> -> memref<10448x128xf32, #tpu.memory_space<vmem_shared>>
      tpu.enqueue_indirect_dma source(%arg13 : memref<48x128xf32, #tpu.memory_space<vmem>>) target(%dma_start3A_663 : memref<10448x128xf32, #tpu.memory_space<vmem_shared>>) offsets(%dma_start3A_660 : memref<48xi32, #tpu.memory_space<vmem>>) semaphore(%arg26 : memref<!tpu.dma_semaphore, #tpu.memory_space<semaphore_mem>>) {add = true}
      %dma_wait3A_664 = arith.constant 0 : i32
      %dma_wait3A_665 = arith.constant 0 : i32
      %dma_wait3A_666 = tpu.memref_slice %arg7[%dma_wait3A_664, %dma_wait3A_665] : memref<108x48xi32, #tpu.memory_space<vmem>> -> memref<1x48xi32, #tpu.memory_space<vmem>>
      %dma_wait3A_667 = tpu.memref_squeeze %dma_wait3A_666 : memref<1x48xi32, #tpu.memory_space<vmem>> -> memref<48xi32, #tpu.memory_space<vmem>>
      %dma_wait3A_668 = arith.constant 0 : i32
      %dma_wait3A_669 = arith.constant 0 : i32
      %dma_wait3A_670 = tpu.memref_slice %arg14[%dma_wait3A_668, %dma_wait3A_669] : memref<10448x128xf32, #tpu.memory_space<vmem_shared>> -> memref<10448x128xf32, #tpu.memory_space<vmem_shared>>
      tpu.wait_indirect_dma semaphore(%arg21 : memref<!tpu.dma_semaphore, #tpu.memory_space<semaphore_mem>>) src(%arg8 : memref<48x128xf32, #tpu.memory_space<vmem>>) dst(%dma_wait3A_670 : memref<10448x128xf32, #tpu.memory_space<vmem_shared>>)
      %add3A_671 = arith.constant 6 : i32
      %add3A_672 = arith.addi %mul3A_573, %add3A_671 : i32
      %add3A_673 = arith.constant 0 : i32
      %add3A_674 = arith.addi %add3A_672, %add3A_673 : i32
      %dma_start3A_675 = arith.constant 0 : i32
      %dma_start3A_676 = tpu.memref_slice %arg6[%add3A_674, %dma_start3A_675] : memref<108x48xi32, #tpu.memory_space<vmem>> -> memref<1x48xi32, #tpu.memory_space<vmem>>
      %dma_start3A_677 = tpu.memref_squeeze %dma_start3A_676 : memref<1x48xi32, #tpu.memory_space<vmem>> -> memref<48xi32, #tpu.memory_space<vmem>>
      %dma_start3A_678 = arith.constant 0 : i32
      %dma_start3A_679 = arith.constant 0 : i32
      %dma_start3A_680 = tpu.memref_slice %arg2[%dma_start3A_678, %dma_start3A_679] : memref<10000x128xf32, #tpu.memory_space<hbm>> -> memref<10000x128xf32, #tpu.memory_space<hbm>>
      tpu.enqueue_indirect_dma source(%dma_start3A_680 : memref<10000x128xf32, #tpu.memory_space<hbm>>) target(%arg8 : memref<48x128xf32, #tpu.memory_space<vmem>>) offsets(%dma_start3A_677 : memref<48xi32, #tpu.memory_space<vmem>>) semaphore(%arg15 : memref<!tpu.dma_semaphore, #tpu.memory_space<semaphore_mem>>)
      %dma_wait3A_681 = arith.constant 0 : i32
      %dma_wait3A_682 = arith.constant 0 : i32
      %dma_wait3A_683 = tpu.memref_slice %arg7[%dma_wait3A_681, %dma_wait3A_682] : memref<108x48xi32, #tpu.memory_space<vmem>> -> memref<1x48xi32, #tpu.memory_space<vmem>>
      %dma_wait3A_684 = tpu.memref_squeeze %dma_wait3A_683 : memref<1x48xi32, #tpu.memory_space<vmem>> -> memref<48xi32, #tpu.memory_space<vmem>>
      %dma_wait3A_685 = arith.constant 0 : i32
      %dma_wait3A_686 = arith.constant 0 : i32
      %dma_wait3A_687 = tpu.memref_slice %arg14[%dma_wait3A_685, %dma_wait3A_686] : memref<10448x128xf32, #tpu.memory_space<vmem_shared>> -> memref<10448x128xf32, #tpu.memory_space<vmem_shared>>
      tpu.wait_indirect_dma semaphore(%arg22 : memref<!tpu.dma_semaphore, #tpu.memory_space<semaphore_mem>>) src(%arg9 : memref<48x128xf32, #tpu.memory_space<vmem>>) dst(%dma_wait3A_687 : memref<10448x128xf32, #tpu.memory_space<vmem_shared>>)
      %add3A_688 = arith.constant 6 : i32
      %add3A_689 = arith.addi %mul3A_573, %add3A_688 : i32
      %add3A_690 = arith.constant 1 : i32
      %add3A_691 = arith.addi %add3A_689, %add3A_690 : i32
      %dma_start3A_692 = arith.constant 0 : i32
      %dma_start3A_693 = tpu.memref_slice %arg6[%add3A_691, %dma_start3A_692] : memref<108x48xi32, #tpu.memory_space<vmem>> -> memref<1x48xi32, #tpu.memory_space<vmem>>
      %dma_start3A_694 = tpu.memref_squeeze %dma_start3A_693 : memref<1x48xi32, #tpu.memory_space<vmem>> -> memref<48xi32, #tpu.memory_space<vmem>>
      %dma_start3A_695 = arith.constant 0 : i32
      %dma_start3A_696 = arith.constant 0 : i32
      %dma_start3A_697 = tpu.memref_slice %arg2[%dma_start3A_695, %dma_start3A_696] : memref<10000x128xf32, #tpu.memory_space<hbm>> -> memref<10000x128xf32, #tpu.memory_space<hbm>>
      tpu.enqueue_indirect_dma source(%dma_start3A_697 : memref<10000x128xf32, #tpu.memory_space<hbm>>) target(%arg9 : memref<48x128xf32, #tpu.memory_space<vmem>>) offsets(%dma_start3A_694 : memref<48xi32, #tpu.memory_space<vmem>>) semaphore(%arg16 : memref<!tpu.dma_semaphore, #tpu.memory_space<semaphore_mem>>)
      %dma_wait3A_698 = arith.constant 0 : i32
      %dma_wait3A_699 = arith.constant 0 : i32
      %dma_wait3A_700 = tpu.memref_slice %arg7[%dma_wait3A_698, %dma_wait3A_699] : memref<108x48xi32, #tpu.memory_space<vmem>> -> memref<1x48xi32, #tpu.memory_space<vmem>>
      %dma_wait3A_701 = tpu.memref_squeeze %dma_wait3A_700 : memref<1x48xi32, #tpu.memory_space<vmem>> -> memref<48xi32, #tpu.memory_space<vmem>>
      %dma_wait3A_702 = arith.constant 0 : i32
      %dma_wait3A_703 = arith.constant 0 : i32
      %dma_wait3A_704 = tpu.memref_slice %arg14[%dma_wait3A_702, %dma_wait3A_703] : memref<10448x128xf32, #tpu.memory_space<vmem_shared>> -> memref<10448x128xf32, #tpu.memory_space<vmem_shared>>
      tpu.wait_indirect_dma semaphore(%arg23 : memref<!tpu.dma_semaphore, #tpu.memory_space<semaphore_mem>>) src(%arg10 : memref<48x128xf32, #tpu.memory_space<vmem>>) dst(%dma_wait3A_704 : memref<10448x128xf32, #tpu.memory_space<vmem_shared>>)
      %add3A_705 = arith.constant 6 : i32
      %add3A_706 = arith.addi %mul3A_573, %add3A_705 : i32
      %add3A_707 = arith.constant 2 : i32
      %add3A_708 = arith.addi %add3A_706, %add3A_707 : i32
      %dma_start3A_709 = arith.constant 0 : i32
      %dma_start3A_710 = tpu.memref_slice %arg6[%add3A_708, %dma_start3A_709] : memref<108x48xi32, #tpu.memory_space<vmem>> -> memref<1x48xi32, #tpu.memory_space<vmem>>
      %dma_start3A_711 = tpu.memref_squeeze %dma_start3A_710 : memref<1x48xi32, #tpu.memory_space<vmem>> -> memref<48xi32, #tpu.memory_space<vmem>>
      %dma_start3A_712 = arith.constant 0 : i32
      %dma_start3A_713 = arith.constant 0 : i32
      %dma_start3A_714 = tpu.memref_slice %arg2[%dma_start3A_712, %dma_start3A_713] : memref<10000x128xf32, #tpu.memory_space<hbm>> -> memref<10000x128xf32, #tpu.memory_space<hbm>>
      tpu.enqueue_indirect_dma source(%dma_start3A_714 : memref<10000x128xf32, #tpu.memory_space<hbm>>) target(%arg10 : memref<48x128xf32, #tpu.memory_space<vmem>>) offsets(%dma_start3A_711 : memref<48xi32, #tpu.memory_space<vmem>>) semaphore(%arg17 : memref<!tpu.dma_semaphore, #tpu.memory_space<semaphore_mem>>)
      %dma_wait3A_715 = arith.constant 0 : i32
      %dma_wait3A_716 = arith.constant 0 : i32
      %dma_wait3A_717 = tpu.memref_slice %arg7[%dma_wait3A_715, %dma_wait3A_716] : memref<108x48xi32, #tpu.memory_space<vmem>> -> memref<1x48xi32, #tpu.memory_space<vmem>>
      %dma_wait3A_718 = tpu.memref_squeeze %dma_wait3A_717 : memref<1x48xi32, #tpu.memory_space<vmem>> -> memref<48xi32, #tpu.memory_space<vmem>>
      %dma_wait3A_719 = arith.constant 0 : i32
      %dma_wait3A_720 = arith.constant 0 : i32
      %dma_wait3A_721 = tpu.memref_slice %arg14[%dma_wait3A_719, %dma_wait3A_720] : memref<10448x128xf32, #tpu.memory_space<vmem_shared>> -> memref<10448x128xf32, #tpu.memory_space<vmem_shared>>
      tpu.wait_indirect_dma semaphore(%arg24 : memref<!tpu.dma_semaphore, #tpu.memory_space<semaphore_mem>>) src(%arg11 : memref<48x128xf32, #tpu.memory_space<vmem>>) dst(%dma_wait3A_721 : memref<10448x128xf32, #tpu.memory_space<vmem_shared>>)
      %add3A_722 = arith.constant 6 : i32
      %add3A_723 = arith.addi %mul3A_573, %add3A_722 : i32
      %add3A_724 = arith.constant 3 : i32
      %add3A_725 = arith.addi %add3A_723, %add3A_724 : i32
      %dma_start3A_726 = arith.constant 0 : i32
      %dma_start3A_727 = tpu.memref_slice %arg6[%add3A_725, %dma_start3A_726] : memref<108x48xi32, #tpu.memory_space<vmem>> -> memref<1x48xi32, #tpu.memory_space<vmem>>
      %dma_start3A_728 = tpu.memref_squeeze %dma_start3A_727 : memref<1x48xi32, #tpu.memory_space<vmem>> -> memref<48xi32, #tpu.memory_space<vmem>>
      %dma_start3A_729 = arith.constant 0 : i32
      %dma_start3A_730 = arith.constant 0 : i32
      %dma_start3A_731 = tpu.memref_slice %arg2[%dma_start3A_729, %dma_start3A_730] : memref<10000x128xf32, #tpu.memory_space<hbm>> -> memref<10000x128xf32, #tpu.memory_space<hbm>>
      tpu.enqueue_indirect_dma source(%dma_start3A_731 : memref<10000x128xf32, #tpu.memory_space<hbm>>) target(%arg11 : memref<48x128xf32, #tpu.memory_space<vmem>>) offsets(%dma_start3A_728 : memref<48xi32, #tpu.memory_space<vmem>>) semaphore(%arg18 : memref<!tpu.dma_semaphore, #tpu.memory_space<semaphore_mem>>)
      %dma_wait3A_732 = arith.constant 0 : i32
      %dma_wait3A_733 = arith.constant 0 : i32
      %dma_wait3A_734 = tpu.memref_slice %arg7[%dma_wait3A_732, %dma_wait3A_733] : memref<108x48xi32, #tpu.memory_space<vmem>> -> memref<1x48xi32, #tpu.memory_space<vmem>>
      %dma_wait3A_735 = tpu.memref_squeeze %dma_wait3A_734 : memref<1x48xi32, #tpu.memory_space<vmem>> -> memref<48xi32, #tpu.memory_space<vmem>>
      %dma_wait3A_736 = arith.constant 0 : i32
      %dma_wait3A_737 = arith.constant 0 : i32
      %dma_wait3A_738 = tpu.memref_slice %arg14[%dma_wait3A_736, %dma_wait3A_737] : memref<10448x128xf32, #tpu.memory_space<vmem_shared>> -> memref<10448x128xf32, #tpu.memory_space<vmem_shared>>
      tpu.wait_indirect_dma semaphore(%arg25 : memref<!tpu.dma_semaphore, #tpu.memory_space<semaphore_mem>>) src(%arg12 : memref<48x128xf32, #tpu.memory_space<vmem>>) dst(%dma_wait3A_738 : memref<10448x128xf32, #tpu.memory_space<vmem_shared>>)
      %add3A_739 = arith.constant 6 : i32
      %add3A_740 = arith.addi %mul3A_573, %add3A_739 : i32
      %add3A_741 = arith.constant 4 : i32
      %add3A_742 = arith.addi %add3A_740, %add3A_741 : i32
      %dma_start3A_743 = arith.constant 0 : i32
      %dma_start3A_744 = tpu.memref_slice %arg6[%add3A_742, %dma_start3A_743] : memref<108x48xi32, #tpu.memory_space<vmem>> -> memref<1x48xi32, #tpu.memory_space<vmem>>
      %dma_start3A_745 = tpu.memref_squeeze %dma_start3A_744 : memref<1x48xi32, #tpu.memory_space<vmem>> -> memref<48xi32, #tpu.memory_space<vmem>>
      %dma_start3A_746 = arith.constant 0 : i32
      %dma_start3A_747 = arith.constant 0 : i32
      %dma_start3A_748 = tpu.memref_slice %arg2[%dma_start3A_746, %dma_start3A_747] : memref<10000x128xf32, #tpu.memory_space<hbm>> -> memref<10000x128xf32, #tpu.memory_space<hbm>>
      tpu.enqueue_indirect_dma source(%dma_start3A_748 : memref<10000x128xf32, #tpu.memory_space<hbm>>) target(%arg12 : memref<48x128xf32, #tpu.memory_space<vmem>>) offsets(%dma_start3A_745 : memref<48xi32, #tpu.memory_space<vmem>>) semaphore(%arg19 : memref<!tpu.dma_semaphore, #tpu.memory_space<semaphore_mem>>)
      %dma_wait3A_749 = arith.constant 0 : i32
      %dma_wait3A_750 = arith.constant 0 : i32
      %dma_wait3A_751 = tpu.memref_slice %arg7[%dma_wait3A_749, %dma_wait3A_750] : memref<108x48xi32, #tpu.memory_space<vmem>> -> memref<1x48xi32, #tpu.memory_space<vmem>>
      %dma_wait3A_752 = tpu.memref_squeeze %dma_wait3A_751 : memref<1x48xi32, #tpu.memory_space<vmem>> -> memref<48xi32, #tpu.memory_space<vmem>>
      %dma_wait3A_753 = arith.constant 0 : i32
      %dma_wait3A_754 = arith.constant 0 : i32
      %dma_wait3A_755 = tpu.memref_slice %arg14[%dma_wait3A_753, %dma_wait3A_754] : memref<10448x128xf32, #tpu.memory_space<vmem_shared>> -> memref<10448x128xf32, #tpu.memory_space<vmem_shared>>
      tpu.wait_indirect_dma semaphore(%arg26 : memref<!tpu.dma_semaphore, #tpu.memory_space<semaphore_mem>>) src(%arg13 : memref<48x128xf32, #tpu.memory_space<vmem>>) dst(%dma_wait3A_755 : memref<10448x128xf32, #tpu.memory_space<vmem_shared>>)
      %add3A_756 = arith.constant 6 : i32
      %add3A_757 = arith.addi %mul3A_573, %add3A_756 : i32
      %add3A_758 = arith.constant 5 : i32
      %add3A_759 = arith.addi %add3A_757, %add3A_758 : i32
      %dma_start3A_760 = arith.constant 0 : i32
      %dma_start3A_761 = tpu.memref_slice %arg6[%add3A_759, %dma_start3A_760] : memref<108x48xi32, #tpu.memory_space<vmem>> -> memref<1x48xi32, #tpu.memory_space<vmem>>
      %dma_start3A_762 = tpu.memref_squeeze %dma_start3A_761 : memref<1x48xi32, #tpu.memory_space<vmem>> -> memref<48xi32, #tpu.memory_space<vmem>>
      %dma_start3A_763 = arith.constant 0 : i32
      %dma_start3A_764 = arith.constant 0 : i32
      %dma_start3A_765 = tpu.memref_slice %arg2[%dma_start3A_763, %dma_start3A_764] : memref<10000x128xf32, #tpu.memory_space<hbm>> -> memref<10000x128xf32, #tpu.memory_space<hbm>>
      tpu.enqueue_indirect_dma source(%dma_start3A_765 : memref<10000x128xf32, #tpu.memory_space<hbm>>) target(%arg13 : memref<48x128xf32, #tpu.memory_space<vmem>>) offsets(%dma_start3A_762 : memref<48xi32, #tpu.memory_space<vmem>>) semaphore(%arg20 : memref<!tpu.dma_semaphore, #tpu.memory_space<semaphore_mem>>)
    }
    %scan3A_258 = arith.constant 17 : i32
    %dma_wait3A_259 = arith.constant 0 : i32
    %dma_wait3A_260 = arith.constant 0 : i32
    %dma_wait3A_261 = tpu.memref_slice %arg6[%dma_wait3A_259, %dma_wait3A_260] : memref<108x48xi32, #tpu.memory_space<vmem>> -> memref<1x48xi32, #tpu.memory_space<vmem>>
    %dma_wait3A_262 = tpu.memref_squeeze %dma_wait3A_261 : memref<1x48xi32, #tpu.memory_space<vmem>> -> memref<48xi32, #tpu.memory_space<vmem>>
    %dma_wait3A_263 = arith.constant 0 : i32
    %dma_wait3A_264 = arith.constant 0 : i32
    %dma_wait3A_265 = tpu.memref_slice %arg2[%dma_wait3A_263, %dma_wait3A_264] : memref<10000x128xf32, #tpu.memory_space<hbm>> -> memref<10000x128xf32, #tpu.memory_space<hbm>>
    tpu.wait_indirect_dma semaphore(%arg15 : memref<!tpu.dma_semaphore, #tpu.memory_space<semaphore_mem>>) src(%dma_wait3A_265 : memref<10000x128xf32, #tpu.memory_space<hbm>>) dst(%arg8 : memref<48x128xf32, #tpu.memory_space<vmem>>)
    %dma_start3A_266 = arith.constant 102 : i32
    %dma_start3A_267 = arith.constant 0 : i32
    %dma_start3A_268 = tpu.memref_slice %arg7[%dma_start3A_266, %dma_start3A_267] : memref<108x48xi32, #tpu.memory_space<vmem>> -> memref<1x48xi32, #tpu.memory_space<vmem>>
    %dma_start3A_269 = tpu.memref_squeeze %dma_start3A_268 : memref<1x48xi32, #tpu.memory_space<vmem>> -> memref<48xi32, #tpu.memory_space<vmem>>
    %dma_start3A_270 = arith.constant 0 : i32
    %dma_start3A_271 = arith.constant 0 : i32
    %dma_start3A_272 = tpu.memref_slice %arg14[%dma_start3A_270, %dma_start3A_271] : memref<10448x128xf32, #tpu.memory_space<vmem_shared>> -> memref<10448x128xf32, #tpu.memory_space<vmem_shared>>
    tpu.enqueue_indirect_dma source(%arg8 : memref<48x128xf32, #tpu.memory_space<vmem>>) target(%dma_start3A_272 : memref<10448x128xf32, #tpu.memory_space<vmem_shared>>) offsets(%dma_start3A_269 : memref<48xi32, #tpu.memory_space<vmem>>) semaphore(%arg21 : memref<!tpu.dma_semaphore, #tpu.memory_space<semaphore_mem>>) {add = true}
    %dma_wait3A_273 = arith.constant 0 : i32
    %dma_wait3A_274 = arith.constant 0 : i32
    %dma_wait3A_275 = tpu.memref_slice %arg6[%dma_wait3A_273, %dma_wait3A_274] : memref<108x48xi32, #tpu.memory_space<vmem>> -> memref<1x48xi32, #tpu.memory_space<vmem>>
    %dma_wait3A_276 = tpu.memref_squeeze %dma_wait3A_275 : memref<1x48xi32, #tpu.memory_space<vmem>> -> memref<48xi32, #tpu.memory_space<vmem>>
    %dma_wait3A_277 = arith.constant 0 : i32
    %dma_wait3A_278 = arith.constant 0 : i32
    %dma_wait3A_279 = tpu.memref_slice %arg2[%dma_wait3A_277, %dma_wait3A_278] : memref<10000x128xf32, #tpu.memory_space<hbm>> -> memref<10000x128xf32, #tpu.memory_space<hbm>>
    tpu.wait_indirect_dma semaphore(%arg16 : memref<!tpu.dma_semaphore, #tpu.memory_space<semaphore_mem>>) src(%dma_wait3A_279 : memref<10000x128xf32, #tpu.memory_space<hbm>>) dst(%arg9 : memref<48x128xf32, #tpu.memory_space<vmem>>)
    %dma_start3A_280 = arith.constant 103 : i32
    %dma_start3A_281 = arith.constant 0 : i32
    %dma_start3A_282 = tpu.memref_slice %arg7[%dma_start3A_280, %dma_start3A_281] : memref<108x48xi32, #tpu.memory_space<vmem>> -> memref<1x48xi32, #tpu.memory_space<vmem>>
    %dma_start3A_283 = tpu.memref_squeeze %dma_start3A_282 : memref<1x48xi32, #tpu.memory_space<vmem>> -> memref<48xi32, #tpu.memory_space<vmem>>
    %dma_start3A_284 = arith.constant 0 : i32
    %dma_start3A_285 = arith.constant 0 : i32
    %dma_start3A_286 = tpu.memref_slice %arg14[%dma_start3A_284, %dma_start3A_285] : memref<10448x128xf32, #tpu.memory_space<vmem_shared>> -> memref<10448x128xf32, #tpu.memory_space<vmem_shared>>
    tpu.enqueue_indirect_dma source(%arg9 : memref<48x128xf32, #tpu.memory_space<vmem>>) target(%dma_start3A_286 : memref<10448x128xf32, #tpu.memory_space<vmem_shared>>) offsets(%dma_start3A_283 : memref<48xi32, #tpu.memory_space<vmem>>) semaphore(%arg22 : memref<!tpu.dma_semaphore, #tpu.memory_space<semaphore_mem>>) {add = true}
    %dma_wait3A_287 = arith.constant 0 : i32
    %dma_wait3A_288 = arith.constant 0 : i32
    %dma_wait3A_289 = tpu.memref_slice %arg6[%dma_wait3A_287, %dma_wait3A_288] : memref<108x48xi32, #tpu.memory_space<vmem>> -> memref<1x48xi32, #tpu.memory_space<vmem>>
    %dma_wait3A_290 = tpu.memref_squeeze %dma_wait3A_289 : memref<1x48xi32, #tpu.memory_space<vmem>> -> memref<48xi32, #tpu.memory_space<vmem>>
    %dma_wait3A_291 = arith.constant 0 : i32
    %dma_wait3A_292 = arith.constant 0 : i32
    %dma_wait3A_293 = tpu.memref_slice %arg2[%dma_wait3A_291, %dma_wait3A_292] : memref<10000x128xf32, #tpu.memory_space<hbm>> -> memref<10000x128xf32, #tpu.memory_space<hbm>>
    tpu.wait_indirect_dma semaphore(%arg17 : memref<!tpu.dma_semaphore, #tpu.memory_space<semaphore_mem>>) src(%dma_wait3A_293 : memref<10000x128xf32, #tpu.memory_space<hbm>>) dst(%arg10 : memref<48x128xf32, #tpu.memory_space<vmem>>)
    %dma_start3A_294 = arith.constant 104 : i32
    %dma_start3A_295 = arith.constant 0 : i32
    %dma_start3A_296 = tpu.memref_slice %arg7[%dma_start3A_294, %dma_start3A_295] : memref<108x48xi32, #tpu.memory_space<vmem>> -> memref<1x48xi32, #tpu.memory_space<vmem>>
    %dma_start3A_297 = tpu.memref_squeeze %dma_start3A_296 : memref<1x48xi32, #tpu.memory_space<vmem>> -> memref<48xi32, #tpu.memory_space<vmem>>
    %dma_start3A_298 = arith.constant 0 : i32
    %dma_start3A_299 = arith.constant 0 : i32
    %dma_start3A_300 = tpu.memref_slice %arg14[%dma_start3A_298, %dma_start3A_299] : memref<10448x128xf32, #tpu.memory_space<vmem_shared>> -> memref<10448x128xf32, #tpu.memory_space<vmem_shared>>
    tpu.enqueue_indirect_dma source(%arg10 : memref<48x128xf32, #tpu.memory_space<vmem>>) target(%dma_start3A_300 : memref<10448x128xf32, #tpu.memory_space<vmem_shared>>) offsets(%dma_start3A_297 : memref<48xi32, #tpu.memory_space<vmem>>) semaphore(%arg23 : memref<!tpu.dma_semaphore, #tpu.memory_space<semaphore_mem>>) {add = true}
    %dma_wait3A_301 = arith.constant 0 : i32
    %dma_wait3A_302 = arith.constant 0 : i32
    %dma_wait3A_303 = tpu.memref_slice %arg6[%dma_wait3A_301, %dma_wait3A_302] : memref<108x48xi32, #tpu.memory_space<vmem>> -> memref<1x48xi32, #tpu.memory_space<vmem>>
    %dma_wait3A_304 = tpu.memref_squeeze %dma_wait3A_303 : memref<1x48xi32, #tpu.memory_space<vmem>> -> memref<48xi32, #tpu.memory_space<vmem>>
    %dma_wait3A_305 = arith.constant 0 : i32
    %dma_wait3A_306 = arith.constant 0 : i32
    %dma_wait3A_307 = tpu.memref_slice %arg2[%dma_wait3A_305, %dma_wait3A_306] : memref<10000x128xf32, #tpu.memory_space<hbm>> -> memref<10000x128xf32, #tpu.memory_space<hbm>>
    tpu.wait_indirect_dma semaphore(%arg18 : memref<!tpu.dma_semaphore, #tpu.memory_space<semaphore_mem>>) src(%dma_wait3A_307 : memref<10000x128xf32, #tpu.memory_space<hbm>>) dst(%arg11 : memref<48x128xf32, #tpu.memory_space<vmem>>)
    %dma_start3A_308 = arith.constant 105 : i32
    %dma_start3A_309 = arith.constant 0 : i32
    %dma_start3A_310 = tpu.memref_slice %arg7[%dma_start3A_308, %dma_start3A_309] : memref<108x48xi32, #tpu.memory_space<vmem>> -> memref<1x48xi32, #tpu.memory_space<vmem>>
    %dma_start3A_311 = tpu.memref_squeeze %dma_start3A_310 : memref<1x48xi32, #tpu.memory_space<vmem>> -> memref<48xi32, #tpu.memory_space<vmem>>
    %dma_start3A_312 = arith.constant 0 : i32
    %dma_start3A_313 = arith.constant 0 : i32
    %dma_start3A_314 = tpu.memref_slice %arg14[%dma_start3A_312, %dma_start3A_313] : memref<10448x128xf32, #tpu.memory_space<vmem_shared>> -> memref<10448x128xf32, #tpu.memory_space<vmem_shared>>
    tpu.enqueue_indirect_dma source(%arg11 : memref<48x128xf32, #tpu.memory_space<vmem>>) target(%dma_start3A_314 : memref<10448x128xf32, #tpu.memory_space<vmem_shared>>) offsets(%dma_start3A_311 : memref<48xi32, #tpu.memory_space<vmem>>) semaphore(%arg24 : memref<!tpu.dma_semaphore, #tpu.memory_space<semaphore_mem>>) {add = true}
    %dma_wait3A_315 = arith.constant 0 : i32
    %dma_wait3A_316 = arith.constant 0 : i32
    %dma_wait3A_317 = tpu.memref_slice %arg6[%dma_wait3A_315, %dma_wait3A_316] : memref<108x48xi32, #tpu.memory_space<vmem>> -> memref<1x48xi32, #tpu.memory_space<vmem>>
    %dma_wait3A_318 = tpu.memref_squeeze %dma_wait3A_317 : memref<1x48xi32, #tpu.memory_space<vmem>> -> memref<48xi32, #tpu.memory_space<vmem>>
    %dma_wait3A_319 = arith.constant 0 : i32
    %dma_wait3A_320 = arith.constant 0 : i32
    %dma_wait3A_321 = tpu.memref_slice %arg2[%dma_wait3A_319, %dma_wait3A_320] : memref<10000x128xf32, #tpu.memory_space<hbm>> -> memref<10000x128xf32, #tpu.memory_space<hbm>>
    tpu.wait_indirect_dma semaphore(%arg19 : memref<!tpu.dma_semaphore, #tpu.memory_space<semaphore_mem>>) src(%dma_wait3A_321 : memref<10000x128xf32, #tpu.memory_space<hbm>>) dst(%arg12 : memref<48x128xf32, #tpu.memory_space<vmem>>)
    %dma_start3A_322 = arith.constant 106 : i32
    %dma_start3A_323 = arith.constant 0 : i32
    %dma_start3A_324 = tpu.memref_slice %arg7[%dma_start3A_322, %dma_start3A_323] : memref<108x48xi32, #tpu.memory_space<vmem>> -> memref<1x48xi32, #tpu.memory_space<vmem>>
    %dma_start3A_325 = tpu.memref_squeeze %dma_start3A_324 : memref<1x48xi32, #tpu.memory_space<vmem>> -> memref<48xi32, #tpu.memory_space<vmem>>
    %dma_start3A_326 = arith.constant 0 : i32
    %dma_start3A_327 = arith.constant 0 : i32
    %dma_start3A_328 = tpu.memref_slice %arg14[%dma_start3A_326, %dma_start3A_327] : memref<10448x128xf32, #tpu.memory_space<vmem_shared>> -> memref<10448x128xf32, #tpu.memory_space<vmem_shared>>
    tpu.enqueue_indirect_dma source(%arg12 : memref<48x128xf32, #tpu.memory_space<vmem>>) target(%dma_start3A_328 : memref<10448x128xf32, #tpu.memory_space<vmem_shared>>) offsets(%dma_start3A_325 : memref<48xi32, #tpu.memory_space<vmem>>) semaphore(%arg25 : memref<!tpu.dma_semaphore, #tpu.memory_space<semaphore_mem>>) {add = true}
    %dma_wait3A_329 = arith.constant 0 : i32
    %dma_wait3A_330 = arith.constant 0 : i32
    %dma_wait3A_331 = tpu.memref_slice %arg6[%dma_wait3A_329, %dma_wait3A_330] : memref<108x48xi32, #tpu.memory_space<vmem>> -> memref<1x48xi32, #tpu.memory_space<vmem>>
    %dma_wait3A_332 = tpu.memref_squeeze %dma_wait3A_331 : memref<1x48xi32, #tpu.memory_space<vmem>> -> memref<48xi32, #tpu.memory_space<vmem>>
    %dma_wait3A_333 = arith.constant 0 : i32
    %dma_wait3A_334 = arith.constant 0 : i32
    %dma_wait3A_335 = tpu.memref_slice %arg2[%dma_wait3A_333, %dma_wait3A_334] : memref<10000x128xf32, #tpu.memory_space<hbm>> -> memref<10000x128xf32, #tpu.memory_space<hbm>>
    tpu.wait_indirect_dma semaphore(%arg20 : memref<!tpu.dma_semaphore, #tpu.memory_space<semaphore_mem>>) src(%dma_wait3A_335 : memref<10000x128xf32, #tpu.memory_space<hbm>>) dst(%arg13 : memref<48x128xf32, #tpu.memory_space<vmem>>)
    %dma_start3A_336 = arith.constant 107 : i32
    %dma_start3A_337 = arith.constant 0 : i32
    %dma_start3A_338 = tpu.memref_slice %arg7[%dma_start3A_336, %dma_start3A_337] : memref<108x48xi32, #tpu.memory_space<vmem>> -> memref<1x48xi32, #tpu.memory_space<vmem>>
    %dma_start3A_339 = tpu.memref_squeeze %dma_start3A_338 : memref<1x48xi32, #tpu.memory_space<vmem>> -> memref<48xi32, #tpu.memory_space<vmem>>
    %dma_start3A_340 = arith.constant 0 : i32
    %dma_start3A_341 = arith.constant 0 : i32
    %dma_start3A_342 = tpu.memref_slice %arg14[%dma_start3A_340, %dma_start3A_341] : memref<10448x128xf32, #tpu.memory_space<vmem_shared>> -> memref<10448x128xf32, #tpu.memory_space<vmem_shared>>
    tpu.enqueue_indirect_dma source(%arg13 : memref<48x128xf32, #tpu.memory_space<vmem>>) target(%dma_start3A_342 : memref<10448x128xf32, #tpu.memory_space<vmem_shared>>) offsets(%dma_start3A_339 : memref<48xi32, #tpu.memory_space<vmem>>) semaphore(%arg26 : memref<!tpu.dma_semaphore, #tpu.memory_space<semaphore_mem>>) {add = true}
    %dma_wait3A_343 = arith.constant 0 : i32
    %dma_wait3A_344 = arith.constant 0 : i32
    %dma_wait3A_345 = tpu.memref_slice %arg7[%dma_wait3A_343, %dma_wait3A_344] : memref<108x48xi32, #tpu.memory_space<vmem>> -> memref<1x48xi32, #tpu.memory_space<vmem>>
    %dma_wait3A_346 = tpu.memref_squeeze %dma_wait3A_345 : memref<1x48xi32, #tpu.memory_space<vmem>> -> memref<48xi32, #tpu.memory_space<vmem>>
    %dma_wait3A_347 = arith.constant 0 : i32
    %dma_wait3A_348 = arith.constant 0 : i32
    %dma_wait3A_349 = tpu.memref_slice %arg14[%dma_wait3A_347, %dma_wait3A_348] : memref<10448x128xf32, #tpu.memory_space<vmem_shared>> -> memref<10448x128xf32, #tpu.memory_space<vmem_shared>>
    tpu.wait_indirect_dma semaphore(%arg21 : memref<!tpu.dma_semaphore, #tpu.memory_space<semaphore_mem>>) src(%arg8 : memref<48x128xf32, #tpu.memory_space<vmem>>) dst(%dma_wait3A_349 : memref<10448x128xf32, #tpu.memory_space<vmem_shared>>)
    %dma_wait3A_350 = arith.constant 0 : i32
    %dma_wait3A_351 = arith.constant 0 : i32
    %dma_wait3A_352 = tpu.memref_slice %arg7[%dma_wait3A_350, %dma_wait3A_351] : memref<108x48xi32, #tpu.memory_space<vmem>> -> memref<1x48xi32, #tpu.memory_space<vmem>>
    %dma_wait3A_353 = tpu.memref_squeeze %dma_wait3A_352 : memref<1x48xi32, #tpu.memory_space<vmem>> -> memref<48xi32, #tpu.memory_space<vmem>>
    %dma_wait3A_354 = arith.constant 0 : i32
    %dma_wait3A_355 = arith.constant 0 : i32
    %dma_wait3A_356 = tpu.memref_slice %arg14[%dma_wait3A_354, %dma_wait3A_355] : memref<10448x128xf32, #tpu.memory_space<vmem_shared>> -> memref<10448x128xf32, #tpu.memory_space<vmem_shared>>
    tpu.wait_indirect_dma semaphore(%arg22 : memref<!tpu.dma_semaphore, #tpu.memory_space<semaphore_mem>>) src(%arg9 : memref<48x128xf32, #tpu.memory_space<vmem>>) dst(%dma_wait3A_356 : memref<10448x128xf32, #tpu.memory_space<vmem_shared>>)
    %dma_wait3A_357 = arith.constant 0 : i32
    %dma_wait3A_358 = arith.constant 0 : i32
    %dma_wait3A_359 = tpu.memref_slice %arg7[%dma_wait3A_357, %dma_wait3A_358] : memref<108x48xi32, #tpu.memory_space<vmem>> -> memref<1x48xi32, #tpu.memory_space<vmem>>
    %dma_wait3A_360 = tpu.memref_squeeze %dma_wait3A_359 : memref<1x48xi32, #tpu.memory_space<vmem>> -> memref<48xi32, #tpu.memory_space<vmem>>
    %dma_wait3A_361 = arith.constant 0 : i32
    %dma_wait3A_362 = arith.constant 0 : i32
    %dma_wait3A_363 = tpu.memref_slice %arg14[%dma_wait3A_361, %dma_wait3A_362] : memref<10448x128xf32, #tpu.memory_space<vmem_shared>> -> memref<10448x128xf32, #tpu.memory_space<vmem_shared>>
    tpu.wait_indirect_dma semaphore(%arg23 : memref<!tpu.dma_semaphore, #tpu.memory_space<semaphore_mem>>) src(%arg10 : memref<48x128xf32, #tpu.memory_space<vmem>>) dst(%dma_wait3A_363 : memref<10448x128xf32, #tpu.memory_space<vmem_shared>>)
    %dma_wait3A_364 = arith.constant 0 : i32
    %dma_wait3A_365 = arith.constant 0 : i32
    %dma_wait3A_366 = tpu.memref_slice %arg7[%dma_wait3A_364, %dma_wait3A_365] : memref<108x48xi32, #tpu.memory_space<vmem>> -> memref<1x48xi32, #tpu.memory_space<vmem>>
    %dma_wait3A_367 = tpu.memref_squeeze %dma_wait3A_366 : memref<1x48xi32, #tpu.memory_space<vmem>> -> memref<48xi32, #tpu.memory_space<vmem>>
    %dma_wait3A_368 = arith.constant 0 : i32
    %dma_wait3A_369 = arith.constant 0 : i32
    %dma_wait3A_370 = tpu.memref_slice %arg14[%dma_wait3A_368, %dma_wait3A_369] : memref<10448x128xf32, #tpu.memory_space<vmem_shared>> -> memref<10448x128xf32, #tpu.memory_space<vmem_shared>>
    tpu.wait_indirect_dma semaphore(%arg24 : memref<!tpu.dma_semaphore, #tpu.memory_space<semaphore_mem>>) src(%arg11 : memref<48x128xf32, #tpu.memory_space<vmem>>) dst(%dma_wait3A_370 : memref<10448x128xf32, #tpu.memory_space<vmem_shared>>)
    %dma_wait3A_371 = arith.constant 0 : i32
    %dma_wait3A_372 = arith.constant 0 : i32
    %dma_wait3A_373 = tpu.memref_slice %arg7[%dma_wait3A_371, %dma_wait3A_372] : memref<108x48xi32, #tpu.memory_space<vmem>> -> memref<1x48xi32, #tpu.memory_space<vmem>>
    %dma_wait3A_374 = tpu.memref_squeeze %dma_wait3A_373 : memref<1x48xi32, #tpu.memory_space<vmem>> -> memref<48xi32, #tpu.memory_space<vmem>>
    %dma_wait3A_375 = arith.constant 0 : i32
    %dma_wait3A_376 = arith.constant 0 : i32
    %dma_wait3A_377 = tpu.memref_slice %arg14[%dma_wait3A_375, %dma_wait3A_376] : memref<10448x128xf32, #tpu.memory_space<vmem_shared>> -> memref<10448x128xf32, #tpu.memory_space<vmem_shared>>
    tpu.wait_indirect_dma semaphore(%arg25 : memref<!tpu.dma_semaphore, #tpu.memory_space<semaphore_mem>>) src(%arg12 : memref<48x128xf32, #tpu.memory_space<vmem>>) dst(%dma_wait3A_377 : memref<10448x128xf32, #tpu.memory_space<vmem_shared>>)
    %dma_wait3A_378 = arith.constant 0 : i32
    %dma_wait3A_379 = arith.constant 0 : i32
    %dma_wait3A_380 = tpu.memref_slice %arg7[%dma_wait3A_378, %dma_wait3A_379] : memref<108x48xi32, #tpu.memory_space<vmem>> -> memref<1x48xi32, #tpu.memory_space<vmem>>
    %dma_wait3A_381 = tpu.memref_squeeze %dma_wait3A_380 : memref<1x48xi32, #tpu.memory_space<vmem>> -> memref<48xi32, #tpu.memory_space<vmem>>
    %dma_wait3A_382 = arith.constant 0 : i32
    %dma_wait3A_383 = arith.constant 0 : i32
    %dma_wait3A_384 = tpu.memref_slice %arg14[%dma_wait3A_382, %dma_wait3A_383] : memref<10448x128xf32, #tpu.memory_space<vmem_shared>> -> memref<10448x128xf32, #tpu.memory_space<vmem_shared>>
    tpu.wait_indirect_dma semaphore(%arg26 : memref<!tpu.dma_semaphore, #tpu.memory_space<semaphore_mem>>) src(%arg13 : memref<48x128xf32, #tpu.memory_space<vmem>>) dst(%dma_wait3A_384 : memref<10448x128xf32, #tpu.memory_space<vmem_shared>>)
    %add3A_385 = arith.constant 108 : i32
    %add3A_386 = arith.addi %add3A, %add3A_385 : i32
    "tpu.region"() ({
      %run_scoped3A = tpu.sem_alloc : memref<!tpu.dma_semaphore, #tpu.memory_space<semaphore_mem>>
      %dma_start3A_571 = arith.constant 0 : i32
      %dma_start3A_572 = arith.constant 0 : i32
      %dma_start3A_573 = tpu.memref_slice %arg6[%dma_start3A_571, %dma_start3A_572] : memref<108x48xi32, #tpu.memory_space<vmem>> -> memref<102x48xi32, #tpu.memory_space<vmem>>
      %dma_start3A_574 = arith.constant 0 : i32
      %dma_start3A_575 = tpu.memref_slice %arg3[%add3A_386, %dma_start3A_574] : memref<6720x48xi32, #tpu.memory_space<hbm>> -> memref<102x48xi32, #tpu.memory_space<hbm>>
      %dma_start3A_576 = arith.constant 0 : i32
      %dma_start3A_577 = arith.constant 0 : i32
      %dma_start3A_578 = tpu.memref_slice %arg6[%dma_start3A_576, %dma_start3A_577] : memref<108x48xi32, #tpu.memory_space<vmem>> -> memref<102x48xi32, #tpu.memory_space<vmem>>
      %dma_start3A_579 = arith.constant 0 : i32
      %dma_start3A_580 = tpu.memref_slice %arg3[%add3A_386, %dma_start3A_579] : memref<6720x48xi32, #tpu.memory_space<hbm>> -> memref<102x48xi32, #tpu.memory_space<hbm>>
      tpu.enqueue_dma source(%dma_start3A_580 : memref<102x48xi32, #tpu.memory_space<hbm>>) target(%dma_start3A_578 : memref<102x48xi32, #tpu.memory_space<vmem>>) target_semaphore(%run_scoped3A : memref<!tpu.dma_semaphore, #tpu.memory_space<semaphore_mem>>)
      %dma_wait3A_581 = arith.constant 0 : i32
      %dma_wait3A_582 = arith.constant 0 : i32
      %dma_wait3A_583 = tpu.memref_slice %arg6[%dma_wait3A_581, %dma_wait3A_582] : memref<108x48xi32, #tpu.memory_space<vmem>> -> memref<102x48xi32, #tpu.memory_space<vmem>>
      %dma_wait3A_584 = arith.constant 0 : i32
      %dma_wait3A_585 = tpu.memref_slice %arg3[%add3A_386, %dma_wait3A_584] : memref<6720x48xi32, #tpu.memory_space<hbm>> -> memref<102x48xi32, #tpu.memory_space<hbm>>
      %dma_wait3A_586 = arith.constant 0 : i32
      %dma_wait3A_587 = arith.constant 0 : i32
      %dma_wait3A_588 = tpu.memref_slice %arg6[%dma_wait3A_586, %dma_wait3A_587] : memref<108x48xi32, #tpu.memory_space<vmem>> -> memref<102x48xi32, #tpu.memory_space<vmem>>
      %dma_wait3A_589 = arith.constant 0 : i32
      %dma_wait3A_590 = tpu.memref_slice %arg3[%add3A_386, %dma_wait3A_589] : memref<6720x48xi32, #tpu.memory_space<hbm>> -> memref<102x48xi32, #tpu.memory_space<hbm>>
      tpu.wait_dma2 semaphore(%run_scoped3A : memref<!tpu.dma_semaphore, #tpu.memory_space<semaphore_mem>>) src(%dma_wait3A_590 : memref<102x48xi32, #tpu.memory_space<hbm>>) dst(%dma_wait3A_588 : memref<102x48xi32, #tpu.memory_space<vmem>>)
      tpu.yield
    }) : () -> ()
    %add3A_387 = arith.constant 108 : i32
    %add3A_388 = arith.addi %add3A, %add3A_387 : i32
    "tpu.region"() ({
      %run_scoped3A = tpu.sem_alloc : memref<!tpu.dma_semaphore, #tpu.memory_space<semaphore_mem>>
      %dma_start3A_571 = arith.constant 0 : i32
      %dma_start3A_572 = arith.constant 0 : i32
      %dma_start3A_573 = tpu.memref_slice %arg7[%dma_start3A_571, %dma_start3A_572] : memref<108x48xi32, #tpu.memory_space<vmem>> -> memref<102x48xi32, #tpu.memory_space<vmem>>
      %dma_start3A_574 = arith.constant 0 : i32
      %dma_start3A_575 = tpu.memref_slice %arg4[%add3A_388, %dma_start3A_574] : memref<6720x48xi32, #tpu.memory_space<hbm>> -> memref<102x48xi32, #tpu.memory_space<hbm>>
      %dma_start3A_576 = arith.constant 0 : i32
      %dma_start3A_577 = arith.constant 0 : i32
      %dma_start3A_578 = tpu.memref_slice %arg7[%dma_start3A_576, %dma_start3A_577] : memref<108x48xi32, #tpu.memory_space<vmem>> -> memref<102x48xi32, #tpu.memory_space<vmem>>
      %dma_start3A_579 = arith.constant 0 : i32
      %dma_start3A_580 = tpu.memref_slice %arg4[%add3A_388, %dma_start3A_579] : memref<6720x48xi32, #tpu.memory_space<hbm>> -> memref<102x48xi32, #tpu.memory_space<hbm>>
      tpu.enqueue_dma source(%dma_start3A_580 : memref<102x48xi32, #tpu.memory_space<hbm>>) target(%dma_start3A_578 : memref<102x48xi32, #tpu.memory_space<vmem>>) target_semaphore(%run_scoped3A : memref<!tpu.dma_semaphore, #tpu.memory_space<semaphore_mem>>)
      %dma_wait3A_581 = arith.constant 0 : i32
      %dma_wait3A_582 = arith.constant 0 : i32
      %dma_wait3A_583 = tpu.memref_slice %arg7[%dma_wait3A_581, %dma_wait3A_582] : memref<108x48xi32, #tpu.memory_space<vmem>> -> memref<102x48xi32, #tpu.memory_space<vmem>>
      %dma_wait3A_584 = arith.constant 0 : i32
      %dma_wait3A_585 = tpu.memref_slice %arg4[%add3A_388, %dma_wait3A_584] : memref<6720x48xi32, #tpu.memory_space<hbm>> -> memref<102x48xi32, #tpu.memory_space<hbm>>
      %dma_wait3A_586 = arith.constant 0 : i32
      %dma_wait3A_587 = arith.constant 0 : i32
      %dma_wait3A_588 = tpu.memref_slice %arg7[%dma_wait3A_586, %dma_wait3A_587] : memref<108x48xi32, #tpu.memory_space<vmem>> -> memref<102x48xi32, #tpu.memory_space<vmem>>
      %dma_wait3A_589 = arith.constant 0 : i32
      %dma_wait3A_590 = tpu.memref_slice %arg4[%add3A_388, %dma_wait3A_589] : memref<6720x48xi32, #tpu.memory_space<hbm>> -> memref<102x48xi32, #tpu.memory_space<hbm>>
      tpu.wait_dma2 semaphore(%run_scoped3A : memref<!tpu.dma_semaphore, #tpu.memory_space<semaphore_mem>>) src(%dma_wait3A_590 : memref<102x48xi32, #tpu.memory_space<hbm>>) dst(%dma_wait3A_588 : memref<102x48xi32, #tpu.memory_space<vmem>>)
      tpu.yield
    }) : () -> ()
    %dma_start3A_389 = arith.constant 0 : i32
    %dma_start3A_390 = arith.constant 0 : i32
    %dma_start3A_391 = tpu.memref_slice %arg6[%dma_start3A_389, %dma_start3A_390] : memref<108x48xi32, #tpu.memory_space<vmem>> -> memref<1x48xi32, #tpu.memory_space<vmem>>
    %dma_start3A_392 = tpu.memref_squeeze %dma_start3A_391 : memref<1x48xi32, #tpu.memory_space<vmem>> -> memref<48xi32, #tpu.memory_space<vmem>>
    %dma_start3A_393 = arith.constant 0 : i32
    %dma_start3A_394 = arith.constant 0 : i32
    %dma_start3A_395 = tpu.memref_slice %arg2[%dma_start3A_393, %dma_start3A_394] : memref<10000x128xf32, #tpu.memory_space<hbm>> -> memref<10000x128xf32, #tpu.memory_space<hbm>>
    tpu.enqueue_indirect_dma source(%dma_start3A_395 : memref<10000x128xf32, #tpu.memory_space<hbm>>) target(%arg8 : memref<48x128xf32, #tpu.memory_space<vmem>>) offsets(%dma_start3A_392 : memref<48xi32, #tpu.memory_space<vmem>>) semaphore(%arg15 : memref<!tpu.dma_semaphore, #tpu.memory_space<semaphore_mem>>)
    %dma_start3A_396 = arith.constant 1 : i32
    %dma_start3A_397 = arith.constant 0 : i32
    %dma_start3A_398 = tpu.memref_slice %arg6[%dma_start3A_396, %dma_start3A_397] : memref<108x48xi32, #tpu.memory_space<vmem>> -> memref<1x48xi32, #tpu.memory_space<vmem>>
    %dma_start3A_399 = tpu.memref_squeeze %dma_start3A_398 : memref<1x48xi32, #tpu.memory_space<vmem>> -> memref<48xi32, #tpu.memory_space<vmem>>
    %dma_start3A_400 = arith.constant 0 : i32
    %dma_start3A_401 = arith.constant 0 : i32
    %dma_start3A_402 = tpu.memref_slice %arg2[%dma_start3A_400, %dma_start3A_401] : memref<10000x128xf32, #tpu.memory_space<hbm>> -> memref<10000x128xf32, #tpu.memory_space<hbm>>
    tpu.enqueue_indirect_dma source(%dma_start3A_402 : memref<10000x128xf32, #tpu.memory_space<hbm>>) target(%arg9 : memref<48x128xf32, #tpu.memory_space<vmem>>) offsets(%dma_start3A_399 : memref<48xi32, #tpu.memory_space<vmem>>) semaphore(%arg16 : memref<!tpu.dma_semaphore, #tpu.memory_space<semaphore_mem>>)
    %dma_start3A_403 = arith.constant 2 : i32
    %dma_start3A_404 = arith.constant 0 : i32
    %dma_start3A_405 = tpu.memref_slice %arg6[%dma_start3A_403, %dma_start3A_404] : memref<108x48xi32, #tpu.memory_space<vmem>> -> memref<1x48xi32, #tpu.memory_space<vmem>>
    %dma_start3A_406 = tpu.memref_squeeze %dma_start3A_405 : memref<1x48xi32, #tpu.memory_space<vmem>> -> memref<48xi32, #tpu.memory_space<vmem>>
    %dma_start3A_407 = arith.constant 0 : i32
    %dma_start3A_408 = arith.constant 0 : i32
    %dma_start3A_409 = tpu.memref_slice %arg2[%dma_start3A_407, %dma_start3A_408] : memref<10000x128xf32, #tpu.memory_space<hbm>> -> memref<10000x128xf32, #tpu.memory_space<hbm>>
    tpu.enqueue_indirect_dma source(%dma_start3A_409 : memref<10000x128xf32, #tpu.memory_space<hbm>>) target(%arg10 : memref<48x128xf32, #tpu.memory_space<vmem>>) offsets(%dma_start3A_406 : memref<48xi32, #tpu.memory_space<vmem>>) semaphore(%arg17 : memref<!tpu.dma_semaphore, #tpu.memory_space<semaphore_mem>>)
    %dma_start3A_410 = arith.constant 3 : i32
    %dma_start3A_411 = arith.constant 0 : i32
    %dma_start3A_412 = tpu.memref_slice %arg6[%dma_start3A_410, %dma_start3A_411] : memref<108x48xi32, #tpu.memory_space<vmem>> -> memref<1x48xi32, #tpu.memory_space<vmem>>
    %dma_start3A_413 = tpu.memref_squeeze %dma_start3A_412 : memref<1x48xi32, #tpu.memory_space<vmem>> -> memref<48xi32, #tpu.memory_space<vmem>>
    %dma_start3A_414 = arith.constant 0 : i32
    %dma_start3A_415 = arith.constant 0 : i32
    %dma_start3A_416 = tpu.memref_slice %arg2[%dma_start3A_414, %dma_start3A_415] : memref<10000x128xf32, #tpu.memory_space<hbm>> -> memref<10000x128xf32, #tpu.memory_space<hbm>>
    tpu.enqueue_indirect_dma source(%dma_start3A_416 : memref<10000x128xf32, #tpu.memory_space<hbm>>) target(%arg11 : memref<48x128xf32, #tpu.memory_space<vmem>>) offsets(%dma_start3A_413 : memref<48xi32, #tpu.memory_space<vmem>>) semaphore(%arg18 : memref<!tpu.dma_semaphore, #tpu.memory_space<semaphore_mem>>)
    %dma_start3A_417 = arith.constant 4 : i32
    %dma_start3A_418 = arith.constant 0 : i32
    %dma_start3A_419 = tpu.memref_slice %arg6[%dma_start3A_417, %dma_start3A_418] : memref<108x48xi32, #tpu.memory_space<vmem>> -> memref<1x48xi32, #tpu.memory_space<vmem>>
    %dma_start3A_420 = tpu.memref_squeeze %dma_start3A_419 : memref<1x48xi32, #tpu.memory_space<vmem>> -> memref<48xi32, #tpu.memory_space<vmem>>
    %dma_start3A_421 = arith.constant 0 : i32
    %dma_start3A_422 = arith.constant 0 : i32
    %dma_start3A_423 = tpu.memref_slice %arg2[%dma_start3A_421, %dma_start3A_422] : memref<10000x128xf32, #tpu.memory_space<hbm>> -> memref<10000x128xf32, #tpu.memory_space<hbm>>
    tpu.enqueue_indirect_dma source(%dma_start3A_423 : memref<10000x128xf32, #tpu.memory_space<hbm>>) target(%arg12 : memref<48x128xf32, #tpu.memory_space<vmem>>) offsets(%dma_start3A_420 : memref<48xi32, #tpu.memory_space<vmem>>) semaphore(%arg19 : memref<!tpu.dma_semaphore, #tpu.memory_space<semaphore_mem>>)
    %dma_start3A_424 = arith.constant 5 : i32
    %dma_start3A_425 = arith.constant 0 : i32
    %dma_start3A_426 = tpu.memref_slice %arg6[%dma_start3A_424, %dma_start3A_425] : memref<108x48xi32, #tpu.memory_space<vmem>> -> memref<1x48xi32, #tpu.memory_space<vmem>>
    %dma_start3A_427 = tpu.memref_squeeze %dma_start3A_426 : memref<1x48xi32, #tpu.memory_space<vmem>> -> memref<48xi32, #tpu.memory_space<vmem>>
    %dma_start3A_428 = arith.constant 0 : i32
    %dma_start3A_429 = arith.constant 0 : i32
    %dma_start3A_430 = tpu.memref_slice %arg2[%dma_start3A_428, %dma_start3A_429] : memref<10000x128xf32, #tpu.memory_space<hbm>> -> memref<10000x128xf32, #tpu.memory_space<hbm>>
    tpu.enqueue_indirect_dma source(%dma_start3A_430 : memref<10000x128xf32, #tpu.memory_space<hbm>>) target(%arg13 : memref<48x128xf32, #tpu.memory_space<vmem>>) offsets(%dma_start3A_427 : memref<48xi32, #tpu.memory_space<vmem>>) semaphore(%arg20 : memref<!tpu.dma_semaphore, #tpu.memory_space<semaphore_mem>>)
    %scan3A_431 = arith.constant 0 : i32
    %scan3A_432 = arith.constant 0 : i32
    %scan3A_433 = arith.constant 16 : i32
    %scan3A_434 = arith.addi %scan3A_432, %scan3A_433 : i32
    %scan3A_435 = arith.constant 1 : i32
    scf.for %scan3A_571 = %scan3A_432 to %scan3A_434 step %scan3A_435  : i32 {
      %mul3A_572 = arith.constant 6 : i32
      %mul3A_573 = arith.muli %mul3A_572, %scan3A_571 : i32
      %dma_wait3A_574 = arith.constant 0 : i32
      %dma_wait3A_575 = arith.constant 0 : i32
      %dma_wait3A_576 = tpu.memref_slice %arg6[%dma_wait3A_574, %dma_wait3A_575] : memref<108x48xi32, #tpu.memory_space<vmem>> -> memref<1x48xi32, #tpu.memory_space<vmem>>
      %dma_wait3A_577 = tpu.memref_squeeze %dma_wait3A_576 : memref<1x48xi32, #tpu.memory_space<vmem>> -> memref<48xi32, #tpu.memory_space<vmem>>
      %dma_wait3A_578 = arith.constant 0 : i32
      %dma_wait3A_579 = arith.constant 0 : i32
      %dma_wait3A_580 = tpu.memref_slice %arg2[%dma_wait3A_578, %dma_wait3A_579] : memref<10000x128xf32, #tpu.memory_space<hbm>> -> memref<10000x128xf32, #tpu.memory_space<hbm>>
      tpu.wait_indirect_dma semaphore(%arg15 : memref<!tpu.dma_semaphore, #tpu.memory_space<semaphore_mem>>) src(%dma_wait3A_580 : memref<10000x128xf32, #tpu.memory_space<hbm>>) dst(%arg8 : memref<48x128xf32, #tpu.memory_space<vmem>>)
      %add3A_581 = arith.constant 0 : i32
      %add3A_582 = arith.addi %mul3A_573, %add3A_581 : i32
      %dma_start3A_583 = arith.constant 0 : i32
      %dma_start3A_584 = tpu.memref_slice %arg7[%add3A_582, %dma_start3A_583] : memref<108x48xi32, #tpu.memory_space<vmem>> -> memref<1x48xi32, #tpu.memory_space<vmem>>
      %dma_start3A_585 = tpu.memref_squeeze %dma_start3A_584 : memref<1x48xi32, #tpu.memory_space<vmem>> -> memref<48xi32, #tpu.memory_space<vmem>>
      %dma_start3A_586 = arith.constant 0 : i32
      %dma_start3A_587 = arith.constant 0 : i32
      %dma_start3A_588 = tpu.memref_slice %arg14[%dma_start3A_586, %dma_start3A_587] : memref<10448x128xf32, #tpu.memory_space<vmem_shared>> -> memref<10448x128xf32, #tpu.memory_space<vmem_shared>>
      tpu.enqueue_indirect_dma source(%arg8 : memref<48x128xf32, #tpu.memory_space<vmem>>) target(%dma_start3A_588 : memref<10448x128xf32, #tpu.memory_space<vmem_shared>>) offsets(%dma_start3A_585 : memref<48xi32, #tpu.memory_space<vmem>>) semaphore(%arg21 : memref<!tpu.dma_semaphore, #tpu.memory_space<semaphore_mem>>) {add = true}
      %dma_wait3A_589 = arith.constant 0 : i32
      %dma_wait3A_590 = arith.constant 0 : i32
      %dma_wait3A_591 = tpu.memref_slice %arg6[%dma_wait3A_589, %dma_wait3A_590] : memref<108x48xi32, #tpu.memory_space<vmem>> -> memref<1x48xi32, #tpu.memory_space<vmem>>
      %dma_wait3A_592 = tpu.memref_squeeze %dma_wait3A_591 : memref<1x48xi32, #tpu.memory_space<vmem>> -> memref<48xi32, #tpu.memory_space<vmem>>
      %dma_wait3A_593 = arith.constant 0 : i32
      %dma_wait3A_594 = arith.constant 0 : i32
      %dma_wait3A_595 = tpu.memref_slice %arg2[%dma_wait3A_593, %dma_wait3A_594] : memref<10000x128xf32, #tpu.memory_space<hbm>> -> memref<10000x128xf32, #tpu.memory_space<hbm>>
      tpu.wait_indirect_dma semaphore(%arg16 : memref<!tpu.dma_semaphore, #tpu.memory_space<semaphore_mem>>) src(%dma_wait3A_595 : memref<10000x128xf32, #tpu.memory_space<hbm>>) dst(%arg9 : memref<48x128xf32, #tpu.memory_space<vmem>>)
      %add3A_596 = arith.constant 1 : i32
      %add3A_597 = arith.addi %mul3A_573, %add3A_596 : i32
      %dma_start3A_598 = arith.constant 0 : i32
      %dma_start3A_599 = tpu.memref_slice %arg7[%add3A_597, %dma_start3A_598] : memref<108x48xi32, #tpu.memory_space<vmem>> -> memref<1x48xi32, #tpu.memory_space<vmem>>
      %dma_start3A_600 = tpu.memref_squeeze %dma_start3A_599 : memref<1x48xi32, #tpu.memory_space<vmem>> -> memref<48xi32, #tpu.memory_space<vmem>>
      %dma_start3A_601 = arith.constant 0 : i32
      %dma_start3A_602 = arith.constant 0 : i32
      %dma_start3A_603 = tpu.memref_slice %arg14[%dma_start3A_601, %dma_start3A_602] : memref<10448x128xf32, #tpu.memory_space<vmem_shared>> -> memref<10448x128xf32, #tpu.memory_space<vmem_shared>>
      tpu.enqueue_indirect_dma source(%arg9 : memref<48x128xf32, #tpu.memory_space<vmem>>) target(%dma_start3A_603 : memref<10448x128xf32, #tpu.memory_space<vmem_shared>>) offsets(%dma_start3A_600 : memref<48xi32, #tpu.memory_space<vmem>>) semaphore(%arg22 : memref<!tpu.dma_semaphore, #tpu.memory_space<semaphore_mem>>) {add = true}
      %dma_wait3A_604 = arith.constant 0 : i32
      %dma_wait3A_605 = arith.constant 0 : i32
      %dma_wait3A_606 = tpu.memref_slice %arg6[%dma_wait3A_604, %dma_wait3A_605] : memref<108x48xi32, #tpu.memory_space<vmem>> -> memref<1x48xi32, #tpu.memory_space<vmem>>
      %dma_wait3A_607 = tpu.memref_squeeze %dma_wait3A_606 : memref<1x48xi32, #tpu.memory_space<vmem>> -> memref<48xi32, #tpu.memory_space<vmem>>
      %dma_wait3A_608 = arith.constant 0 : i32
      %dma_wait3A_609 = arith.constant 0 : i32
      %dma_wait3A_610 = tpu.memref_slice %arg2[%dma_wait3A_608, %dma_wait3A_609] : memref<10000x128xf32, #tpu.memory_space<hbm>> -> memref<10000x128xf32, #tpu.memory_space<hbm>>
      tpu.wait_indirect_dma semaphore(%arg17 : memref<!tpu.dma_semaphore, #tpu.memory_space<semaphore_mem>>) src(%dma_wait3A_610 : memref<10000x128xf32, #tpu.memory_space<hbm>>) dst(%arg10 : memref<48x128xf32, #tpu.memory_space<vmem>>)
      %add3A_611 = arith.constant 2 : i32
      %add3A_612 = arith.addi %mul3A_573, %add3A_611 : i32
      %dma_start3A_613 = arith.constant 0 : i32
      %dma_start3A_614 = tpu.memref_slice %arg7[%add3A_612, %dma_start3A_613] : memref<108x48xi32, #tpu.memory_space<vmem>> -> memref<1x48xi32, #tpu.memory_space<vmem>>
      %dma_start3A_615 = tpu.memref_squeeze %dma_start3A_614 : memref<1x48xi32, #tpu.memory_space<vmem>> -> memref<48xi32, #tpu.memory_space<vmem>>
      %dma_start3A_616 = arith.constant 0 : i32
      %dma_start3A_617 = arith.constant 0 : i32
      %dma_start3A_618 = tpu.memref_slice %arg14[%dma_start3A_616, %dma_start3A_617] : memref<10448x128xf32, #tpu.memory_space<vmem_shared>> -> memref<10448x128xf32, #tpu.memory_space<vmem_shared>>
      tpu.enqueue_indirect_dma source(%arg10 : memref<48x128xf32, #tpu.memory_space<vmem>>) target(%dma_start3A_618 : memref<10448x128xf32, #tpu.memory_space<vmem_shared>>) offsets(%dma_start3A_615 : memref<48xi32, #tpu.memory_space<vmem>>) semaphore(%arg23 : memref<!tpu.dma_semaphore, #tpu.memory_space<semaphore_mem>>) {add = true}
      %dma_wait3A_619 = arith.constant 0 : i32
      %dma_wait3A_620 = arith.constant 0 : i32
      %dma_wait3A_621 = tpu.memref_slice %arg6[%dma_wait3A_619, %dma_wait3A_620] : memref<108x48xi32, #tpu.memory_space<vmem>> -> memref<1x48xi32, #tpu.memory_space<vmem>>
      %dma_wait3A_622 = tpu.memref_squeeze %dma_wait3A_621 : memref<1x48xi32, #tpu.memory_space<vmem>> -> memref<48xi32, #tpu.memory_space<vmem>>
      %dma_wait3A_623 = arith.constant 0 : i32
      %dma_wait3A_624 = arith.constant 0 : i32
      %dma_wait3A_625 = tpu.memref_slice %arg2[%dma_wait3A_623, %dma_wait3A_624] : memref<10000x128xf32, #tpu.memory_space<hbm>> -> memref<10000x128xf32, #tpu.memory_space<hbm>>
      tpu.wait_indirect_dma semaphore(%arg18 : memref<!tpu.dma_semaphore, #tpu.memory_space<semaphore_mem>>) src(%dma_wait3A_625 : memref<10000x128xf32, #tpu.memory_space<hbm>>) dst(%arg11 : memref<48x128xf32, #tpu.memory_space<vmem>>)
      %add3A_626 = arith.constant 3 : i32
      %add3A_627 = arith.addi %mul3A_573, %add3A_626 : i32
      %dma_start3A_628 = arith.constant 0 : i32
      %dma_start3A_629 = tpu.memref_slice %arg7[%add3A_627, %dma_start3A_628] : memref<108x48xi32, #tpu.memory_space<vmem>> -> memref<1x48xi32, #tpu.memory_space<vmem>>
      %dma_start3A_630 = tpu.memref_squeeze %dma_start3A_629 : memref<1x48xi32, #tpu.memory_space<vmem>> -> memref<48xi32, #tpu.memory_space<vmem>>
      %dma_start3A_631 = arith.constant 0 : i32
      %dma_start3A_632 = arith.constant 0 : i32
      %dma_start3A_633 = tpu.memref_slice %arg14[%dma_start3A_631, %dma_start3A_632] : memref<10448x128xf32, #tpu.memory_space<vmem_shared>> -> memref<10448x128xf32, #tpu.memory_space<vmem_shared>>
      tpu.enqueue_indirect_dma source(%arg11 : memref<48x128xf32, #tpu.memory_space<vmem>>) target(%dma_start3A_633 : memref<10448x128xf32, #tpu.memory_space<vmem_shared>>) offsets(%dma_start3A_630 : memref<48xi32, #tpu.memory_space<vmem>>) semaphore(%arg24 : memref<!tpu.dma_semaphore, #tpu.memory_space<semaphore_mem>>) {add = true}
      %dma_wait3A_634 = arith.constant 0 : i32
      %dma_wait3A_635 = arith.constant 0 : i32
      %dma_wait3A_636 = tpu.memref_slice %arg6[%dma_wait3A_634, %dma_wait3A_635] : memref<108x48xi32, #tpu.memory_space<vmem>> -> memref<1x48xi32, #tpu.memory_space<vmem>>
      %dma_wait3A_637 = tpu.memref_squeeze %dma_wait3A_636 : memref<1x48xi32, #tpu.memory_space<vmem>> -> memref<48xi32, #tpu.memory_space<vmem>>
      %dma_wait3A_638 = arith.constant 0 : i32
      %dma_wait3A_639 = arith.constant 0 : i32
      %dma_wait3A_640 = tpu.memref_slice %arg2[%dma_wait3A_638, %dma_wait3A_639] : memref<10000x128xf32, #tpu.memory_space<hbm>> -> memref<10000x128xf32, #tpu.memory_space<hbm>>
      tpu.wait_indirect_dma semaphore(%arg19 : memref<!tpu.dma_semaphore, #tpu.memory_space<semaphore_mem>>) src(%dma_wait3A_640 : memref<10000x128xf32, #tpu.memory_space<hbm>>) dst(%arg12 : memref<48x128xf32, #tpu.memory_space<vmem>>)
      %add3A_641 = arith.constant 4 : i32
      %add3A_642 = arith.addi %mul3A_573, %add3A_641 : i32
      %dma_start3A_643 = arith.constant 0 : i32
      %dma_start3A_644 = tpu.memref_slice %arg7[%add3A_642, %dma_start3A_643] : memref<108x48xi32, #tpu.memory_space<vmem>> -> memref<1x48xi32, #tpu.memory_space<vmem>>
      %dma_start3A_645 = tpu.memref_squeeze %dma_start3A_644 : memref<1x48xi32, #tpu.memory_space<vmem>> -> memref<48xi32, #tpu.memory_space<vmem>>
      %dma_start3A_646 = arith.constant 0 : i32
      %dma_start3A_647 = arith.constant 0 : i32
      %dma_start3A_648 = tpu.memref_slice %arg14[%dma_start3A_646, %dma_start3A_647] : memref<10448x128xf32, #tpu.memory_space<vmem_shared>> -> memref<10448x128xf32, #tpu.memory_space<vmem_shared>>
      tpu.enqueue_indirect_dma source(%arg12 : memref<48x128xf32, #tpu.memory_space<vmem>>) target(%dma_start3A_648 : memref<10448x128xf32, #tpu.memory_space<vmem_shared>>) offsets(%dma_start3A_645 : memref<48xi32, #tpu.memory_space<vmem>>) semaphore(%arg25 : memref<!tpu.dma_semaphore, #tpu.memory_space<semaphore_mem>>) {add = true}
      %dma_wait3A_649 = arith.constant 0 : i32
      %dma_wait3A_650 = arith.constant 0 : i32
      %dma_wait3A_651 = tpu.memref_slice %arg6[%dma_wait3A_649, %dma_wait3A_650] : memref<108x48xi32, #tpu.memory_space<vmem>> -> memref<1x48xi32, #tpu.memory_space<vmem>>
      %dma_wait3A_652 = tpu.memref_squeeze %dma_wait3A_651 : memref<1x48xi32, #tpu.memory_space<vmem>> -> memref<48xi32, #tpu.memory_space<vmem>>
      %dma_wait3A_653 = arith.constant 0 : i32
      %dma_wait3A_654 = arith.constant 0 : i32
      %dma_wait3A_655 = tpu.memref_slice %arg2[%dma_wait3A_653, %dma_wait3A_654] : memref<10000x128xf32, #tpu.memory_space<hbm>> -> memref<10000x128xf32, #tpu.memory_space<hbm>>
      tpu.wait_indirect_dma semaphore(%arg20 : memref<!tpu.dma_semaphore, #tpu.memory_space<semaphore_mem>>) src(%dma_wait3A_655 : memref<10000x128xf32, #tpu.memory_space<hbm>>) dst(%arg13 : memref<48x128xf32, #tpu.memory_space<vmem>>)
      %add3A_656 = arith.constant 5 : i32
      %add3A_657 = arith.addi %mul3A_573, %add3A_656 : i32
      %dma_start3A_658 = arith.constant 0 : i32
      %dma_start3A_659 = tpu.memref_slice %arg7[%add3A_657, %dma_start3A_658] : memref<108x48xi32, #tpu.memory_space<vmem>> -> memref<1x48xi32, #tpu.memory_space<vmem>>
      %dma_start3A_660 = tpu.memref_squeeze %dma_start3A_659 : memref<1x48xi32, #tpu.memory_space<vmem>> -> memref<48xi32, #tpu.memory_space<vmem>>
      %dma_start3A_661 = arith.constant 0 : i32
      %dma_start3A_662 = arith.constant 0 : i32
      %dma_start3A_663 = tpu.memref_slice %arg14[%dma_start3A_661, %dma_start3A_662] : memref<10448x128xf32, #tpu.memory_space<vmem_shared>> -> memref<10448x128xf32, #tpu.memory_space<vmem_shared>>
      tpu.enqueue_indirect_dma source(%arg13 : memref<48x128xf32, #tpu.memory_space<vmem>>) target(%dma_start3A_663 : memref<10448x128xf32, #tpu.memory_space<vmem_shared>>) offsets(%dma_start3A_660 : memref<48xi32, #tpu.memory_space<vmem>>) semaphore(%arg26 : memref<!tpu.dma_semaphore, #tpu.memory_space<semaphore_mem>>) {add = true}
      %dma_wait3A_664 = arith.constant 0 : i32
      %dma_wait3A_665 = arith.constant 0 : i32
      %dma_wait3A_666 = tpu.memref_slice %arg7[%dma_wait3A_664, %dma_wait3A_665] : memref<108x48xi32, #tpu.memory_space<vmem>> -> memref<1x48xi32, #tpu.memory_space<vmem>>
      %dma_wait3A_667 = tpu.memref_squeeze %dma_wait3A_666 : memref<1x48xi32, #tpu.memory_space<vmem>> -> memref<48xi32, #tpu.memory_space<vmem>>
      %dma_wait3A_668 = arith.constant 0 : i32
      %dma_wait3A_669 = arith.constant 0 : i32
      %dma_wait3A_670 = tpu.memref_slice %arg14[%dma_wait3A_668, %dma_wait3A_669] : memref<10448x128xf32, #tpu.memory_space<vmem_shared>> -> memref<10448x128xf32, #tpu.memory_space<vmem_shared>>
      tpu.wait_indirect_dma semaphore(%arg21 : memref<!tpu.dma_semaphore, #tpu.memory_space<semaphore_mem>>) src(%arg8 : memref<48x128xf32, #tpu.memory_space<vmem>>) dst(%dma_wait3A_670 : memref<10448x128xf32, #tpu.memory_space<vmem_shared>>)
      %add3A_671 = arith.constant 6 : i32
      %add3A_672 = arith.addi %mul3A_573, %add3A_671 : i32
      %add3A_673 = arith.constant 0 : i32
      %add3A_674 = arith.addi %add3A_672, %add3A_673 : i32
      %dma_start3A_675 = arith.constant 0 : i32
      %dma_start3A_676 = tpu.memref_slice %arg6[%add3A_674, %dma_start3A_675] : memref<108x48xi32, #tpu.memory_space<vmem>> -> memref<1x48xi32, #tpu.memory_space<vmem>>
      %dma_start3A_677 = tpu.memref_squeeze %dma_start3A_676 : memref<1x48xi32, #tpu.memory_space<vmem>> -> memref<48xi32, #tpu.memory_space<vmem>>
      %dma_start3A_678 = arith.constant 0 : i32
      %dma_start3A_679 = arith.constant 0 : i32
      %dma_start3A_680 = tpu.memref_slice %arg2[%dma_start3A_678, %dma_start3A_679] : memref<10000x128xf32, #tpu.memory_space<hbm>> -> memref<10000x128xf32, #tpu.memory_space<hbm>>
      tpu.enqueue_indirect_dma source(%dma_start3A_680 : memref<10000x128xf32, #tpu.memory_space<hbm>>) target(%arg8 : memref<48x128xf32, #tpu.memory_space<vmem>>) offsets(%dma_start3A_677 : memref<48xi32, #tpu.memory_space<vmem>>) semaphore(%arg15 : memref<!tpu.dma_semaphore, #tpu.memory_space<semaphore_mem>>)
      %dma_wait3A_681 = arith.constant 0 : i32
      %dma_wait3A_682 = arith.constant 0 : i32
      %dma_wait3A_683 = tpu.memref_slice %arg7[%dma_wait3A_681, %dma_wait3A_682] : memref<108x48xi32, #tpu.memory_space<vmem>> -> memref<1x48xi32, #tpu.memory_space<vmem>>
      %dma_wait3A_684 = tpu.memref_squeeze %dma_wait3A_683 : memref<1x48xi32, #tpu.memory_space<vmem>> -> memref<48xi32, #tpu.memory_space<vmem>>
      %dma_wait3A_685 = arith.constant 0 : i32
      %dma_wait3A_686 = arith.constant 0 : i32
      %dma_wait3A_687 = tpu.memref_slice %arg14[%dma_wait3A_685, %dma_wait3A_686] : memref<10448x128xf32, #tpu.memory_space<vmem_shared>> -> memref<10448x128xf32, #tpu.memory_space<vmem_shared>>
      tpu.wait_indirect_dma semaphore(%arg22 : memref<!tpu.dma_semaphore, #tpu.memory_space<semaphore_mem>>) src(%arg9 : memref<48x128xf32, #tpu.memory_space<vmem>>) dst(%dma_wait3A_687 : memref<10448x128xf32, #tpu.memory_space<vmem_shared>>)
      %add3A_688 = arith.constant 6 : i32
      %add3A_689 = arith.addi %mul3A_573, %add3A_688 : i32
      %add3A_690 = arith.constant 1 : i32
      %add3A_691 = arith.addi %add3A_689, %add3A_690 : i32
      %dma_start3A_692 = arith.constant 0 : i32
      %dma_start3A_693 = tpu.memref_slice %arg6[%add3A_691, %dma_start3A_692] : memref<108x48xi32, #tpu.memory_space<vmem>> -> memref<1x48xi32, #tpu.memory_space<vmem>>
      %dma_start3A_694 = tpu.memref_squeeze %dma_start3A_693 : memref<1x48xi32, #tpu.memory_space<vmem>> -> memref<48xi32, #tpu.memory_space<vmem>>
      %dma_start3A_695 = arith.constant 0 : i32
      %dma_start3A_696 = arith.constant 0 : i32
      %dma_start3A_697 = tpu.memref_slice %arg2[%dma_start3A_695, %dma_start3A_696] : memref<10000x128xf32, #tpu.memory_space<hbm>> -> memref<10000x128xf32, #tpu.memory_space<hbm>>
      tpu.enqueue_indirect_dma source(%dma_start3A_697 : memref<10000x128xf32, #tpu.memory_space<hbm>>) target(%arg9 : memref<48x128xf32, #tpu.memory_space<vmem>>) offsets(%dma_start3A_694 : memref<48xi32, #tpu.memory_space<vmem>>) semaphore(%arg16 : memref<!tpu.dma_semaphore, #tpu.memory_space<semaphore_mem>>)
      %dma_wait3A_698 = arith.constant 0 : i32
      %dma_wait3A_699 = arith.constant 0 : i32
      %dma_wait3A_700 = tpu.memref_slice %arg7[%dma_wait3A_698, %dma_wait3A_699] : memref<108x48xi32, #tpu.memory_space<vmem>> -> memref<1x48xi32, #tpu.memory_space<vmem>>
      %dma_wait3A_701 = tpu.memref_squeeze %dma_wait3A_700 : memref<1x48xi32, #tpu.memory_space<vmem>> -> memref<48xi32, #tpu.memory_space<vmem>>
      %dma_wait3A_702 = arith.constant 0 : i32
      %dma_wait3A_703 = arith.constant 0 : i32
      %dma_wait3A_704 = tpu.memref_slice %arg14[%dma_wait3A_702, %dma_wait3A_703] : memref<10448x128xf32, #tpu.memory_space<vmem_shared>> -> memref<10448x128xf32, #tpu.memory_space<vmem_shared>>
      tpu.wait_indirect_dma semaphore(%arg23 : memref<!tpu.dma_semaphore, #tpu.memory_space<semaphore_mem>>) src(%arg10 : memref<48x128xf32, #tpu.memory_space<vmem>>) dst(%dma_wait3A_704 : memref<10448x128xf32, #tpu.memory_space<vmem_shared>>)
      %add3A_705 = arith.constant 6 : i32
      %add3A_706 = arith.addi %mul3A_573, %add3A_705 : i32
      %add3A_707 = arith.constant 2 : i32
      %add3A_708 = arith.addi %add3A_706, %add3A_707 : i32
      %dma_start3A_709 = arith.constant 0 : i32
      %dma_start3A_710 = tpu.memref_slice %arg6[%add3A_708, %dma_start3A_709] : memref<108x48xi32, #tpu.memory_space<vmem>> -> memref<1x48xi32, #tpu.memory_space<vmem>>
      %dma_start3A_711 = tpu.memref_squeeze %dma_start3A_710 : memref<1x48xi32, #tpu.memory_space<vmem>> -> memref<48xi32, #tpu.memory_space<vmem>>
      %dma_start3A_712 = arith.constant 0 : i32
      %dma_start3A_713 = arith.constant 0 : i32
      %dma_start3A_714 = tpu.memref_slice %arg2[%dma_start3A_712, %dma_start3A_713] : memref<10000x128xf32, #tpu.memory_space<hbm>> -> memref<10000x128xf32, #tpu.memory_space<hbm>>
      tpu.enqueue_indirect_dma source(%dma_start3A_714 : memref<10000x128xf32, #tpu.memory_space<hbm>>) target(%arg10 : memref<48x128xf32, #tpu.memory_space<vmem>>) offsets(%dma_start3A_711 : memref<48xi32, #tpu.memory_space<vmem>>) semaphore(%arg17 : memref<!tpu.dma_semaphore, #tpu.memory_space<semaphore_mem>>)
      %dma_wait3A_715 = arith.constant 0 : i32
      %dma_wait3A_716 = arith.constant 0 : i32
      %dma_wait3A_717 = tpu.memref_slice %arg7[%dma_wait3A_715, %dma_wait3A_716] : memref<108x48xi32, #tpu.memory_space<vmem>> -> memref<1x48xi32, #tpu.memory_space<vmem>>
      %dma_wait3A_718 = tpu.memref_squeeze %dma_wait3A_717 : memref<1x48xi32, #tpu.memory_space<vmem>> -> memref<48xi32, #tpu.memory_space<vmem>>
      %dma_wait3A_719 = arith.constant 0 : i32
      %dma_wait3A_720 = arith.constant 0 : i32
      %dma_wait3A_721 = tpu.memref_slice %arg14[%dma_wait3A_719, %dma_wait3A_720] : memref<10448x128xf32, #tpu.memory_space<vmem_shared>> -> memref<10448x128xf32, #tpu.memory_space<vmem_shared>>
      tpu.wait_indirect_dma semaphore(%arg24 : memref<!tpu.dma_semaphore, #tpu.memory_space<semaphore_mem>>) src(%arg11 : memref<48x128xf32, #tpu.memory_space<vmem>>) dst(%dma_wait3A_721 : memref<10448x128xf32, #tpu.memory_space<vmem_shared>>)
      %add3A_722 = arith.constant 6 : i32
      %add3A_723 = arith.addi %mul3A_573, %add3A_722 : i32
      %add3A_724 = arith.constant 3 : i32
      %add3A_725 = arith.addi %add3A_723, %add3A_724 : i32
      %dma_start3A_726 = arith.constant 0 : i32
      %dma_start3A_727 = tpu.memref_slice %arg6[%add3A_725, %dma_start3A_726] : memref<108x48xi32, #tpu.memory_space<vmem>> -> memref<1x48xi32, #tpu.memory_space<vmem>>
      %dma_start3A_728 = tpu.memref_squeeze %dma_start3A_727 : memref<1x48xi32, #tpu.memory_space<vmem>> -> memref<48xi32, #tpu.memory_space<vmem>>
      %dma_start3A_729 = arith.constant 0 : i32
      %dma_start3A_730 = arith.constant 0 : i32
      %dma_start3A_731 = tpu.memref_slice %arg2[%dma_start3A_729, %dma_start3A_730] : memref<10000x128xf32, #tpu.memory_space<hbm>> -> memref<10000x128xf32, #tpu.memory_space<hbm>>
      tpu.enqueue_indirect_dma source(%dma_start3A_731 : memref<10000x128xf32, #tpu.memory_space<hbm>>) target(%arg11 : memref<48x128xf32, #tpu.memory_space<vmem>>) offsets(%dma_start3A_728 : memref<48xi32, #tpu.memory_space<vmem>>) semaphore(%arg18 : memref<!tpu.dma_semaphore, #tpu.memory_space<semaphore_mem>>)
      %dma_wait3A_732 = arith.constant 0 : i32
      %dma_wait3A_733 = arith.constant 0 : i32
      %dma_wait3A_734 = tpu.memref_slice %arg7[%dma_wait3A_732, %dma_wait3A_733] : memref<108x48xi32, #tpu.memory_space<vmem>> -> memref<1x48xi32, #tpu.memory_space<vmem>>
      %dma_wait3A_735 = tpu.memref_squeeze %dma_wait3A_734 : memref<1x48xi32, #tpu.memory_space<vmem>> -> memref<48xi32, #tpu.memory_space<vmem>>
      %dma_wait3A_736 = arith.constant 0 : i32
      %dma_wait3A_737 = arith.constant 0 : i32
      %dma_wait3A_738 = tpu.memref_slice %arg14[%dma_wait3A_736, %dma_wait3A_737] : memref<10448x128xf32, #tpu.memory_space<vmem_shared>> -> memref<10448x128xf32, #tpu.memory_space<vmem_shared>>
      tpu.wait_indirect_dma semaphore(%arg25 : memref<!tpu.dma_semaphore, #tpu.memory_space<semaphore_mem>>) src(%arg12 : memref<48x128xf32, #tpu.memory_space<vmem>>) dst(%dma_wait3A_738 : memref<10448x128xf32, #tpu.memory_space<vmem_shared>>)
      %add3A_739 = arith.constant 6 : i32
      %add3A_740 = arith.addi %mul3A_573, %add3A_739 : i32
      %add3A_741 = arith.constant 4 : i32
      %add3A_742 = arith.addi %add3A_740, %add3A_741 : i32
      %dma_start3A_743 = arith.constant 0 : i32
      %dma_start3A_744 = tpu.memref_slice %arg6[%add3A_742, %dma_start3A_743] : memref<108x48xi32, #tpu.memory_space<vmem>> -> memref<1x48xi32, #tpu.memory_space<vmem>>
      %dma_start3A_745 = tpu.memref_squeeze %dma_start3A_744 : memref<1x48xi32, #tpu.memory_space<vmem>> -> memref<48xi32, #tpu.memory_space<vmem>>
      %dma_start3A_746 = arith.constant 0 : i32
      %dma_start3A_747 = arith.constant 0 : i32
      %dma_start3A_748 = tpu.memref_slice %arg2[%dma_start3A_746, %dma_start3A_747] : memref<10000x128xf32, #tpu.memory_space<hbm>> -> memref<10000x128xf32, #tpu.memory_space<hbm>>
      tpu.enqueue_indirect_dma source(%dma_start3A_748 : memref<10000x128xf32, #tpu.memory_space<hbm>>) target(%arg12 : memref<48x128xf32, #tpu.memory_space<vmem>>) offsets(%dma_start3A_745 : memref<48xi32, #tpu.memory_space<vmem>>) semaphore(%arg19 : memref<!tpu.dma_semaphore, #tpu.memory_space<semaphore_mem>>)
      %dma_wait3A_749 = arith.constant 0 : i32
      %dma_wait3A_750 = arith.constant 0 : i32
      %dma_wait3A_751 = tpu.memref_slice %arg7[%dma_wait3A_749, %dma_wait3A_750] : memref<108x48xi32, #tpu.memory_space<vmem>> -> memref<1x48xi32, #tpu.memory_space<vmem>>
      %dma_wait3A_752 = tpu.memref_squeeze %dma_wait3A_751 : memref<1x48xi32, #tpu.memory_space<vmem>> -> memref<48xi32, #tpu.memory_space<vmem>>
      %dma_wait3A_753 = arith.constant 0 : i32
      %dma_wait3A_754 = arith.constant 0 : i32
      %dma_wait3A_755 = tpu.memref_slice %arg14[%dma_wait3A_753, %dma_wait3A_754] : memref<10448x128xf32, #tpu.memory_space<vmem_shared>> -> memref<10448x128xf32, #tpu.memory_space<vmem_shared>>
      tpu.wait_indirect_dma semaphore(%arg26 : memref<!tpu.dma_semaphore, #tpu.memory_space<semaphore_mem>>) src(%arg13 : memref<48x128xf32, #tpu.memory_space<vmem>>) dst(%dma_wait3A_755 : memref<10448x128xf32, #tpu.memory_space<vmem_shared>>)
      %add3A_756 = arith.constant 6 : i32
      %add3A_757 = arith.addi %mul3A_573, %add3A_756 : i32
      %add3A_758 = arith.constant 5 : i32
      %add3A_759 = arith.addi %add3A_757, %add3A_758 : i32
      %dma_start3A_760 = arith.constant 0 : i32
      %dma_start3A_761 = tpu.memref_slice %arg6[%add3A_759, %dma_start3A_760] : memref<108x48xi32, #tpu.memory_space<vmem>> -> memref<1x48xi32, #tpu.memory_space<vmem>>
      %dma_start3A_762 = tpu.memref_squeeze %dma_start3A_761 : memref<1x48xi32, #tpu.memory_space<vmem>> -> memref<48xi32, #tpu.memory_space<vmem>>
      %dma_start3A_763 = arith.constant 0 : i32
      %dma_start3A_764 = arith.constant 0 : i32
      %dma_start3A_765 = tpu.memref_slice %arg2[%dma_start3A_763, %dma_start3A_764] : memref<10000x128xf32, #tpu.memory_space<hbm>> -> memref<10000x128xf32, #tpu.memory_space<hbm>>
      tpu.enqueue_indirect_dma source(%dma_start3A_765 : memref<10000x128xf32, #tpu.memory_space<hbm>>) target(%arg13 : memref<48x128xf32, #tpu.memory_space<vmem>>) offsets(%dma_start3A_762 : memref<48xi32, #tpu.memory_space<vmem>>) semaphore(%arg20 : memref<!tpu.dma_semaphore, #tpu.memory_space<semaphore_mem>>)
    }
    %scan3A_436 = arith.constant 16 : i32
    %dma_wait3A_437 = arith.constant 0 : i32
    %dma_wait3A_438 = arith.constant 0 : i32
    %dma_wait3A_439 = tpu.memref_slice %arg6[%dma_wait3A_437, %dma_wait3A_438] : memref<108x48xi32, #tpu.memory_space<vmem>> -> memref<1x48xi32, #tpu.memory_space<vmem>>
    %dma_wait3A_440 = tpu.memref_squeeze %dma_wait3A_439 : memref<1x48xi32, #tpu.memory_space<vmem>> -> memref<48xi32, #tpu.memory_space<vmem>>
    %dma_wait3A_441 = arith.constant 0 : i32
    %dma_wait3A_442 = arith.constant 0 : i32
    %dma_wait3A_443 = tpu.memref_slice %arg2[%dma_wait3A_441, %dma_wait3A_442] : memref<10000x128xf32, #tpu.memory_space<hbm>> -> memref<10000x128xf32, #tpu.memory_space<hbm>>
    tpu.wait_indirect_dma semaphore(%arg15 : memref<!tpu.dma_semaphore, #tpu.memory_space<semaphore_mem>>) src(%dma_wait3A_443 : memref<10000x128xf32, #tpu.memory_space<hbm>>) dst(%arg8 : memref<48x128xf32, #tpu.memory_space<vmem>>)
    %dma_start3A_444 = arith.constant 96 : i32
    %dma_start3A_445 = arith.constant 0 : i32
    %dma_start3A_446 = tpu.memref_slice %arg7[%dma_start3A_444, %dma_start3A_445] : memref<108x48xi32, #tpu.memory_space<vmem>> -> memref<1x48xi32, #tpu.memory_space<vmem>>
    %dma_start3A_447 = tpu.memref_squeeze %dma_start3A_446 : memref<1x48xi32, #tpu.memory_space<vmem>> -> memref<48xi32, #tpu.memory_space<vmem>>
    %dma_start3A_448 = arith.constant 0 : i32
    %dma_start3A_449 = arith.constant 0 : i32
    %dma_start3A_450 = tpu.memref_slice %arg14[%dma_start3A_448, %dma_start3A_449] : memref<10448x128xf32, #tpu.memory_space<vmem_shared>> -> memref<10448x128xf32, #tpu.memory_space<vmem_shared>>
    tpu.enqueue_indirect_dma source(%arg8 : memref<48x128xf32, #tpu.memory_space<vmem>>) target(%dma_start3A_450 : memref<10448x128xf32, #tpu.memory_space<vmem_shared>>) offsets(%dma_start3A_447 : memref<48xi32, #tpu.memory_space<vmem>>) semaphore(%arg21 : memref<!tpu.dma_semaphore, #tpu.memory_space<semaphore_mem>>) {add = true}
    %dma_wait3A_451 = arith.constant 0 : i32
    %dma_wait3A_452 = arith.constant 0 : i32
    %dma_wait3A_453 = tpu.memref_slice %arg6[%dma_wait3A_451, %dma_wait3A_452] : memref<108x48xi32, #tpu.memory_space<vmem>> -> memref<1x48xi32, #tpu.memory_space<vmem>>
    %dma_wait3A_454 = tpu.memref_squeeze %dma_wait3A_453 : memref<1x48xi32, #tpu.memory_space<vmem>> -> memref<48xi32, #tpu.memory_space<vmem>>
    %dma_wait3A_455 = arith.constant 0 : i32
    %dma_wait3A_456 = arith.constant 0 : i32
    %dma_wait3A_457 = tpu.memref_slice %arg2[%dma_wait3A_455, %dma_wait3A_456] : memref<10000x128xf32, #tpu.memory_space<hbm>> -> memref<10000x128xf32, #tpu.memory_space<hbm>>
    tpu.wait_indirect_dma semaphore(%arg16 : memref<!tpu.dma_semaphore, #tpu.memory_space<semaphore_mem>>) src(%dma_wait3A_457 : memref<10000x128xf32, #tpu.memory_space<hbm>>) dst(%arg9 : memref<48x128xf32, #tpu.memory_space<vmem>>)
    %dma_start3A_458 = arith.constant 97 : i32
    %dma_start3A_459 = arith.constant 0 : i32
    %dma_start3A_460 = tpu.memref_slice %arg7[%dma_start3A_458, %dma_start3A_459] : memref<108x48xi32, #tpu.memory_space<vmem>> -> memref<1x48xi32, #tpu.memory_space<vmem>>
    %dma_start3A_461 = tpu.memref_squeeze %dma_start3A_460 : memref<1x48xi32, #tpu.memory_space<vmem>> -> memref<48xi32, #tpu.memory_space<vmem>>
    %dma_start3A_462 = arith.constant 0 : i32
    %dma_start3A_463 = arith.constant 0 : i32
    %dma_start3A_464 = tpu.memref_slice %arg14[%dma_start3A_462, %dma_start3A_463] : memref<10448x128xf32, #tpu.memory_space<vmem_shared>> -> memref<10448x128xf32, #tpu.memory_space<vmem_shared>>
    tpu.enqueue_indirect_dma source(%arg9 : memref<48x128xf32, #tpu.memory_space<vmem>>) target(%dma_start3A_464 : memref<10448x128xf32, #tpu.memory_space<vmem_shared>>) offsets(%dma_start3A_461 : memref<48xi32, #tpu.memory_space<vmem>>) semaphore(%arg22 : memref<!tpu.dma_semaphore, #tpu.memory_space<semaphore_mem>>) {add = true}
    %dma_wait3A_465 = arith.constant 0 : i32
    %dma_wait3A_466 = arith.constant 0 : i32
    %dma_wait3A_467 = tpu.memref_slice %arg6[%dma_wait3A_465, %dma_wait3A_466] : memref<108x48xi32, #tpu.memory_space<vmem>> -> memref<1x48xi32, #tpu.memory_space<vmem>>
    %dma_wait3A_468 = tpu.memref_squeeze %dma_wait3A_467 : memref<1x48xi32, #tpu.memory_space<vmem>> -> memref<48xi32, #tpu.memory_space<vmem>>
    %dma_wait3A_469 = arith.constant 0 : i32
    %dma_wait3A_470 = arith.constant 0 : i32
    %dma_wait3A_471 = tpu.memref_slice %arg2[%dma_wait3A_469, %dma_wait3A_470] : memref<10000x128xf32, #tpu.memory_space<hbm>> -> memref<10000x128xf32, #tpu.memory_space<hbm>>
    tpu.wait_indirect_dma semaphore(%arg17 : memref<!tpu.dma_semaphore, #tpu.memory_space<semaphore_mem>>) src(%dma_wait3A_471 : memref<10000x128xf32, #tpu.memory_space<hbm>>) dst(%arg10 : memref<48x128xf32, #tpu.memory_space<vmem>>)
    %dma_start3A_472 = arith.constant 98 : i32
    %dma_start3A_473 = arith.constant 0 : i32
    %dma_start3A_474 = tpu.memref_slice %arg7[%dma_start3A_472, %dma_start3A_473] : memref<108x48xi32, #tpu.memory_space<vmem>> -> memref<1x48xi32, #tpu.memory_space<vmem>>
    %dma_start3A_475 = tpu.memref_squeeze %dma_start3A_474 : memref<1x48xi32, #tpu.memory_space<vmem>> -> memref<48xi32, #tpu.memory_space<vmem>>
    %dma_start3A_476 = arith.constant 0 : i32
    %dma_start3A_477 = arith.constant 0 : i32
    %dma_start3A_478 = tpu.memref_slice %arg14[%dma_start3A_476, %dma_start3A_477] : memref<10448x128xf32, #tpu.memory_space<vmem_shared>> -> memref<10448x128xf32, #tpu.memory_space<vmem_shared>>
    tpu.enqueue_indirect_dma source(%arg10 : memref<48x128xf32, #tpu.memory_space<vmem>>) target(%dma_start3A_478 : memref<10448x128xf32, #tpu.memory_space<vmem_shared>>) offsets(%dma_start3A_475 : memref<48xi32, #tpu.memory_space<vmem>>) semaphore(%arg23 : memref<!tpu.dma_semaphore, #tpu.memory_space<semaphore_mem>>) {add = true}
    %dma_wait3A_479 = arith.constant 0 : i32
    %dma_wait3A_480 = arith.constant 0 : i32
    %dma_wait3A_481 = tpu.memref_slice %arg6[%dma_wait3A_479, %dma_wait3A_480] : memref<108x48xi32, #tpu.memory_space<vmem>> -> memref<1x48xi32, #tpu.memory_space<vmem>>
    %dma_wait3A_482 = tpu.memref_squeeze %dma_wait3A_481 : memref<1x48xi32, #tpu.memory_space<vmem>> -> memref<48xi32, #tpu.memory_space<vmem>>
    %dma_wait3A_483 = arith.constant 0 : i32
    %dma_wait3A_484 = arith.constant 0 : i32
    %dma_wait3A_485 = tpu.memref_slice %arg2[%dma_wait3A_483, %dma_wait3A_484] : memref<10000x128xf32, #tpu.memory_space<hbm>> -> memref<10000x128xf32, #tpu.memory_space<hbm>>
    tpu.wait_indirect_dma semaphore(%arg18 : memref<!tpu.dma_semaphore, #tpu.memory_space<semaphore_mem>>) src(%dma_wait3A_485 : memref<10000x128xf32, #tpu.memory_space<hbm>>) dst(%arg11 : memref<48x128xf32, #tpu.memory_space<vmem>>)
    %dma_start3A_486 = arith.constant 99 : i32
    %dma_start3A_487 = arith.constant 0 : i32
    %dma_start3A_488 = tpu.memref_slice %arg7[%dma_start3A_486, %dma_start3A_487] : memref<108x48xi32, #tpu.memory_space<vmem>> -> memref<1x48xi32, #tpu.memory_space<vmem>>
    %dma_start3A_489 = tpu.memref_squeeze %dma_start3A_488 : memref<1x48xi32, #tpu.memory_space<vmem>> -> memref<48xi32, #tpu.memory_space<vmem>>
    %dma_start3A_490 = arith.constant 0 : i32
    %dma_start3A_491 = arith.constant 0 : i32
    %dma_start3A_492 = tpu.memref_slice %arg14[%dma_start3A_490, %dma_start3A_491] : memref<10448x128xf32, #tpu.memory_space<vmem_shared>> -> memref<10448x128xf32, #tpu.memory_space<vmem_shared>>
    tpu.enqueue_indirect_dma source(%arg11 : memref<48x128xf32, #tpu.memory_space<vmem>>) target(%dma_start3A_492 : memref<10448x128xf32, #tpu.memory_space<vmem_shared>>) offsets(%dma_start3A_489 : memref<48xi32, #tpu.memory_space<vmem>>) semaphore(%arg24 : memref<!tpu.dma_semaphore, #tpu.memory_space<semaphore_mem>>) {add = true}
    %dma_wait3A_493 = arith.constant 0 : i32
    %dma_wait3A_494 = arith.constant 0 : i32
    %dma_wait3A_495 = tpu.memref_slice %arg6[%dma_wait3A_493, %dma_wait3A_494] : memref<108x48xi32, #tpu.memory_space<vmem>> -> memref<1x48xi32, #tpu.memory_space<vmem>>
    %dma_wait3A_496 = tpu.memref_squeeze %dma_wait3A_495 : memref<1x48xi32, #tpu.memory_space<vmem>> -> memref<48xi32, #tpu.memory_space<vmem>>
    %dma_wait3A_497 = arith.constant 0 : i32
    %dma_wait3A_498 = arith.constant 0 : i32
    %dma_wait3A_499 = tpu.memref_slice %arg2[%dma_wait3A_497, %dma_wait3A_498] : memref<10000x128xf32, #tpu.memory_space<hbm>> -> memref<10000x128xf32, #tpu.memory_space<hbm>>
    tpu.wait_indirect_dma semaphore(%arg19 : memref<!tpu.dma_semaphore, #tpu.memory_space<semaphore_mem>>) src(%dma_wait3A_499 : memref<10000x128xf32, #tpu.memory_space<hbm>>) dst(%arg12 : memref<48x128xf32, #tpu.memory_space<vmem>>)
    %dma_start3A_500 = arith.constant 100 : i32
    %dma_start3A_501 = arith.constant 0 : i32
    %dma_start3A_502 = tpu.memref_slice %arg7[%dma_start3A_500, %dma_start3A_501] : memref<108x48xi32, #tpu.memory_space<vmem>> -> memref<1x48xi32, #tpu.memory_space<vmem>>
    %dma_start3A_503 = tpu.memref_squeeze %dma_start3A_502 : memref<1x48xi32, #tpu.memory_space<vmem>> -> memref<48xi32, #tpu.memory_space<vmem>>
    %dma_start3A_504 = arith.constant 0 : i32
    %dma_start3A_505 = arith.constant 0 : i32
    %dma_start3A_506 = tpu.memref_slice %arg14[%dma_start3A_504, %dma_start3A_505] : memref<10448x128xf32, #tpu.memory_space<vmem_shared>> -> memref<10448x128xf32, #tpu.memory_space<vmem_shared>>
    tpu.enqueue_indirect_dma source(%arg12 : memref<48x128xf32, #tpu.memory_space<vmem>>) target(%dma_start3A_506 : memref<10448x128xf32, #tpu.memory_space<vmem_shared>>) offsets(%dma_start3A_503 : memref<48xi32, #tpu.memory_space<vmem>>) semaphore(%arg25 : memref<!tpu.dma_semaphore, #tpu.memory_space<semaphore_mem>>) {add = true}
    %dma_wait3A_507 = arith.constant 0 : i32
    %dma_wait3A_508 = arith.constant 0 : i32
    %dma_wait3A_509 = tpu.memref_slice %arg6[%dma_wait3A_507, %dma_wait3A_508] : memref<108x48xi32, #tpu.memory_space<vmem>> -> memref<1x48xi32, #tpu.memory_space<vmem>>
    %dma_wait3A_510 = tpu.memref_squeeze %dma_wait3A_509 : memref<1x48xi32, #tpu.memory_space<vmem>> -> memref<48xi32, #tpu.memory_space<vmem>>
    %dma_wait3A_511 = arith.constant 0 : i32
    %dma_wait3A_512 = arith.constant 0 : i32
    %dma_wait3A_513 = tpu.memref_slice %arg2[%dma_wait3A_511, %dma_wait3A_512] : memref<10000x128xf32, #tpu.memory_space<hbm>> -> memref<10000x128xf32, #tpu.memory_space<hbm>>
    tpu.wait_indirect_dma semaphore(%arg20 : memref<!tpu.dma_semaphore, #tpu.memory_space<semaphore_mem>>) src(%dma_wait3A_513 : memref<10000x128xf32, #tpu.memory_space<hbm>>) dst(%arg13 : memref<48x128xf32, #tpu.memory_space<vmem>>)
    %dma_start3A_514 = arith.constant 101 : i32
    %dma_start3A_515 = arith.constant 0 : i32
    %dma_start3A_516 = tpu.memref_slice %arg7[%dma_start3A_514, %dma_start3A_515] : memref<108x48xi32, #tpu.memory_space<vmem>> -> memref<1x48xi32, #tpu.memory_space<vmem>>
    %dma_start3A_517 = tpu.memref_squeeze %dma_start3A_516 : memref<1x48xi32, #tpu.memory_space<vmem>> -> memref<48xi32, #tpu.memory_space<vmem>>
    %dma_start3A_518 = arith.constant 0 : i32
    %dma_start3A_519 = arith.constant 0 : i32
    %dma_start3A_520 = tpu.memref_slice %arg14[%dma_start3A_518, %dma_start3A_519] : memref<10448x128xf32, #tpu.memory_space<vmem_shared>> -> memref<10448x128xf32, #tpu.memory_space<vmem_shared>>
    tpu.enqueue_indirect_dma source(%arg13 : memref<48x128xf32, #tpu.memory_space<vmem>>) target(%dma_start3A_520 : memref<10448x128xf32, #tpu.memory_space<vmem_shared>>) offsets(%dma_start3A_517 : memref<48xi32, #tpu.memory_space<vmem>>) semaphore(%arg26 : memref<!tpu.dma_semaphore, #tpu.memory_space<semaphore_mem>>) {add = true}
    %dma_wait3A_521 = arith.constant 0 : i32
    %dma_wait3A_522 = arith.constant 0 : i32
    %dma_wait3A_523 = tpu.memref_slice %arg7[%dma_wait3A_521, %dma_wait3A_522] : memref<108x48xi32, #tpu.memory_space<vmem>> -> memref<1x48xi32, #tpu.memory_space<vmem>>
    %dma_wait3A_524 = tpu.memref_squeeze %dma_wait3A_523 : memref<1x48xi32, #tpu.memory_space<vmem>> -> memref<48xi32, #tpu.memory_space<vmem>>
    %dma_wait3A_525 = arith.constant 0 : i32
    %dma_wait3A_526 = arith.constant 0 : i32
    %dma_wait3A_527 = tpu.memref_slice %arg14[%dma_wait3A_525, %dma_wait3A_526] : memref<10448x128xf32, #tpu.memory_space<vmem_shared>> -> memref<10448x128xf32, #tpu.memory_space<vmem_shared>>
    tpu.wait_indirect_dma semaphore(%arg21 : memref<!tpu.dma_semaphore, #tpu.memory_space<semaphore_mem>>) src(%arg8 : memref<48x128xf32, #tpu.memory_space<vmem>>) dst(%dma_wait3A_527 : memref<10448x128xf32, #tpu.memory_space<vmem_shared>>)
    %dma_wait3A_528 = arith.constant 0 : i32
    %dma_wait3A_529 = arith.constant 0 : i32
    %dma_wait3A_530 = tpu.memref_slice %arg7[%dma_wait3A_528, %dma_wait3A_529] : memref<108x48xi32, #tpu.memory_space<vmem>> -> memref<1x48xi32, #tpu.memory_space<vmem>>
    %dma_wait3A_531 = tpu.memref_squeeze %dma_wait3A_530 : memref<1x48xi32, #tpu.memory_space<vmem>> -> memref<48xi32, #tpu.memory_space<vmem>>
    %dma_wait3A_532 = arith.constant 0 : i32
    %dma_wait3A_533 = arith.constant 0 : i32
    %dma_wait3A_534 = tpu.memref_slice %arg14[%dma_wait3A_532, %dma_wait3A_533] : memref<10448x128xf32, #tpu.memory_space<vmem_shared>> -> memref<10448x128xf32, #tpu.memory_space<vmem_shared>>
    tpu.wait_indirect_dma semaphore(%arg22 : memref<!tpu.dma_semaphore, #tpu.memory_space<semaphore_mem>>) src(%arg9 : memref<48x128xf32, #tpu.memory_space<vmem>>) dst(%dma_wait3A_534 : memref<10448x128xf32, #tpu.memory_space<vmem_shared>>)
    %dma_wait3A_535 = arith.constant 0 : i32
    %dma_wait3A_536 = arith.constant 0 : i32
    %dma_wait3A_537 = tpu.memref_slice %arg7[%dma_wait3A_535, %dma_wait3A_536] : memref<108x48xi32, #tpu.memory_space<vmem>> -> memref<1x48xi32, #tpu.memory_space<vmem>>
    %dma_wait3A_538 = tpu.memref_squeeze %dma_wait3A_537 : memref<1x48xi32, #tpu.memory_space<vmem>> -> memref<48xi32, #tpu.memory_space<vmem>>
    %dma_wait3A_539 = arith.constant 0 : i32
    %dma_wait3A_540 = arith.constant 0 : i32
    %dma_wait3A_541 = tpu.memref_slice %arg14[%dma_wait3A_539, %dma_wait3A_540] : memref<10448x128xf32, #tpu.memory_space<vmem_shared>> -> memref<10448x128xf32, #tpu.memory_space<vmem_shared>>
    tpu.wait_indirect_dma semaphore(%arg23 : memref<!tpu.dma_semaphore, #tpu.memory_space<semaphore_mem>>) src(%arg10 : memref<48x128xf32, #tpu.memory_space<vmem>>) dst(%dma_wait3A_541 : memref<10448x128xf32, #tpu.memory_space<vmem_shared>>)
    %dma_wait3A_542 = arith.constant 0 : i32
    %dma_wait3A_543 = arith.constant 0 : i32
    %dma_wait3A_544 = tpu.memref_slice %arg7[%dma_wait3A_542, %dma_wait3A_543] : memref<108x48xi32, #tpu.memory_space<vmem>> -> memref<1x48xi32, #tpu.memory_space<vmem>>
    %dma_wait3A_545 = tpu.memref_squeeze %dma_wait3A_544 : memref<1x48xi32, #tpu.memory_space<vmem>> -> memref<48xi32, #tpu.memory_space<vmem>>
    %dma_wait3A_546 = arith.constant 0 : i32
    %dma_wait3A_547 = arith.constant 0 : i32
    %dma_wait3A_548 = tpu.memref_slice %arg14[%dma_wait3A_546, %dma_wait3A_547] : memref<10448x128xf32, #tpu.memory_space<vmem_shared>> -> memref<10448x128xf32, #tpu.memory_space<vmem_shared>>
    tpu.wait_indirect_dma semaphore(%arg24 : memref<!tpu.dma_semaphore, #tpu.memory_space<semaphore_mem>>) src(%arg11 : memref<48x128xf32, #tpu.memory_space<vmem>>) dst(%dma_wait3A_548 : memref<10448x128xf32, #tpu.memory_space<vmem_shared>>)
    %dma_wait3A_549 = arith.constant 0 : i32
    %dma_wait3A_550 = arith.constant 0 : i32
    %dma_wait3A_551 = tpu.memref_slice %arg7[%dma_wait3A_549, %dma_wait3A_550] : memref<108x48xi32, #tpu.memory_space<vmem>> -> memref<1x48xi32, #tpu.memory_space<vmem>>
    %dma_wait3A_552 = tpu.memref_squeeze %dma_wait3A_551 : memref<1x48xi32, #tpu.memory_space<vmem>> -> memref<48xi32, #tpu.memory_space<vmem>>
    %dma_wait3A_553 = arith.constant 0 : i32
    %dma_wait3A_554 = arith.constant 0 : i32
    %dma_wait3A_555 = tpu.memref_slice %arg14[%dma_wait3A_553, %dma_wait3A_554] : memref<10448x128xf32, #tpu.memory_space<vmem_shared>> -> memref<10448x128xf32, #tpu.memory_space<vmem_shared>>
    tpu.wait_indirect_dma semaphore(%arg25 : memref<!tpu.dma_semaphore, #tpu.memory_space<semaphore_mem>>) src(%arg12 : memref<48x128xf32, #tpu.memory_space<vmem>>) dst(%dma_wait3A_555 : memref<10448x128xf32, #tpu.memory_space<vmem_shared>>)
    %dma_wait3A_556 = arith.constant 0 : i32
    %dma_wait3A_557 = arith.constant 0 : i32
    %dma_wait3A_558 = tpu.memref_slice %arg7[%dma_wait3A_556, %dma_wait3A_557] : memref<108x48xi32, #tpu.memory_space<vmem>> -> memref<1x48xi32, #tpu.memory_space<vmem>>
    %dma_wait3A_559 = tpu.memref_squeeze %dma_wait3A_558 : memref<1x48xi32, #tpu.memory_space<vmem>> -> memref<48xi32, #tpu.memory_space<vmem>>
    %dma_wait3A_560 = arith.constant 0 : i32
    %dma_wait3A_561 = arith.constant 0 : i32
    %dma_wait3A_562 = tpu.memref_slice %arg14[%dma_wait3A_560, %dma_wait3A_561] : memref<10448x128xf32, #tpu.memory_space<vmem_shared>> -> memref<10448x128xf32, #tpu.memory_space<vmem_shared>>
    tpu.wait_indirect_dma semaphore(%arg26 : memref<!tpu.dma_semaphore, #tpu.memory_space<semaphore_mem>>) src(%arg13 : memref<48x128xf32, #tpu.memory_space<vmem>>) dst(%dma_wait3A_562 : memref<10448x128xf32, #tpu.memory_space<vmem_shared>>)
    %barrier3A_563 = arith.constant 0 : index
    tpu.barrier barrier_id(%barrier3A_563)
    %mul3A_564 = arith.constant 624 : i32
    %mul3A_565 = arith.muli %arg1, %mul3A_564 : i32
    "tpu.region"() ({
      %run_scoped3A = tpu.sem_alloc : memref<!tpu.dma_semaphore, #tpu.memory_space<semaphore_mem>>
      %dma_start3A_571 = arith.constant 0 : i32
      %dma_start3A_572 = tpu.memref_slice %arg5[%arg0, %mul3A_565, %dma_start3A_571] : memref<2x10000x128xf32, #tpu.memory_space<hbm>> -> memref<1x624x128xf32, #tpu.memory_space<hbm>>
      %dma_start3A_573 = tpu.memref_squeeze %dma_start3A_572 : memref<1x624x128xf32, #tpu.memory_space<hbm>> -> memref<624x128xf32, #tpu.memory_space<hbm>>
      %dma_start3A_574 = arith.constant 0 : i32
      %dma_start3A_575 = tpu.memref_slice %arg14[%mul3A_565, %dma_start3A_574] : memref<10448x128xf32, #tpu.memory_space<vmem_shared>> -> memref<624x128xf32, #tpu.memory_space<vmem_shared>>
      tpu.enqueue_dma source(%dma_start3A_575 : memref<624x128xf32, #tpu.memory_space<vmem_shared>>) target(%dma_start3A_573 : memref<624x128xf32, #tpu.memory_space<hbm>>) target_semaphore(%run_scoped3A : memref<!tpu.dma_semaphore, #tpu.memory_space<semaphore_mem>>)
      %dma_wait3A_576 = arith.constant 0 : i32
      %dma_wait3A_577 = tpu.memref_slice %arg5[%arg0, %mul3A_565, %dma_wait3A_576] : memref<2x10000x128xf32, #tpu.memory_space<hbm>> -> memref<1x624x128xf32, #tpu.memory_space<hbm>>
      %dma_wait3A_578 = tpu.memref_squeeze %dma_wait3A_577 : memref<1x624x128xf32, #tpu.memory_space<hbm>> -> memref<624x128xf32, #tpu.memory_space<hbm>>
      %dma_wait3A_579 = arith.constant 0 : i32
      %dma_wait3A_580 = tpu.memref_slice %arg14[%mul3A_565, %dma_wait3A_579] : memref<10448x128xf32, #tpu.memory_space<vmem_shared>> -> memref<624x128xf32, #tpu.memory_space<vmem_shared>>
      tpu.wait_dma2 semaphore(%run_scoped3A : memref<!tpu.dma_semaphore, #tpu.memory_space<semaphore_mem>>) src(%dma_wait3A_580 : memref<624x128xf32, #tpu.memory_space<vmem_shared>>) dst(%dma_wait3A_578 : memref<624x128xf32, #tpu.memory_space<hbm>>)
      tpu.yield
    }) : () -> ()
    %eq3A_566 = arith.constant 15 : i32
    %eq3A_567 = arith.cmpi eq, %arg1, %eq3A_566 : i32
    %convert_element_type3A_568 = arith.extui %eq3A_567 : i1 to i32
    %cond3A_569 = arith.constant 0 : i32
    %cond3A_570 = arith.cmpi ne, %convert_element_type3A_568, %cond3A_569 : i32
    scf.if %cond3A_570 {
      "tpu.region"() ({
        %run_scoped3A = tpu.sem_alloc : memref<!tpu.dma_semaphore, #tpu.memory_space<semaphore_mem>>
        %dma_start3A_571 = arith.constant 9984 : i32
        %dma_start3A_572 = arith.constant 0 : i32
        %dma_start3A_573 = tpu.memref_slice %arg5[%arg0, %dma_start3A_571, %dma_start3A_572] : memref<2x10000x128xf32, #tpu.memory_space<hbm>> -> memref<1x16x128xf32, #tpu.memory_space<hbm>>
        %dma_start3A_574 = tpu.memref_squeeze %dma_start3A_573 : memref<1x16x128xf32, #tpu.memory_space<hbm>> -> memref<16x128xf32, #tpu.memory_space<hbm>>
        %dma_start3A_575 = arith.constant 9984 : i32
        %dma_start3A_576 = arith.constant 0 : i32
        %dma_start3A_577 = tpu.memref_slice %arg14[%dma_start3A_575, %dma_start3A_576] : memref<10448x128xf32, #tpu.memory_space<vmem_shared>> -> memref<16x128xf32, #tpu.memory_space<vmem_shared>>
        tpu.enqueue_dma source(%dma_start3A_577 : memref<16x128xf32, #tpu.memory_space<vmem_shared>>) target(%dma_start3A_574 : memref<16x128xf32, #tpu.memory_space<hbm>>) target_semaphore(%run_scoped3A : memref<!tpu.dma_semaphore, #tpu.memory_space<semaphore_mem>>)
        %dma_wait3A_578 = arith.constant 9984 : i32
        %dma_wait3A_579 = arith.constant 0 : i32
        %dma_wait3A_580 = tpu.memref_slice %arg5[%arg0, %dma_wait3A_578, %dma_wait3A_579] : memref<2x10000x128xf32, #tpu.memory_space<hbm>> -> memref<1x16x128xf32, #tpu.memory_space<hbm>>
        %dma_wait3A_581 = tpu.memref_squeeze %dma_wait3A_580 : memref<1x16x128xf32, #tpu.memory_space<hbm>> -> memref<16x128xf32, #tpu.memory_space<hbm>>
        %dma_wait3A_582 = arith.constant 9984 : i32
        %dma_wait3A_583 = arith.constant 0 : i32
        %dma_wait3A_584 = tpu.memref_slice %arg14[%dma_wait3A_582, %dma_wait3A_583] : memref<10448x128xf32, #tpu.memory_space<vmem_shared>> -> memref<16x128xf32, #tpu.memory_space<vmem_shared>>
        tpu.wait_dma2 semaphore(%run_scoped3A : memref<!tpu.dma_semaphore, #tpu.memory_space<semaphore_mem>>) src(%dma_wait3A_584 : memref<16x128xf32, #tpu.memory_space<vmem_shared>>) dst(%dma_wait3A_581 : memref<16x128xf32, #tpu.memory_space<hbm>>)
        tpu.yield
      }) : () -> ()
    } else {
    }
    return
  }
}

#map = affine_map<(d0, d1) -> (0, 0)>
#map1 = affine_map<(d0, d1) -> (0, 0, 0)>
module attributes {stable_mosaic.version = 14 : i64} {
  func.func @_deg_body(%arg0: i32, %arg1: i32, %arg2: memref<6720x48xi32, #tpu.memory_space<hbm>>, %arg3: memref<2x10000x16xf32, #tpu.memory_space<hbm>>, %arg4: memref<210x48xi32, #tpu.memory_space<vmem>>, %arg5: memref<48x16xf32, #tpu.memory_space<vmem>>, %arg6: memref<208x16xf32, #tpu.memory_space<vmem>>, %arg7: memref<10448x16xf32, #tpu.memory_space<vmem_shared>>) attributes {dimension_semantics = [#tpu.dimension_semantics<core_parallel>, #tpu.dimension_semantics<subcore_parallel>], iteration_bounds = array<i64: 2, 16>, scalar_prefetch = 0 : i64, scratch_operands = 4 : i64, tpu.core_type = #tpu.core_type<sc_vector_subcore>, window_params = [{transform_indices = #map}, {transform_indices = #map1}]} {
    %mul3A = arith.constant 16 : i32
    %mul3A_0 = arith.muli %arg0, %mul3A : i32
    %add3A = arith.addi %mul3A_0, %arg1 : i32
    %broadcast_in_dim3A = arith.constant 1.000000e+00 : f32
    %broadcast_in_dim3A_1 = vector.broadcast %broadcast_in_dim3A : f32 to vector<16xf32>
    %scan3A = arith.constant 0 : i32
    %scan3A_2 = arith.constant 0 : i32
    %scan3A_3 = arith.constant 48 : i32
    %scan3A_4 = arith.addi %scan3A_2, %scan3A_3 : i32
    %scan3A_5 = arith.constant 1 : i32
    scf.for %scan3A_41 = %scan3A_2 to %scan3A_4 step %scan3A_5  : i32 {
      %swap3A = arith.index_cast %scan3A_41 : i32 to index
      %swap3A_42 = arith.constant 0 : index
      %swap3A_43 = tpu.vector_load %arg5[%swap3A, %swap3A_42] {strides = array<i32>} : memref<48x16xf32, #tpu.memory_space<vmem>>, vector<1x16xf32>,
      %swap3A_44 = vector.shape_cast %swap3A_43 : vector<1x16xf32> to vector<16xf32>
      %swap3A_45 = vector.shape_cast %broadcast_in_dim3A_1 : vector<16xf32> to vector<1x16xf32>
      tpu.vector_store %arg5[%swap3A, %swap3A_42], %swap3A_45 {strides = array<i32>} : memref<48x16xf32, #tpu.memory_space<vmem>>, vector<1x16xf32>,
    }
    %scan3A_6 = arith.constant 48 : i32
    %broadcast_in_dim3A_7 = arith.constant 0.000000e+00 : f32
    %broadcast_in_dim3A_8 = vector.broadcast %broadcast_in_dim3A_7 : f32 to vector<16xf32>
    %scan3A_9 = arith.constant 0 : i32
    %scan3A_10 = arith.constant 0 : i32
    %scan3A_11 = arith.constant 208 : i32
    %scan3A_12 = arith.addi %scan3A_10, %scan3A_11 : i32
    %scan3A_13 = arith.constant 1 : i32
    scf.for %scan3A_41 = %scan3A_10 to %scan3A_12 step %scan3A_13  : i32 {
      %swap3A = arith.index_cast %scan3A_41 : i32 to index
      %swap3A_42 = arith.constant 0 : index
      %swap3A_43 = tpu.vector_load %arg6[%swap3A, %swap3A_42] {strides = array<i32>} : memref<208x16xf32, #tpu.memory_space<vmem>>, vector<1x16xf32>,
      %swap3A_44 = vector.shape_cast %swap3A_43 : vector<1x16xf32> to vector<16xf32>
      %swap3A_45 = vector.shape_cast %broadcast_in_dim3A_8 : vector<16xf32> to vector<1x16xf32>
      tpu.vector_store %arg6[%swap3A, %swap3A_42], %swap3A_45 {strides = array<i32>} : memref<208x16xf32, #tpu.memory_space<vmem>>, vector<1x16xf32>,
    }
    %scan3A_14 = arith.constant 208 : i32
    %mul3A_15 = arith.constant 624 : i32
    %mul3A_16 = arith.muli %arg1, %mul3A_15 : i32
    %add3A_17 = arith.constant 0 : i32
    %add3A_18 = arith.addi %mul3A_16, %add3A_17 : i32
    "tpu.region"() ({
      %run_scoped3A = tpu.sem_alloc : memref<!tpu.dma_semaphore, #tpu.memory_space<semaphore_mem>>
      %dma_start3A = arith.constant 0 : i32
      %dma_start3A_41 = tpu.memref_slice %arg7[%add3A_18, %dma_start3A] : memref<10448x16xf32, #tpu.memory_space<vmem_shared>> -> memref<208x16xf32, #tpu.memory_space<vmem_shared>>
      %dma_start3A_42 = arith.constant 0 : i32
      %dma_start3A_43 = tpu.memref_slice %arg7[%add3A_18, %dma_start3A_42] : memref<10448x16xf32, #tpu.memory_space<vmem_shared>> -> memref<208x16xf32, #tpu.memory_space<vmem_shared>>
      tpu.enqueue_dma source(%arg6 : memref<208x16xf32, #tpu.memory_space<vmem>>) target(%dma_start3A_43 : memref<208x16xf32, #tpu.memory_space<vmem_shared>>) target_semaphore(%run_scoped3A : memref<!tpu.dma_semaphore, #tpu.memory_space<semaphore_mem>>)
      %dma_wait3A = arith.constant 0 : i32
      %dma_wait3A_44 = tpu.memref_slice %arg7[%add3A_18, %dma_wait3A] : memref<10448x16xf32, #tpu.memory_space<vmem_shared>> -> memref<208x16xf32, #tpu.memory_space<vmem_shared>>
      %dma_wait3A_45 = arith.constant 0 : i32
      %dma_wait3A_46 = tpu.memref_slice %arg7[%add3A_18, %dma_wait3A_45] : memref<10448x16xf32, #tpu.memory_space<vmem_shared>> -> memref<208x16xf32, #tpu.memory_space<vmem_shared>>
      tpu.wait_dma2 semaphore(%run_scoped3A : memref<!tpu.dma_semaphore, #tpu.memory_space<semaphore_mem>>) src(%arg6 : memref<208x16xf32, #tpu.memory_space<vmem>>) dst(%dma_wait3A_46 : memref<208x16xf32, #tpu.memory_space<vmem_shared>>)
      tpu.yield
    }) : () -> ()
    %add3A_19 = arith.constant 208 : i32
    %add3A_20 = arith.addi %mul3A_16, %add3A_19 : i32
    "tpu.region"() ({
      %run_scoped3A = tpu.sem_alloc : memref<!tpu.dma_semaphore, #tpu.memory_space<semaphore_mem>>
      %dma_start3A = arith.constant 0 : i32
      %dma_start3A_41 = tpu.memref_slice %arg7[%add3A_20, %dma_start3A] : memref<10448x16xf32, #tpu.memory_space<vmem_shared>> -> memref<208x16xf32, #tpu.memory_space<vmem_shared>>
      %dma_start3A_42 = arith.constant 0 : i32
      %dma_start3A_43 = tpu.memref_slice %arg7[%add3A_20, %dma_start3A_42] : memref<10448x16xf32, #tpu.memory_space<vmem_shared>> -> memref<208x16xf32, #tpu.memory_space<vmem_shared>>
      tpu.enqueue_dma source(%arg6 : memref<208x16xf32, #tpu.memory_space<vmem>>) target(%dma_start3A_43 : memref<208x16xf32, #tpu.memory_space<vmem_shared>>) target_semaphore(%run_scoped3A : memref<!tpu.dma_semaphore, #tpu.memory_space<semaphore_mem>>)
      %dma_wait3A = arith.constant 0 : i32
      %dma_wait3A_44 = tpu.memref_slice %arg7[%add3A_20, %dma_wait3A] : memref<10448x16xf32, #tpu.memory_space<vmem_shared>> -> memref<208x16xf32, #tpu.memory_space<vmem_shared>>
      %dma_wait3A_45 = arith.constant 0 : i32
      %dma_wait3A_46 = tpu.memref_slice %arg7[%add3A_20, %dma_wait3A_45] : memref<10448x16xf32, #tpu.memory_space<vmem_shared>> -> memref<208x16xf32, #tpu.memory_space<vmem_shared>>
      tpu.wait_dma2 semaphore(%run_scoped3A : memref<!tpu.dma_semaphore, #tpu.memory_space<semaphore_mem>>) src(%arg6 : memref<208x16xf32, #tpu.memory_space<vmem>>) dst(%dma_wait3A_46 : memref<208x16xf32, #tpu.memory_space<vmem_shared>>)
      tpu.yield
    }) : () -> ()
    %add3A_21 = arith.constant 416 : i32
    %add3A_22 = arith.addi %mul3A_16, %add3A_21 : i32
    "tpu.region"() ({
      %run_scoped3A = tpu.sem_alloc : memref<!tpu.dma_semaphore, #tpu.memory_space<semaphore_mem>>
      %dma_start3A = arith.constant 0 : i32
      %dma_start3A_41 = tpu.memref_slice %arg7[%add3A_22, %dma_start3A] : memref<10448x16xf32, #tpu.memory_space<vmem_shared>> -> memref<208x16xf32, #tpu.memory_space<vmem_shared>>
      %dma_start3A_42 = arith.constant 0 : i32
      %dma_start3A_43 = tpu.memref_slice %arg7[%add3A_22, %dma_start3A_42] : memref<10448x16xf32, #tpu.memory_space<vmem_shared>> -> memref<208x16xf32, #tpu.memory_space<vmem_shared>>
      tpu.enqueue_dma source(%arg6 : memref<208x16xf32, #tpu.memory_space<vmem>>) target(%dma_start3A_43 : memref<208x16xf32, #tpu.memory_space<vmem_shared>>) target_semaphore(%run_scoped3A : memref<!tpu.dma_semaphore, #tpu.memory_space<semaphore_mem>>)
      %dma_wait3A = arith.constant 0 : i32
      %dma_wait3A_44 = tpu.memref_slice %arg7[%add3A_22, %dma_wait3A] : memref<10448x16xf32, #tpu.memory_space<vmem_shared>> -> memref<208x16xf32, #tpu.memory_space<vmem_shared>>
      %dma_wait3A_45 = arith.constant 0 : i32
      %dma_wait3A_46 = tpu.memref_slice %arg7[%add3A_22, %dma_wait3A_45] : memref<10448x16xf32, #tpu.memory_space<vmem_shared>> -> memref<208x16xf32, #tpu.memory_space<vmem_shared>>
      tpu.wait_dma2 semaphore(%run_scoped3A : memref<!tpu.dma_semaphore, #tpu.memory_space<semaphore_mem>>) src(%arg6 : memref<208x16xf32, #tpu.memory_space<vmem>>) dst(%dma_wait3A_46 : memref<208x16xf32, #tpu.memory_space<vmem_shared>>)
      tpu.yield
    }) : () -> ()
    %eq3A = arith.constant 15 : i32
    %eq3A_23 = arith.cmpi eq, %arg1, %eq3A : i32
    %convert_element_type3A = arith.extui %eq3A_23 : i1 to i32
    %cond3A = arith.constant 0 : i32
    %cond3A_24 = arith.cmpi ne, %convert_element_type3A, %cond3A : i32
    scf.if %cond3A_24 {
      "tpu.region"() ({
        %run_scoped3A = tpu.sem_alloc : memref<!tpu.dma_semaphore, #tpu.memory_space<semaphore_mem>>
        %dma_start3A = arith.constant 0 : i32
        %dma_start3A_41 = arith.constant 0 : i32
        %dma_start3A_42 = tpu.memref_slice %arg6[%dma_start3A, %dma_start3A_41] : memref<208x16xf32, #tpu.memory_space<vmem>> -> memref<16x16xf32, #tpu.memory_space<vmem>>
        %dma_start3A_43 = arith.constant 9984 : i32
        %dma_start3A_44 = arith.constant 0 : i32
        %dma_start3A_45 = tpu.memref_slice %arg7[%dma_start3A_43, %dma_start3A_44] : memref<10448x16xf32, #tpu.memory_space<vmem_shared>> -> memref<16x16xf32, #tpu.memory_space<vmem_shared>>
        %dma_start3A_46 = arith.constant 9984 : i32
        %dma_start3A_47 = arith.constant 0 : i32
        %dma_start3A_48 = tpu.memref_slice %arg7[%dma_start3A_46, %dma_start3A_47] : memref<10448x16xf32, #tpu.memory_space<vmem_shared>> -> memref<16x16xf32, #tpu.memory_space<vmem_shared>>
        %dma_start3A_49 = arith.constant 0 : i32
        %dma_start3A_50 = arith.constant 0 : i32
        %dma_start3A_51 = tpu.memref_slice %arg6[%dma_start3A_49, %dma_start3A_50] : memref<208x16xf32, #tpu.memory_space<vmem>> -> memref<16x16xf32, #tpu.memory_space<vmem>>
        tpu.enqueue_dma source(%dma_start3A_51 : memref<16x16xf32, #tpu.memory_space<vmem>>) target(%dma_start3A_48 : memref<16x16xf32, #tpu.memory_space<vmem_shared>>) target_semaphore(%run_scoped3A : memref<!tpu.dma_semaphore, #tpu.memory_space<semaphore_mem>>)
        %dma_wait3A = arith.constant 0 : i32
        %dma_wait3A_52 = arith.constant 0 : i32
        %dma_wait3A_53 = tpu.memref_slice %arg6[%dma_wait3A, %dma_wait3A_52] : memref<208x16xf32, #tpu.memory_space<vmem>> -> memref<16x16xf32, #tpu.memory_space<vmem>>
        %dma_wait3A_54 = arith.constant 9984 : i32
        %dma_wait3A_55 = arith.constant 0 : i32
        %dma_wait3A_56 = tpu.memref_slice %arg7[%dma_wait3A_54, %dma_wait3A_55] : memref<10448x16xf32, #tpu.memory_space<vmem_shared>> -> memref<16x16xf32, #tpu.memory_space<vmem_shared>>
        %dma_wait3A_57 = arith.constant 9984 : i32
        %dma_wait3A_58 = arith.constant 0 : i32
        %dma_wait3A_59 = tpu.memref_slice %arg7[%dma_wait3A_57, %dma_wait3A_58] : memref<10448x16xf32, #tpu.memory_space<vmem_shared>> -> memref<16x16xf32, #tpu.memory_space<vmem_shared>>
        %dma_wait3A_60 = arith.constant 0 : i32
        %dma_wait3A_61 = arith.constant 0 : i32
        %dma_wait3A_62 = tpu.memref_slice %arg6[%dma_wait3A_60, %dma_wait3A_61] : memref<208x16xf32, #tpu.memory_space<vmem>> -> memref<16x16xf32, #tpu.memory_space<vmem>>
        tpu.wait_dma2 semaphore(%run_scoped3A : memref<!tpu.dma_semaphore, #tpu.memory_space<semaphore_mem>>) src(%dma_wait3A_62 : memref<16x16xf32, #tpu.memory_space<vmem>>) dst(%dma_wait3A_59 : memref<16x16xf32, #tpu.memory_space<vmem_shared>>)
        tpu.yield
      }) : () -> ()
    } else {
    }
    %barrier3A = arith.constant 0 : index
    tpu.barrier barrier_id(%barrier3A)
    %mul3A_25 = arith.constant 210 : i32
    %mul3A_26 = arith.muli %add3A, %mul3A_25 : i32
    "tpu.region"() ({
      %run_scoped3A = tpu.sem_alloc : memref<!tpu.dma_semaphore, #tpu.memory_space<semaphore_mem>>
      %dma_start3A = arith.constant 0 : i32
      %dma_start3A_41 = tpu.memref_slice %arg2[%mul3A_26, %dma_start3A] : memref<6720x48xi32, #tpu.memory_space<hbm>> -> memref<210x48xi32, #tpu.memory_space<hbm>>
      %dma_start3A_42 = arith.constant 0 : i32
      %dma_start3A_43 = tpu.memref_slice %arg2[%mul3A_26, %dma_start3A_42] : memref<6720x48xi32, #tpu.memory_space<hbm>> -> memref<210x48xi32, #tpu.memory_space<hbm>>
      tpu.enqueue_dma source(%dma_start3A_43 : memref<210x48xi32, #tpu.memory_space<hbm>>) target(%arg4 : memref<210x48xi32, #tpu.memory_space<vmem>>) target_semaphore(%run_scoped3A : memref<!tpu.dma_semaphore, #tpu.memory_space<semaphore_mem>>)
      %dma_wait3A = arith.constant 0 : i32
      %dma_wait3A_44 = tpu.memref_slice %arg2[%mul3A_26, %dma_wait3A] : memref<6720x48xi32, #tpu.memory_space<hbm>> -> memref<210x48xi32, #tpu.memory_space<hbm>>
      %dma_wait3A_45 = arith.constant 0 : i32
      %dma_wait3A_46 = tpu.memref_slice %arg2[%mul3A_26, %dma_wait3A_45] : memref<6720x48xi32, #tpu.memory_space<hbm>> -> memref<210x48xi32, #tpu.memory_space<hbm>>
      tpu.wait_dma2 semaphore(%run_scoped3A : memref<!tpu.dma_semaphore, #tpu.memory_space<semaphore_mem>>) src(%dma_wait3A_46 : memref<210x48xi32, #tpu.memory_space<hbm>>) dst(%arg4 : memref<210x48xi32, #tpu.memory_space<vmem>>)
      tpu.yield
    }) : () -> ()
    %scan3A_27 = arith.constant 0 : i32
    %scan3A_28 = arith.constant 0 : i32
    %scan3A_29 = arith.constant 210 : i32
    %scan3A_30 = arith.addi %scan3A_28, %scan3A_29 : i32
    %scan3A_31 = arith.constant 1 : i32
    scf.for %scan3A_41 = %scan3A_28 to %scan3A_30 step %scan3A_31  : i32 {
      "tpu.region"() ({
        %run_scoped3A = tpu.sem_alloc : memref<!tpu.dma_semaphore, #tpu.memory_space<semaphore_mem>>
        %dma_start3A = arith.constant 0 : i32
        %dma_start3A_42 = tpu.memref_slice %arg4[%scan3A_41, %dma_start3A] : memref<210x48xi32, #tpu.memory_space<vmem>> -> memref<1x48xi32, #tpu.memory_space<vmem>>
        %dma_start3A_43 = tpu.memref_squeeze %dma_start3A_42 : memref<1x48xi32, #tpu.memory_space<vmem>> -> memref<48xi32, #tpu.memory_space<vmem>>
        %dma_start3A_44 = arith.constant 0 : i32
        %dma_start3A_45 = arith.constant 0 : i32
        %dma_start3A_46 = tpu.memref_slice %arg7[%dma_start3A_44, %dma_start3A_45] : memref<10448x16xf32, #tpu.memory_space<vmem_shared>> -> memref<10448x16xf32, #tpu.memory_space<vmem_shared>>
        tpu.enqueue_indirect_dma source(%arg5 : memref<48x16xf32, #tpu.memory_space<vmem>>) target(%dma_start3A_46 : memref<10448x16xf32, #tpu.memory_space<vmem_shared>>) offsets(%dma_start3A_43 : memref<48xi32, #tpu.memory_space<vmem>>) semaphore(%run_scoped3A : memref<!tpu.dma_semaphore, #tpu.memory_space<semaphore_mem>>) {add = true}
        %dma_wait3A = arith.constant 0 : i32
        %dma_wait3A_47 = tpu.memref_slice %arg4[%scan3A_41, %dma_wait3A] : memref<210x48xi32, #tpu.memory_space<vmem>> -> memref<1x48xi32, #tpu.memory_space<vmem>>
        %dma_wait3A_48 = tpu.memref_squeeze %dma_wait3A_47 : memref<1x48xi32, #tpu.memory_space<vmem>> -> memref<48xi32, #tpu.memory_space<vmem>>
        %dma_wait3A_49 = arith.constant 0 : i32
        %dma_wait3A_50 = arith.constant 0 : i32
        %dma_wait3A_51 = tpu.memref_slice %arg7[%dma_wait3A_49, %dma_wait3A_50] : memref<10448x16xf32, #tpu.memory_space<vmem_shared>> -> memref<10448x16xf32, #tpu.memory_space<vmem_shared>>
        tpu.wait_indirect_dma semaphore(%run_scoped3A : memref<!tpu.dma_semaphore, #tpu.memory_space<semaphore_mem>>) src(%arg5 : memref<48x16xf32, #tpu.memory_space<vmem>>) dst(%dma_wait3A_51 : memref<10448x16xf32, #tpu.memory_space<vmem_shared>>)
        tpu.yield
      }) : () -> ()
    }
    %scan3A_32 = arith.constant 210 : i32
    %barrier3A_33 = arith.constant 0 : index
    tpu.barrier barrier_id(%barrier3A_33)
    %mul3A_34 = arith.constant 624 : i32
    %mul3A_35 = arith.muli %arg1, %mul3A_34 : i32
    "tpu.region"() ({
      %run_scoped3A = tpu.sem_alloc : memref<!tpu.dma_semaphore, #tpu.memory_space<semaphore_mem>>
      %dma_start3A = arith.constant 0 : i32
      %dma_start3A_41 = tpu.memref_slice %arg3[%arg0, %mul3A_35, %dma_start3A] : memref<2x10000x16xf32, #tpu.memory_space<hbm>> -> memref<1x624x16xf32, #tpu.memory_space<hbm>>
      %dma_start3A_42 = tpu.memref_squeeze %dma_start3A_41 : memref<1x624x16xf32, #tpu.memory_space<hbm>> -> memref<624x16xf32, #tpu.memory_space<hbm>>
      %dma_start3A_43 = arith.constant 0 : i32
      %dma_start3A_44 = tpu.memref_slice %arg7[%mul3A_35, %dma_start3A_43] : memref<10448x16xf32, #tpu.memory_space<vmem_shared>> -> memref<624x16xf32, #tpu.memory_space<vmem_shared>>
      tpu.enqueue_dma source(%dma_start3A_44 : memref<624x16xf32, #tpu.memory_space<vmem_shared>>) target(%dma_start3A_42 : memref<624x16xf32, #tpu.memory_space<hbm>>) target_semaphore(%run_scoped3A : memref<!tpu.dma_semaphore, #tpu.memory_space<semaphore_mem>>)
      %dma_wait3A = arith.constant 0 : i32
      %dma_wait3A_45 = tpu.memref_slice %arg3[%arg0, %mul3A_35, %dma_wait3A] : memref<2x10000x16xf32, #tpu.memory_space<hbm>> -> memref<1x624x16xf32, #tpu.memory_space<hbm>>
      %dma_wait3A_46 = tpu.memref_squeeze %dma_wait3A_45 : memref<1x624x16xf32, #tpu.memory_space<hbm>> -> memref<624x16xf32, #tpu.memory_space<hbm>>
      %dma_wait3A_47 = arith.constant 0 : i32
      %dma_wait3A_48 = tpu.memref_slice %arg7[%mul3A_35, %dma_wait3A_47] : memref<10448x16xf32, #tpu.memory_space<vmem_shared>> -> memref<624x16xf32, #tpu.memory_space<vmem_shared>>
      tpu.wait_dma2 semaphore(%run_scoped3A : memref<!tpu.dma_semaphore, #tpu.memory_space<semaphore_mem>>) src(%dma_wait3A_48 : memref<624x16xf32, #tpu.memory_space<vmem_shared>>) dst(%dma_wait3A_46 : memref<624x16xf32, #tpu.memory_space<hbm>>)
      tpu.yield
    }) : () -> ()
    %eq3A_36 = arith.constant 15 : i32
    %eq3A_37 = arith.cmpi eq, %arg1, %eq3A_36 : i32
    %convert_element_type3A_38 = arith.extui %eq3A_37 : i1 to i32
    %cond3A_39 = arith.constant 0 : i32
    %cond3A_40 = arith.cmpi ne, %convert_element_type3A_38, %cond3A_39 : i32
    scf.if %cond3A_40 {
      "tpu.region"() ({
        %run_scoped3A = tpu.sem_alloc : memref<!tpu.dma_semaphore, #tpu.memory_space<semaphore_mem>>
        %dma_start3A = arith.constant 9984 : i32
        %dma_start3A_41 = arith.constant 0 : i32
        %dma_start3A_42 = tpu.memref_slice %arg3[%arg0, %dma_start3A, %dma_start3A_41] : memref<2x10000x16xf32, #tpu.memory_space<hbm>> -> memref<1x16x16xf32, #tpu.memory_space<hbm>>
        %dma_start3A_43 = tpu.memref_squeeze %dma_start3A_42 : memref<1x16x16xf32, #tpu.memory_space<hbm>> -> memref<16x16xf32, #tpu.memory_space<hbm>>
        %dma_start3A_44 = arith.constant 9984 : i32
        %dma_start3A_45 = arith.constant 0 : i32
        %dma_start3A_46 = tpu.memref_slice %arg7[%dma_start3A_44, %dma_start3A_45] : memref<10448x16xf32, #tpu.memory_space<vmem_shared>> -> memref<16x16xf32, #tpu.memory_space<vmem_shared>>
        tpu.enqueue_dma source(%dma_start3A_46 : memref<16x16xf32, #tpu.memory_space<vmem_shared>>) target(%dma_start3A_43 : memref<16x16xf32, #tpu.memory_space<hbm>>) target_semaphore(%run_scoped3A : memref<!tpu.dma_semaphore, #tpu.memory_space<semaphore_mem>>)
        %dma_wait3A = arith.constant 9984 : i32
        %dma_wait3A_47 = arith.constant 0 : i32
        %dma_wait3A_48 = tpu.memref_slice %arg3[%arg0, %dma_wait3A, %dma_wait3A_47] : memref<2x10000x16xf32, #tpu.memory_space<hbm>> -> memref<1x16x16xf32, #tpu.memory_space<hbm>>
        %dma_wait3A_49 = tpu.memref_squeeze %dma_wait3A_48 : memref<1x16x16xf32, #tpu.memory_space<hbm>> -> memref<16x16xf32, #tpu.memory_space<hbm>>
        %dma_wait3A_50 = arith.constant 9984 : i32
        %dma_wait3A_51 = arith.constant 0 : i32
        %dma_wait3A_52 = tpu.memref_slice %arg7[%dma_wait3A_50, %dma_wait3A_51] : memref<10448x16xf32, #tpu.memory_space<vmem_shared>> -> memref<16x16xf32, #tpu.memory_space<vmem_shared>>
        tpu.wait_dma2 semaphore(%run_scoped3A : memref<!tpu.dma_semaphore, #tpu.memory_space<semaphore_mem>>) src(%dma_wait3A_52 : memref<16x16xf32, #tpu.memory_space<vmem_shared>>) dst(%dma_wait3A_49 : memref<16x16xf32, #tpu.memory_space<hbm>>)
        tpu.yield
      }) : () -> ()
    } else {
    }
    return
  }
}

#map = affine_map<(d0, d1) -> (0, 0)>
#map1 = affine_map<(d0, d1) -> (0, 0, 0)>
module attributes {stable_mosaic.version = 14 : i64} {
  func.func @_prop_body(%arg0: i32, %arg1: i32, %arg2: memref<10000x128xf32, #tpu.memory_space<hbm>>, %arg3: memref<6720x48xi32, #tpu.memory_space<hbm>>, %arg4: memref<6720x48xi32, #tpu.memory_space<hbm>>, %arg5: memref<2x10000x128xf32, #tpu.memory_space<hbm>>, %arg6: memref<108x48xi32, #tpu.memory_space<vmem>>, %arg7: memref<108x48xi32, #tpu.memory_space<vmem>>, %arg8: memref<48x128xf32, #tpu.memory_space<vmem>>, %arg9: memref<48x128xf32, #tpu.memory_space<vmem>>, %arg10: memref<48x128xf32, #tpu.memory_space<vmem>>, %arg11: memref<48x128xf32, #tpu.memory_space<vmem>>, %arg12: memref<48x128xf32, #tpu.memory_space<vmem>>, %arg13: memref<48x128xf32, #tpu.memory_space<vmem>>, %arg14: memref<10448x128xf32, #tpu.memory_space<vmem_shared>>, %arg15: memref<!tpu.dma_semaphore, #tpu.memory_space<semaphore_mem>>, %arg16: memref<!tpu.dma_semaphore, #tpu.memory_space<semaphore_mem>>, %arg17: memref<!tpu.dma_semaphore, #tpu.memory_space<semaphore_mem>>, %arg18: memref<!tpu.dma_semaphore, #tpu.memory_space<semaphore_mem>>, %arg19: memref<!tpu.dma_semaphore, #tpu.memory_space<semaphore_mem>>, %arg20: memref<!tpu.dma_semaphore, #tpu.memory_space<semaphore_mem>>, %arg21: memref<!tpu.dma_semaphore, #tpu.memory_space<semaphore_mem>>, %arg22: memref<!tpu.dma_semaphore, #tpu.memory_space<semaphore_mem>>, %arg23: memref<!tpu.dma_semaphore, #tpu.memory_space<semaphore_mem>>, %arg24: memref<!tpu.dma_semaphore, #tpu.memory_space<semaphore_mem>>, %arg25: memref<!tpu.dma_semaphore, #tpu.memory_space<semaphore_mem>>, %arg26: memref<!tpu.dma_semaphore, #tpu.memory_space<semaphore_mem>>) attributes {dimension_semantics = [#tpu.dimension_semantics<core_parallel>, #tpu.dimension_semantics<subcore_parallel>], iteration_bounds = array<i64: 2, 16>, scalar_prefetch = 0 : i64, scratch_operands = 21 : i64, tpu.core_type = #tpu.core_type<sc_vector_subcore>, window_params = [{transform_indices = #map}, {transform_indices = #map}, {transform_indices = #map}, {transform_indices = #map1}]} {
    %mul3A = arith.constant 3360 : i32
    %mul3A_0 = arith.muli %arg0, %mul3A : i32
    %mul3A_1 = arith.constant 210 : i32
    %mul3A_2 = arith.muli %arg1, %mul3A_1 : i32
    %add3A = arith.addi %mul3A_0, %mul3A_2 : i32
    %broadcast_in_dim3A = arith.constant 0.000000e+00 : f32
    %broadcast_in_dim3A_3 = vector.broadcast %broadcast_in_dim3A : f32 to vector<16xf32>
    %scan3A = arith.constant 0 : i32
    %scan3A_4 = arith.constant 0 : i32
    %scan3A_5 = arith.constant 48 : i32
    %scan3A_6 = arith.addi %scan3A_4, %scan3A_5 : i32
    %scan3A_7 = arith.constant 1 : i32
    scf.for %scan3A_571 = %scan3A_4 to %scan3A_6 step %scan3A_7  : i32 {
      %swap3A = arith.index_cast %scan3A_571 : i32 to index
      %swap3A_572 = arith.constant 0 : index
      %swap3A_573 = tpu.vector_load %arg8[%swap3A, %swap3A_572] {strides = array<i32>} : memref<48x128xf32, #tpu.memory_space<vmem>>, vector<1x16xf32>,
      %swap3A_574 = vector.shape_cast %swap3A_573 : vector<1x16xf32> to vector<16xf32>
      %swap3A_575 = vector.shape_cast %broadcast_in_dim3A_3 : vector<16xf32> to vector<1x16xf32>
      tpu.vector_store %arg8[%swap3A, %swap3A_572], %swap3A_575 {strides = array<i32>} : memref<48x128xf32, #tpu.memory_space<vmem>>, vector<1x16xf32>,
      %swap3A_576 = arith.index_cast %scan3A_571 : i32 to index
      %swap3A_577 = arith.constant 16 : index
      %swap3A_578 = tpu.vector_load %arg8[%swap3A_576, %swap3A_577] {strides = array<i32>} : memref<48x128xf32, #tpu.memory_space<vmem>>, vector<1x16xf32>,
      %swap3A_579 = vector.shape_cast %swap3A_578 : vector<1x16xf32> to vector<16xf32>
      %swap3A_580 = vector.shape_cast %broadcast_in_dim3A_3 : vector<16xf32> to vector<1x16xf32>
      tpu.vector_store %arg8[%swap3A_576, %swap3A_577], %swap3A_580 {strides = array<i32>} : memref<48x128xf32, #tpu.memory_space<vmem>>, vector<1x16xf32>,
      %swap3A_581 = arith.index_cast %scan3A_571 : i32 to index
      %swap3A_582 = arith.constant 32 : index
      %swap3A_583 = tpu.vector_load %arg8[%swap3A_581, %swap3A_582] {strides = array<i32>} : memref<48x128xf32, #tpu.memory_space<vmem>>, vector<1x16xf32>,
      %swap3A_584 = vector.shape_cast %swap3A_583 : vector<1x16xf32> to vector<16xf32>
      %swap3A_585 = vector.shape_cast %broadcast_in_dim3A_3 : vector<16xf32> to vector<1x16xf32>
      tpu.vector_store %arg8[%swap3A_581, %swap3A_582], %swap3A_585 {strides = array<i32>} : memref<48x128xf32, #tpu.memory_space<vmem>>, vector<1x16xf32>,
      %swap3A_586 = arith.index_cast %scan3A_571 : i32 to index
      %swap3A_587 = arith.constant 48 : index
      %swap3A_588 = tpu.vector_load %arg8[%swap3A_586, %swap3A_587] {strides = array<i32>} : memref<48x128xf32, #tpu.memory_space<vmem>>, vector<1x16xf32>,
      %swap3A_589 = vector.shape_cast %swap3A_588 : vector<1x16xf32> to vector<16xf32>
      %swap3A_590 = vector.shape_cast %broadcast_in_dim3A_3 : vector<16xf32> to vector<1x16xf32>
      tpu.vector_store %arg8[%swap3A_586, %swap3A_587], %swap3A_590 {strides = array<i32>} : memref<48x128xf32, #tpu.memory_space<vmem>>, vector<1x16xf32>,
      %swap3A_591 = arith.index_cast %scan3A_571 : i32 to index
      %swap3A_592 = arith.constant 64 : index
      %swap3A_593 = tpu.vector_load %arg8[%swap3A_591, %swap3A_592] {strides = array<i32>} : memref<48x128xf32, #tpu.memory_space<vmem>>, vector<1x16xf32>,
      %swap3A_594 = vector.shape_cast %swap3A_593 : vector<1x16xf32> to vector<16xf32>
      %swap3A_595 = vector.shape_cast %broadcast_in_dim3A_3 : vector<16xf32> to vector<1x16xf32>
      tpu.vector_store %arg8[%swap3A_591, %swap3A_592], %swap3A_595 {strides = array<i32>} : memref<48x128xf32, #tpu.memory_space<vmem>>, vector<1x16xf32>,
      %swap3A_596 = arith.index_cast %scan3A_571 : i32 to index
      %swap3A_597 = arith.constant 80 : index
      %swap3A_598 = tpu.vector_load %arg8[%swap3A_596, %swap3A_597] {strides = array<i32>} : memref<48x128xf32, #tpu.memory_space<vmem>>, vector<1x16xf32>,
      %swap3A_599 = vector.shape_cast %swap3A_598 : vector<1x16xf32> to vector<16xf32>
      %swap3A_600 = vector.shape_cast %broadcast_in_dim3A_3 : vector<16xf32> to vector<1x16xf32>
      tpu.vector_store %arg8[%swap3A_596, %swap3A_597], %swap3A_600 {strides = array<i32>} : memref<48x128xf32, #tpu.memory_space<vmem>>, vector<1x16xf32>,
      %swap3A_601 = arith.index_cast %scan3A_571 : i32 to index
      %swap3A_602 = arith.constant 96 : index
      %swap3A_603 = tpu.vector_load %arg8[%swap3A_601, %swap3A_602] {strides = array<i32>} : memref<48x128xf32, #tpu.memory_space<vmem>>, vector<1x16xf32>,
      %swap3A_604 = vector.shape_cast %swap3A_603 : vector<1x16xf32> to vector<16xf32>
      %swap3A_605 = vector.shape_cast %broadcast_in_dim3A_3 : vector<16xf32> to vector<1x16xf32>
      tpu.vector_store %arg8[%swap3A_601, %swap3A_602], %swap3A_605 {strides = array<i32>} : memref<48x128xf32, #tpu.memory_space<vmem>>, vector<1x16xf32>,
      %swap3A_606 = arith.index_cast %scan3A_571 : i32 to index
      %swap3A_607 = arith.constant 112 : index
      %swap3A_608 = tpu.vector_load %arg8[%swap3A_606, %swap3A_607] {strides = array<i32>} : memref<48x128xf32, #tpu.memory_space<vmem>>, vector<1x16xf32>,
      %swap3A_609 = vector.shape_cast %swap3A_608 : vector<1x16xf32> to vector<16xf32>
      %swap3A_610 = vector.shape_cast %broadcast_in_dim3A_3 : vector<16xf32> to vector<1x16xf32>
      tpu.vector_store %arg8[%swap3A_606, %swap3A_607], %swap3A_610 {strides = array<i32>} : memref<48x128xf32, #tpu.memory_space<vmem>>, vector<1x16xf32>,
    }
    %scan3A_8 = arith.constant 48 : i32
    %broadcast_in_dim3A_9 = arith.constant 0.000000e+00 : f32
    %broadcast_in_dim3A_10 = vector.broadcast %broadcast_in_dim3A_9 : f32 to vector<16xf32>
    %scan3A_11 = arith.constant 0 : i32
    %scan3A_12 = arith.constant 0 : i32
    %scan3A_13 = arith.constant 48 : i32
    %scan3A_14 = arith.addi %scan3A_12, %scan3A_13 : i32
    %scan3A_15 = arith.constant 1 : i32
    scf.for %scan3A_571 = %scan3A_12 to %scan3A_14 step %scan3A_15  : i32 {
      %swap3A = arith.index_cast %scan3A_571 : i32 to index
      %swap3A_572 = arith.constant 0 : index
      %swap3A_573 = tpu.vector_load %arg9[%swap3A, %swap3A_572] {strides = array<i32>} : memref<48x128xf32, #tpu.memory_space<vmem>>, vector<1x16xf32>,
      %swap3A_574 = vector.shape_cast %swap3A_573 : vector<1x16xf32> to vector<16xf32>
      %swap3A_575 = vector.shape_cast %broadcast_in_dim3A_10 : vector<16xf32> to vector<1x16xf32>
      tpu.vector_store %arg9[%swap3A, %swap3A_572], %swap3A_575 {strides = array<i32>} : memref<48x128xf32, #tpu.memory_space<vmem>>, vector<1x16xf32>,
      %swap3A_576 = arith.index_cast %scan3A_571 : i32 to index
      %swap3A_577 = arith.constant 16 : index
      %swap3A_578 = tpu.vector_load %arg9[%swap3A_576, %swap3A_577] {strides = array<i32>} : memref<48x128xf32, #tpu.memory_space<vmem>>, vector<1x16xf32>,
      %swap3A_579 = vector.shape_cast %swap3A_578 : vector<1x16xf32> to vector<16xf32>
      %swap3A_580 = vector.shape_cast %broadcast_in_dim3A_10 : vector<16xf32> to vector<1x16xf32>
      tpu.vector_store %arg9[%swap3A_576, %swap3A_577], %swap3A_580 {strides = array<i32>} : memref<48x128xf32, #tpu.memory_space<vmem>>, vector<1x16xf32>,
      %swap3A_581 = arith.index_cast %scan3A_571 : i32 to index
      %swap3A_582 = arith.constant 32 : index
      %swap3A_583 = tpu.vector_load %arg9[%swap3A_581, %swap3A_582] {strides = array<i32>} : memref<48x128xf32, #tpu.memory_space<vmem>>, vector<1x16xf32>,
      %swap3A_584 = vector.shape_cast %swap3A_583 : vector<1x16xf32> to vector<16xf32>
      %swap3A_585 = vector.shape_cast %broadcast_in_dim3A_10 : vector<16xf32> to vector<1x16xf32>
      tpu.vector_store %arg9[%swap3A_581, %swap3A_582], %swap3A_585 {strides = array<i32>} : memref<48x128xf32, #tpu.memory_space<vmem>>, vector<1x16xf32>,
      %swap3A_586 = arith.index_cast %scan3A_571 : i32 to index
      %swap3A_587 = arith.constant 48 : index
      %swap3A_588 = tpu.vector_load %arg9[%swap3A_586, %swap3A_587] {strides = array<i32>} : memref<48x128xf32, #tpu.memory_space<vmem>>, vector<1x16xf32>,
      %swap3A_589 = vector.shape_cast %swap3A_588 : vector<1x16xf32> to vector<16xf32>
      %swap3A_590 = vector.shape_cast %broadcast_in_dim3A_10 : vector<16xf32> to vector<1x16xf32>
      tpu.vector_store %arg9[%swap3A_586, %swap3A_587], %swap3A_590 {strides = array<i32>} : memref<48x128xf32, #tpu.memory_space<vmem>>, vector<1x16xf32>,
      %swap3A_591 = arith.index_cast %scan3A_571 : i32 to index
      %swap3A_592 = arith.constant 64 : index
      %swap3A_593 = tpu.vector_load %arg9[%swap3A_591, %swap3A_592] {strides = array<i32>} : memref<48x128xf32, #tpu.memory_space<vmem>>, vector<1x16xf32>,
      %swap3A_594 = vector.shape_cast %swap3A_593 : vector<1x16xf32> to vector<16xf32>
      %swap3A_595 = vector.shape_cast %broadcast_in_dim3A_10 : vector<16xf32> to vector<1x16xf32>
      tpu.vector_store %arg9[%swap3A_591, %swap3A_592], %swap3A_595 {strides = array<i32>} : memref<48x128xf32, #tpu.memory_space<vmem>>, vector<1x16xf32>,
      %swap3A_596 = arith.index_cast %scan3A_571 : i32 to index
      %swap3A_597 = arith.constant 80 : index
      %swap3A_598 = tpu.vector_load %arg9[%swap3A_596, %swap3A_597] {strides = array<i32>} : memref<48x128xf32, #tpu.memory_space<vmem>>, vector<1x16xf32>,
      %swap3A_599 = vector.shape_cast %swap3A_598 : vector<1x16xf32> to vector<16xf32>
      %swap3A_600 = vector.shape_cast %broadcast_in_dim3A_10 : vector<16xf32> to vector<1x16xf32>
      tpu.vector_store %arg9[%swap3A_596, %swap3A_597], %swap3A_600 {strides = array<i32>} : memref<48x128xf32, #tpu.memory_space<vmem>>, vector<1x16xf32>,
      %swap3A_601 = arith.index_cast %scan3A_571 : i32 to index
      %swap3A_602 = arith.constant 96 : index
      %swap3A_603 = tpu.vector_load %arg9[%swap3A_601, %swap3A_602] {strides = array<i32>} : memref<48x128xf32, #tpu.memory_space<vmem>>, vector<1x16xf32>,
      %swap3A_604 = vector.shape_cast %swap3A_603 : vector<1x16xf32> to vector<16xf32>
      %swap3A_605 = vector.shape_cast %broadcast_in_dim3A_10 : vector<16xf32> to vector<1x16xf32>
      tpu.vector_store %arg9[%swap3A_601, %swap3A_602], %swap3A_605 {strides = array<i32>} : memref<48x128xf32, #tpu.memory_space<vmem>>, vector<1x16xf32>,
      %swap3A_606 = arith.index_cast %scan3A_571 : i32 to index
      %swap3A_607 = arith.constant 112 : index
      %swap3A_608 = tpu.vector_load %arg9[%swap3A_606, %swap3A_607] {strides = array<i32>} : memref<48x128xf32, #tpu.memory_space<vmem>>, vector<1x16xf32>,
      %swap3A_609 = vector.shape_cast %swap3A_608 : vector<1x16xf32> to vector<16xf32>
      %swap3A_610 = vector.shape_cast %broadcast_in_dim3A_10 : vector<16xf32> to vector<1x16xf32>
      tpu.vector_store %arg9[%swap3A_606, %swap3A_607], %swap3A_610 {strides = array<i32>} : memref<48x128xf32, #tpu.memory_space<vmem>>, vector<1x16xf32>,
    }
    %scan3A_16 = arith.constant 48 : i32
    %broadcast_in_dim3A_17 = arith.constant 0.000000e+00 : f32
    %broadcast_in_dim3A_18 = vector.broadcast %broadcast_in_dim3A_17 : f32 to vector<16xf32>
    %scan3A_19 = arith.constant 0 : i32
    %scan3A_20 = arith.constant 0 : i32
    %scan3A_21 = arith.constant 48 : i32
    %scan3A_22 = arith.addi %scan3A_20, %scan3A_21 : i32
    %scan3A_23 = arith.constant 1 : i32
    scf.for %scan3A_571 = %scan3A_20 to %scan3A_22 step %scan3A_23  : i32 {
      %swap3A = arith.index_cast %scan3A_571 : i32 to index
      %swap3A_572 = arith.constant 0 : index
      %swap3A_573 = tpu.vector_load %arg10[%swap3A, %swap3A_572] {strides = array<i32>} : memref<48x128xf32, #tpu.memory_space<vmem>>, vector<1x16xf32>,
      %swap3A_574 = vector.shape_cast %swap3A_573 : vector<1x16xf32> to vector<16xf32>
      %swap3A_575 = vector.shape_cast %broadcast_in_dim3A_18 : vector<16xf32> to vector<1x16xf32>
      tpu.vector_store %arg10[%swap3A, %swap3A_572], %swap3A_575 {strides = array<i32>} : memref<48x128xf32, #tpu.memory_space<vmem>>, vector<1x16xf32>,
      %swap3A_576 = arith.index_cast %scan3A_571 : i32 to index
      %swap3A_577 = arith.constant 16 : index
      %swap3A_578 = tpu.vector_load %arg10[%swap3A_576, %swap3A_577] {strides = array<i32>} : memref<48x128xf32, #tpu.memory_space<vmem>>, vector<1x16xf32>,
      %swap3A_579 = vector.shape_cast %swap3A_578 : vector<1x16xf32> to vector<16xf32>
      %swap3A_580 = vector.shape_cast %broadcast_in_dim3A_18 : vector<16xf32> to vector<1x16xf32>
      tpu.vector_store %arg10[%swap3A_576, %swap3A_577], %swap3A_580 {strides = array<i32>} : memref<48x128xf32, #tpu.memory_space<vmem>>, vector<1x16xf32>,
      %swap3A_581 = arith.index_cast %scan3A_571 : i32 to index
      %swap3A_582 = arith.constant 32 : index
      %swap3A_583 = tpu.vector_load %arg10[%swap3A_581, %swap3A_582] {strides = array<i32>} : memref<48x128xf32, #tpu.memory_space<vmem>>, vector<1x16xf32>,
      %swap3A_584 = vector.shape_cast %swap3A_583 : vector<1x16xf32> to vector<16xf32>
      %swap3A_585 = vector.shape_cast %broadcast_in_dim3A_18 : vector<16xf32> to vector<1x16xf32>
      tpu.vector_store %arg10[%swap3A_581, %swap3A_582], %swap3A_585 {strides = array<i32>} : memref<48x128xf32, #tpu.memory_space<vmem>>, vector<1x16xf32>,
      %swap3A_586 = arith.index_cast %scan3A_571 : i32 to index
      %swap3A_587 = arith.constant 48 : index
      %swap3A_588 = tpu.vector_load %arg10[%swap3A_586, %swap3A_587] {strides = array<i32>} : memref<48x128xf32, #tpu.memory_space<vmem>>, vector<1x16xf32>,
      %swap3A_589 = vector.shape_cast %swap3A_588 : vector<1x16xf32> to vector<16xf32>
      %swap3A_590 = vector.shape_cast %broadcast_in_dim3A_18 : vector<16xf32> to vector<1x16xf32>
      tpu.vector_store %arg10[%swap3A_586, %swap3A_587], %swap3A_590 {strides = array<i32>} : memref<48x128xf32, #tpu.memory_space<vmem>>, vector<1x16xf32>,
      %swap3A_591 = arith.index_cast %scan3A_571 : i32 to index
      %swap3A_592 = arith.constant 64 : index
      %swap3A_593 = tpu.vector_load %arg10[%swap3A_591, %swap3A_592] {strides = array<i32>} : memref<48x128xf32, #tpu.memory_space<vmem>>, vector<1x16xf32>,
      %swap3A_594 = vector.shape_cast %swap3A_593 : vector<1x16xf32> to vector<16xf32>
      %swap3A_595 = vector.shape_cast %broadcast_in_dim3A_18 : vector<16xf32> to vector<1x16xf32>
      tpu.vector_store %arg10[%swap3A_591, %swap3A_592], %swap3A_595 {strides = array<i32>} : memref<48x128xf32, #tpu.memory_space<vmem>>, vector<1x16xf32>,
      %swap3A_596 = arith.index_cast %scan3A_571 : i32 to index
      %swap3A_597 = arith.constant 80 : index
      %swap3A_598 = tpu.vector_load %arg10[%swap3A_596, %swap3A_597] {strides = array<i32>} : memref<48x128xf32, #tpu.memory_space<vmem>>, vector<1x16xf32>,
      %swap3A_599 = vector.shape_cast %swap3A_598 : vector<1x16xf32> to vector<16xf32>
      %swap3A_600 = vector.shape_cast %broadcast_in_dim3A_18 : vector<16xf32> to vector<1x16xf32>
      tpu.vector_store %arg10[%swap3A_596, %swap3A_597], %swap3A_600 {strides = array<i32>} : memref<48x128xf32, #tpu.memory_space<vmem>>, vector<1x16xf32>,
      %swap3A_601 = arith.index_cast %scan3A_571 : i32 to index
      %swap3A_602 = arith.constant 96 : index
      %swap3A_603 = tpu.vector_load %arg10[%swap3A_601, %swap3A_602] {strides = array<i32>} : memref<48x128xf32, #tpu.memory_space<vmem>>, vector<1x16xf32>,
      %swap3A_604 = vector.shape_cast %swap3A_603 : vector<1x16xf32> to vector<16xf32>
      %swap3A_605 = vector.shape_cast %broadcast_in_dim3A_18 : vector<16xf32> to vector<1x16xf32>
      tpu.vector_store %arg10[%swap3A_601, %swap3A_602], %swap3A_605 {strides = array<i32>} : memref<48x128xf32, #tpu.memory_space<vmem>>, vector<1x16xf32>,
      %swap3A_606 = arith.index_cast %scan3A_571 : i32 to index
      %swap3A_607 = arith.constant 112 : index
      %swap3A_608 = tpu.vector_load %arg10[%swap3A_606, %swap3A_607] {strides = array<i32>} : memref<48x128xf32, #tpu.memory_space<vmem>>, vector<1x16xf32>,
      %swap3A_609 = vector.shape_cast %swap3A_608 : vector<1x16xf32> to vector<16xf32>
      %swap3A_610 = vector.shape_cast %broadcast_in_dim3A_18 : vector<16xf32> to vector<1x16xf32>
      tpu.vector_store %arg10[%swap3A_606, %swap3A_607], %swap3A_610 {strides = array<i32>} : memref<48x128xf32, #tpu.memory_space<vmem>>, vector<1x16xf32>,
    }
    %scan3A_24 = arith.constant 48 : i32
    %broadcast_in_dim3A_25 = arith.constant 0.000000e+00 : f32
    %broadcast_in_dim3A_26 = vector.broadcast %broadcast_in_dim3A_25 : f32 to vector<16xf32>
    %scan3A_27 = arith.constant 0 : i32
    %scan3A_28 = arith.constant 0 : i32
    %scan3A_29 = arith.constant 48 : i32
    %scan3A_30 = arith.addi %scan3A_28, %scan3A_29 : i32
    %scan3A_31 = arith.constant 1 : i32
    scf.for %scan3A_571 = %scan3A_28 to %scan3A_30 step %scan3A_31  : i32 {
      %swap3A = arith.index_cast %scan3A_571 : i32 to index
      %swap3A_572 = arith.constant 0 : index
      %swap3A_573 = tpu.vector_load %arg11[%swap3A, %swap3A_572] {strides = array<i32>} : memref<48x128xf32, #tpu.memory_space<vmem>>, vector<1x16xf32>,
      %swap3A_574 = vector.shape_cast %swap3A_573 : vector<1x16xf32> to vector<16xf32>
      %swap3A_575 = vector.shape_cast %broadcast_in_dim3A_26 : vector<16xf32> to vector<1x16xf32>
      tpu.vector_store %arg11[%swap3A, %swap3A_572], %swap3A_575 {strides = array<i32>} : memref<48x128xf32, #tpu.memory_space<vmem>>, vector<1x16xf32>,
      %swap3A_576 = arith.index_cast %scan3A_571 : i32 to index
      %swap3A_577 = arith.constant 16 : index
      %swap3A_578 = tpu.vector_load %arg11[%swap3A_576, %swap3A_577] {strides = array<i32>} : memref<48x128xf32, #tpu.memory_space<vmem>>, vector<1x16xf32>,
      %swap3A_579 = vector.shape_cast %swap3A_578 : vector<1x16xf32> to vector<16xf32>
      %swap3A_580 = vector.shape_cast %broadcast_in_dim3A_26 : vector<16xf32> to vector<1x16xf32>
      tpu.vector_store %arg11[%swap3A_576, %swap3A_577], %swap3A_580 {strides = array<i32>} : memref<48x128xf32, #tpu.memory_space<vmem>>, vector<1x16xf32>,
      %swap3A_581 = arith.index_cast %scan3A_571 : i32 to index
      %swap3A_582 = arith.constant 32 : index
      %swap3A_583 = tpu.vector_load %arg11[%swap3A_581, %swap3A_582] {strides = array<i32>} : memref<48x128xf32, #tpu.memory_space<vmem>>, vector<1x16xf32>,
      %swap3A_584 = vector.shape_cast %swap3A_583 : vector<1x16xf32> to vector<16xf32>
      %swap3A_585 = vector.shape_cast %broadcast_in_dim3A_26 : vector<16xf32> to vector<1x16xf32>
      tpu.vector_store %arg11[%swap3A_581, %swap3A_582], %swap3A_585 {strides = array<i32>} : memref<48x128xf32, #tpu.memory_space<vmem>>, vector<1x16xf32>,
      %swap3A_586 = arith.index_cast %scan3A_571 : i32 to index
      %swap3A_587 = arith.constant 48 : index
      %swap3A_588 = tpu.vector_load %arg11[%swap3A_586, %swap3A_587] {strides = array<i32>} : memref<48x128xf32, #tpu.memory_space<vmem>>, vector<1x16xf32>,
      %swap3A_589 = vector.shape_cast %swap3A_588 : vector<1x16xf32> to vector<16xf32>
      %swap3A_590 = vector.shape_cast %broadcast_in_dim3A_26 : vector<16xf32> to vector<1x16xf32>
      tpu.vector_store %arg11[%swap3A_586, %swap3A_587], %swap3A_590 {strides = array<i32>} : memref<48x128xf32, #tpu.memory_space<vmem>>, vector<1x16xf32>,
      %swap3A_591 = arith.index_cast %scan3A_571 : i32 to index
      %swap3A_592 = arith.constant 64 : index
      %swap3A_593 = tpu.vector_load %arg11[%swap3A_591, %swap3A_592] {strides = array<i32>} : memref<48x128xf32, #tpu.memory_space<vmem>>, vector<1x16xf32>,
      %swap3A_594 = vector.shape_cast %swap3A_593 : vector<1x16xf32> to vector<16xf32>
      %swap3A_595 = vector.shape_cast %broadcast_in_dim3A_26 : vector<16xf32> to vector<1x16xf32>
      tpu.vector_store %arg11[%swap3A_591, %swap3A_592], %swap3A_595 {strides = array<i32>} : memref<48x128xf32, #tpu.memory_space<vmem>>, vector<1x16xf32>,
      %swap3A_596 = arith.index_cast %scan3A_571 : i32 to index
      %swap3A_597 = arith.constant 80 : index
      %swap3A_598 = tpu.vector_load %arg11[%swap3A_596, %swap3A_597] {strides = array<i32>} : memref<48x128xf32, #tpu.memory_space<vmem>>, vector<1x16xf32>,
      %swap3A_599 = vector.shape_cast %swap3A_598 : vector<1x16xf32> to vector<16xf32>
      %swap3A_600 = vector.shape_cast %broadcast_in_dim3A_26 : vector<16xf32> to vector<1x16xf32>
      tpu.vector_store %arg11[%swap3A_596, %swap3A_597], %swap3A_600 {strides = array<i32>} : memref<48x128xf32, #tpu.memory_space<vmem>>, vector<1x16xf32>,
      %swap3A_601 = arith.index_cast %scan3A_571 : i32 to index
      %swap3A_602 = arith.constant 96 : index
      %swap3A_603 = tpu.vector_load %arg11[%swap3A_601, %swap3A_602] {strides = array<i32>} : memref<48x128xf32, #tpu.memory_space<vmem>>, vector<1x16xf32>,
      %swap3A_604 = vector.shape_cast %swap3A_603 : vector<1x16xf32> to vector<16xf32>
      %swap3A_605 = vector.shape_cast %broadcast_in_dim3A_26 : vector<16xf32> to vector<1x16xf32>
      tpu.vector_store %arg11[%swap3A_601, %swap3A_602], %swap3A_605 {strides = array<i32>} : memref<48x128xf32, #tpu.memory_space<vmem>>, vector<1x16xf32>,
      %swap3A_606 = arith.index_cast %scan3A_571 : i32 to index
      %swap3A_607 = arith.constant 112 : index
      %swap3A_608 = tpu.vector_load %arg11[%swap3A_606, %swap3A_607] {strides = array<i32>} : memref<48x128xf32, #tpu.memory_space<vmem>>, vector<1x16xf32>,
      %swap3A_609 = vector.shape_cast %swap3A_608 : vector<1x16xf32> to vector<16xf32>
      %swap3A_610 = vector.shape_cast %broadcast_in_dim3A_26 : vector<16xf32> to vector<1x16xf32>
      tpu.vector_store %arg11[%swap3A_606, %swap3A_607], %swap3A_610 {strides = array<i32>} : memref<48x128xf32, #tpu.memory_space<vmem>>, vector<1x16xf32>,
    }
    %scan3A_32 = arith.constant 48 : i32
    %broadcast_in_dim3A_33 = arith.constant 0.000000e+00 : f32
    %broadcast_in_dim3A_34 = vector.broadcast %broadcast_in_dim3A_33 : f32 to vector<16xf32>
    %scan3A_35 = arith.constant 0 : i32
    %scan3A_36 = arith.constant 0 : i32
    %scan3A_37 = arith.constant 48 : i32
    %scan3A_38 = arith.addi %scan3A_36, %scan3A_37 : i32
    %scan3A_39 = arith.constant 1 : i32
    scf.for %scan3A_571 = %scan3A_36 to %scan3A_38 step %scan3A_39  : i32 {
      %swap3A = arith.index_cast %scan3A_571 : i32 to index
      %swap3A_572 = arith.constant 0 : index
      %swap3A_573 = tpu.vector_load %arg12[%swap3A, %swap3A_572] {strides = array<i32>} : memref<48x128xf32, #tpu.memory_space<vmem>>, vector<1x16xf32>,
      %swap3A_574 = vector.shape_cast %swap3A_573 : vector<1x16xf32> to vector<16xf32>
      %swap3A_575 = vector.shape_cast %broadcast_in_dim3A_34 : vector<16xf32> to vector<1x16xf32>
      tpu.vector_store %arg12[%swap3A, %swap3A_572], %swap3A_575 {strides = array<i32>} : memref<48x128xf32, #tpu.memory_space<vmem>>, vector<1x16xf32>,
      %swap3A_576 = arith.index_cast %scan3A_571 : i32 to index
      %swap3A_577 = arith.constant 16 : index
      %swap3A_578 = tpu.vector_load %arg12[%swap3A_576, %swap3A_577] {strides = array<i32>} : memref<48x128xf32, #tpu.memory_space<vmem>>, vector<1x16xf32>,
      %swap3A_579 = vector.shape_cast %swap3A_578 : vector<1x16xf32> to vector<16xf32>
      %swap3A_580 = vector.shape_cast %broadcast_in_dim3A_34 : vector<16xf32> to vector<1x16xf32>
      tpu.vector_store %arg12[%swap3A_576, %swap3A_577], %swap3A_580 {strides = array<i32>} : memref<48x128xf32, #tpu.memory_space<vmem>>, vector<1x16xf32>,
      %swap3A_581 = arith.index_cast %scan3A_571 : i32 to index
      %swap3A_582 = arith.constant 32 : index
      %swap3A_583 = tpu.vector_load %arg12[%swap3A_581, %swap3A_582] {strides = array<i32>} : memref<48x128xf32, #tpu.memory_space<vmem>>, vector<1x16xf32>,
      %swap3A_584 = vector.shape_cast %swap3A_583 : vector<1x16xf32> to vector<16xf32>
      %swap3A_585 = vector.shape_cast %broadcast_in_dim3A_34 : vector<16xf32> to vector<1x16xf32>
      tpu.vector_store %arg12[%swap3A_581, %swap3A_582], %swap3A_585 {strides = array<i32>} : memref<48x128xf32, #tpu.memory_space<vmem>>, vector<1x16xf32>,
      %swap3A_586 = arith.index_cast %scan3A_571 : i32 to index
      %swap3A_587 = arith.constant 48 : index
      %swap3A_588 = tpu.vector_load %arg12[%swap3A_586, %swap3A_587] {strides = array<i32>} : memref<48x128xf32, #tpu.memory_space<vmem>>, vector<1x16xf32>,
      %swap3A_589 = vector.shape_cast %swap3A_588 : vector<1x16xf32> to vector<16xf32>
      %swap3A_590 = vector.shape_cast %broadcast_in_dim3A_34 : vector<16xf32> to vector<1x16xf32>
      tpu.vector_store %arg12[%swap3A_586, %swap3A_587], %swap3A_590 {strides = array<i32>} : memref<48x128xf32, #tpu.memory_space<vmem>>, vector<1x16xf32>,
      %swap3A_591 = arith.index_cast %scan3A_571 : i32 to index
      %swap3A_592 = arith.constant 64 : index
      %swap3A_593 = tpu.vector_load %arg12[%swap3A_591, %swap3A_592] {strides = array<i32>} : memref<48x128xf32, #tpu.memory_space<vmem>>, vector<1x16xf32>,
      %swap3A_594 = vector.shape_cast %swap3A_593 : vector<1x16xf32> to vector<16xf32>
      %swap3A_595 = vector.shape_cast %broadcast_in_dim3A_34 : vector<16xf32> to vector<1x16xf32>
      tpu.vector_store %arg12[%swap3A_591, %swap3A_592], %swap3A_595 {strides = array<i32>} : memref<48x128xf32, #tpu.memory_space<vmem>>, vector<1x16xf32>,
      %swap3A_596 = arith.index_cast %scan3A_571 : i32 to index
      %swap3A_597 = arith.constant 80 : index
      %swap3A_598 = tpu.vector_load %arg12[%swap3A_596, %swap3A_597] {strides = array<i32>} : memref<48x128xf32, #tpu.memory_space<vmem>>, vector<1x16xf32>,
      %swap3A_599 = vector.shape_cast %swap3A_598 : vector<1x16xf32> to vector<16xf32>
      %swap3A_600 = vector.shape_cast %broadcast_in_dim3A_34 : vector<16xf32> to vector<1x16xf32>
      tpu.vector_store %arg12[%swap3A_596, %swap3A_597], %swap3A_600 {strides = array<i32>} : memref<48x128xf32, #tpu.memory_space<vmem>>, vector<1x16xf32>,
      %swap3A_601 = arith.index_cast %scan3A_571 : i32 to index
      %swap3A_602 = arith.constant 96 : index
      %swap3A_603 = tpu.vector_load %arg12[%swap3A_601, %swap3A_602] {strides = array<i32>} : memref<48x128xf32, #tpu.memory_space<vmem>>, vector<1x16xf32>,
      %swap3A_604 = vector.shape_cast %swap3A_603 : vector<1x16xf32> to vector<16xf32>
      %swap3A_605 = vector.shape_cast %broadcast_in_dim3A_34 : vector<16xf32> to vector<1x16xf32>
      tpu.vector_store %arg12[%swap3A_601, %swap3A_602], %swap3A_605 {strides = array<i32>} : memref<48x128xf32, #tpu.memory_space<vmem>>, vector<1x16xf32>,
      %swap3A_606 = arith.index_cast %scan3A_571 : i32 to index
      %swap3A_607 = arith.constant 112 : index
      %swap3A_608 = tpu.vector_load %arg12[%swap3A_606, %swap3A_607] {strides = array<i32>} : memref<48x128xf32, #tpu.memory_space<vmem>>, vector<1x16xf32>,
      %swap3A_609 = vector.shape_cast %swap3A_608 : vector<1x16xf32> to vector<16xf32>
      %swap3A_610 = vector.shape_cast %broadcast_in_dim3A_34 : vector<16xf32> to vector<1x16xf32>
      tpu.vector_store %arg12[%swap3A_606, %swap3A_607], %swap3A_610 {strides = array<i32>} : memref<48x128xf32, #tpu.memory_space<vmem>>, vector<1x16xf32>,
    }
    %scan3A_40 = arith.constant 48 : i32
    %broadcast_in_dim3A_41 = arith.constant 0.000000e+00 : f32
    %broadcast_in_dim3A_42 = vector.broadcast %broadcast_in_dim3A_41 : f32 to vector<16xf32>
    %scan3A_43 = arith.constant 0 : i32
    %scan3A_44 = arith.constant 0 : i32
    %scan3A_45 = arith.constant 48 : i32
    %scan3A_46 = arith.addi %scan3A_44, %scan3A_45 : i32
    %scan3A_47 = arith.constant 1 : i32
    scf.for %scan3A_571 = %scan3A_44 to %scan3A_46 step %scan3A_47  : i32 {
      %swap3A = arith.index_cast %scan3A_571 : i32 to index
      %swap3A_572 = arith.constant 0 : index
      %swap3A_573 = tpu.vector_load %arg13[%swap3A, %swap3A_572] {strides = array<i32>} : memref<48x128xf32, #tpu.memory_space<vmem>>, vector<1x16xf32>,
      %swap3A_574 = vector.shape_cast %swap3A_573 : vector<1x16xf32> to vector<16xf32>
      %swap3A_575 = vector.shape_cast %broadcast_in_dim3A_42 : vector<16xf32> to vector<1x16xf32>
      tpu.vector_store %arg13[%swap3A, %swap3A_572], %swap3A_575 {strides = array<i32>} : memref<48x128xf32, #tpu.memory_space<vmem>>, vector<1x16xf32>,
      %swap3A_576 = arith.index_cast %scan3A_571 : i32 to index
      %swap3A_577 = arith.constant 16 : index
      %swap3A_578 = tpu.vector_load %arg13[%swap3A_576, %swap3A_577] {strides = array<i32>} : memref<48x128xf32, #tpu.memory_space<vmem>>, vector<1x16xf32>,
      %swap3A_579 = vector.shape_cast %swap3A_578 : vector<1x16xf32> to vector<16xf32>
      %swap3A_580 = vector.shape_cast %broadcast_in_dim3A_42 : vector<16xf32> to vector<1x16xf32>
      tpu.vector_store %arg13[%swap3A_576, %swap3A_577], %swap3A_580 {strides = array<i32>} : memref<48x128xf32, #tpu.memory_space<vmem>>, vector<1x16xf32>,
      %swap3A_581 = arith.index_cast %scan3A_571 : i32 to index
      %swap3A_582 = arith.constant 32 : index
      %swap3A_583 = tpu.vector_load %arg13[%swap3A_581, %swap3A_582] {strides = array<i32>} : memref<48x128xf32, #tpu.memory_space<vmem>>, vector<1x16xf32>,
      %swap3A_584 = vector.shape_cast %swap3A_583 : vector<1x16xf32> to vector<16xf32>
      %swap3A_585 = vector.shape_cast %broadcast_in_dim3A_42 : vector<16xf32> to vector<1x16xf32>
      tpu.vector_store %arg13[%swap3A_581, %swap3A_582], %swap3A_585 {strides = array<i32>} : memref<48x128xf32, #tpu.memory_space<vmem>>, vector<1x16xf32>,
      %swap3A_586 = arith.index_cast %scan3A_571 : i32 to index
      %swap3A_587 = arith.constant 48 : index
      %swap3A_588 = tpu.vector_load %arg13[%swap3A_586, %swap3A_587] {strides = array<i32>} : memref<48x128xf32, #tpu.memory_space<vmem>>, vector<1x16xf32>,
      %swap3A_589 = vector.shape_cast %swap3A_588 : vector<1x16xf32> to vector<16xf32>
      %swap3A_590 = vector.shape_cast %broadcast_in_dim3A_42 : vector<16xf32> to vector<1x16xf32>
      tpu.vector_store %arg13[%swap3A_586, %swap3A_587], %swap3A_590 {strides = array<i32>} : memref<48x128xf32, #tpu.memory_space<vmem>>, vector<1x16xf32>,
      %swap3A_591 = arith.index_cast %scan3A_571 : i32 to index
      %swap3A_592 = arith.constant 64 : index
      %swap3A_593 = tpu.vector_load %arg13[%swap3A_591, %swap3A_592] {strides = array<i32>} : memref<48x128xf32, #tpu.memory_space<vmem>>, vector<1x16xf32>,
      %swap3A_594 = vector.shape_cast %swap3A_593 : vector<1x16xf32> to vector<16xf32>
      %swap3A_595 = vector.shape_cast %broadcast_in_dim3A_42 : vector<16xf32> to vector<1x16xf32>
      tpu.vector_store %arg13[%swap3A_591, %swap3A_592], %swap3A_595 {strides = array<i32>} : memref<48x128xf32, #tpu.memory_space<vmem>>, vector<1x16xf32>,
      %swap3A_596 = arith.index_cast %scan3A_571 : i32 to index
      %swap3A_597 = arith.constant 80 : index
      %swap3A_598 = tpu.vector_load %arg13[%swap3A_596, %swap3A_597] {strides = array<i32>} : memref<48x128xf32, #tpu.memory_space<vmem>>, vector<1x16xf32>,
      %swap3A_599 = vector.shape_cast %swap3A_598 : vector<1x16xf32> to vector<16xf32>
      %swap3A_600 = vector.shape_cast %broadcast_in_dim3A_42 : vector<16xf32> to vector<1x16xf32>
      tpu.vector_store %arg13[%swap3A_596, %swap3A_597], %swap3A_600 {strides = array<i32>} : memref<48x128xf32, #tpu.memory_space<vmem>>, vector<1x16xf32>,
      %swap3A_601 = arith.index_cast %scan3A_571 : i32 to index
      %swap3A_602 = arith.constant 96 : index
      %swap3A_603 = tpu.vector_load %arg13[%swap3A_601, %swap3A_602] {strides = array<i32>} : memref<48x128xf32, #tpu.memory_space<vmem>>, vector<1x16xf32>,
      %swap3A_604 = vector.shape_cast %swap3A_603 : vector<1x16xf32> to vector<16xf32>
      %swap3A_605 = vector.shape_cast %broadcast_in_dim3A_42 : vector<16xf32> to vector<1x16xf32>
      tpu.vector_store %arg13[%swap3A_601, %swap3A_602], %swap3A_605 {strides = array<i32>} : memref<48x128xf32, #tpu.memory_space<vmem>>, vector<1x16xf32>,
      %swap3A_606 = arith.index_cast %scan3A_571 : i32 to index
      %swap3A_607 = arith.constant 112 : index
      %swap3A_608 = tpu.vector_load %arg13[%swap3A_606, %swap3A_607] {strides = array<i32>} : memref<48x128xf32, #tpu.memory_space<vmem>>, vector<1x16xf32>,
      %swap3A_609 = vector.shape_cast %swap3A_608 : vector<1x16xf32> to vector<16xf32>
      %swap3A_610 = vector.shape_cast %broadcast_in_dim3A_42 : vector<16xf32> to vector<1x16xf32>
      tpu.vector_store %arg13[%swap3A_606, %swap3A_607], %swap3A_610 {strides = array<i32>} : memref<48x128xf32, #tpu.memory_space<vmem>>, vector<1x16xf32>,
    }
    %scan3A_48 = arith.constant 48 : i32
    %mul3A_49 = arith.constant 624 : i32
    %mul3A_50 = arith.muli %arg1, %mul3A_49 : i32
    %add3A_51 = arith.constant 0 : i32
    %add3A_52 = arith.addi %mul3A_50, %add3A_51 : i32
    %dma_start3A = arith.constant 0 : i32
    %dma_start3A_53 = tpu.memref_slice %arg14[%add3A_52, %dma_start3A] : memref<10448x128xf32, #tpu.memory_space<vmem_shared>> -> memref<48x128xf32, #tpu.memory_space<vmem_shared>>
    %dma_start3A_54 = arith.constant 0 : i32
    %dma_start3A_55 = tpu.memref_slice %arg14[%add3A_52, %dma_start3A_54] : memref<10448x128xf32, #tpu.memory_space<vmem_shared>> -> memref<48x128xf32, #tpu.memory_space<vmem_shared>>
    tpu.enqueue_dma source(%arg8 : memref<48x128xf32, #tpu.memory_space<vmem>>) target(%dma_start3A_55 : memref<48x128xf32, #tpu.memory_space<vmem_shared>>) target_semaphore(%arg15 : memref<!tpu.dma_semaphore, #tpu.memory_space<semaphore_mem>>)
    %add3A_56 = arith.constant 48 : i32
    %add3A_57 = arith.addi %mul3A_50, %add3A_56 : i32
    %dma_start3A_58 = arith.constant 0 : i32
    %dma_start3A_59 = tpu.memref_slice %arg14[%add3A_57, %dma_start3A_58] : memref<10448x128xf32, #tpu.memory_space<vmem_shared>> -> memref<48x128xf32, #tpu.memory_space<vmem_shared>>
    %dma_start3A_60 = arith.constant 0 : i32
    %dma_start3A_61 = tpu.memref_slice %arg14[%add3A_57, %dma_start3A_60] : memref<10448x128xf32, #tpu.memory_space<vmem_shared>> -> memref<48x128xf32, #tpu.memory_space<vmem_shared>>
    tpu.enqueue_dma source(%arg9 : memref<48x128xf32, #tpu.memory_space<vmem>>) target(%dma_start3A_61 : memref<48x128xf32, #tpu.memory_space<vmem_shared>>) target_semaphore(%arg16 : memref<!tpu.dma_semaphore, #tpu.memory_space<semaphore_mem>>)
    %add3A_62 = arith.constant 96 : i32
    %add3A_63 = arith.addi %mul3A_50, %add3A_62 : i32
    %dma_start3A_64 = arith.constant 0 : i32
    %dma_start3A_65 = tpu.memref_slice %arg14[%add3A_63, %dma_start3A_64] : memref<10448x128xf32, #tpu.memory_space<vmem_shared>> -> memref<48x128xf32, #tpu.memory_space<vmem_shared>>
    %dma_start3A_66 = arith.constant 0 : i32
    %dma_start3A_67 = tpu.memref_slice %arg14[%add3A_63, %dma_start3A_66] : memref<10448x128xf32, #tpu.memory_space<vmem_shared>> -> memref<48x128xf32, #tpu.memory_space<vmem_shared>>
    tpu.enqueue_dma source(%arg10 : memref<48x128xf32, #tpu.memory_space<vmem>>) target(%dma_start3A_67 : memref<48x128xf32, #tpu.memory_space<vmem_shared>>) target_semaphore(%arg17 : memref<!tpu.dma_semaphore, #tpu.memory_space<semaphore_mem>>)
    %add3A_68 = arith.constant 144 : i32
    %add3A_69 = arith.addi %mul3A_50, %add3A_68 : i32
    %dma_start3A_70 = arith.constant 0 : i32
    %dma_start3A_71 = tpu.memref_slice %arg14[%add3A_69, %dma_start3A_70] : memref<10448x128xf32, #tpu.memory_space<vmem_shared>> -> memref<48x128xf32, #tpu.memory_space<vmem_shared>>
    %dma_start3A_72 = arith.constant 0 : i32
    %dma_start3A_73 = tpu.memref_slice %arg14[%add3A_69, %dma_start3A_72] : memref<10448x128xf32, #tpu.memory_space<vmem_shared>> -> memref<48x128xf32, #tpu.memory_space<vmem_shared>>
    tpu.enqueue_dma source(%arg11 : memref<48x128xf32, #tpu.memory_space<vmem>>) target(%dma_start3A_73 : memref<48x128xf32, #tpu.memory_space<vmem_shared>>) target_semaphore(%arg18 : memref<!tpu.dma_semaphore, #tpu.memory_space<semaphore_mem>>)
    %add3A_74 = arith.constant 192 : i32
    %add3A_75 = arith.addi %mul3A_50, %add3A_74 : i32
    %dma_start3A_76 = arith.constant 0 : i32
    %dma_start3A_77 = tpu.memref_slice %arg14[%add3A_75, %dma_start3A_76] : memref<10448x128xf32, #tpu.memory_space<vmem_shared>> -> memref<48x128xf32, #tpu.memory_space<vmem_shared>>
    %dma_start3A_78 = arith.constant 0 : i32
    %dma_start3A_79 = tpu.memref_slice %arg14[%add3A_75, %dma_start3A_78] : memref<10448x128xf32, #tpu.memory_space<vmem_shared>> -> memref<48x128xf32, #tpu.memory_space<vmem_shared>>
    tpu.enqueue_dma source(%arg12 : memref<48x128xf32, #tpu.memory_space<vmem>>) target(%dma_start3A_79 : memref<48x128xf32, #tpu.memory_space<vmem_shared>>) target_semaphore(%arg19 : memref<!tpu.dma_semaphore, #tpu.memory_space<semaphore_mem>>)
    %add3A_80 = arith.constant 240 : i32
    %add3A_81 = arith.addi %mul3A_50, %add3A_80 : i32
    %dma_start3A_82 = arith.constant 0 : i32
    %dma_start3A_83 = tpu.memref_slice %arg14[%add3A_81, %dma_start3A_82] : memref<10448x128xf32, #tpu.memory_space<vmem_shared>> -> memref<48x128xf32, #tpu.memory_space<vmem_shared>>
    %dma_start3A_84 = arith.constant 0 : i32
    %dma_start3A_85 = tpu.memref_slice %arg14[%add3A_81, %dma_start3A_84] : memref<10448x128xf32, #tpu.memory_space<vmem_shared>> -> memref<48x128xf32, #tpu.memory_space<vmem_shared>>
    tpu.enqueue_dma source(%arg13 : memref<48x128xf32, #tpu.memory_space<vmem>>) target(%dma_start3A_85 : memref<48x128xf32, #tpu.memory_space<vmem_shared>>) target_semaphore(%arg20 : memref<!tpu.dma_semaphore, #tpu.memory_space<semaphore_mem>>)
    %add3A_86 = arith.constant 288 : i32
    %add3A_87 = arith.addi %mul3A_50, %add3A_86 : i32
    %dma_start3A_88 = arith.constant 0 : i32
    %dma_start3A_89 = tpu.memref_slice %arg14[%add3A_87, %dma_start3A_88] : memref<10448x128xf32, #tpu.memory_space<vmem_shared>> -> memref<48x128xf32, #tpu.memory_space<vmem_shared>>
    %dma_start3A_90 = arith.constant 0 : i32
    %dma_start3A_91 = tpu.memref_slice %arg14[%add3A_87, %dma_start3A_90] : memref<10448x128xf32, #tpu.memory_space<vmem_shared>> -> memref<48x128xf32, #tpu.memory_space<vmem_shared>>
    tpu.enqueue_dma source(%arg8 : memref<48x128xf32, #tpu.memory_space<vmem>>) target(%dma_start3A_91 : memref<48x128xf32, #tpu.memory_space<vmem_shared>>) target_semaphore(%arg15 : memref<!tpu.dma_semaphore, #tpu.memory_space<semaphore_mem>>)
    %add3A_92 = arith.constant 336 : i32
    %add3A_93 = arith.addi %mul3A_50, %add3A_92 : i32
    %dma_start3A_94 = arith.constant 0 : i32
    %dma_start3A_95 = tpu.memref_slice %arg14[%add3A_93, %dma_start3A_94] : memref<10448x128xf32, #tpu.memory_space<vmem_shared>> -> memref<48x128xf32, #tpu.memory_space<vmem_shared>>
    %dma_start3A_96 = arith.constant 0 : i32
    %dma_start3A_97 = tpu.memref_slice %arg14[%add3A_93, %dma_start3A_96] : memref<10448x128xf32, #tpu.memory_space<vmem_shared>> -> memref<48x128xf32, #tpu.memory_space<vmem_shared>>
    tpu.enqueue_dma source(%arg9 : memref<48x128xf32, #tpu.memory_space<vmem>>) target(%dma_start3A_97 : memref<48x128xf32, #tpu.memory_space<vmem_shared>>) target_semaphore(%arg16 : memref<!tpu.dma_semaphore, #tpu.memory_space<semaphore_mem>>)
    %add3A_98 = arith.constant 384 : i32
    %add3A_99 = arith.addi %mul3A_50, %add3A_98 : i32
    %dma_start3A_100 = arith.constant 0 : i32
    %dma_start3A_101 = tpu.memref_slice %arg14[%add3A_99, %dma_start3A_100] : memref<10448x128xf32, #tpu.memory_space<vmem_shared>> -> memref<48x128xf32, #tpu.memory_space<vmem_shared>>
    %dma_start3A_102 = arith.constant 0 : i32
    %dma_start3A_103 = tpu.memref_slice %arg14[%add3A_99, %dma_start3A_102] : memref<10448x128xf32, #tpu.memory_space<vmem_shared>> -> memref<48x128xf32, #tpu.memory_space<vmem_shared>>
    tpu.enqueue_dma source(%arg10 : memref<48x128xf32, #tpu.memory_space<vmem>>) target(%dma_start3A_103 : memref<48x128xf32, #tpu.memory_space<vmem_shared>>) target_semaphore(%arg17 : memref<!tpu.dma_semaphore, #tpu.memory_space<semaphore_mem>>)
    %add3A_104 = arith.constant 432 : i32
    %add3A_105 = arith.addi %mul3A_50, %add3A_104 : i32
    %dma_start3A_106 = arith.constant 0 : i32
    %dma_start3A_107 = tpu.memref_slice %arg14[%add3A_105, %dma_start3A_106] : memref<10448x128xf32, #tpu.memory_space<vmem_shared>> -> memref<48x128xf32, #tpu.memory_space<vmem_shared>>
    %dma_start3A_108 = arith.constant 0 : i32
    %dma_start3A_109 = tpu.memref_slice %arg14[%add3A_105, %dma_start3A_108] : memref<10448x128xf32, #tpu.memory_space<vmem_shared>> -> memref<48x128xf32, #tpu.memory_space<vmem_shared>>
    tpu.enqueue_dma source(%arg11 : memref<48x128xf32, #tpu.memory_space<vmem>>) target(%dma_start3A_109 : memref<48x128xf32, #tpu.memory_space<vmem_shared>>) target_semaphore(%arg18 : memref<!tpu.dma_semaphore, #tpu.memory_space<semaphore_mem>>)
    %add3A_110 = arith.constant 480 : i32
    %add3A_111 = arith.addi %mul3A_50, %add3A_110 : i32
    %dma_start3A_112 = arith.constant 0 : i32
    %dma_start3A_113 = tpu.memref_slice %arg14[%add3A_111, %dma_start3A_112] : memref<10448x128xf32, #tpu.memory_space<vmem_shared>> -> memref<48x128xf32, #tpu.memory_space<vmem_shared>>
    %dma_start3A_114 = arith.constant 0 : i32
    %dma_start3A_115 = tpu.memref_slice %arg14[%add3A_111, %dma_start3A_114] : memref<10448x128xf32, #tpu.memory_space<vmem_shared>> -> memref<48x128xf32, #tpu.memory_space<vmem_shared>>
    tpu.enqueue_dma source(%arg12 : memref<48x128xf32, #tpu.memory_space<vmem>>) target(%dma_start3A_115 : memref<48x128xf32, #tpu.memory_space<vmem_shared>>) target_semaphore(%arg19 : memref<!tpu.dma_semaphore, #tpu.memory_space<semaphore_mem>>)
    %add3A_116 = arith.constant 528 : i32
    %add3A_117 = arith.addi %mul3A_50, %add3A_116 : i32
    %dma_start3A_118 = arith.constant 0 : i32
    %dma_start3A_119 = tpu.memref_slice %arg14[%add3A_117, %dma_start3A_118] : memref<10448x128xf32, #tpu.memory_space<vmem_shared>> -> memref<48x128xf32, #tpu.memory_space<vmem_shared>>
    %dma_start3A_120 = arith.constant 0 : i32
    %dma_start3A_121 = tpu.memref_slice %arg14[%add3A_117, %dma_start3A_120] : memref<10448x128xf32, #tpu.memory_space<vmem_shared>> -> memref<48x128xf32, #tpu.memory_space<vmem_shared>>
    tpu.enqueue_dma source(%arg13 : memref<48x128xf32, #tpu.memory_space<vmem>>) target(%dma_start3A_121 : memref<48x128xf32, #tpu.memory_space<vmem_shared>>) target_semaphore(%arg20 : memref<!tpu.dma_semaphore, #tpu.memory_space<semaphore_mem>>)
    %add3A_122 = arith.constant 576 : i32
    %add3A_123 = arith.addi %mul3A_50, %add3A_122 : i32
    %dma_start3A_124 = arith.constant 0 : i32
    %dma_start3A_125 = tpu.memref_slice %arg14[%add3A_123, %dma_start3A_124] : memref<10448x128xf32, #tpu.memory_space<vmem_shared>> -> memref<48x128xf32, #tpu.memory_space<vmem_shared>>
    %dma_start3A_126 = arith.constant 0 : i32
    %dma_start3A_127 = tpu.memref_slice %arg14[%add3A_123, %dma_start3A_126] : memref<10448x128xf32, #tpu.memory_space<vmem_shared>> -> memref<48x128xf32, #tpu.memory_space<vmem_shared>>
    tpu.enqueue_dma source(%arg8 : memref<48x128xf32, #tpu.memory_space<vmem>>) target(%dma_start3A_127 : memref<48x128xf32, #tpu.memory_space<vmem_shared>>) target_semaphore(%arg15 : memref<!tpu.dma_semaphore, #tpu.memory_space<semaphore_mem>>)
    %dma_wait3A = arith.constant 0 : i32
    %dma_wait3A_128 = arith.constant 0 : i32
    %dma_wait3A_129 = tpu.memref_slice %arg14[%dma_wait3A, %dma_wait3A_128] : memref<10448x128xf32, #tpu.memory_space<vmem_shared>> -> memref<48x128xf32, #tpu.memory_space<vmem_shared>>
    %dma_wait3A_130 = arith.constant 0 : i32
    %dma_wait3A_131 = arith.constant 0 : i32
    %dma_wait3A_132 = tpu.memref_slice %arg14[%dma_wait3A_130, %dma_wait3A_131] : memref<10448x128xf32, #tpu.memory_space<vmem_shared>> -> memref<48x128xf32, #tpu.memory_space<vmem_shared>>
    tpu.wait_dma2 semaphore(%arg15 : memref<!tpu.dma_semaphore, #tpu.memory_space<semaphore_mem>>) src(%arg8 : memref<48x128xf32, #tpu.memory_space<vmem>>) dst(%dma_wait3A_132 : memref<48x128xf32, #tpu.memory_space<vmem_shared>>)
    %dma_wait3A_133 = arith.constant 0 : i32
    %dma_wait3A_134 = arith.constant 0 : i32
    %dma_wait3A_135 = tpu.memref_slice %arg14[%dma_wait3A_133, %dma_wait3A_134] : memref<10448x128xf32, #tpu.memory_space<vmem_shared>> -> memref<48x128xf32, #tpu.memory_space<vmem_shared>>
    %dma_wait3A_136 = arith.constant 0 : i32
    %dma_wait3A_137 = arith.constant 0 : i32
    %dma_wait3A_138 = tpu.memref_slice %arg14[%dma_wait3A_136, %dma_wait3A_137] : memref<10448x128xf32, #tpu.memory_space<vmem_shared>> -> memref<48x128xf32, #tpu.memory_space<vmem_shared>>
    tpu.wait_dma2 semaphore(%arg16 : memref<!tpu.dma_semaphore, #tpu.memory_space<semaphore_mem>>) src(%arg9 : memref<48x128xf32, #tpu.memory_space<vmem>>) dst(%dma_wait3A_138 : memref<48x128xf32, #tpu.memory_space<vmem_shared>>)
    %dma_wait3A_139 = arith.constant 0 : i32
    %dma_wait3A_140 = arith.constant 0 : i32
    %dma_wait3A_141 = tpu.memref_slice %arg14[%dma_wait3A_139, %dma_wait3A_140] : memref<10448x128xf32, #tpu.memory_space<vmem_shared>> -> memref<48x128xf32, #tpu.memory_space<vmem_shared>>
    %dma_wait3A_142 = arith.constant 0 : i32
    %dma_wait3A_143 = arith.constant 0 : i32
    %dma_wait3A_144 = tpu.memref_slice %arg14[%dma_wait3A_142, %dma_wait3A_143] : memref<10448x128xf32, #tpu.memory_space<vmem_shared>> -> memref<48x128xf32, #tpu.memory_space<vmem_shared>>
    tpu.wait_dma2 semaphore(%arg17 : memref<!tpu.dma_semaphore, #tpu.memory_space<semaphore_mem>>) src(%arg10 : memref<48x128xf32, #tpu.memory_space<vmem>>) dst(%dma_wait3A_144 : memref<48x128xf32, #tpu.memory_space<vmem_shared>>)
    %dma_wait3A_145 = arith.constant 0 : i32
    %dma_wait3A_146 = arith.constant 0 : i32
    %dma_wait3A_147 = tpu.memref_slice %arg14[%dma_wait3A_145, %dma_wait3A_146] : memref<10448x128xf32, #tpu.memory_space<vmem_shared>> -> memref<48x128xf32, #tpu.memory_space<vmem_shared>>
    %dma_wait3A_148 = arith.constant 0 : i32
    %dma_wait3A_149 = arith.constant 0 : i32
    %dma_wait3A_150 = tpu.memref_slice %arg14[%dma_wait3A_148, %dma_wait3A_149] : memref<10448x128xf32, #tpu.memory_space<vmem_shared>> -> memref<48x128xf32, #tpu.memory_space<vmem_shared>>
    tpu.wait_dma2 semaphore(%arg18 : memref<!tpu.dma_semaphore, #tpu.memory_space<semaphore_mem>>) src(%arg11 : memref<48x128xf32, #tpu.memory_space<vmem>>) dst(%dma_wait3A_150 : memref<48x128xf32, #tpu.memory_space<vmem_shared>>)
    %dma_wait3A_151 = arith.constant 0 : i32
    %dma_wait3A_152 = arith.constant 0 : i32
    %dma_wait3A_153 = tpu.memref_slice %arg14[%dma_wait3A_151, %dma_wait3A_152] : memref<10448x128xf32, #tpu.memory_space<vmem_shared>> -> memref<48x128xf32, #tpu.memory_space<vmem_shared>>
    %dma_wait3A_154 = arith.constant 0 : i32
    %dma_wait3A_155 = arith.constant 0 : i32
    %dma_wait3A_156 = tpu.memref_slice %arg14[%dma_wait3A_154, %dma_wait3A_155] : memref<10448x128xf32, #tpu.memory_space<vmem_shared>> -> memref<48x128xf32, #tpu.memory_space<vmem_shared>>
    tpu.wait_dma2 semaphore(%arg19 : memref<!tpu.dma_semaphore, #tpu.memory_space<semaphore_mem>>) src(%arg12 : memref<48x128xf32, #tpu.memory_space<vmem>>) dst(%dma_wait3A_156 : memref<48x128xf32, #tpu.memory_space<vmem_shared>>)
    %dma_wait3A_157 = arith.constant 0 : i32
    %dma_wait3A_158 = arith.constant 0 : i32
    %dma_wait3A_159 = tpu.memref_slice %arg14[%dma_wait3A_157, %dma_wait3A_158] : memref<10448x128xf32, #tpu.memory_space<vmem_shared>> -> memref<48x128xf32, #tpu.memory_space<vmem_shared>>
    %dma_wait3A_160 = arith.constant 0 : i32
    %dma_wait3A_161 = arith.constant 0 : i32
    %dma_wait3A_162 = tpu.memref_slice %arg14[%dma_wait3A_160, %dma_wait3A_161] : memref<10448x128xf32, #tpu.memory_space<vmem_shared>> -> memref<48x128xf32, #tpu.memory_space<vmem_shared>>
    tpu.wait_dma2 semaphore(%arg20 : memref<!tpu.dma_semaphore, #tpu.memory_space<semaphore_mem>>) src(%arg13 : memref<48x128xf32, #tpu.memory_space<vmem>>) dst(%dma_wait3A_162 : memref<48x128xf32, #tpu.memory_space<vmem_shared>>)
    %dma_wait3A_163 = arith.constant 0 : i32
    %dma_wait3A_164 = arith.constant 0 : i32
    %dma_wait3A_165 = tpu.memref_slice %arg14[%dma_wait3A_163, %dma_wait3A_164] : memref<10448x128xf32, #tpu.memory_space<vmem_shared>> -> memref<48x128xf32, #tpu.memory_space<vmem_shared>>
    %dma_wait3A_166 = arith.constant 0 : i32
    %dma_wait3A_167 = arith.constant 0 : i32
    %dma_wait3A_168 = tpu.memref_slice %arg14[%dma_wait3A_166, %dma_wait3A_167] : memref<10448x128xf32, #tpu.memory_space<vmem_shared>> -> memref<48x128xf32, #tpu.memory_space<vmem_shared>>
    tpu.wait_dma2 semaphore(%arg15 : memref<!tpu.dma_semaphore, #tpu.memory_space<semaphore_mem>>) src(%arg8 : memref<48x128xf32, #tpu.memory_space<vmem>>) dst(%dma_wait3A_168 : memref<48x128xf32, #tpu.memory_space<vmem_shared>>)
    %dma_wait3A_169 = arith.constant 0 : i32
    %dma_wait3A_170 = arith.constant 0 : i32
    %dma_wait3A_171 = tpu.memref_slice %arg14[%dma_wait3A_169, %dma_wait3A_170] : memref<10448x128xf32, #tpu.memory_space<vmem_shared>> -> memref<48x128xf32, #tpu.memory_space<vmem_shared>>
    %dma_wait3A_172 = arith.constant 0 : i32
    %dma_wait3A_173 = arith.constant 0 : i32
    %dma_wait3A_174 = tpu.memref_slice %arg14[%dma_wait3A_172, %dma_wait3A_173] : memref<10448x128xf32, #tpu.memory_space<vmem_shared>> -> memref<48x128xf32, #tpu.memory_space<vmem_shared>>
    tpu.wait_dma2 semaphore(%arg16 : memref<!tpu.dma_semaphore, #tpu.memory_space<semaphore_mem>>) src(%arg9 : memref<48x128xf32, #tpu.memory_space<vmem>>) dst(%dma_wait3A_174 : memref<48x128xf32, #tpu.memory_space<vmem_shared>>)
    %dma_wait3A_175 = arith.constant 0 : i32
    %dma_wait3A_176 = arith.constant 0 : i32
    %dma_wait3A_177 = tpu.memref_slice %arg14[%dma_wait3A_175, %dma_wait3A_176] : memref<10448x128xf32, #tpu.memory_space<vmem_shared>> -> memref<48x128xf32, #tpu.memory_space<vmem_shared>>
    %dma_wait3A_178 = arith.constant 0 : i32
    %dma_wait3A_179 = arith.constant 0 : i32
    %dma_wait3A_180 = tpu.memref_slice %arg14[%dma_wait3A_178, %dma_wait3A_179] : memref<10448x128xf32, #tpu.memory_space<vmem_shared>> -> memref<48x128xf32, #tpu.memory_space<vmem_shared>>
    tpu.wait_dma2 semaphore(%arg17 : memref<!tpu.dma_semaphore, #tpu.memory_space<semaphore_mem>>) src(%arg10 : memref<48x128xf32, #tpu.memory_space<vmem>>) dst(%dma_wait3A_180 : memref<48x128xf32, #tpu.memory_space<vmem_shared>>)
    %dma_wait3A_181 = arith.constant 0 : i32
    %dma_wait3A_182 = arith.constant 0 : i32
    %dma_wait3A_183 = tpu.memref_slice %arg14[%dma_wait3A_181, %dma_wait3A_182] : memref<10448x128xf32, #tpu.memory_space<vmem_shared>> -> memref<48x128xf32, #tpu.memory_space<vmem_shared>>
    %dma_wait3A_184 = arith.constant 0 : i32
    %dma_wait3A_185 = arith.constant 0 : i32
    %dma_wait3A_186 = tpu.memref_slice %arg14[%dma_wait3A_184, %dma_wait3A_185] : memref<10448x128xf32, #tpu.memory_space<vmem_shared>> -> memref<48x128xf32, #tpu.memory_space<vmem_shared>>
    tpu.wait_dma2 semaphore(%arg18 : memref<!tpu.dma_semaphore, #tpu.memory_space<semaphore_mem>>) src(%arg11 : memref<48x128xf32, #tpu.memory_space<vmem>>) dst(%dma_wait3A_186 : memref<48x128xf32, #tpu.memory_space<vmem_shared>>)
    %dma_wait3A_187 = arith.constant 0 : i32
    %dma_wait3A_188 = arith.constant 0 : i32
    %dma_wait3A_189 = tpu.memref_slice %arg14[%dma_wait3A_187, %dma_wait3A_188] : memref<10448x128xf32, #tpu.memory_space<vmem_shared>> -> memref<48x128xf32, #tpu.memory_space<vmem_shared>>
    %dma_wait3A_190 = arith.constant 0 : i32
    %dma_wait3A_191 = arith.constant 0 : i32
    %dma_wait3A_192 = tpu.memref_slice %arg14[%dma_wait3A_190, %dma_wait3A_191] : memref<10448x128xf32, #tpu.memory_space<vmem_shared>> -> memref<48x128xf32, #tpu.memory_space<vmem_shared>>
    tpu.wait_dma2 semaphore(%arg19 : memref<!tpu.dma_semaphore, #tpu.memory_space<semaphore_mem>>) src(%arg12 : memref<48x128xf32, #tpu.memory_space<vmem>>) dst(%dma_wait3A_192 : memref<48x128xf32, #tpu.memory_space<vmem_shared>>)
    %dma_wait3A_193 = arith.constant 0 : i32
    %dma_wait3A_194 = arith.constant 0 : i32
    %dma_wait3A_195 = tpu.memref_slice %arg14[%dma_wait3A_193, %dma_wait3A_194] : memref<10448x128xf32, #tpu.memory_space<vmem_shared>> -> memref<48x128xf32, #tpu.memory_space<vmem_shared>>
    %dma_wait3A_196 = arith.constant 0 : i32
    %dma_wait3A_197 = arith.constant 0 : i32
    %dma_wait3A_198 = tpu.memref_slice %arg14[%dma_wait3A_196, %dma_wait3A_197] : memref<10448x128xf32, #tpu.memory_space<vmem_shared>> -> memref<48x128xf32, #tpu.memory_space<vmem_shared>>
    tpu.wait_dma2 semaphore(%arg20 : memref<!tpu.dma_semaphore, #tpu.memory_space<semaphore_mem>>) src(%arg13 : memref<48x128xf32, #tpu.memory_space<vmem>>) dst(%dma_wait3A_198 : memref<48x128xf32, #tpu.memory_space<vmem_shared>>)
    %dma_wait3A_199 = arith.constant 0 : i32
    %dma_wait3A_200 = arith.constant 0 : i32
    %dma_wait3A_201 = tpu.memref_slice %arg14[%dma_wait3A_199, %dma_wait3A_200] : memref<10448x128xf32, #tpu.memory_space<vmem_shared>> -> memref<48x128xf32, #tpu.memory_space<vmem_shared>>
    %dma_wait3A_202 = arith.constant 0 : i32
    %dma_wait3A_203 = arith.constant 0 : i32
    %dma_wait3A_204 = tpu.memref_slice %arg14[%dma_wait3A_202, %dma_wait3A_203] : memref<10448x128xf32, #tpu.memory_space<vmem_shared>> -> memref<48x128xf32, #tpu.memory_space<vmem_shared>>
    tpu.wait_dma2 semaphore(%arg15 : memref<!tpu.dma_semaphore, #tpu.memory_space<semaphore_mem>>) src(%arg8 : memref<48x128xf32, #tpu.memory_space<vmem>>) dst(%dma_wait3A_204 : memref<48x128xf32, #tpu.memory_space<vmem_shared>>)
    %eq3A = arith.constant 15 : i32
    %eq3A_205 = arith.cmpi eq, %arg1, %eq3A : i32
    %convert_element_type3A = arith.extui %eq3A_205 : i1 to i32
    %cond3A = arith.constant 0 : i32
    %cond3A_206 = arith.cmpi ne, %convert_element_type3A, %cond3A : i32
    scf.if %cond3A_206 {
      "tpu.region"() ({
        %run_scoped3A = tpu.sem_alloc : memref<!tpu.dma_semaphore, #tpu.memory_space<semaphore_mem>>
        %dma_start3A_571 = arith.constant 0 : i32
        %dma_start3A_572 = arith.constant 0 : i32
        %dma_start3A_573 = tpu.memref_slice %arg8[%dma_start3A_571, %dma_start3A_572] : memref<48x128xf32, #tpu.memory_space<vmem>> -> memref<16x128xf32, #tpu.memory_space<vmem>>
        %dma_start3A_574 = arith.constant 9984 : i32
        %dma_start3A_575 = arith.constant 0 : i32
        %dma_start3A_576 = tpu.memref_slice %arg14[%dma_start3A_574, %dma_start3A_575] : memref<10448x128xf32, #tpu.memory_space<vmem_shared>> -> memref<16x128xf32, #tpu.memory_space<vmem_shared>>
        %dma_start3A_577 = arith.constant 9984 : i32
        %dma_start3A_578 = arith.constant 0 : i32
        %dma_start3A_579 = tpu.memref_slice %arg14[%dma_start3A_577, %dma_start3A_578] : memref<10448x128xf32, #tpu.memory_space<vmem_shared>> -> memref<16x128xf32, #tpu.memory_space<vmem_shared>>
        %dma_start3A_580 = arith.constant 0 : i32
        %dma_start3A_581 = arith.constant 0 : i32
        %dma_start3A_582 = tpu.memref_slice %arg8[%dma_start3A_580, %dma_start3A_581] : memref<48x128xf32, #tpu.memory_space<vmem>> -> memref<16x128xf32, #tpu.memory_space<vmem>>
        tpu.enqueue_dma source(%dma_start3A_582 : memref<16x128xf32, #tpu.memory_space<vmem>>) target(%dma_start3A_579 : memref<16x128xf32, #tpu.memory_space<vmem_shared>>) target_semaphore(%run_scoped3A : memref<!tpu.dma_semaphore, #tpu.memory_space<semaphore_mem>>)
        %dma_wait3A_583 = arith.constant 0 : i32
        %dma_wait3A_584 = arith.constant 0 : i32
        %dma_wait3A_585 = tpu.memref_slice %arg8[%dma_wait3A_583, %dma_wait3A_584] : memref<48x128xf32, #tpu.memory_space<vmem>> -> memref<16x128xf32, #tpu.memory_space<vmem>>
        %dma_wait3A_586 = arith.constant 9984 : i32
        %dma_wait3A_587 = arith.constant 0 : i32
        %dma_wait3A_588 = tpu.memref_slice %arg14[%dma_wait3A_586, %dma_wait3A_587] : memref<10448x128xf32, #tpu.memory_space<vmem_shared>> -> memref<16x128xf32, #tpu.memory_space<vmem_shared>>
        %dma_wait3A_589 = arith.constant 9984 : i32
        %dma_wait3A_590 = arith.constant 0 : i32
        %dma_wait3A_591 = tpu.memref_slice %arg14[%dma_wait3A_589, %dma_wait3A_590] : memref<10448x128xf32, #tpu.memory_space<vmem_shared>> -> memref<16x128xf32, #tpu.memory_space<vmem_shared>>
        %dma_wait3A_592 = arith.constant 0 : i32
        %dma_wait3A_593 = arith.constant 0 : i32
        %dma_wait3A_594 = tpu.memref_slice %arg8[%dma_wait3A_592, %dma_wait3A_593] : memref<48x128xf32, #tpu.memory_space<vmem>> -> memref<16x128xf32, #tpu.memory_space<vmem>>
        tpu.wait_dma2 semaphore(%run_scoped3A : memref<!tpu.dma_semaphore, #tpu.memory_space<semaphore_mem>>) src(%dma_wait3A_594 : memref<16x128xf32, #tpu.memory_space<vmem>>) dst(%dma_wait3A_591 : memref<16x128xf32, #tpu.memory_space<vmem_shared>>)
        tpu.yield
      }) : () -> ()
    } else {
    }
    %barrier3A = arith.constant 0 : index
    tpu.barrier barrier_id(%barrier3A)
    %add3A_207 = arith.constant 0 : i32
    %add3A_208 = arith.addi %add3A, %add3A_207 : i32
    "tpu.region"() ({
      %run_scoped3A = tpu.sem_alloc : memref<!tpu.dma_semaphore, #tpu.memory_space<semaphore_mem>>
      %dma_start3A_571 = arith.constant 0 : i32
      %dma_start3A_572 = arith.constant 0 : i32
      %dma_start3A_573 = tpu.memref_slice %arg6[%dma_start3A_571, %dma_start3A_572] : memref<108x48xi32, #tpu.memory_space<vmem>> -> memref<108x48xi32, #tpu.memory_space<vmem>>
      %dma_start3A_574 = arith.constant 0 : i32
      %dma_start3A_575 = tpu.memref_slice %arg3[%add3A_208, %dma_start3A_574] : memref<6720x48xi32, #tpu.memory_space<hbm>> -> memref<108x48xi32, #tpu.memory_space<hbm>>
      %dma_start3A_576 = arith.constant 0 : i32
      %dma_start3A_577 = arith.constant 0 : i32
      %dma_start3A_578 = tpu.memref_slice %arg6[%dma_start3A_576, %dma_start3A_577] : memref<108x48xi32, #tpu.memory_space<vmem>> -> memref<108x48xi32, #tpu.memory_space<vmem>>
      %dma_start3A_579 = arith.constant 0 : i32
      %dma_start3A_580 = tpu.memref_slice %arg3[%add3A_208, %dma_start3A_579] : memref<6720x48xi32, #tpu.memory_space<hbm>> -> memref<108x48xi32, #tpu.memory_space<hbm>>
      tpu.enqueue_dma source(%dma_start3A_580 : memref<108x48xi32, #tpu.memory_space<hbm>>) target(%dma_start3A_578 : memref<108x48xi32, #tpu.memory_space<vmem>>) target_semaphore(%run_scoped3A : memref<!tpu.dma_semaphore, #tpu.memory_space<semaphore_mem>>)
      %dma_wait3A_581 = arith.constant 0 : i32
      %dma_wait3A_582 = arith.constant 0 : i32
      %dma_wait3A_583 = tpu.memref_slice %arg6[%dma_wait3A_581, %dma_wait3A_582] : memref<108x48xi32, #tpu.memory_space<vmem>> -> memref<108x48xi32, #tpu.memory_space<vmem>>
      %dma_wait3A_584 = arith.constant 0 : i32
      %dma_wait3A_585 = tpu.memref_slice %arg3[%add3A_208, %dma_wait3A_584] : memref<6720x48xi32, #tpu.memory_space<hbm>> -> memref<108x48xi32, #tpu.memory_space<hbm>>
      %dma_wait3A_586 = arith.constant 0 : i32
      %dma_wait3A_587 = arith.constant 0 : i32
      %dma_wait3A_588 = tpu.memref_slice %arg6[%dma_wait3A_586, %dma_wait3A_587] : memref<108x48xi32, #tpu.memory_space<vmem>> -> memref<108x48xi32, #tpu.memory_space<vmem>>
      %dma_wait3A_589 = arith.constant 0 : i32
      %dma_wait3A_590 = tpu.memref_slice %arg3[%add3A_208, %dma_wait3A_589] : memref<6720x48xi32, #tpu.memory_space<hbm>> -> memref<108x48xi32, #tpu.memory_space<hbm>>
      tpu.wait_dma2 semaphore(%run_scoped3A : memref<!tpu.dma_semaphore, #tpu.memory_space<semaphore_mem>>) src(%dma_wait3A_590 : memref<108x48xi32, #tpu.memory_space<hbm>>) dst(%dma_wait3A_588 : memref<108x48xi32, #tpu.memory_space<vmem>>)
      tpu.yield
    }) : () -> ()
    %add3A_209 = arith.constant 0 : i32
    %add3A_210 = arith.addi %add3A, %add3A_209 : i32
    "tpu.region"() ({
      %run_scoped3A = tpu.sem_alloc : memref<!tpu.dma_semaphore, #tpu.memory_space<semaphore_mem>>
      %dma_start3A_571 = arith.constant 0 : i32
      %dma_start3A_572 = arith.constant 0 : i32
      %dma_start3A_573 = tpu.memref_slice %arg7[%dma_start3A_571, %dma_start3A_572] : memref<108x48xi32, #tpu.memory_space<vmem>> -> memref<108x48xi32, #tpu.memory_space<vmem>>
      %dma_start3A_574 = arith.constant 0 : i32
      %dma_start3A_575 = tpu.memref_slice %arg4[%add3A_210, %dma_start3A_574] : memref<6720x48xi32, #tpu.memory_space<hbm>> -> memref<108x48xi32, #tpu.memory_space<hbm>>
      %dma_start3A_576 = arith.constant 0 : i32
      %dma_start3A_577 = arith.constant 0 : i32
      %dma_start3A_578 = tpu.memref_slice %arg7[%dma_start3A_576, %dma_start3A_577] : memref<108x48xi32, #tpu.memory_space<vmem>> -> memref<108x48xi32, #tpu.memory_space<vmem>>
      %dma_start3A_579 = arith.constant 0 : i32
      %dma_start3A_580 = tpu.memref_slice %arg4[%add3A_210, %dma_start3A_579] : memref<6720x48xi32, #tpu.memory_space<hbm>> -> memref<108x48xi32, #tpu.memory_space<hbm>>
      tpu.enqueue_dma source(%dma_start3A_580 : memref<108x48xi32, #tpu.memory_space<hbm>>) target(%dma_start3A_578 : memref<108x48xi32, #tpu.memory_space<vmem>>) target_semaphore(%run_scoped3A : memref<!tpu.dma_semaphore, #tpu.memory_space<semaphore_mem>>)
      %dma_wait3A_581 = arith.constant 0 : i32
      %dma_wait3A_582 = arith.constant 0 : i32
      %dma_wait3A_583 = tpu.memref_slice %arg7[%dma_wait3A_581, %dma_wait3A_582] : memref<108x48xi32, #tpu.memory_space<vmem>> -> memref<108x48xi32, #tpu.memory_space<vmem>>
      %dma_wait3A_584 = arith.constant 0 : i32
      %dma_wait3A_585 = tpu.memref_slice %arg4[%add3A_210, %dma_wait3A_584] : memref<6720x48xi32, #tpu.memory_space<hbm>> -> memref<108x48xi32, #tpu.memory_space<hbm>>
      %dma_wait3A_586 = arith.constant 0 : i32
      %dma_wait3A_587 = arith.constant 0 : i32
      %dma_wait3A_588 = tpu.memref_slice %arg7[%dma_wait3A_586, %dma_wait3A_587] : memref<108x48xi32, #tpu.memory_space<vmem>> -> memref<108x48xi32, #tpu.memory_space<vmem>>
      %dma_wait3A_589 = arith.constant 0 : i32
      %dma_wait3A_590 = tpu.memref_slice %arg4[%add3A_210, %dma_wait3A_589] : memref<6720x48xi32, #tpu.memory_space<hbm>> -> memref<108x48xi32, #tpu.memory_space<hbm>>
      tpu.wait_dma2 semaphore(%run_scoped3A : memref<!tpu.dma_semaphore, #tpu.memory_space<semaphore_mem>>) src(%dma_wait3A_590 : memref<108x48xi32, #tpu.memory_space<hbm>>) dst(%dma_wait3A_588 : memref<108x48xi32, #tpu.memory_space<vmem>>)
      tpu.yield
    }) : () -> ()
    %dma_start3A_211 = arith.constant 0 : i32
    %dma_start3A_212 = arith.constant 0 : i32
    %dma_start3A_213 = tpu.memref_slice %arg6[%dma_start3A_211, %dma_start3A_212] : memref<108x48xi32, #tpu.memory_space<vmem>> -> memref<1x48xi32, #tpu.memory_space<vmem>>
    %dma_start3A_214 = tpu.memref_squeeze %dma_start3A_213 : memref<1x48xi32, #tpu.memory_space<vmem>> -> memref<48xi32, #tpu.memory_space<vmem>>
    %dma_start3A_215 = arith.constant 0 : i32
    %dma_start3A_216 = arith.constant 0 : i32
    %dma_start3A_217 = tpu.memref_slice %arg2[%dma_start3A_215, %dma_start3A_216] : memref<10000x128xf32, #tpu.memory_space<hbm>> -> memref<10000x128xf32, #tpu.memory_space<hbm>>
    tpu.enqueue_indirect_dma source(%dma_start3A_217 : memref<10000x128xf32, #tpu.memory_space<hbm>>) target(%arg8 : memref<48x128xf32, #tpu.memory_space<vmem>>) offsets(%dma_start3A_214 : memref<48xi32, #tpu.memory_space<vmem>>) semaphore(%arg15 : memref<!tpu.dma_semaphore, #tpu.memory_space<semaphore_mem>>)
    %dma_start3A_218 = arith.constant 1 : i32
    %dma_start3A_219 = arith.constant 0 : i32
    %dma_start3A_220 = tpu.memref_slice %arg6[%dma_start3A_218, %dma_start3A_219] : memref<108x48xi32, #tpu.memory_space<vmem>> -> memref<1x48xi32, #tpu.memory_space<vmem>>
    %dma_start3A_221 = tpu.memref_squeeze %dma_start3A_220 : memref<1x48xi32, #tpu.memory_space<vmem>> -> memref<48xi32, #tpu.memory_space<vmem>>
    %dma_start3A_222 = arith.constant 0 : i32
    %dma_start3A_223 = arith.constant 0 : i32
    %dma_start3A_224 = tpu.memref_slice %arg2[%dma_start3A_222, %dma_start3A_223] : memref<10000x128xf32, #tpu.memory_space<hbm>> -> memref<10000x128xf32, #tpu.memory_space<hbm>>
    tpu.enqueue_indirect_dma source(%dma_start3A_224 : memref<10000x128xf32, #tpu.memory_space<hbm>>) target(%arg9 : memref<48x128xf32, #tpu.memory_space<vmem>>) offsets(%dma_start3A_221 : memref<48xi32, #tpu.memory_space<vmem>>) semaphore(%arg16 : memref<!tpu.dma_semaphore, #tpu.memory_space<semaphore_mem>>)
    %dma_start3A_225 = arith.constant 2 : i32
    %dma_start3A_226 = arith.constant 0 : i32
    %dma_start3A_227 = tpu.memref_slice %arg6[%dma_start3A_225, %dma_start3A_226] : memref<108x48xi32, #tpu.memory_space<vmem>> -> memref<1x48xi32, #tpu.memory_space<vmem>>
    %dma_start3A_228 = tpu.memref_squeeze %dma_start3A_227 : memref<1x48xi32, #tpu.memory_space<vmem>> -> memref<48xi32, #tpu.memory_space<vmem>>
    %dma_start3A_229 = arith.constant 0 : i32
    %dma_start3A_230 = arith.constant 0 : i32
    %dma_start3A_231 = tpu.memref_slice %arg2[%dma_start3A_229, %dma_start3A_230] : memref<10000x128xf32, #tpu.memory_space<hbm>> -> memref<10000x128xf32, #tpu.memory_space<hbm>>
    tpu.enqueue_indirect_dma source(%dma_start3A_231 : memref<10000x128xf32, #tpu.memory_space<hbm>>) target(%arg10 : memref<48x128xf32, #tpu.memory_space<vmem>>) offsets(%dma_start3A_228 : memref<48xi32, #tpu.memory_space<vmem>>) semaphore(%arg17 : memref<!tpu.dma_semaphore, #tpu.memory_space<semaphore_mem>>)
    %dma_start3A_232 = arith.constant 3 : i32
    %dma_start3A_233 = arith.constant 0 : i32
    %dma_start3A_234 = tpu.memref_slice %arg6[%dma_start3A_232, %dma_start3A_233] : memref<108x48xi32, #tpu.memory_space<vmem>> -> memref<1x48xi32, #tpu.memory_space<vmem>>
    %dma_start3A_235 = tpu.memref_squeeze %dma_start3A_234 : memref<1x48xi32, #tpu.memory_space<vmem>> -> memref<48xi32, #tpu.memory_space<vmem>>
    %dma_start3A_236 = arith.constant 0 : i32
    %dma_start3A_237 = arith.constant 0 : i32
    %dma_start3A_238 = tpu.memref_slice %arg2[%dma_start3A_236, %dma_start3A_237] : memref<10000x128xf32, #tpu.memory_space<hbm>> -> memref<10000x128xf32, #tpu.memory_space<hbm>>
    tpu.enqueue_indirect_dma source(%dma_start3A_238 : memref<10000x128xf32, #tpu.memory_space<hbm>>) target(%arg11 : memref<48x128xf32, #tpu.memory_space<vmem>>) offsets(%dma_start3A_235 : memref<48xi32, #tpu.memory_space<vmem>>) semaphore(%arg18 : memref<!tpu.dma_semaphore, #tpu.memory_space<semaphore_mem>>)
    %dma_start3A_239 = arith.constant 4 : i32
    %dma_start3A_240 = arith.constant 0 : i32
    %dma_start3A_241 = tpu.memref_slice %arg6[%dma_start3A_239, %dma_start3A_240] : memref<108x48xi32, #tpu.memory_space<vmem>> -> memref<1x48xi32, #tpu.memory_space<vmem>>
    %dma_start3A_242 = tpu.memref_squeeze %dma_start3A_241 : memref<1x48xi32, #tpu.memory_space<vmem>> -> memref<48xi32, #tpu.memory_space<vmem>>
    %dma_start3A_243 = arith.constant 0 : i32
    %dma_start3A_244 = arith.constant 0 : i32
    %dma_start3A_245 = tpu.memref_slice %arg2[%dma_start3A_243, %dma_start3A_244] : memref<10000x128xf32, #tpu.memory_space<hbm>> -> memref<10000x128xf32, #tpu.memory_space<hbm>>
    tpu.enqueue_indirect_dma source(%dma_start3A_245 : memref<10000x128xf32, #tpu.memory_space<hbm>>) target(%arg12 : memref<48x128xf32, #tpu.memory_space<vmem>>) offsets(%dma_start3A_242 : memref<48xi32, #tpu.memory_space<vmem>>) semaphore(%arg19 : memref<!tpu.dma_semaphore, #tpu.memory_space<semaphore_mem>>)
    %dma_start3A_246 = arith.constant 5 : i32
    %dma_start3A_247 = arith.constant 0 : i32
    %dma_start3A_248 = tpu.memref_slice %arg6[%dma_start3A_246, %dma_start3A_247] : memref<108x48xi32, #tpu.memory_space<vmem>> -> memref<1x48xi32, #tpu.memory_space<vmem>>
    %dma_start3A_249 = tpu.memref_squeeze %dma_start3A_248 : memref<1x48xi32, #tpu.memory_space<vmem>> -> memref<48xi32, #tpu.memory_space<vmem>>
    %dma_start3A_250 = arith.constant 0 : i32
    %dma_start3A_251 = arith.constant 0 : i32
    %dma_start3A_252 = tpu.memref_slice %arg2[%dma_start3A_250, %dma_start3A_251] : memref<10000x128xf32, #tpu.memory_space<hbm>> -> memref<10000x128xf32, #tpu.memory_space<hbm>>
    tpu.enqueue_indirect_dma source(%dma_start3A_252 : memref<10000x128xf32, #tpu.memory_space<hbm>>) target(%arg13 : memref<48x128xf32, #tpu.memory_space<vmem>>) offsets(%dma_start3A_249 : memref<48xi32, #tpu.memory_space<vmem>>) semaphore(%arg20 : memref<!tpu.dma_semaphore, #tpu.memory_space<semaphore_mem>>)
    %scan3A_253 = arith.constant 0 : i32
    %scan3A_254 = arith.constant 0 : i32
    %scan3A_255 = arith.constant 17 : i32
    %scan3A_256 = arith.addi %scan3A_254, %scan3A_255 : i32
    %scan3A_257 = arith.constant 1 : i32
    scf.for %scan3A_571 = %scan3A_254 to %scan3A_256 step %scan3A_257  : i32 {
      %mul3A_572 = arith.constant 6 : i32
      %mul3A_573 = arith.muli %mul3A_572, %scan3A_571 : i32
      %dma_wait3A_574 = arith.constant 0 : i32
      %dma_wait3A_575 = arith.constant 0 : i32
      %dma_wait3A_576 = tpu.memref_slice %arg6[%dma_wait3A_574, %dma_wait3A_575] : memref<108x48xi32, #tpu.memory_space<vmem>> -> memref<1x48xi32, #tpu.memory_space<vmem>>
      %dma_wait3A_577 = tpu.memref_squeeze %dma_wait3A_576 : memref<1x48xi32, #tpu.memory_space<vmem>> -> memref<48xi32, #tpu.memory_space<vmem>>
      %dma_wait3A_578 = arith.constant 0 : i32
      %dma_wait3A_579 = arith.constant 0 : i32
      %dma_wait3A_580 = tpu.memref_slice %arg2[%dma_wait3A_578, %dma_wait3A_579] : memref<10000x128xf32, #tpu.memory_space<hbm>> -> memref<10000x128xf32, #tpu.memory_space<hbm>>
      tpu.wait_indirect_dma semaphore(%arg15 : memref<!tpu.dma_semaphore, #tpu.memory_space<semaphore_mem>>) src(%dma_wait3A_580 : memref<10000x128xf32, #tpu.memory_space<hbm>>) dst(%arg8 : memref<48x128xf32, #tpu.memory_space<vmem>>)
      %add3A_581 = arith.constant 0 : i32
      %add3A_582 = arith.addi %mul3A_573, %add3A_581 : i32
      %dma_start3A_583 = arith.constant 0 : i32
      %dma_start3A_584 = tpu.memref_slice %arg7[%add3A_582, %dma_start3A_583] : memref<108x48xi32, #tpu.memory_space<vmem>> -> memref<1x48xi32, #tpu.memory_space<vmem>>
      %dma_start3A_585 = tpu.memref_squeeze %dma_start3A_584 : memref<1x48xi32, #tpu.memory_space<vmem>> -> memref<48xi32, #tpu.memory_space<vmem>>
      %dma_start3A_586 = arith.constant 0 : i32
      %dma_start3A_587 = arith.constant 0 : i32
      %dma_start3A_588 = tpu.memref_slice %arg14[%dma_start3A_586, %dma_start3A_587] : memref<10448x128xf32, #tpu.memory_space<vmem_shared>> -> memref<10448x128xf32, #tpu.memory_space<vmem_shared>>
      tpu.enqueue_indirect_dma source(%arg8 : memref<48x128xf32, #tpu.memory_space<vmem>>) target(%dma_start3A_588 : memref<10448x128xf32, #tpu.memory_space<vmem_shared>>) offsets(%dma_start3A_585 : memref<48xi32, #tpu.memory_space<vmem>>) semaphore(%arg21 : memref<!tpu.dma_semaphore, #tpu.memory_space<semaphore_mem>>) {add = true}
      %dma_wait3A_589 = arith.constant 0 : i32
      %dma_wait3A_590 = arith.constant 0 : i32
      %dma_wait3A_591 = tpu.memref_slice %arg6[%dma_wait3A_589, %dma_wait3A_590] : memref<108x48xi32, #tpu.memory_space<vmem>> -> memref<1x48xi32, #tpu.memory_space<vmem>>
      %dma_wait3A_592 = tpu.memref_squeeze %dma_wait3A_591 : memref<1x48xi32, #tpu.memory_space<vmem>> -> memref<48xi32, #tpu.memory_space<vmem>>
      %dma_wait3A_593 = arith.constant 0 : i32
      %dma_wait3A_594 = arith.constant 0 : i32
      %dma_wait3A_595 = tpu.memref_slice %arg2[%dma_wait3A_593, %dma_wait3A_594] : memref<10000x128xf32, #tpu.memory_space<hbm>> -> memref<10000x128xf32, #tpu.memory_space<hbm>>
      tpu.wait_indirect_dma semaphore(%arg16 : memref<!tpu.dma_semaphore, #tpu.memory_space<semaphore_mem>>) src(%dma_wait3A_595 : memref<10000x128xf32, #tpu.memory_space<hbm>>) dst(%arg9 : memref<48x128xf32, #tpu.memory_space<vmem>>)
      %add3A_596 = arith.constant 1 : i32
      %add3A_597 = arith.addi %mul3A_573, %add3A_596 : i32
      %dma_start3A_598 = arith.constant 0 : i32
      %dma_start3A_599 = tpu.memref_slice %arg7[%add3A_597, %dma_start3A_598] : memref<108x48xi32, #tpu.memory_space<vmem>> -> memref<1x48xi32, #tpu.memory_space<vmem>>
      %dma_start3A_600 = tpu.memref_squeeze %dma_start3A_599 : memref<1x48xi32, #tpu.memory_space<vmem>> -> memref<48xi32, #tpu.memory_space<vmem>>
      %dma_start3A_601 = arith.constant 0 : i32
      %dma_start3A_602 = arith.constant 0 : i32
      %dma_start3A_603 = tpu.memref_slice %arg14[%dma_start3A_601, %dma_start3A_602] : memref<10448x128xf32, #tpu.memory_space<vmem_shared>> -> memref<10448x128xf32, #tpu.memory_space<vmem_shared>>
      tpu.enqueue_indirect_dma source(%arg9 : memref<48x128xf32, #tpu.memory_space<vmem>>) target(%dma_start3A_603 : memref<10448x128xf32, #tpu.memory_space<vmem_shared>>) offsets(%dma_start3A_600 : memref<48xi32, #tpu.memory_space<vmem>>) semaphore(%arg22 : memref<!tpu.dma_semaphore, #tpu.memory_space<semaphore_mem>>) {add = true}
      %dma_wait3A_604 = arith.constant 0 : i32
      %dma_wait3A_605 = arith.constant 0 : i32
      %dma_wait3A_606 = tpu.memref_slice %arg6[%dma_wait3A_604, %dma_wait3A_605] : memref<108x48xi32, #tpu.memory_space<vmem>> -> memref<1x48xi32, #tpu.memory_space<vmem>>
      %dma_wait3A_607 = tpu.memref_squeeze %dma_wait3A_606 : memref<1x48xi32, #tpu.memory_space<vmem>> -> memref<48xi32, #tpu.memory_space<vmem>>
      %dma_wait3A_608 = arith.constant 0 : i32
      %dma_wait3A_609 = arith.constant 0 : i32
      %dma_wait3A_610 = tpu.memref_slice %arg2[%dma_wait3A_608, %dma_wait3A_609] : memref<10000x128xf32, #tpu.memory_space<hbm>> -> memref<10000x128xf32, #tpu.memory_space<hbm>>
      tpu.wait_indirect_dma semaphore(%arg17 : memref<!tpu.dma_semaphore, #tpu.memory_space<semaphore_mem>>) src(%dma_wait3A_610 : memref<10000x128xf32, #tpu.memory_space<hbm>>) dst(%arg10 : memref<48x128xf32, #tpu.memory_space<vmem>>)
      %add3A_611 = arith.constant 2 : i32
      %add3A_612 = arith.addi %mul3A_573, %add3A_611 : i32
      %dma_start3A_613 = arith.constant 0 : i32
      %dma_start3A_614 = tpu.memref_slice %arg7[%add3A_612, %dma_start3A_613] : memref<108x48xi32, #tpu.memory_space<vmem>> -> memref<1x48xi32, #tpu.memory_space<vmem>>
      %dma_start3A_615 = tpu.memref_squeeze %dma_start3A_614 : memref<1x48xi32, #tpu.memory_space<vmem>> -> memref<48xi32, #tpu.memory_space<vmem>>
      %dma_start3A_616 = arith.constant 0 : i32
      %dma_start3A_617 = arith.constant 0 : i32
      %dma_start3A_618 = tpu.memref_slice %arg14[%dma_start3A_616, %dma_start3A_617] : memref<10448x128xf32, #tpu.memory_space<vmem_shared>> -> memref<10448x128xf32, #tpu.memory_space<vmem_shared>>
      tpu.enqueue_indirect_dma source(%arg10 : memref<48x128xf32, #tpu.memory_space<vmem>>) target(%dma_start3A_618 : memref<10448x128xf32, #tpu.memory_space<vmem_shared>>) offsets(%dma_start3A_615 : memref<48xi32, #tpu.memory_space<vmem>>) semaphore(%arg23 : memref<!tpu.dma_semaphore, #tpu.memory_space<semaphore_mem>>) {add = true}
      %dma_wait3A_619 = arith.constant 0 : i32
      %dma_wait3A_620 = arith.constant 0 : i32
      %dma_wait3A_621 = tpu.memref_slice %arg6[%dma_wait3A_619, %dma_wait3A_620] : memref<108x48xi32, #tpu.memory_space<vmem>> -> memref<1x48xi32, #tpu.memory_space<vmem>>
      %dma_wait3A_622 = tpu.memref_squeeze %dma_wait3A_621 : memref<1x48xi32, #tpu.memory_space<vmem>> -> memref<48xi32, #tpu.memory_space<vmem>>
      %dma_wait3A_623 = arith.constant 0 : i32
      %dma_wait3A_624 = arith.constant 0 : i32
      %dma_wait3A_625 = tpu.memref_slice %arg2[%dma_wait3A_623, %dma_wait3A_624] : memref<10000x128xf32, #tpu.memory_space<hbm>> -> memref<10000x128xf32, #tpu.memory_space<hbm>>
      tpu.wait_indirect_dma semaphore(%arg18 : memref<!tpu.dma_semaphore, #tpu.memory_space<semaphore_mem>>) src(%dma_wait3A_625 : memref<10000x128xf32, #tpu.memory_space<hbm>>) dst(%arg11 : memref<48x128xf32, #tpu.memory_space<vmem>>)
      %add3A_626 = arith.constant 3 : i32
      %add3A_627 = arith.addi %mul3A_573, %add3A_626 : i32
      %dma_start3A_628 = arith.constant 0 : i32
      %dma_start3A_629 = tpu.memref_slice %arg7[%add3A_627, %dma_start3A_628] : memref<108x48xi32, #tpu.memory_space<vmem>> -> memref<1x48xi32, #tpu.memory_space<vmem>>
      %dma_start3A_630 = tpu.memref_squeeze %dma_start3A_629 : memref<1x48xi32, #tpu.memory_space<vmem>> -> memref<48xi32, #tpu.memory_space<vmem>>
      %dma_start3A_631 = arith.constant 0 : i32
      %dma_start3A_632 = arith.constant 0 : i32
      %dma_start3A_633 = tpu.memref_slice %arg14[%dma_start3A_631, %dma_start3A_632] : memref<10448x128xf32, #tpu.memory_space<vmem_shared>> -> memref<10448x128xf32, #tpu.memory_space<vmem_shared>>
      tpu.enqueue_indirect_dma source(%arg11 : memref<48x128xf32, #tpu.memory_space<vmem>>) target(%dma_start3A_633 : memref<10448x128xf32, #tpu.memory_space<vmem_shared>>) offsets(%dma_start3A_630 : memref<48xi32, #tpu.memory_space<vmem>>) semaphore(%arg24 : memref<!tpu.dma_semaphore, #tpu.memory_space<semaphore_mem>>) {add = true}
      %dma_wait3A_634 = arith.constant 0 : i32
      %dma_wait3A_635 = arith.constant 0 : i32
      %dma_wait3A_636 = tpu.memref_slice %arg6[%dma_wait3A_634, %dma_wait3A_635] : memref<108x48xi32, #tpu.memory_space<vmem>> -> memref<1x48xi32, #tpu.memory_space<vmem>>
      %dma_wait3A_637 = tpu.memref_squeeze %dma_wait3A_636 : memref<1x48xi32, #tpu.memory_space<vmem>> -> memref<48xi32, #tpu.memory_space<vmem>>
      %dma_wait3A_638 = arith.constant 0 : i32
      %dma_wait3A_639 = arith.constant 0 : i32
      %dma_wait3A_640 = tpu.memref_slice %arg2[%dma_wait3A_638, %dma_wait3A_639] : memref<10000x128xf32, #tpu.memory_space<hbm>> -> memref<10000x128xf32, #tpu.memory_space<hbm>>
      tpu.wait_indirect_dma semaphore(%arg19 : memref<!tpu.dma_semaphore, #tpu.memory_space<semaphore_mem>>) src(%dma_wait3A_640 : memref<10000x128xf32, #tpu.memory_space<hbm>>) dst(%arg12 : memref<48x128xf32, #tpu.memory_space<vmem>>)
      %add3A_641 = arith.constant 4 : i32
      %add3A_642 = arith.addi %mul3A_573, %add3A_641 : i32
      %dma_start3A_643 = arith.constant 0 : i32
      %dma_start3A_644 = tpu.memref_slice %arg7[%add3A_642, %dma_start3A_643] : memref<108x48xi32, #tpu.memory_space<vmem>> -> memref<1x48xi32, #tpu.memory_space<vmem>>
      %dma_start3A_645 = tpu.memref_squeeze %dma_start3A_644 : memref<1x48xi32, #tpu.memory_space<vmem>> -> memref<48xi32, #tpu.memory_space<vmem>>
      %dma_start3A_646 = arith.constant 0 : i32
      %dma_start3A_647 = arith.constant 0 : i32
      %dma_start3A_648 = tpu.memref_slice %arg14[%dma_start3A_646, %dma_start3A_647] : memref<10448x128xf32, #tpu.memory_space<vmem_shared>> -> memref<10448x128xf32, #tpu.memory_space<vmem_shared>>
      tpu.enqueue_indirect_dma source(%arg12 : memref<48x128xf32, #tpu.memory_space<vmem>>) target(%dma_start3A_648 : memref<10448x128xf32, #tpu.memory_space<vmem_shared>>) offsets(%dma_start3A_645 : memref<48xi32, #tpu.memory_space<vmem>>) semaphore(%arg25 : memref<!tpu.dma_semaphore, #tpu.memory_space<semaphore_mem>>) {add = true}
      %dma_wait3A_649 = arith.constant 0 : i32
      %dma_wait3A_650 = arith.constant 0 : i32
      %dma_wait3A_651 = tpu.memref_slice %arg6[%dma_wait3A_649, %dma_wait3A_650] : memref<108x48xi32, #tpu.memory_space<vmem>> -> memref<1x48xi32, #tpu.memory_space<vmem>>
      %dma_wait3A_652 = tpu.memref_squeeze %dma_wait3A_651 : memref<1x48xi32, #tpu.memory_space<vmem>> -> memref<48xi32, #tpu.memory_space<vmem>>
      %dma_wait3A_653 = arith.constant 0 : i32
      %dma_wait3A_654 = arith.constant 0 : i32
      %dma_wait3A_655 = tpu.memref_slice %arg2[%dma_wait3A_653, %dma_wait3A_654] : memref<10000x128xf32, #tpu.memory_space<hbm>> -> memref<10000x128xf32, #tpu.memory_space<hbm>>
      tpu.wait_indirect_dma semaphore(%arg20 : memref<!tpu.dma_semaphore, #tpu.memory_space<semaphore_mem>>) src(%dma_wait3A_655 : memref<10000x128xf32, #tpu.memory_space<hbm>>) dst(%arg13 : memref<48x128xf32, #tpu.memory_space<vmem>>)
      %add3A_656 = arith.constant 5 : i32
      %add3A_657 = arith.addi %mul3A_573, %add3A_656 : i32
      %dma_start3A_658 = arith.constant 0 : i32
      %dma_start3A_659 = tpu.memref_slice %arg7[%add3A_657, %dma_start3A_658] : memref<108x48xi32, #tpu.memory_space<vmem>> -> memref<1x48xi32, #tpu.memory_space<vmem>>
      %dma_start3A_660 = tpu.memref_squeeze %dma_start3A_659 : memref<1x48xi32, #tpu.memory_space<vmem>> -> memref<48xi32, #tpu.memory_space<vmem>>
      %dma_start3A_661 = arith.constant 0 : i32
      %dma_start3A_662 = arith.constant 0 : i32
      %dma_start3A_663 = tpu.memref_slice %arg14[%dma_start3A_661, %dma_start3A_662] : memref<10448x128xf32, #tpu.memory_space<vmem_shared>> -> memref<10448x128xf32, #tpu.memory_space<vmem_shared>>
      tpu.enqueue_indirect_dma source(%arg13 : memref<48x128xf32, #tpu.memory_space<vmem>>) target(%dma_start3A_663 : memref<10448x128xf32, #tpu.memory_space<vmem_shared>>) offsets(%dma_start3A_660 : memref<48xi32, #tpu.memory_space<vmem>>) semaphore(%arg26 : memref<!tpu.dma_semaphore, #tpu.memory_space<semaphore_mem>>) {add = true}
      %dma_wait3A_664 = arith.constant 0 : i32
      %dma_wait3A_665 = arith.constant 0 : i32
      %dma_wait3A_666 = tpu.memref_slice %arg7[%dma_wait3A_664, %dma_wait3A_665] : memref<108x48xi32, #tpu.memory_space<vmem>> -> memref<1x48xi32, #tpu.memory_space<vmem>>
      %dma_wait3A_667 = tpu.memref_squeeze %dma_wait3A_666 : memref<1x48xi32, #tpu.memory_space<vmem>> -> memref<48xi32, #tpu.memory_space<vmem>>
      %dma_wait3A_668 = arith.constant 0 : i32
      %dma_wait3A_669 = arith.constant 0 : i32
      %dma_wait3A_670 = tpu.memref_slice %arg14[%dma_wait3A_668, %dma_wait3A_669] : memref<10448x128xf32, #tpu.memory_space<vmem_shared>> -> memref<10448x128xf32, #tpu.memory_space<vmem_shared>>
      tpu.wait_indirect_dma semaphore(%arg21 : memref<!tpu.dma_semaphore, #tpu.memory_space<semaphore_mem>>) src(%arg8 : memref<48x128xf32, #tpu.memory_space<vmem>>) dst(%dma_wait3A_670 : memref<10448x128xf32, #tpu.memory_space<vmem_shared>>)
      %add3A_671 = arith.constant 6 : i32
      %add3A_672 = arith.addi %mul3A_573, %add3A_671 : i32
      %add3A_673 = arith.constant 0 : i32
      %add3A_674 = arith.addi %add3A_672, %add3A_673 : i32
      %dma_start3A_675 = arith.constant 0 : i32
      %dma_start3A_676 = tpu.memref_slice %arg6[%add3A_674, %dma_start3A_675] : memref<108x48xi32, #tpu.memory_space<vmem>> -> memref<1x48xi32, #tpu.memory_space<vmem>>
      %dma_start3A_677 = tpu.memref_squeeze %dma_start3A_676 : memref<1x48xi32, #tpu.memory_space<vmem>> -> memref<48xi32, #tpu.memory_space<vmem>>
      %dma_start3A_678 = arith.constant 0 : i32
      %dma_start3A_679 = arith.constant 0 : i32
      %dma_start3A_680 = tpu.memref_slice %arg2[%dma_start3A_678, %dma_start3A_679] : memref<10000x128xf32, #tpu.memory_space<hbm>> -> memref<10000x128xf32, #tpu.memory_space<hbm>>
      tpu.enqueue_indirect_dma source(%dma_start3A_680 : memref<10000x128xf32, #tpu.memory_space<hbm>>) target(%arg8 : memref<48x128xf32, #tpu.memory_space<vmem>>) offsets(%dma_start3A_677 : memref<48xi32, #tpu.memory_space<vmem>>) semaphore(%arg15 : memref<!tpu.dma_semaphore, #tpu.memory_space<semaphore_mem>>)
      %dma_wait3A_681 = arith.constant 0 : i32
      %dma_wait3A_682 = arith.constant 0 : i32
      %dma_wait3A_683 = tpu.memref_slice %arg7[%dma_wait3A_681, %dma_wait3A_682] : memref<108x48xi32, #tpu.memory_space<vmem>> -> memref<1x48xi32, #tpu.memory_space<vmem>>
      %dma_wait3A_684 = tpu.memref_squeeze %dma_wait3A_683 : memref<1x48xi32, #tpu.memory_space<vmem>> -> memref<48xi32, #tpu.memory_space<vmem>>
      %dma_wait3A_685 = arith.constant 0 : i32
      %dma_wait3A_686 = arith.constant 0 : i32
      %dma_wait3A_687 = tpu.memref_slice %arg14[%dma_wait3A_685, %dma_wait3A_686] : memref<10448x128xf32, #tpu.memory_space<vmem_shared>> -> memref<10448x128xf32, #tpu.memory_space<vmem_shared>>
      tpu.wait_indirect_dma semaphore(%arg22 : memref<!tpu.dma_semaphore, #tpu.memory_space<semaphore_mem>>) src(%arg9 : memref<48x128xf32, #tpu.memory_space<vmem>>) dst(%dma_wait3A_687 : memref<10448x128xf32, #tpu.memory_space<vmem_shared>>)
      %add3A_688 = arith.constant 6 : i32
      %add3A_689 = arith.addi %mul3A_573, %add3A_688 : i32
      %add3A_690 = arith.constant 1 : i32
      %add3A_691 = arith.addi %add3A_689, %add3A_690 : i32
      %dma_start3A_692 = arith.constant 0 : i32
      %dma_start3A_693 = tpu.memref_slice %arg6[%add3A_691, %dma_start3A_692] : memref<108x48xi32, #tpu.memory_space<vmem>> -> memref<1x48xi32, #tpu.memory_space<vmem>>
      %dma_start3A_694 = tpu.memref_squeeze %dma_start3A_693 : memref<1x48xi32, #tpu.memory_space<vmem>> -> memref<48xi32, #tpu.memory_space<vmem>>
      %dma_start3A_695 = arith.constant 0 : i32
      %dma_start3A_696 = arith.constant 0 : i32
      %dma_start3A_697 = tpu.memref_slice %arg2[%dma_start3A_695, %dma_start3A_696] : memref<10000x128xf32, #tpu.memory_space<hbm>> -> memref<10000x128xf32, #tpu.memory_space<hbm>>
      tpu.enqueue_indirect_dma source(%dma_start3A_697 : memref<10000x128xf32, #tpu.memory_space<hbm>>) target(%arg9 : memref<48x128xf32, #tpu.memory_space<vmem>>) offsets(%dma_start3A_694 : memref<48xi32, #tpu.memory_space<vmem>>) semaphore(%arg16 : memref<!tpu.dma_semaphore, #tpu.memory_space<semaphore_mem>>)
      %dma_wait3A_698 = arith.constant 0 : i32
      %dma_wait3A_699 = arith.constant 0 : i32
      %dma_wait3A_700 = tpu.memref_slice %arg7[%dma_wait3A_698, %dma_wait3A_699] : memref<108x48xi32, #tpu.memory_space<vmem>> -> memref<1x48xi32, #tpu.memory_space<vmem>>
      %dma_wait3A_701 = tpu.memref_squeeze %dma_wait3A_700 : memref<1x48xi32, #tpu.memory_space<vmem>> -> memref<48xi32, #tpu.memory_space<vmem>>
      %dma_wait3A_702 = arith.constant 0 : i32
      %dma_wait3A_703 = arith.constant 0 : i32
      %dma_wait3A_704 = tpu.memref_slice %arg14[%dma_wait3A_702, %dma_wait3A_703] : memref<10448x128xf32, #tpu.memory_space<vmem_shared>> -> memref<10448x128xf32, #tpu.memory_space<vmem_shared>>
      tpu.wait_indirect_dma semaphore(%arg23 : memref<!tpu.dma_semaphore, #tpu.memory_space<semaphore_mem>>) src(%arg10 : memref<48x128xf32, #tpu.memory_space<vmem>>) dst(%dma_wait3A_704 : memref<10448x128xf32, #tpu.memory_space<vmem_shared>>)
      %add3A_705 = arith.constant 6 : i32
      %add3A_706 = arith.addi %mul3A_573, %add3A_705 : i32
      %add3A_707 = arith.constant 2 : i32
      %add3A_708 = arith.addi %add3A_706, %add3A_707 : i32
      %dma_start3A_709 = arith.constant 0 : i32
      %dma_start3A_710 = tpu.memref_slice %arg6[%add3A_708, %dma_start3A_709] : memref<108x48xi32, #tpu.memory_space<vmem>> -> memref<1x48xi32, #tpu.memory_space<vmem>>
      %dma_start3A_711 = tpu.memref_squeeze %dma_start3A_710 : memref<1x48xi32, #tpu.memory_space<vmem>> -> memref<48xi32, #tpu.memory_space<vmem>>
      %dma_start3A_712 = arith.constant 0 : i32
      %dma_start3A_713 = arith.constant 0 : i32
      %dma_start3A_714 = tpu.memref_slice %arg2[%dma_start3A_712, %dma_start3A_713] : memref<10000x128xf32, #tpu.memory_space<hbm>> -> memref<10000x128xf32, #tpu.memory_space<hbm>>
      tpu.enqueue_indirect_dma source(%dma_start3A_714 : memref<10000x128xf32, #tpu.memory_space<hbm>>) target(%arg10 : memref<48x128xf32, #tpu.memory_space<vmem>>) offsets(%dma_start3A_711 : memref<48xi32, #tpu.memory_space<vmem>>) semaphore(%arg17 : memref<!tpu.dma_semaphore, #tpu.memory_space<semaphore_mem>>)
      %dma_wait3A_715 = arith.constant 0 : i32
      %dma_wait3A_716 = arith.constant 0 : i32
      %dma_wait3A_717 = tpu.memref_slice %arg7[%dma_wait3A_715, %dma_wait3A_716] : memref<108x48xi32, #tpu.memory_space<vmem>> -> memref<1x48xi32, #tpu.memory_space<vmem>>
      %dma_wait3A_718 = tpu.memref_squeeze %dma_wait3A_717 : memref<1x48xi32, #tpu.memory_space<vmem>> -> memref<48xi32, #tpu.memory_space<vmem>>
      %dma_wait3A_719 = arith.constant 0 : i32
      %dma_wait3A_720 = arith.constant 0 : i32
      %dma_wait3A_721 = tpu.memref_slice %arg14[%dma_wait3A_719, %dma_wait3A_720] : memref<10448x128xf32, #tpu.memory_space<vmem_shared>> -> memref<10448x128xf32, #tpu.memory_space<vmem_shared>>
      tpu.wait_indirect_dma semaphore(%arg24 : memref<!tpu.dma_semaphore, #tpu.memory_space<semaphore_mem>>) src(%arg11 : memref<48x128xf32, #tpu.memory_space<vmem>>) dst(%dma_wait3A_721 : memref<10448x128xf32, #tpu.memory_space<vmem_shared>>)
      %add3A_722 = arith.constant 6 : i32
      %add3A_723 = arith.addi %mul3A_573, %add3A_722 : i32
      %add3A_724 = arith.constant 3 : i32
      %add3A_725 = arith.addi %add3A_723, %add3A_724 : i32
      %dma_start3A_726 = arith.constant 0 : i32
      %dma_start3A_727 = tpu.memref_slice %arg6[%add3A_725, %dma_start3A_726] : memref<108x48xi32, #tpu.memory_space<vmem>> -> memref<1x48xi32, #tpu.memory_space<vmem>>
      %dma_start3A_728 = tpu.memref_squeeze %dma_start3A_727 : memref<1x48xi32, #tpu.memory_space<vmem>> -> memref<48xi32, #tpu.memory_space<vmem>>
      %dma_start3A_729 = arith.constant 0 : i32
      %dma_start3A_730 = arith.constant 0 : i32
      %dma_start3A_731 = tpu.memref_slice %arg2[%dma_start3A_729, %dma_start3A_730] : memref<10000x128xf32, #tpu.memory_space<hbm>> -> memref<10000x128xf32, #tpu.memory_space<hbm>>
      tpu.enqueue_indirect_dma source(%dma_start3A_731 : memref<10000x128xf32, #tpu.memory_space<hbm>>) target(%arg11 : memref<48x128xf32, #tpu.memory_space<vmem>>) offsets(%dma_start3A_728 : memref<48xi32, #tpu.memory_space<vmem>>) semaphore(%arg18 : memref<!tpu.dma_semaphore, #tpu.memory_space<semaphore_mem>>)
      %dma_wait3A_732 = arith.constant 0 : i32
      %dma_wait3A_733 = arith.constant 0 : i32
      %dma_wait3A_734 = tpu.memref_slice %arg7[%dma_wait3A_732, %dma_wait3A_733] : memref<108x48xi32, #tpu.memory_space<vmem>> -> memref<1x48xi32, #tpu.memory_space<vmem>>
      %dma_wait3A_735 = tpu.memref_squeeze %dma_wait3A_734 : memref<1x48xi32, #tpu.memory_space<vmem>> -> memref<48xi32, #tpu.memory_space<vmem>>
      %dma_wait3A_736 = arith.constant 0 : i32
      %dma_wait3A_737 = arith.constant 0 : i32
      %dma_wait3A_738 = tpu.memref_slice %arg14[%dma_wait3A_736, %dma_wait3A_737] : memref<10448x128xf32, #tpu.memory_space<vmem_shared>> -> memref<10448x128xf32, #tpu.memory_space<vmem_shared>>
      tpu.wait_indirect_dma semaphore(%arg25 : memref<!tpu.dma_semaphore, #tpu.memory_space<semaphore_mem>>) src(%arg12 : memref<48x128xf32, #tpu.memory_space<vmem>>) dst(%dma_wait3A_738 : memref<10448x128xf32, #tpu.memory_space<vmem_shared>>)
      %add3A_739 = arith.constant 6 : i32
      %add3A_740 = arith.addi %mul3A_573, %add3A_739 : i32
      %add3A_741 = arith.constant 4 : i32
      %add3A_742 = arith.addi %add3A_740, %add3A_741 : i32
      %dma_start3A_743 = arith.constant 0 : i32
      %dma_start3A_744 = tpu.memref_slice %arg6[%add3A_742, %dma_start3A_743] : memref<108x48xi32, #tpu.memory_space<vmem>> -> memref<1x48xi32, #tpu.memory_space<vmem>>
      %dma_start3A_745 = tpu.memref_squeeze %dma_start3A_744 : memref<1x48xi32, #tpu.memory_space<vmem>> -> memref<48xi32, #tpu.memory_space<vmem>>
      %dma_start3A_746 = arith.constant 0 : i32
      %dma_start3A_747 = arith.constant 0 : i32
      %dma_start3A_748 = tpu.memref_slice %arg2[%dma_start3A_746, %dma_start3A_747] : memref<10000x128xf32, #tpu.memory_space<hbm>> -> memref<10000x128xf32, #tpu.memory_space<hbm>>
      tpu.enqueue_indirect_dma source(%dma_start3A_748 : memref<10000x128xf32, #tpu.memory_space<hbm>>) target(%arg12 : memref<48x128xf32, #tpu.memory_space<vmem>>) offsets(%dma_start3A_745 : memref<48xi32, #tpu.memory_space<vmem>>) semaphore(%arg19 : memref<!tpu.dma_semaphore, #tpu.memory_space<semaphore_mem>>)
      %dma_wait3A_749 = arith.constant 0 : i32
      %dma_wait3A_750 = arith.constant 0 : i32
      %dma_wait3A_751 = tpu.memref_slice %arg7[%dma_wait3A_749, %dma_wait3A_750] : memref<108x48xi32, #tpu.memory_space<vmem>> -> memref<1x48xi32, #tpu.memory_space<vmem>>
      %dma_wait3A_752 = tpu.memref_squeeze %dma_wait3A_751 : memref<1x48xi32, #tpu.memory_space<vmem>> -> memref<48xi32, #tpu.memory_space<vmem>>
      %dma_wait3A_753 = arith.constant 0 : i32
      %dma_wait3A_754 = arith.constant 0 : i32
      %dma_wait3A_755 = tpu.memref_slice %arg14[%dma_wait3A_753, %dma_wait3A_754] : memref<10448x128xf32, #tpu.memory_space<vmem_shared>> -> memref<10448x128xf32, #tpu.memory_space<vmem_shared>>
      tpu.wait_indirect_dma semaphore(%arg26 : memref<!tpu.dma_semaphore, #tpu.memory_space<semaphore_mem>>) src(%arg13 : memref<48x128xf32, #tpu.memory_space<vmem>>) dst(%dma_wait3A_755 : memref<10448x128xf32, #tpu.memory_space<vmem_shared>>)
      %add3A_756 = arith.constant 6 : i32
      %add3A_757 = arith.addi %mul3A_573, %add3A_756 : i32
      %add3A_758 = arith.constant 5 : i32
      %add3A_759 = arith.addi %add3A_757, %add3A_758 : i32
      %dma_start3A_760 = arith.constant 0 : i32
      %dma_start3A_761 = tpu.memref_slice %arg6[%add3A_759, %dma_start3A_760] : memref<108x48xi32, #tpu.memory_space<vmem>> -> memref<1x48xi32, #tpu.memory_space<vmem>>
      %dma_start3A_762 = tpu.memref_squeeze %dma_start3A_761 : memref<1x48xi32, #tpu.memory_space<vmem>> -> memref<48xi32, #tpu.memory_space<vmem>>
      %dma_start3A_763 = arith.constant 0 : i32
      %dma_start3A_764 = arith.constant 0 : i32
      %dma_start3A_765 = tpu.memref_slice %arg2[%dma_start3A_763, %dma_start3A_764] : memref<10000x128xf32, #tpu.memory_space<hbm>> -> memref<10000x128xf32, #tpu.memory_space<hbm>>
      tpu.enqueue_indirect_dma source(%dma_start3A_765 : memref<10000x128xf32, #tpu.memory_space<hbm>>) target(%arg13 : memref<48x128xf32, #tpu.memory_space<vmem>>) offsets(%dma_start3A_762 : memref<48xi32, #tpu.memory_space<vmem>>) semaphore(%arg20 : memref<!tpu.dma_semaphore, #tpu.memory_space<semaphore_mem>>)
    }
    %scan3A_258 = arith.constant 17 : i32
    %dma_wait3A_259 = arith.constant 0 : i32
    %dma_wait3A_260 = arith.constant 0 : i32
    %dma_wait3A_261 = tpu.memref_slice %arg6[%dma_wait3A_259, %dma_wait3A_260] : memref<108x48xi32, #tpu.memory_space<vmem>> -> memref<1x48xi32, #tpu.memory_space<vmem>>
    %dma_wait3A_262 = tpu.memref_squeeze %dma_wait3A_261 : memref<1x48xi32, #tpu.memory_space<vmem>> -> memref<48xi32, #tpu.memory_space<vmem>>
    %dma_wait3A_263 = arith.constant 0 : i32
    %dma_wait3A_264 = arith.constant 0 : i32
    %dma_wait3A_265 = tpu.memref_slice %arg2[%dma_wait3A_263, %dma_wait3A_264] : memref<10000x128xf32, #tpu.memory_space<hbm>> -> memref<10000x128xf32, #tpu.memory_space<hbm>>
    tpu.wait_indirect_dma semaphore(%arg15 : memref<!tpu.dma_semaphore, #tpu.memory_space<semaphore_mem>>) src(%dma_wait3A_265 : memref<10000x128xf32, #tpu.memory_space<hbm>>) dst(%arg8 : memref<48x128xf32, #tpu.memory_space<vmem>>)
    %dma_start3A_266 = arith.constant 102 : i32
    %dma_start3A_267 = arith.constant 0 : i32
    %dma_start3A_268 = tpu.memref_slice %arg7[%dma_start3A_266, %dma_start3A_267] : memref<108x48xi32, #tpu.memory_space<vmem>> -> memref<1x48xi32, #tpu.memory_space<vmem>>
    %dma_start3A_269 = tpu.memref_squeeze %dma_start3A_268 : memref<1x48xi32, #tpu.memory_space<vmem>> -> memref<48xi32, #tpu.memory_space<vmem>>
    %dma_start3A_270 = arith.constant 0 : i32
    %dma_start3A_271 = arith.constant 0 : i32
    %dma_start3A_272 = tpu.memref_slice %arg14[%dma_start3A_270, %dma_start3A_271] : memref<10448x128xf32, #tpu.memory_space<vmem_shared>> -> memref<10448x128xf32, #tpu.memory_space<vmem_shared>>
    tpu.enqueue_indirect_dma source(%arg8 : memref<48x128xf32, #tpu.memory_space<vmem>>) target(%dma_start3A_272 : memref<10448x128xf32, #tpu.memory_space<vmem_shared>>) offsets(%dma_start3A_269 : memref<48xi32, #tpu.memory_space<vmem>>) semaphore(%arg21 : memref<!tpu.dma_semaphore, #tpu.memory_space<semaphore_mem>>) {add = true}
    %dma_wait3A_273 = arith.constant 0 : i32
    %dma_wait3A_274 = arith.constant 0 : i32
    %dma_wait3A_275 = tpu.memref_slice %arg6[%dma_wait3A_273, %dma_wait3A_274] : memref<108x48xi32, #tpu.memory_space<vmem>> -> memref<1x48xi32, #tpu.memory_space<vmem>>
    %dma_wait3A_276 = tpu.memref_squeeze %dma_wait3A_275 : memref<1x48xi32, #tpu.memory_space<vmem>> -> memref<48xi32, #tpu.memory_space<vmem>>
    %dma_wait3A_277 = arith.constant 0 : i32
    %dma_wait3A_278 = arith.constant 0 : i32
    %dma_wait3A_279 = tpu.memref_slice %arg2[%dma_wait3A_277, %dma_wait3A_278] : memref<10000x128xf32, #tpu.memory_space<hbm>> -> memref<10000x128xf32, #tpu.memory_space<hbm>>
    tpu.wait_indirect_dma semaphore(%arg16 : memref<!tpu.dma_semaphore, #tpu.memory_space<semaphore_mem>>) src(%dma_wait3A_279 : memref<10000x128xf32, #tpu.memory_space<hbm>>) dst(%arg9 : memref<48x128xf32, #tpu.memory_space<vmem>>)
    %dma_start3A_280 = arith.constant 103 : i32
    %dma_start3A_281 = arith.constant 0 : i32
    %dma_start3A_282 = tpu.memref_slice %arg7[%dma_start3A_280, %dma_start3A_281] : memref<108x48xi32, #tpu.memory_space<vmem>> -> memref<1x48xi32, #tpu.memory_space<vmem>>
    %dma_start3A_283 = tpu.memref_squeeze %dma_start3A_282 : memref<1x48xi32, #tpu.memory_space<vmem>> -> memref<48xi32, #tpu.memory_space<vmem>>
    %dma_start3A_284 = arith.constant 0 : i32
    %dma_start3A_285 = arith.constant 0 : i32
    %dma_start3A_286 = tpu.memref_slice %arg14[%dma_start3A_284, %dma_start3A_285] : memref<10448x128xf32, #tpu.memory_space<vmem_shared>> -> memref<10448x128xf32, #tpu.memory_space<vmem_shared>>
    tpu.enqueue_indirect_dma source(%arg9 : memref<48x128xf32, #tpu.memory_space<vmem>>) target(%dma_start3A_286 : memref<10448x128xf32, #tpu.memory_space<vmem_shared>>) offsets(%dma_start3A_283 : memref<48xi32, #tpu.memory_space<vmem>>) semaphore(%arg22 : memref<!tpu.dma_semaphore, #tpu.memory_space<semaphore_mem>>) {add = true}
    %dma_wait3A_287 = arith.constant 0 : i32
    %dma_wait3A_288 = arith.constant 0 : i32
    %dma_wait3A_289 = tpu.memref_slice %arg6[%dma_wait3A_287, %dma_wait3A_288] : memref<108x48xi32, #tpu.memory_space<vmem>> -> memref<1x48xi32, #tpu.memory_space<vmem>>
    %dma_wait3A_290 = tpu.memref_squeeze %dma_wait3A_289 : memref<1x48xi32, #tpu.memory_space<vmem>> -> memref<48xi32, #tpu.memory_space<vmem>>
    %dma_wait3A_291 = arith.constant 0 : i32
    %dma_wait3A_292 = arith.constant 0 : i32
    %dma_wait3A_293 = tpu.memref_slice %arg2[%dma_wait3A_291, %dma_wait3A_292] : memref<10000x128xf32, #tpu.memory_space<hbm>> -> memref<10000x128xf32, #tpu.memory_space<hbm>>
    tpu.wait_indirect_dma semaphore(%arg17 : memref<!tpu.dma_semaphore, #tpu.memory_space<semaphore_mem>>) src(%dma_wait3A_293 : memref<10000x128xf32, #tpu.memory_space<hbm>>) dst(%arg10 : memref<48x128xf32, #tpu.memory_space<vmem>>)
    %dma_start3A_294 = arith.constant 104 : i32
    %dma_start3A_295 = arith.constant 0 : i32
    %dma_start3A_296 = tpu.memref_slice %arg7[%dma_start3A_294, %dma_start3A_295] : memref<108x48xi32, #tpu.memory_space<vmem>> -> memref<1x48xi32, #tpu.memory_space<vmem>>
    %dma_start3A_297 = tpu.memref_squeeze %dma_start3A_296 : memref<1x48xi32, #tpu.memory_space<vmem>> -> memref<48xi32, #tpu.memory_space<vmem>>
    %dma_start3A_298 = arith.constant 0 : i32
    %dma_start3A_299 = arith.constant 0 : i32
    %dma_start3A_300 = tpu.memref_slice %arg14[%dma_start3A_298, %dma_start3A_299] : memref<10448x128xf32, #tpu.memory_space<vmem_shared>> -> memref<10448x128xf32, #tpu.memory_space<vmem_shared>>
    tpu.enqueue_indirect_dma source(%arg10 : memref<48x128xf32, #tpu.memory_space<vmem>>) target(%dma_start3A_300 : memref<10448x128xf32, #tpu.memory_space<vmem_shared>>) offsets(%dma_start3A_297 : memref<48xi32, #tpu.memory_space<vmem>>) semaphore(%arg23 : memref<!tpu.dma_semaphore, #tpu.memory_space<semaphore_mem>>) {add = true}
    %dma_wait3A_301 = arith.constant 0 : i32
    %dma_wait3A_302 = arith.constant 0 : i32
    %dma_wait3A_303 = tpu.memref_slice %arg6[%dma_wait3A_301, %dma_wait3A_302] : memref<108x48xi32, #tpu.memory_space<vmem>> -> memref<1x48xi32, #tpu.memory_space<vmem>>
    %dma_wait3A_304 = tpu.memref_squeeze %dma_wait3A_303 : memref<1x48xi32, #tpu.memory_space<vmem>> -> memref<48xi32, #tpu.memory_space<vmem>>
    %dma_wait3A_305 = arith.constant 0 : i32
    %dma_wait3A_306 = arith.constant 0 : i32
    %dma_wait3A_307 = tpu.memref_slice %arg2[%dma_wait3A_305, %dma_wait3A_306] : memref<10000x128xf32, #tpu.memory_space<hbm>> -> memref<10000x128xf32, #tpu.memory_space<hbm>>
    tpu.wait_indirect_dma semaphore(%arg18 : memref<!tpu.dma_semaphore, #tpu.memory_space<semaphore_mem>>) src(%dma_wait3A_307 : memref<10000x128xf32, #tpu.memory_space<hbm>>) dst(%arg11 : memref<48x128xf32, #tpu.memory_space<vmem>>)
    %dma_start3A_308 = arith.constant 105 : i32
    %dma_start3A_309 = arith.constant 0 : i32
    %dma_start3A_310 = tpu.memref_slice %arg7[%dma_start3A_308, %dma_start3A_309] : memref<108x48xi32, #tpu.memory_space<vmem>> -> memref<1x48xi32, #tpu.memory_space<vmem>>
    %dma_start3A_311 = tpu.memref_squeeze %dma_start3A_310 : memref<1x48xi32, #tpu.memory_space<vmem>> -> memref<48xi32, #tpu.memory_space<vmem>>
    %dma_start3A_312 = arith.constant 0 : i32
    %dma_start3A_313 = arith.constant 0 : i32
    %dma_start3A_314 = tpu.memref_slice %arg14[%dma_start3A_312, %dma_start3A_313] : memref<10448x128xf32, #tpu.memory_space<vmem_shared>> -> memref<10448x128xf32, #tpu.memory_space<vmem_shared>>
    tpu.enqueue_indirect_dma source(%arg11 : memref<48x128xf32, #tpu.memory_space<vmem>>) target(%dma_start3A_314 : memref<10448x128xf32, #tpu.memory_space<vmem_shared>>) offsets(%dma_start3A_311 : memref<48xi32, #tpu.memory_space<vmem>>) semaphore(%arg24 : memref<!tpu.dma_semaphore, #tpu.memory_space<semaphore_mem>>) {add = true}
    %dma_wait3A_315 = arith.constant 0 : i32
    %dma_wait3A_316 = arith.constant 0 : i32
    %dma_wait3A_317 = tpu.memref_slice %arg6[%dma_wait3A_315, %dma_wait3A_316] : memref<108x48xi32, #tpu.memory_space<vmem>> -> memref<1x48xi32, #tpu.memory_space<vmem>>
    %dma_wait3A_318 = tpu.memref_squeeze %dma_wait3A_317 : memref<1x48xi32, #tpu.memory_space<vmem>> -> memref<48xi32, #tpu.memory_space<vmem>>
    %dma_wait3A_319 = arith.constant 0 : i32
    %dma_wait3A_320 = arith.constant 0 : i32
    %dma_wait3A_321 = tpu.memref_slice %arg2[%dma_wait3A_319, %dma_wait3A_320] : memref<10000x128xf32, #tpu.memory_space<hbm>> -> memref<10000x128xf32, #tpu.memory_space<hbm>>
    tpu.wait_indirect_dma semaphore(%arg19 : memref<!tpu.dma_semaphore, #tpu.memory_space<semaphore_mem>>) src(%dma_wait3A_321 : memref<10000x128xf32, #tpu.memory_space<hbm>>) dst(%arg12 : memref<48x128xf32, #tpu.memory_space<vmem>>)
    %dma_start3A_322 = arith.constant 106 : i32
    %dma_start3A_323 = arith.constant 0 : i32
    %dma_start3A_324 = tpu.memref_slice %arg7[%dma_start3A_322, %dma_start3A_323] : memref<108x48xi32, #tpu.memory_space<vmem>> -> memref<1x48xi32, #tpu.memory_space<vmem>>
    %dma_start3A_325 = tpu.memref_squeeze %dma_start3A_324 : memref<1x48xi32, #tpu.memory_space<vmem>> -> memref<48xi32, #tpu.memory_space<vmem>>
    %dma_start3A_326 = arith.constant 0 : i32
    %dma_start3A_327 = arith.constant 0 : i32
    %dma_start3A_328 = tpu.memref_slice %arg14[%dma_start3A_326, %dma_start3A_327] : memref<10448x128xf32, #tpu.memory_space<vmem_shared>> -> memref<10448x128xf32, #tpu.memory_space<vmem_shared>>
    tpu.enqueue_indirect_dma source(%arg12 : memref<48x128xf32, #tpu.memory_space<vmem>>) target(%dma_start3A_328 : memref<10448x128xf32, #tpu.memory_space<vmem_shared>>) offsets(%dma_start3A_325 : memref<48xi32, #tpu.memory_space<vmem>>) semaphore(%arg25 : memref<!tpu.dma_semaphore, #tpu.memory_space<semaphore_mem>>) {add = true}
    %dma_wait3A_329 = arith.constant 0 : i32
    %dma_wait3A_330 = arith.constant 0 : i32
    %dma_wait3A_331 = tpu.memref_slice %arg6[%dma_wait3A_329, %dma_wait3A_330] : memref<108x48xi32, #tpu.memory_space<vmem>> -> memref<1x48xi32, #tpu.memory_space<vmem>>
    %dma_wait3A_332 = tpu.memref_squeeze %dma_wait3A_331 : memref<1x48xi32, #tpu.memory_space<vmem>> -> memref<48xi32, #tpu.memory_space<vmem>>
    %dma_wait3A_333 = arith.constant 0 : i32
    %dma_wait3A_334 = arith.constant 0 : i32
    %dma_wait3A_335 = tpu.memref_slice %arg2[%dma_wait3A_333, %dma_wait3A_334] : memref<10000x128xf32, #tpu.memory_space<hbm>> -> memref<10000x128xf32, #tpu.memory_space<hbm>>
    tpu.wait_indirect_dma semaphore(%arg20 : memref<!tpu.dma_semaphore, #tpu.memory_space<semaphore_mem>>) src(%dma_wait3A_335 : memref<10000x128xf32, #tpu.memory_space<hbm>>) dst(%arg13 : memref<48x128xf32, #tpu.memory_space<vmem>>)
    %dma_start3A_336 = arith.constant 107 : i32
    %dma_start3A_337 = arith.constant 0 : i32
    %dma_start3A_338 = tpu.memref_slice %arg7[%dma_start3A_336, %dma_start3A_337] : memref<108x48xi32, #tpu.memory_space<vmem>> -> memref<1x48xi32, #tpu.memory_space<vmem>>
    %dma_start3A_339 = tpu.memref_squeeze %dma_start3A_338 : memref<1x48xi32, #tpu.memory_space<vmem>> -> memref<48xi32, #tpu.memory_space<vmem>>
    %dma_start3A_340 = arith.constant 0 : i32
    %dma_start3A_341 = arith.constant 0 : i32
    %dma_start3A_342 = tpu.memref_slice %arg14[%dma_start3A_340, %dma_start3A_341] : memref<10448x128xf32, #tpu.memory_space<vmem_shared>> -> memref<10448x128xf32, #tpu.memory_space<vmem_shared>>
    tpu.enqueue_indirect_dma source(%arg13 : memref<48x128xf32, #tpu.memory_space<vmem>>) target(%dma_start3A_342 : memref<10448x128xf32, #tpu.memory_space<vmem_shared>>) offsets(%dma_start3A_339 : memref<48xi32, #tpu.memory_space<vmem>>) semaphore(%arg26 : memref<!tpu.dma_semaphore, #tpu.memory_space<semaphore_mem>>) {add = true}
    %dma_wait3A_343 = arith.constant 0 : i32
    %dma_wait3A_344 = arith.constant 0 : i32
    %dma_wait3A_345 = tpu.memref_slice %arg7[%dma_wait3A_343, %dma_wait3A_344] : memref<108x48xi32, #tpu.memory_space<vmem>> -> memref<1x48xi32, #tpu.memory_space<vmem>>
    %dma_wait3A_346 = tpu.memref_squeeze %dma_wait3A_345 : memref<1x48xi32, #tpu.memory_space<vmem>> -> memref<48xi32, #tpu.memory_space<vmem>>
    %dma_wait3A_347 = arith.constant 0 : i32
    %dma_wait3A_348 = arith.constant 0 : i32
    %dma_wait3A_349 = tpu.memref_slice %arg14[%dma_wait3A_347, %dma_wait3A_348] : memref<10448x128xf32, #tpu.memory_space<vmem_shared>> -> memref<10448x128xf32, #tpu.memory_space<vmem_shared>>
    tpu.wait_indirect_dma semaphore(%arg21 : memref<!tpu.dma_semaphore, #tpu.memory_space<semaphore_mem>>) src(%arg8 : memref<48x128xf32, #tpu.memory_space<vmem>>) dst(%dma_wait3A_349 : memref<10448x128xf32, #tpu.memory_space<vmem_shared>>)
    %dma_wait3A_350 = arith.constant 0 : i32
    %dma_wait3A_351 = arith.constant 0 : i32
    %dma_wait3A_352 = tpu.memref_slice %arg7[%dma_wait3A_350, %dma_wait3A_351] : memref<108x48xi32, #tpu.memory_space<vmem>> -> memref<1x48xi32, #tpu.memory_space<vmem>>
    %dma_wait3A_353 = tpu.memref_squeeze %dma_wait3A_352 : memref<1x48xi32, #tpu.memory_space<vmem>> -> memref<48xi32, #tpu.memory_space<vmem>>
    %dma_wait3A_354 = arith.constant 0 : i32
    %dma_wait3A_355 = arith.constant 0 : i32
    %dma_wait3A_356 = tpu.memref_slice %arg14[%dma_wait3A_354, %dma_wait3A_355] : memref<10448x128xf32, #tpu.memory_space<vmem_shared>> -> memref<10448x128xf32, #tpu.memory_space<vmem_shared>>
    tpu.wait_indirect_dma semaphore(%arg22 : memref<!tpu.dma_semaphore, #tpu.memory_space<semaphore_mem>>) src(%arg9 : memref<48x128xf32, #tpu.memory_space<vmem>>) dst(%dma_wait3A_356 : memref<10448x128xf32, #tpu.memory_space<vmem_shared>>)
    %dma_wait3A_357 = arith.constant 0 : i32
    %dma_wait3A_358 = arith.constant 0 : i32
    %dma_wait3A_359 = tpu.memref_slice %arg7[%dma_wait3A_357, %dma_wait3A_358] : memref<108x48xi32, #tpu.memory_space<vmem>> -> memref<1x48xi32, #tpu.memory_space<vmem>>
    %dma_wait3A_360 = tpu.memref_squeeze %dma_wait3A_359 : memref<1x48xi32, #tpu.memory_space<vmem>> -> memref<48xi32, #tpu.memory_space<vmem>>
    %dma_wait3A_361 = arith.constant 0 : i32
    %dma_wait3A_362 = arith.constant 0 : i32
    %dma_wait3A_363 = tpu.memref_slice %arg14[%dma_wait3A_361, %dma_wait3A_362] : memref<10448x128xf32, #tpu.memory_space<vmem_shared>> -> memref<10448x128xf32, #tpu.memory_space<vmem_shared>>
    tpu.wait_indirect_dma semaphore(%arg23 : memref<!tpu.dma_semaphore, #tpu.memory_space<semaphore_mem>>) src(%arg10 : memref<48x128xf32, #tpu.memory_space<vmem>>) dst(%dma_wait3A_363 : memref<10448x128xf32, #tpu.memory_space<vmem_shared>>)
    %dma_wait3A_364 = arith.constant 0 : i32
    %dma_wait3A_365 = arith.constant 0 : i32
    %dma_wait3A_366 = tpu.memref_slice %arg7[%dma_wait3A_364, %dma_wait3A_365] : memref<108x48xi32, #tpu.memory_space<vmem>> -> memref<1x48xi32, #tpu.memory_space<vmem>>
    %dma_wait3A_367 = tpu.memref_squeeze %dma_wait3A_366 : memref<1x48xi32, #tpu.memory_space<vmem>> -> memref<48xi32, #tpu.memory_space<vmem>>
    %dma_wait3A_368 = arith.constant 0 : i32
    %dma_wait3A_369 = arith.constant 0 : i32
    %dma_wait3A_370 = tpu.memref_slice %arg14[%dma_wait3A_368, %dma_wait3A_369] : memref<10448x128xf32, #tpu.memory_space<vmem_shared>> -> memref<10448x128xf32, #tpu.memory_space<vmem_shared>>
    tpu.wait_indirect_dma semaphore(%arg24 : memref<!tpu.dma_semaphore, #tpu.memory_space<semaphore_mem>>) src(%arg11 : memref<48x128xf32, #tpu.memory_space<vmem>>) dst(%dma_wait3A_370 : memref<10448x128xf32, #tpu.memory_space<vmem_shared>>)
    %dma_wait3A_371 = arith.constant 0 : i32
    %dma_wait3A_372 = arith.constant 0 : i32
    %dma_wait3A_373 = tpu.memref_slice %arg7[%dma_wait3A_371, %dma_wait3A_372] : memref<108x48xi32, #tpu.memory_space<vmem>> -> memref<1x48xi32, #tpu.memory_space<vmem>>
    %dma_wait3A_374 = tpu.memref_squeeze %dma_wait3A_373 : memref<1x48xi32, #tpu.memory_space<vmem>> -> memref<48xi32, #tpu.memory_space<vmem>>
    %dma_wait3A_375 = arith.constant 0 : i32
    %dma_wait3A_376 = arith.constant 0 : i32
    %dma_wait3A_377 = tpu.memref_slice %arg14[%dma_wait3A_375, %dma_wait3A_376] : memref<10448x128xf32, #tpu.memory_space<vmem_shared>> -> memref<10448x128xf32, #tpu.memory_space<vmem_shared>>
    tpu.wait_indirect_dma semaphore(%arg25 : memref<!tpu.dma_semaphore, #tpu.memory_space<semaphore_mem>>) src(%arg12 : memref<48x128xf32, #tpu.memory_space<vmem>>) dst(%dma_wait3A_377 : memref<10448x128xf32, #tpu.memory_space<vmem_shared>>)
    %dma_wait3A_378 = arith.constant 0 : i32
    %dma_wait3A_379 = arith.constant 0 : i32
    %dma_wait3A_380 = tpu.memref_slice %arg7[%dma_wait3A_378, %dma_wait3A_379] : memref<108x48xi32, #tpu.memory_space<vmem>> -> memref<1x48xi32, #tpu.memory_space<vmem>>
    %dma_wait3A_381 = tpu.memref_squeeze %dma_wait3A_380 : memref<1x48xi32, #tpu.memory_space<vmem>> -> memref<48xi32, #tpu.memory_space<vmem>>
    %dma_wait3A_382 = arith.constant 0 : i32
    %dma_wait3A_383 = arith.constant 0 : i32
    %dma_wait3A_384 = tpu.memref_slice %arg14[%dma_wait3A_382, %dma_wait3A_383] : memref<10448x128xf32, #tpu.memory_space<vmem_shared>> -> memref<10448x128xf32, #tpu.memory_space<vmem_shared>>
    tpu.wait_indirect_dma semaphore(%arg26 : memref<!tpu.dma_semaphore, #tpu.memory_space<semaphore_mem>>) src(%arg13 : memref<48x128xf32, #tpu.memory_space<vmem>>) dst(%dma_wait3A_384 : memref<10448x128xf32, #tpu.memory_space<vmem_shared>>)
    %add3A_385 = arith.constant 108 : i32
    %add3A_386 = arith.addi %add3A, %add3A_385 : i32
    "tpu.region"() ({
      %run_scoped3A = tpu.sem_alloc : memref<!tpu.dma_semaphore, #tpu.memory_space<semaphore_mem>>
      %dma_start3A_571 = arith.constant 0 : i32
      %dma_start3A_572 = arith.constant 0 : i32
      %dma_start3A_573 = tpu.memref_slice %arg6[%dma_start3A_571, %dma_start3A_572] : memref<108x48xi32, #tpu.memory_space<vmem>> -> memref<102x48xi32, #tpu.memory_space<vmem>>
      %dma_start3A_574 = arith.constant 0 : i32
      %dma_start3A_575 = tpu.memref_slice %arg3[%add3A_386, %dma_start3A_574] : memref<6720x48xi32, #tpu.memory_space<hbm>> -> memref<102x48xi32, #tpu.memory_space<hbm>>
      %dma_start3A_576 = arith.constant 0 : i32
      %dma_start3A_577 = arith.constant 0 : i32
      %dma_start3A_578 = tpu.memref_slice %arg6[%dma_start3A_576, %dma_start3A_577] : memref<108x48xi32, #tpu.memory_space<vmem>> -> memref<102x48xi32, #tpu.memory_space<vmem>>
      %dma_start3A_579 = arith.constant 0 : i32
      %dma_start3A_580 = tpu.memref_slice %arg3[%add3A_386, %dma_start3A_579] : memref<6720x48xi32, #tpu.memory_space<hbm>> -> memref<102x48xi32, #tpu.memory_space<hbm>>
      tpu.enqueue_dma source(%dma_start3A_580 : memref<102x48xi32, #tpu.memory_space<hbm>>) target(%dma_start3A_578 : memref<102x48xi32, #tpu.memory_space<vmem>>) target_semaphore(%run_scoped3A : memref<!tpu.dma_semaphore, #tpu.memory_space<semaphore_mem>>)
      %dma_wait3A_581 = arith.constant 0 : i32
      %dma_wait3A_582 = arith.constant 0 : i32
      %dma_wait3A_583 = tpu.memref_slice %arg6[%dma_wait3A_581, %dma_wait3A_582] : memref<108x48xi32, #tpu.memory_space<vmem>> -> memref<102x48xi32, #tpu.memory_space<vmem>>
      %dma_wait3A_584 = arith.constant 0 : i32
      %dma_wait3A_585 = tpu.memref_slice %arg3[%add3A_386, %dma_wait3A_584] : memref<6720x48xi32, #tpu.memory_space<hbm>> -> memref<102x48xi32, #tpu.memory_space<hbm>>
      %dma_wait3A_586 = arith.constant 0 : i32
      %dma_wait3A_587 = arith.constant 0 : i32
      %dma_wait3A_588 = tpu.memref_slice %arg6[%dma_wait3A_586, %dma_wait3A_587] : memref<108x48xi32, #tpu.memory_space<vmem>> -> memref<102x48xi32, #tpu.memory_space<vmem>>
      %dma_wait3A_589 = arith.constant 0 : i32
      %dma_wait3A_590 = tpu.memref_slice %arg3[%add3A_386, %dma_wait3A_589] : memref<6720x48xi32, #tpu.memory_space<hbm>> -> memref<102x48xi32, #tpu.memory_space<hbm>>
      tpu.wait_dma2 semaphore(%run_scoped3A : memref<!tpu.dma_semaphore, #tpu.memory_space<semaphore_mem>>) src(%dma_wait3A_590 : memref<102x48xi32, #tpu.memory_space<hbm>>) dst(%dma_wait3A_588 : memref<102x48xi32, #tpu.memory_space<vmem>>)
      tpu.yield
    }) : () -> ()
    %add3A_387 = arith.constant 108 : i32
    %add3A_388 = arith.addi %add3A, %add3A_387 : i32
    "tpu.region"() ({
      %run_scoped3A = tpu.sem_alloc : memref<!tpu.dma_semaphore, #tpu.memory_space<semaphore_mem>>
      %dma_start3A_571 = arith.constant 0 : i32
      %dma_start3A_572 = arith.constant 0 : i32
      %dma_start3A_573 = tpu.memref_slice %arg7[%dma_start3A_571, %dma_start3A_572] : memref<108x48xi32, #tpu.memory_space<vmem>> -> memref<102x48xi32, #tpu.memory_space<vmem>>
      %dma_start3A_574 = arith.constant 0 : i32
      %dma_start3A_575 = tpu.memref_slice %arg4[%add3A_388, %dma_start3A_574] : memref<6720x48xi32, #tpu.memory_space<hbm>> -> memref<102x48xi32, #tpu.memory_space<hbm>>
      %dma_start3A_576 = arith.constant 0 : i32
      %dma_start3A_577 = arith.constant 0 : i32
      %dma_start3A_578 = tpu.memref_slice %arg7[%dma_start3A_576, %dma_start3A_577] : memref<108x48xi32, #tpu.memory_space<vmem>> -> memref<102x48xi32, #tpu.memory_space<vmem>>
      %dma_start3A_579 = arith.constant 0 : i32
      %dma_start3A_580 = tpu.memref_slice %arg4[%add3A_388, %dma_start3A_579] : memref<6720x48xi32, #tpu.memory_space<hbm>> -> memref<102x48xi32, #tpu.memory_space<hbm>>
      tpu.enqueue_dma source(%dma_start3A_580 : memref<102x48xi32, #tpu.memory_space<hbm>>) target(%dma_start3A_578 : memref<102x48xi32, #tpu.memory_space<vmem>>) target_semaphore(%run_scoped3A : memref<!tpu.dma_semaphore, #tpu.memory_space<semaphore_mem>>)
      %dma_wait3A_581 = arith.constant 0 : i32
      %dma_wait3A_582 = arith.constant 0 : i32
      %dma_wait3A_583 = tpu.memref_slice %arg7[%dma_wait3A_581, %dma_wait3A_582] : memref<108x48xi32, #tpu.memory_space<vmem>> -> memref<102x48xi32, #tpu.memory_space<vmem>>
      %dma_wait3A_584 = arith.constant 0 : i32
      %dma_wait3A_585 = tpu.memref_slice %arg4[%add3A_388, %dma_wait3A_584] : memref<6720x48xi32, #tpu.memory_space<hbm>> -> memref<102x48xi32, #tpu.memory_space<hbm>>
      %dma_wait3A_586 = arith.constant 0 : i32
      %dma_wait3A_587 = arith.constant 0 : i32
      %dma_wait3A_588 = tpu.memref_slice %arg7[%dma_wait3A_586, %dma_wait3A_587] : memref<108x48xi32, #tpu.memory_space<vmem>> -> memref<102x48xi32, #tpu.memory_space<vmem>>
      %dma_wait3A_589 = arith.constant 0 : i32
      %dma_wait3A_590 = tpu.memref_slice %arg4[%add3A_388, %dma_wait3A_589] : memref<6720x48xi32, #tpu.memory_space<hbm>> -> memref<102x48xi32, #tpu.memory_space<hbm>>
      tpu.wait_dma2 semaphore(%run_scoped3A : memref<!tpu.dma_semaphore, #tpu.memory_space<semaphore_mem>>) src(%dma_wait3A_590 : memref<102x48xi32, #tpu.memory_space<hbm>>) dst(%dma_wait3A_588 : memref<102x48xi32, #tpu.memory_space<vmem>>)
      tpu.yield
    }) : () -> ()
    %dma_start3A_389 = arith.constant 0 : i32
    %dma_start3A_390 = arith.constant 0 : i32
    %dma_start3A_391 = tpu.memref_slice %arg6[%dma_start3A_389, %dma_start3A_390] : memref<108x48xi32, #tpu.memory_space<vmem>> -> memref<1x48xi32, #tpu.memory_space<vmem>>
    %dma_start3A_392 = tpu.memref_squeeze %dma_start3A_391 : memref<1x48xi32, #tpu.memory_space<vmem>> -> memref<48xi32, #tpu.memory_space<vmem>>
    %dma_start3A_393 = arith.constant 0 : i32
    %dma_start3A_394 = arith.constant 0 : i32
    %dma_start3A_395 = tpu.memref_slice %arg2[%dma_start3A_393, %dma_start3A_394] : memref<10000x128xf32, #tpu.memory_space<hbm>> -> memref<10000x128xf32, #tpu.memory_space<hbm>>
    tpu.enqueue_indirect_dma source(%dma_start3A_395 : memref<10000x128xf32, #tpu.memory_space<hbm>>) target(%arg8 : memref<48x128xf32, #tpu.memory_space<vmem>>) offsets(%dma_start3A_392 : memref<48xi32, #tpu.memory_space<vmem>>) semaphore(%arg15 : memref<!tpu.dma_semaphore, #tpu.memory_space<semaphore_mem>>)
    %dma_start3A_396 = arith.constant 1 : i32
    %dma_start3A_397 = arith.constant 0 : i32
    %dma_start3A_398 = tpu.memref_slice %arg6[%dma_start3A_396, %dma_start3A_397] : memref<108x48xi32, #tpu.memory_space<vmem>> -> memref<1x48xi32, #tpu.memory_space<vmem>>
    %dma_start3A_399 = tpu.memref_squeeze %dma_start3A_398 : memref<1x48xi32, #tpu.memory_space<vmem>> -> memref<48xi32, #tpu.memory_space<vmem>>
    %dma_start3A_400 = arith.constant 0 : i32
    %dma_start3A_401 = arith.constant 0 : i32
    %dma_start3A_402 = tpu.memref_slice %arg2[%dma_start3A_400, %dma_start3A_401] : memref<10000x128xf32, #tpu.memory_space<hbm>> -> memref<10000x128xf32, #tpu.memory_space<hbm>>
    tpu.enqueue_indirect_dma source(%dma_start3A_402 : memref<10000x128xf32, #tpu.memory_space<hbm>>) target(%arg9 : memref<48x128xf32, #tpu.memory_space<vmem>>) offsets(%dma_start3A_399 : memref<48xi32, #tpu.memory_space<vmem>>) semaphore(%arg16 : memref<!tpu.dma_semaphore, #tpu.memory_space<semaphore_mem>>)
    %dma_start3A_403 = arith.constant 2 : i32
    %dma_start3A_404 = arith.constant 0 : i32
    %dma_start3A_405 = tpu.memref_slice %arg6[%dma_start3A_403, %dma_start3A_404] : memref<108x48xi32, #tpu.memory_space<vmem>> -> memref<1x48xi32, #tpu.memory_space<vmem>>
    %dma_start3A_406 = tpu.memref_squeeze %dma_start3A_405 : memref<1x48xi32, #tpu.memory_space<vmem>> -> memref<48xi32, #tpu.memory_space<vmem>>
    %dma_start3A_407 = arith.constant 0 : i32
    %dma_start3A_408 = arith.constant 0 : i32
    %dma_start3A_409 = tpu.memref_slice %arg2[%dma_start3A_407, %dma_start3A_408] : memref<10000x128xf32, #tpu.memory_space<hbm>> -> memref<10000x128xf32, #tpu.memory_space<hbm>>
    tpu.enqueue_indirect_dma source(%dma_start3A_409 : memref<10000x128xf32, #tpu.memory_space<hbm>>) target(%arg10 : memref<48x128xf32, #tpu.memory_space<vmem>>) offsets(%dma_start3A_406 : memref<48xi32, #tpu.memory_space<vmem>>) semaphore(%arg17 : memref<!tpu.dma_semaphore, #tpu.memory_space<semaphore_mem>>)
    %dma_start3A_410 = arith.constant 3 : i32
    %dma_start3A_411 = arith.constant 0 : i32
    %dma_start3A_412 = tpu.memref_slice %arg6[%dma_start3A_410, %dma_start3A_411] : memref<108x48xi32, #tpu.memory_space<vmem>> -> memref<1x48xi32, #tpu.memory_space<vmem>>
    %dma_start3A_413 = tpu.memref_squeeze %dma_start3A_412 : memref<1x48xi32, #tpu.memory_space<vmem>> -> memref<48xi32, #tpu.memory_space<vmem>>
    %dma_start3A_414 = arith.constant 0 : i32
    %dma_start3A_415 = arith.constant 0 : i32
    %dma_start3A_416 = tpu.memref_slice %arg2[%dma_start3A_414, %dma_start3A_415] : memref<10000x128xf32, #tpu.memory_space<hbm>> -> memref<10000x128xf32, #tpu.memory_space<hbm>>
    tpu.enqueue_indirect_dma source(%dma_start3A_416 : memref<10000x128xf32, #tpu.memory_space<hbm>>) target(%arg11 : memref<48x128xf32, #tpu.memory_space<vmem>>) offsets(%dma_start3A_413 : memref<48xi32, #tpu.memory_space<vmem>>) semaphore(%arg18 : memref<!tpu.dma_semaphore, #tpu.memory_space<semaphore_mem>>)
    %dma_start3A_417 = arith.constant 4 : i32
    %dma_start3A_418 = arith.constant 0 : i32
    %dma_start3A_419 = tpu.memref_slice %arg6[%dma_start3A_417, %dma_start3A_418] : memref<108x48xi32, #tpu.memory_space<vmem>> -> memref<1x48xi32, #tpu.memory_space<vmem>>
    %dma_start3A_420 = tpu.memref_squeeze %dma_start3A_419 : memref<1x48xi32, #tpu.memory_space<vmem>> -> memref<48xi32, #tpu.memory_space<vmem>>
    %dma_start3A_421 = arith.constant 0 : i32
    %dma_start3A_422 = arith.constant 0 : i32
    %dma_start3A_423 = tpu.memref_slice %arg2[%dma_start3A_421, %dma_start3A_422] : memref<10000x128xf32, #tpu.memory_space<hbm>> -> memref<10000x128xf32, #tpu.memory_space<hbm>>
    tpu.enqueue_indirect_dma source(%dma_start3A_423 : memref<10000x128xf32, #tpu.memory_space<hbm>>) target(%arg12 : memref<48x128xf32, #tpu.memory_space<vmem>>) offsets(%dma_start3A_420 : memref<48xi32, #tpu.memory_space<vmem>>) semaphore(%arg19 : memref<!tpu.dma_semaphore, #tpu.memory_space<semaphore_mem>>)
    %dma_start3A_424 = arith.constant 5 : i32
    %dma_start3A_425 = arith.constant 0 : i32
    %dma_start3A_426 = tpu.memref_slice %arg6[%dma_start3A_424, %dma_start3A_425] : memref<108x48xi32, #tpu.memory_space<vmem>> -> memref<1x48xi32, #tpu.memory_space<vmem>>
    %dma_start3A_427 = tpu.memref_squeeze %dma_start3A_426 : memref<1x48xi32, #tpu.memory_space<vmem>> -> memref<48xi32, #tpu.memory_space<vmem>>
    %dma_start3A_428 = arith.constant 0 : i32
    %dma_start3A_429 = arith.constant 0 : i32
    %dma_start3A_430 = tpu.memref_slice %arg2[%dma_start3A_428, %dma_start3A_429] : memref<10000x128xf32, #tpu.memory_space<hbm>> -> memref<10000x128xf32, #tpu.memory_space<hbm>>
    tpu.enqueue_indirect_dma source(%dma_start3A_430 : memref<10000x128xf32, #tpu.memory_space<hbm>>) target(%arg13 : memref<48x128xf32, #tpu.memory_space<vmem>>) offsets(%dma_start3A_427 : memref<48xi32, #tpu.memory_space<vmem>>) semaphore(%arg20 : memref<!tpu.dma_semaphore, #tpu.memory_space<semaphore_mem>>)
    %scan3A_431 = arith.constant 0 : i32
    %scan3A_432 = arith.constant 0 : i32
    %scan3A_433 = arith.constant 16 : i32
    %scan3A_434 = arith.addi %scan3A_432, %scan3A_433 : i32
    %scan3A_435 = arith.constant 1 : i32
    scf.for %scan3A_571 = %scan3A_432 to %scan3A_434 step %scan3A_435  : i32 {
      %mul3A_572 = arith.constant 6 : i32
      %mul3A_573 = arith.muli %mul3A_572, %scan3A_571 : i32
      %dma_wait3A_574 = arith.constant 0 : i32
      %dma_wait3A_575 = arith.constant 0 : i32
      %dma_wait3A_576 = tpu.memref_slice %arg6[%dma_wait3A_574, %dma_wait3A_575] : memref<108x48xi32, #tpu.memory_space<vmem>> -> memref<1x48xi32, #tpu.memory_space<vmem>>
      %dma_wait3A_577 = tpu.memref_squeeze %dma_wait3A_576 : memref<1x48xi32, #tpu.memory_space<vmem>> -> memref<48xi32, #tpu.memory_space<vmem>>
      %dma_wait3A_578 = arith.constant 0 : i32
      %dma_wait3A_579 = arith.constant 0 : i32
      %dma_wait3A_580 = tpu.memref_slice %arg2[%dma_wait3A_578, %dma_wait3A_579] : memref<10000x128xf32, #tpu.memory_space<hbm>> -> memref<10000x128xf32, #tpu.memory_space<hbm>>
      tpu.wait_indirect_dma semaphore(%arg15 : memref<!tpu.dma_semaphore, #tpu.memory_space<semaphore_mem>>) src(%dma_wait3A_580 : memref<10000x128xf32, #tpu.memory_space<hbm>>) dst(%arg8 : memref<48x128xf32, #tpu.memory_space<vmem>>)
      %add3A_581 = arith.constant 0 : i32
      %add3A_582 = arith.addi %mul3A_573, %add3A_581 : i32
      %dma_start3A_583 = arith.constant 0 : i32
      %dma_start3A_584 = tpu.memref_slice %arg7[%add3A_582, %dma_start3A_583] : memref<108x48xi32, #tpu.memory_space<vmem>> -> memref<1x48xi32, #tpu.memory_space<vmem>>
      %dma_start3A_585 = tpu.memref_squeeze %dma_start3A_584 : memref<1x48xi32, #tpu.memory_space<vmem>> -> memref<48xi32, #tpu.memory_space<vmem>>
      %dma_start3A_586 = arith.constant 0 : i32
      %dma_start3A_587 = arith.constant 0 : i32
      %dma_start3A_588 = tpu.memref_slice %arg14[%dma_start3A_586, %dma_start3A_587] : memref<10448x128xf32, #tpu.memory_space<vmem_shared>> -> memref<10448x128xf32, #tpu.memory_space<vmem_shared>>
      tpu.enqueue_indirect_dma source(%arg8 : memref<48x128xf32, #tpu.memory_space<vmem>>) target(%dma_start3A_588 : memref<10448x128xf32, #tpu.memory_space<vmem_shared>>) offsets(%dma_start3A_585 : memref<48xi32, #tpu.memory_space<vmem>>) semaphore(%arg21 : memref<!tpu.dma_semaphore, #tpu.memory_space<semaphore_mem>>) {add = true}
      %dma_wait3A_589 = arith.constant 0 : i32
      %dma_wait3A_590 = arith.constant 0 : i32
      %dma_wait3A_591 = tpu.memref_slice %arg6[%dma_wait3A_589, %dma_wait3A_590] : memref<108x48xi32, #tpu.memory_space<vmem>> -> memref<1x48xi32, #tpu.memory_space<vmem>>
      %dma_wait3A_592 = tpu.memref_squeeze %dma_wait3A_591 : memref<1x48xi32, #tpu.memory_space<vmem>> -> memref<48xi32, #tpu.memory_space<vmem>>
      %dma_wait3A_593 = arith.constant 0 : i32
      %dma_wait3A_594 = arith.constant 0 : i32
      %dma_wait3A_595 = tpu.memref_slice %arg2[%dma_wait3A_593, %dma_wait3A_594] : memref<10000x128xf32, #tpu.memory_space<hbm>> -> memref<10000x128xf32, #tpu.memory_space<hbm>>
      tpu.wait_indirect_dma semaphore(%arg16 : memref<!tpu.dma_semaphore, #tpu.memory_space<semaphore_mem>>) src(%dma_wait3A_595 : memref<10000x128xf32, #tpu.memory_space<hbm>>) dst(%arg9 : memref<48x128xf32, #tpu.memory_space<vmem>>)
      %add3A_596 = arith.constant 1 : i32
      %add3A_597 = arith.addi %mul3A_573, %add3A_596 : i32
      %dma_start3A_598 = arith.constant 0 : i32
      %dma_start3A_599 = tpu.memref_slice %arg7[%add3A_597, %dma_start3A_598] : memref<108x48xi32, #tpu.memory_space<vmem>> -> memref<1x48xi32, #tpu.memory_space<vmem>>
      %dma_start3A_600 = tpu.memref_squeeze %dma_start3A_599 : memref<1x48xi32, #tpu.memory_space<vmem>> -> memref<48xi32, #tpu.memory_space<vmem>>
      %dma_start3A_601 = arith.constant 0 : i32
      %dma_start3A_602 = arith.constant 0 : i32
      %dma_start3A_603 = tpu.memref_slice %arg14[%dma_start3A_601, %dma_start3A_602] : memref<10448x128xf32, #tpu.memory_space<vmem_shared>> -> memref<10448x128xf32, #tpu.memory_space<vmem_shared>>
      tpu.enqueue_indirect_dma source(%arg9 : memref<48x128xf32, #tpu.memory_space<vmem>>) target(%dma_start3A_603 : memref<10448x128xf32, #tpu.memory_space<vmem_shared>>) offsets(%dma_start3A_600 : memref<48xi32, #tpu.memory_space<vmem>>) semaphore(%arg22 : memref<!tpu.dma_semaphore, #tpu.memory_space<semaphore_mem>>) {add = true}
      %dma_wait3A_604 = arith.constant 0 : i32
      %dma_wait3A_605 = arith.constant 0 : i32
      %dma_wait3A_606 = tpu.memref_slice %arg6[%dma_wait3A_604, %dma_wait3A_605] : memref<108x48xi32, #tpu.memory_space<vmem>> -> memref<1x48xi32, #tpu.memory_space<vmem>>
      %dma_wait3A_607 = tpu.memref_squeeze %dma_wait3A_606 : memref<1x48xi32, #tpu.memory_space<vmem>> -> memref<48xi32, #tpu.memory_space<vmem>>
      %dma_wait3A_608 = arith.constant 0 : i32
      %dma_wait3A_609 = arith.constant 0 : i32
      %dma_wait3A_610 = tpu.memref_slice %arg2[%dma_wait3A_608, %dma_wait3A_609] : memref<10000x128xf32, #tpu.memory_space<hbm>> -> memref<10000x128xf32, #tpu.memory_space<hbm>>
      tpu.wait_indirect_dma semaphore(%arg17 : memref<!tpu.dma_semaphore, #tpu.memory_space<semaphore_mem>>) src(%dma_wait3A_610 : memref<10000x128xf32, #tpu.memory_space<hbm>>) dst(%arg10 : memref<48x128xf32, #tpu.memory_space<vmem>>)
      %add3A_611 = arith.constant 2 : i32
      %add3A_612 = arith.addi %mul3A_573, %add3A_611 : i32
      %dma_start3A_613 = arith.constant 0 : i32
      %dma_start3A_614 = tpu.memref_slice %arg7[%add3A_612, %dma_start3A_613] : memref<108x48xi32, #tpu.memory_space<vmem>> -> memref<1x48xi32, #tpu.memory_space<vmem>>
      %dma_start3A_615 = tpu.memref_squeeze %dma_start3A_614 : memref<1x48xi32, #tpu.memory_space<vmem>> -> memref<48xi32, #tpu.memory_space<vmem>>
      %dma_start3A_616 = arith.constant 0 : i32
      %dma_start3A_617 = arith.constant 0 : i32
      %dma_start3A_618 = tpu.memref_slice %arg14[%dma_start3A_616, %dma_start3A_617] : memref<10448x128xf32, #tpu.memory_space<vmem_shared>> -> memref<10448x128xf32, #tpu.memory_space<vmem_shared>>
      tpu.enqueue_indirect_dma source(%arg10 : memref<48x128xf32, #tpu.memory_space<vmem>>) target(%dma_start3A_618 : memref<10448x128xf32, #tpu.memory_space<vmem_shared>>) offsets(%dma_start3A_615 : memref<48xi32, #tpu.memory_space<vmem>>) semaphore(%arg23 : memref<!tpu.dma_semaphore, #tpu.memory_space<semaphore_mem>>) {add = true}
      %dma_wait3A_619 = arith.constant 0 : i32
      %dma_wait3A_620 = arith.constant 0 : i32
      %dma_wait3A_621 = tpu.memref_slice %arg6[%dma_wait3A_619, %dma_wait3A_620] : memref<108x48xi32, #tpu.memory_space<vmem>> -> memref<1x48xi32, #tpu.memory_space<vmem>>
      %dma_wait3A_622 = tpu.memref_squeeze %dma_wait3A_621 : memref<1x48xi32, #tpu.memory_space<vmem>> -> memref<48xi32, #tpu.memory_space<vmem>>
      %dma_wait3A_623 = arith.constant 0 : i32
      %dma_wait3A_624 = arith.constant 0 : i32
      %dma_wait3A_625 = tpu.memref_slice %arg2[%dma_wait3A_623, %dma_wait3A_624] : memref<10000x128xf32, #tpu.memory_space<hbm>> -> memref<10000x128xf32, #tpu.memory_space<hbm>>
      tpu.wait_indirect_dma semaphore(%arg18 : memref<!tpu.dma_semaphore, #tpu.memory_space<semaphore_mem>>) src(%dma_wait3A_625 : memref<10000x128xf32, #tpu.memory_space<hbm>>) dst(%arg11 : memref<48x128xf32, #tpu.memory_space<vmem>>)
      %add3A_626 = arith.constant 3 : i32
      %add3A_627 = arith.addi %mul3A_573, %add3A_626 : i32
      %dma_start3A_628 = arith.constant 0 : i32
      %dma_start3A_629 = tpu.memref_slice %arg7[%add3A_627, %dma_start3A_628] : memref<108x48xi32, #tpu.memory_space<vmem>> -> memref<1x48xi32, #tpu.memory_space<vmem>>
      %dma_start3A_630 = tpu.memref_squeeze %dma_start3A_629 : memref<1x48xi32, #tpu.memory_space<vmem>> -> memref<48xi32, #tpu.memory_space<vmem>>
      %dma_start3A_631 = arith.constant 0 : i32
      %dma_start3A_632 = arith.constant 0 : i32
      %dma_start3A_633 = tpu.memref_slice %arg14[%dma_start3A_631, %dma_start3A_632] : memref<10448x128xf32, #tpu.memory_space<vmem_shared>> -> memref<10448x128xf32, #tpu.memory_space<vmem_shared>>
      tpu.enqueue_indirect_dma source(%arg11 : memref<48x128xf32, #tpu.memory_space<vmem>>) target(%dma_start3A_633 : memref<10448x128xf32, #tpu.memory_space<vmem_shared>>) offsets(%dma_start3A_630 : memref<48xi32, #tpu.memory_space<vmem>>) semaphore(%arg24 : memref<!tpu.dma_semaphore, #tpu.memory_space<semaphore_mem>>) {add = true}
      %dma_wait3A_634 = arith.constant 0 : i32
      %dma_wait3A_635 = arith.constant 0 : i32
      %dma_wait3A_636 = tpu.memref_slice %arg6[%dma_wait3A_634, %dma_wait3A_635] : memref<108x48xi32, #tpu.memory_space<vmem>> -> memref<1x48xi32, #tpu.memory_space<vmem>>
      %dma_wait3A_637 = tpu.memref_squeeze %dma_wait3A_636 : memref<1x48xi32, #tpu.memory_space<vmem>> -> memref<48xi32, #tpu.memory_space<vmem>>
      %dma_wait3A_638 = arith.constant 0 : i32
      %dma_wait3A_639 = arith.constant 0 : i32
      %dma_wait3A_640 = tpu.memref_slice %arg2[%dma_wait3A_638, %dma_wait3A_639] : memref<10000x128xf32, #tpu.memory_space<hbm>> -> memref<10000x128xf32, #tpu.memory_space<hbm>>
      tpu.wait_indirect_dma semaphore(%arg19 : memref<!tpu.dma_semaphore, #tpu.memory_space<semaphore_mem>>) src(%dma_wait3A_640 : memref<10000x128xf32, #tpu.memory_space<hbm>>) dst(%arg12 : memref<48x128xf32, #tpu.memory_space<vmem>>)
      %add3A_641 = arith.constant 4 : i32
      %add3A_642 = arith.addi %mul3A_573, %add3A_641 : i32
      %dma_start3A_643 = arith.constant 0 : i32
      %dma_start3A_644 = tpu.memref_slice %arg7[%add3A_642, %dma_start3A_643] : memref<108x48xi32, #tpu.memory_space<vmem>> -> memref<1x48xi32, #tpu.memory_space<vmem>>
      %dma_start3A_645 = tpu.memref_squeeze %dma_start3A_644 : memref<1x48xi32, #tpu.memory_space<vmem>> -> memref<48xi32, #tpu.memory_space<vmem>>
      %dma_start3A_646 = arith.constant 0 : i32
      %dma_start3A_647 = arith.constant 0 : i32
      %dma_start3A_648 = tpu.memref_slice %arg14[%dma_start3A_646, %dma_start3A_647] : memref<10448x128xf32, #tpu.memory_space<vmem_shared>> -> memref<10448x128xf32, #tpu.memory_space<vmem_shared>>
      tpu.enqueue_indirect_dma source(%arg12 : memref<48x128xf32, #tpu.memory_space<vmem>>) target(%dma_start3A_648 : memref<10448x128xf32, #tpu.memory_space<vmem_shared>>) offsets(%dma_start3A_645 : memref<48xi32, #tpu.memory_space<vmem>>) semaphore(%arg25 : memref<!tpu.dma_semaphore, #tpu.memory_space<semaphore_mem>>) {add = true}
      %dma_wait3A_649 = arith.constant 0 : i32
      %dma_wait3A_650 = arith.constant 0 : i32
      %dma_wait3A_651 = tpu.memref_slice %arg6[%dma_wait3A_649, %dma_wait3A_650] : memref<108x48xi32, #tpu.memory_space<vmem>> -> memref<1x48xi32, #tpu.memory_space<vmem>>
      %dma_wait3A_652 = tpu.memref_squeeze %dma_wait3A_651 : memref<1x48xi32, #tpu.memory_space<vmem>> -> memref<48xi32, #tpu.memory_space<vmem>>
      %dma_wait3A_653 = arith.constant 0 : i32
      %dma_wait3A_654 = arith.constant 0 : i32
      %dma_wait3A_655 = tpu.memref_slice %arg2[%dma_wait3A_653, %dma_wait3A_654] : memref<10000x128xf32, #tpu.memory_space<hbm>> -> memref<10000x128xf32, #tpu.memory_space<hbm>>
      tpu.wait_indirect_dma semaphore(%arg20 : memref<!tpu.dma_semaphore, #tpu.memory_space<semaphore_mem>>) src(%dma_wait3A_655 : memref<10000x128xf32, #tpu.memory_space<hbm>>) dst(%arg13 : memref<48x128xf32, #tpu.memory_space<vmem>>)
      %add3A_656 = arith.constant 5 : i32
      %add3A_657 = arith.addi %mul3A_573, %add3A_656 : i32
      %dma_start3A_658 = arith.constant 0 : i32
      %dma_start3A_659 = tpu.memref_slice %arg7[%add3A_657, %dma_start3A_658] : memref<108x48xi32, #tpu.memory_space<vmem>> -> memref<1x48xi32, #tpu.memory_space<vmem>>
      %dma_start3A_660 = tpu.memref_squeeze %dma_start3A_659 : memref<1x48xi32, #tpu.memory_space<vmem>> -> memref<48xi32, #tpu.memory_space<vmem>>
      %dma_start3A_661 = arith.constant 0 : i32
      %dma_start3A_662 = arith.constant 0 : i32
      %dma_start3A_663 = tpu.memref_slice %arg14[%dma_start3A_661, %dma_start3A_662] : memref<10448x128xf32, #tpu.memory_space<vmem_shared>> -> memref<10448x128xf32, #tpu.memory_space<vmem_shared>>
      tpu.enqueue_indirect_dma source(%arg13 : memref<48x128xf32, #tpu.memory_space<vmem>>) target(%dma_start3A_663 : memref<10448x128xf32, #tpu.memory_space<vmem_shared>>) offsets(%dma_start3A_660 : memref<48xi32, #tpu.memory_space<vmem>>) semaphore(%arg26 : memref<!tpu.dma_semaphore, #tpu.memory_space<semaphore_mem>>) {add = true}
      %dma_wait3A_664 = arith.constant 0 : i32
      %dma_wait3A_665 = arith.constant 0 : i32
      %dma_wait3A_666 = tpu.memref_slice %arg7[%dma_wait3A_664, %dma_wait3A_665] : memref<108x48xi32, #tpu.memory_space<vmem>> -> memref<1x48xi32, #tpu.memory_space<vmem>>
      %dma_wait3A_667 = tpu.memref_squeeze %dma_wait3A_666 : memref<1x48xi32, #tpu.memory_space<vmem>> -> memref<48xi32, #tpu.memory_space<vmem>>
      %dma_wait3A_668 = arith.constant 0 : i32
      %dma_wait3A_669 = arith.constant 0 : i32
      %dma_wait3A_670 = tpu.memref_slice %arg14[%dma_wait3A_668, %dma_wait3A_669] : memref<10448x128xf32, #tpu.memory_space<vmem_shared>> -> memref<10448x128xf32, #tpu.memory_space<vmem_shared>>
      tpu.wait_indirect_dma semaphore(%arg21 : memref<!tpu.dma_semaphore, #tpu.memory_space<semaphore_mem>>) src(%arg8 : memref<48x128xf32, #tpu.memory_space<vmem>>) dst(%dma_wait3A_670 : memref<10448x128xf32, #tpu.memory_space<vmem_shared>>)
      %add3A_671 = arith.constant 6 : i32
      %add3A_672 = arith.addi %mul3A_573, %add3A_671 : i32
      %add3A_673 = arith.constant 0 : i32
      %add3A_674 = arith.addi %add3A_672, %add3A_673 : i32
      %dma_start3A_675 = arith.constant 0 : i32
      %dma_start3A_676 = tpu.memref_slice %arg6[%add3A_674, %dma_start3A_675] : memref<108x48xi32, #tpu.memory_space<vmem>> -> memref<1x48xi32, #tpu.memory_space<vmem>>
      %dma_start3A_677 = tpu.memref_squeeze %dma_start3A_676 : memref<1x48xi32, #tpu.memory_space<vmem>> -> memref<48xi32, #tpu.memory_space<vmem>>
      %dma_start3A_678 = arith.constant 0 : i32
      %dma_start3A_679 = arith.constant 0 : i32
      %dma_start3A_680 = tpu.memref_slice %arg2[%dma_start3A_678, %dma_start3A_679] : memref<10000x128xf32, #tpu.memory_space<hbm>> -> memref<10000x128xf32, #tpu.memory_space<hbm>>
      tpu.enqueue_indirect_dma source(%dma_start3A_680 : memref<10000x128xf32, #tpu.memory_space<hbm>>) target(%arg8 : memref<48x128xf32, #tpu.memory_space<vmem>>) offsets(%dma_start3A_677 : memref<48xi32, #tpu.memory_space<vmem>>) semaphore(%arg15 : memref<!tpu.dma_semaphore, #tpu.memory_space<semaphore_mem>>)
      %dma_wait3A_681 = arith.constant 0 : i32
      %dma_wait3A_682 = arith.constant 0 : i32
      %dma_wait3A_683 = tpu.memref_slice %arg7[%dma_wait3A_681, %dma_wait3A_682] : memref<108x48xi32, #tpu.memory_space<vmem>> -> memref<1x48xi32, #tpu.memory_space<vmem>>
      %dma_wait3A_684 = tpu.memref_squeeze %dma_wait3A_683 : memref<1x48xi32, #tpu.memory_space<vmem>> -> memref<48xi32, #tpu.memory_space<vmem>>
      %dma_wait3A_685 = arith.constant 0 : i32
      %dma_wait3A_686 = arith.constant 0 : i32
      %dma_wait3A_687 = tpu.memref_slice %arg14[%dma_wait3A_685, %dma_wait3A_686] : memref<10448x128xf32, #tpu.memory_space<vmem_shared>> -> memref<10448x128xf32, #tpu.memory_space<vmem_shared>>
      tpu.wait_indirect_dma semaphore(%arg22 : memref<!tpu.dma_semaphore, #tpu.memory_space<semaphore_mem>>) src(%arg9 : memref<48x128xf32, #tpu.memory_space<vmem>>) dst(%dma_wait3A_687 : memref<10448x128xf32, #tpu.memory_space<vmem_shared>>)
      %add3A_688 = arith.constant 6 : i32
      %add3A_689 = arith.addi %mul3A_573, %add3A_688 : i32
      %add3A_690 = arith.constant 1 : i32
      %add3A_691 = arith.addi %add3A_689, %add3A_690 : i32
      %dma_start3A_692 = arith.constant 0 : i32
      %dma_start3A_693 = tpu.memref_slice %arg6[%add3A_691, %dma_start3A_692] : memref<108x48xi32, #tpu.memory_space<vmem>> -> memref<1x48xi32, #tpu.memory_space<vmem>>
      %dma_start3A_694 = tpu.memref_squeeze %dma_start3A_693 : memref<1x48xi32, #tpu.memory_space<vmem>> -> memref<48xi32, #tpu.memory_space<vmem>>
      %dma_start3A_695 = arith.constant 0 : i32
      %dma_start3A_696 = arith.constant 0 : i32
      %dma_start3A_697 = tpu.memref_slice %arg2[%dma_start3A_695, %dma_start3A_696] : memref<10000x128xf32, #tpu.memory_space<hbm>> -> memref<10000x128xf32, #tpu.memory_space<hbm>>
      tpu.enqueue_indirect_dma source(%dma_start3A_697 : memref<10000x128xf32, #tpu.memory_space<hbm>>) target(%arg9 : memref<48x128xf32, #tpu.memory_space<vmem>>) offsets(%dma_start3A_694 : memref<48xi32, #tpu.memory_space<vmem>>) semaphore(%arg16 : memref<!tpu.dma_semaphore, #tpu.memory_space<semaphore_mem>>)
      %dma_wait3A_698 = arith.constant 0 : i32
      %dma_wait3A_699 = arith.constant 0 : i32
      %dma_wait3A_700 = tpu.memref_slice %arg7[%dma_wait3A_698, %dma_wait3A_699] : memref<108x48xi32, #tpu.memory_space<vmem>> -> memref<1x48xi32, #tpu.memory_space<vmem>>
      %dma_wait3A_701 = tpu.memref_squeeze %dma_wait3A_700 : memref<1x48xi32, #tpu.memory_space<vmem>> -> memref<48xi32, #tpu.memory_space<vmem>>
      %dma_wait3A_702 = arith.constant 0 : i32
      %dma_wait3A_703 = arith.constant 0 : i32
      %dma_wait3A_704 = tpu.memref_slice %arg14[%dma_wait3A_702, %dma_wait3A_703] : memref<10448x128xf32, #tpu.memory_space<vmem_shared>> -> memref<10448x128xf32, #tpu.memory_space<vmem_shared>>
      tpu.wait_indirect_dma semaphore(%arg23 : memref<!tpu.dma_semaphore, #tpu.memory_space<semaphore_mem>>) src(%arg10 : memref<48x128xf32, #tpu.memory_space<vmem>>) dst(%dma_wait3A_704 : memref<10448x128xf32, #tpu.memory_space<vmem_shared>>)
      %add3A_705 = arith.constant 6 : i32
      %add3A_706 = arith.addi %mul3A_573, %add3A_705 : i32
      %add3A_707 = arith.constant 2 : i32
      %add3A_708 = arith.addi %add3A_706, %add3A_707 : i32
      %dma_start3A_709 = arith.constant 0 : i32
      %dma_start3A_710 = tpu.memref_slice %arg6[%add3A_708, %dma_start3A_709] : memref<108x48xi32, #tpu.memory_space<vmem>> -> memref<1x48xi32, #tpu.memory_space<vmem>>
      %dma_start3A_711 = tpu.memref_squeeze %dma_start3A_710 : memref<1x48xi32, #tpu.memory_space<vmem>> -> memref<48xi32, #tpu.memory_space<vmem>>
      %dma_start3A_712 = arith.constant 0 : i32
      %dma_start3A_713 = arith.constant 0 : i32
      %dma_start3A_714 = tpu.memref_slice %arg2[%dma_start3A_712, %dma_start3A_713] : memref<10000x128xf32, #tpu.memory_space<hbm>> -> memref<10000x128xf32, #tpu.memory_space<hbm>>
      tpu.enqueue_indirect_dma source(%dma_start3A_714 : memref<10000x128xf32, #tpu.memory_space<hbm>>) target(%arg10 : memref<48x128xf32, #tpu.memory_space<vmem>>) offsets(%dma_start3A_711 : memref<48xi32, #tpu.memory_space<vmem>>) semaphore(%arg17 : memref<!tpu.dma_semaphore, #tpu.memory_space<semaphore_mem>>)
      %dma_wait3A_715 = arith.constant 0 : i32
      %dma_wait3A_716 = arith.constant 0 : i32
      %dma_wait3A_717 = tpu.memref_slice %arg7[%dma_wait3A_715, %dma_wait3A_716] : memref<108x48xi32, #tpu.memory_space<vmem>> -> memref<1x48xi32, #tpu.memory_space<vmem>>
      %dma_wait3A_718 = tpu.memref_squeeze %dma_wait3A_717 : memref<1x48xi32, #tpu.memory_space<vmem>> -> memref<48xi32, #tpu.memory_space<vmem>>
      %dma_wait3A_719 = arith.constant 0 : i32
      %dma_wait3A_720 = arith.constant 0 : i32
      %dma_wait3A_721 = tpu.memref_slice %arg14[%dma_wait3A_719, %dma_wait3A_720] : memref<10448x128xf32, #tpu.memory_space<vmem_shared>> -> memref<10448x128xf32, #tpu.memory_space<vmem_shared>>
      tpu.wait_indirect_dma semaphore(%arg24 : memref<!tpu.dma_semaphore, #tpu.memory_space<semaphore_mem>>) src(%arg11 : memref<48x128xf32, #tpu.memory_space<vmem>>) dst(%dma_wait3A_721 : memref<10448x128xf32, #tpu.memory_space<vmem_shared>>)
      %add3A_722 = arith.constant 6 : i32
      %add3A_723 = arith.addi %mul3A_573, %add3A_722 : i32
      %add3A_724 = arith.constant 3 : i32
      %add3A_725 = arith.addi %add3A_723, %add3A_724 : i32
      %dma_start3A_726 = arith.constant 0 : i32
      %dma_start3A_727 = tpu.memref_slice %arg6[%add3A_725, %dma_start3A_726] : memref<108x48xi32, #tpu.memory_space<vmem>> -> memref<1x48xi32, #tpu.memory_space<vmem>>
      %dma_start3A_728 = tpu.memref_squeeze %dma_start3A_727 : memref<1x48xi32, #tpu.memory_space<vmem>> -> memref<48xi32, #tpu.memory_space<vmem>>
      %dma_start3A_729 = arith.constant 0 : i32
      %dma_start3A_730 = arith.constant 0 : i32
      %dma_start3A_731 = tpu.memref_slice %arg2[%dma_start3A_729, %dma_start3A_730] : memref<10000x128xf32, #tpu.memory_space<hbm>> -> memref<10000x128xf32, #tpu.memory_space<hbm>>
      tpu.enqueue_indirect_dma source(%dma_start3A_731 : memref<10000x128xf32, #tpu.memory_space<hbm>>) target(%arg11 : memref<48x128xf32, #tpu.memory_space<vmem>>) offsets(%dma_start3A_728 : memref<48xi32, #tpu.memory_space<vmem>>) semaphore(%arg18 : memref<!tpu.dma_semaphore, #tpu.memory_space<semaphore_mem>>)
      %dma_wait3A_732 = arith.constant 0 : i32
      %dma_wait3A_733 = arith.constant 0 : i32
      %dma_wait3A_734 = tpu.memref_slice %arg7[%dma_wait3A_732, %dma_wait3A_733] : memref<108x48xi32, #tpu.memory_space<vmem>> -> memref<1x48xi32, #tpu.memory_space<vmem>>
      %dma_wait3A_735 = tpu.memref_squeeze %dma_wait3A_734 : memref<1x48xi32, #tpu.memory_space<vmem>> -> memref<48xi32, #tpu.memory_space<vmem>>
      %dma_wait3A_736 = arith.constant 0 : i32
      %dma_wait3A_737 = arith.constant 0 : i32
      %dma_wait3A_738 = tpu.memref_slice %arg14[%dma_wait3A_736, %dma_wait3A_737] : memref<10448x128xf32, #tpu.memory_space<vmem_shared>> -> memref<10448x128xf32, #tpu.memory_space<vmem_shared>>
      tpu.wait_indirect_dma semaphore(%arg25 : memref<!tpu.dma_semaphore, #tpu.memory_space<semaphore_mem>>) src(%arg12 : memref<48x128xf32, #tpu.memory_space<vmem>>) dst(%dma_wait3A_738 : memref<10448x128xf32, #tpu.memory_space<vmem_shared>>)
      %add3A_739 = arith.constant 6 : i32
      %add3A_740 = arith.addi %mul3A_573, %add3A_739 : i32
      %add3A_741 = arith.constant 4 : i32
      %add3A_742 = arith.addi %add3A_740, %add3A_741 : i32
      %dma_start3A_743 = arith.constant 0 : i32
      %dma_start3A_744 = tpu.memref_slice %arg6[%add3A_742, %dma_start3A_743] : memref<108x48xi32, #tpu.memory_space<vmem>> -> memref<1x48xi32, #tpu.memory_space<vmem>>
      %dma_start3A_745 = tpu.memref_squeeze %dma_start3A_744 : memref<1x48xi32, #tpu.memory_space<vmem>> -> memref<48xi32, #tpu.memory_space<vmem>>
      %dma_start3A_746 = arith.constant 0 : i32
      %dma_start3A_747 = arith.constant 0 : i32
      %dma_start3A_748 = tpu.memref_slice %arg2[%dma_start3A_746, %dma_start3A_747] : memref<10000x128xf32, #tpu.memory_space<hbm>> -> memref<10000x128xf32, #tpu.memory_space<hbm>>
      tpu.enqueue_indirect_dma source(%dma_start3A_748 : memref<10000x128xf32, #tpu.memory_space<hbm>>) target(%arg12 : memref<48x128xf32, #tpu.memory_space<vmem>>) offsets(%dma_start3A_745 : memref<48xi32, #tpu.memory_space<vmem>>) semaphore(%arg19 : memref<!tpu.dma_semaphore, #tpu.memory_space<semaphore_mem>>)
      %dma_wait3A_749 = arith.constant 0 : i32
      %dma_wait3A_750 = arith.constant 0 : i32
      %dma_wait3A_751 = tpu.memref_slice %arg7[%dma_wait3A_749, %dma_wait3A_750] : memref<108x48xi32, #tpu.memory_space<vmem>> -> memref<1x48xi32, #tpu.memory_space<vmem>>
      %dma_wait3A_752 = tpu.memref_squeeze %dma_wait3A_751 : memref<1x48xi32, #tpu.memory_space<vmem>> -> memref<48xi32, #tpu.memory_space<vmem>>
      %dma_wait3A_753 = arith.constant 0 : i32
      %dma_wait3A_754 = arith.constant 0 : i32
      %dma_wait3A_755 = tpu.memref_slice %arg14[%dma_wait3A_753, %dma_wait3A_754] : memref<10448x128xf32, #tpu.memory_space<vmem_shared>> -> memref<10448x128xf32, #tpu.memory_space<vmem_shared>>
      tpu.wait_indirect_dma semaphore(%arg26 : memref<!tpu.dma_semaphore, #tpu.memory_space<semaphore_mem>>) src(%arg13 : memref<48x128xf32, #tpu.memory_space<vmem>>) dst(%dma_wait3A_755 : memref<10448x128xf32, #tpu.memory_space<vmem_shared>>)
      %add3A_756 = arith.constant 6 : i32
      %add3A_757 = arith.addi %mul3A_573, %add3A_756 : i32
      %add3A_758 = arith.constant 5 : i32
      %add3A_759 = arith.addi %add3A_757, %add3A_758 : i32
      %dma_start3A_760 = arith.constant 0 : i32
      %dma_start3A_761 = tpu.memref_slice %arg6[%add3A_759, %dma_start3A_760] : memref<108x48xi32, #tpu.memory_space<vmem>> -> memref<1x48xi32, #tpu.memory_space<vmem>>
      %dma_start3A_762 = tpu.memref_squeeze %dma_start3A_761 : memref<1x48xi32, #tpu.memory_space<vmem>> -> memref<48xi32, #tpu.memory_space<vmem>>
      %dma_start3A_763 = arith.constant 0 : i32
      %dma_start3A_764 = arith.constant 0 : i32
      %dma_start3A_765 = tpu.memref_slice %arg2[%dma_start3A_763, %dma_start3A_764] : memref<10000x128xf32, #tpu.memory_space<hbm>> -> memref<10000x128xf32, #tpu.memory_space<hbm>>
      tpu.enqueue_indirect_dma source(%dma_start3A_765 : memref<10000x128xf32, #tpu.memory_space<hbm>>) target(%arg13 : memref<48x128xf32, #tpu.memory_space<vmem>>) offsets(%dma_start3A_762 : memref<48xi32, #tpu.memory_space<vmem>>) semaphore(%arg20 : memref<!tpu.dma_semaphore, #tpu.memory_space<semaphore_mem>>)
    }
    %scan3A_436 = arith.constant 16 : i32
    %dma_wait3A_437 = arith.constant 0 : i32
    %dma_wait3A_438 = arith.constant 0 : i32
    %dma_wait3A_439 = tpu.memref_slice %arg6[%dma_wait3A_437, %dma_wait3A_438] : memref<108x48xi32, #tpu.memory_space<vmem>> -> memref<1x48xi32, #tpu.memory_space<vmem>>
    %dma_wait3A_440 = tpu.memref_squeeze %dma_wait3A_439 : memref<1x48xi32, #tpu.memory_space<vmem>> -> memref<48xi32, #tpu.memory_space<vmem>>
    %dma_wait3A_441 = arith.constant 0 : i32
    %dma_wait3A_442 = arith.constant 0 : i32
    %dma_wait3A_443 = tpu.memref_slice %arg2[%dma_wait3A_441, %dma_wait3A_442] : memref<10000x128xf32, #tpu.memory_space<hbm>> -> memref<10000x128xf32, #tpu.memory_space<hbm>>
    tpu.wait_indirect_dma semaphore(%arg15 : memref<!tpu.dma_semaphore, #tpu.memory_space<semaphore_mem>>) src(%dma_wait3A_443 : memref<10000x128xf32, #tpu.memory_space<hbm>>) dst(%arg8 : memref<48x128xf32, #tpu.memory_space<vmem>>)
    %dma_start3A_444 = arith.constant 96 : i32
    %dma_start3A_445 = arith.constant 0 : i32
    %dma_start3A_446 = tpu.memref_slice %arg7[%dma_start3A_444, %dma_start3A_445] : memref<108x48xi32, #tpu.memory_space<vmem>> -> memref<1x48xi32, #tpu.memory_space<vmem>>
    %dma_start3A_447 = tpu.memref_squeeze %dma_start3A_446 : memref<1x48xi32, #tpu.memory_space<vmem>> -> memref<48xi32, #tpu.memory_space<vmem>>
    %dma_start3A_448 = arith.constant 0 : i32
    %dma_start3A_449 = arith.constant 0 : i32
    %dma_start3A_450 = tpu.memref_slice %arg14[%dma_start3A_448, %dma_start3A_449] : memref<10448x128xf32, #tpu.memory_space<vmem_shared>> -> memref<10448x128xf32, #tpu.memory_space<vmem_shared>>
    tpu.enqueue_indirect_dma source(%arg8 : memref<48x128xf32, #tpu.memory_space<vmem>>) target(%dma_start3A_450 : memref<10448x128xf32, #tpu.memory_space<vmem_shared>>) offsets(%dma_start3A_447 : memref<48xi32, #tpu.memory_space<vmem>>) semaphore(%arg21 : memref<!tpu.dma_semaphore, #tpu.memory_space<semaphore_mem>>) {add = true}
    %dma_wait3A_451 = arith.constant 0 : i32
    %dma_wait3A_452 = arith.constant 0 : i32
    %dma_wait3A_453 = tpu.memref_slice %arg6[%dma_wait3A_451, %dma_wait3A_452] : memref<108x48xi32, #tpu.memory_space<vmem>> -> memref<1x48xi32, #tpu.memory_space<vmem>>
    %dma_wait3A_454 = tpu.memref_squeeze %dma_wait3A_453 : memref<1x48xi32, #tpu.memory_space<vmem>> -> memref<48xi32, #tpu.memory_space<vmem>>
    %dma_wait3A_455 = arith.constant 0 : i32
    %dma_wait3A_456 = arith.constant 0 : i32
    %dma_wait3A_457 = tpu.memref_slice %arg2[%dma_wait3A_455, %dma_wait3A_456] : memref<10000x128xf32, #tpu.memory_space<hbm>> -> memref<10000x128xf32, #tpu.memory_space<hbm>>
    tpu.wait_indirect_dma semaphore(%arg16 : memref<!tpu.dma_semaphore, #tpu.memory_space<semaphore_mem>>) src(%dma_wait3A_457 : memref<10000x128xf32, #tpu.memory_space<hbm>>) dst(%arg9 : memref<48x128xf32, #tpu.memory_space<vmem>>)
    %dma_start3A_458 = arith.constant 97 : i32
    %dma_start3A_459 = arith.constant 0 : i32
    %dma_start3A_460 = tpu.memref_slice %arg7[%dma_start3A_458, %dma_start3A_459] : memref<108x48xi32, #tpu.memory_space<vmem>> -> memref<1x48xi32, #tpu.memory_space<vmem>>
    %dma_start3A_461 = tpu.memref_squeeze %dma_start3A_460 : memref<1x48xi32, #tpu.memory_space<vmem>> -> memref<48xi32, #tpu.memory_space<vmem>>
    %dma_start3A_462 = arith.constant 0 : i32
    %dma_start3A_463 = arith.constant 0 : i32
    %dma_start3A_464 = tpu.memref_slice %arg14[%dma_start3A_462, %dma_start3A_463] : memref<10448x128xf32, #tpu.memory_space<vmem_shared>> -> memref<10448x128xf32, #tpu.memory_space<vmem_shared>>
    tpu.enqueue_indirect_dma source(%arg9 : memref<48x128xf32, #tpu.memory_space<vmem>>) target(%dma_start3A_464 : memref<10448x128xf32, #tpu.memory_space<vmem_shared>>) offsets(%dma_start3A_461 : memref<48xi32, #tpu.memory_space<vmem>>) semaphore(%arg22 : memref<!tpu.dma_semaphore, #tpu.memory_space<semaphore_mem>>) {add = true}
    %dma_wait3A_465 = arith.constant 0 : i32
    %dma_wait3A_466 = arith.constant 0 : i32
    %dma_wait3A_467 = tpu.memref_slice %arg6[%dma_wait3A_465, %dma_wait3A_466] : memref<108x48xi32, #tpu.memory_space<vmem>> -> memref<1x48xi32, #tpu.memory_space<vmem>>
    %dma_wait3A_468 = tpu.memref_squeeze %dma_wait3A_467 : memref<1x48xi32, #tpu.memory_space<vmem>> -> memref<48xi32, #tpu.memory_space<vmem>>
    %dma_wait3A_469 = arith.constant 0 : i32
    %dma_wait3A_470 = arith.constant 0 : i32
    %dma_wait3A_471 = tpu.memref_slice %arg2[%dma_wait3A_469, %dma_wait3A_470] : memref<10000x128xf32, #tpu.memory_space<hbm>> -> memref<10000x128xf32, #tpu.memory_space<hbm>>
    tpu.wait_indirect_dma semaphore(%arg17 : memref<!tpu.dma_semaphore, #tpu.memory_space<semaphore_mem>>) src(%dma_wait3A_471 : memref<10000x128xf32, #tpu.memory_space<hbm>>) dst(%arg10 : memref<48x128xf32, #tpu.memory_space<vmem>>)
    %dma_start3A_472 = arith.constant 98 : i32
    %dma_start3A_473 = arith.constant 0 : i32
    %dma_start3A_474 = tpu.memref_slice %arg7[%dma_start3A_472, %dma_start3A_473] : memref<108x48xi32, #tpu.memory_space<vmem>> -> memref<1x48xi32, #tpu.memory_space<vmem>>
    %dma_start3A_475 = tpu.memref_squeeze %dma_start3A_474 : memref<1x48xi32, #tpu.memory_space<vmem>> -> memref<48xi32, #tpu.memory_space<vmem>>
    %dma_start3A_476 = arith.constant 0 : i32
    %dma_start3A_477 = arith.constant 0 : i32
    %dma_start3A_478 = tpu.memref_slice %arg14[%dma_start3A_476, %dma_start3A_477] : memref<10448x128xf32, #tpu.memory_space<vmem_shared>> -> memref<10448x128xf32, #tpu.memory_space<vmem_shared>>
    tpu.enqueue_indirect_dma source(%arg10 : memref<48x128xf32, #tpu.memory_space<vmem>>) target(%dma_start3A_478 : memref<10448x128xf32, #tpu.memory_space<vmem_shared>>) offsets(%dma_start3A_475 : memref<48xi32, #tpu.memory_space<vmem>>) semaphore(%arg23 : memref<!tpu.dma_semaphore, #tpu.memory_space<semaphore_mem>>) {add = true}
    %dma_wait3A_479 = arith.constant 0 : i32
    %dma_wait3A_480 = arith.constant 0 : i32
    %dma_wait3A_481 = tpu.memref_slice %arg6[%dma_wait3A_479, %dma_wait3A_480] : memref<108x48xi32, #tpu.memory_space<vmem>> -> memref<1x48xi32, #tpu.memory_space<vmem>>
    %dma_wait3A_482 = tpu.memref_squeeze %dma_wait3A_481 : memref<1x48xi32, #tpu.memory_space<vmem>> -> memref<48xi32, #tpu.memory_space<vmem>>
    %dma_wait3A_483 = arith.constant 0 : i32
    %dma_wait3A_484 = arith.constant 0 : i32
    %dma_wait3A_485 = tpu.memref_slice %arg2[%dma_wait3A_483, %dma_wait3A_484] : memref<10000x128xf32, #tpu.memory_space<hbm>> -> memref<10000x128xf32, #tpu.memory_space<hbm>>
    tpu.wait_indirect_dma semaphore(%arg18 : memref<!tpu.dma_semaphore, #tpu.memory_space<semaphore_mem>>) src(%dma_wait3A_485 : memref<10000x128xf32, #tpu.memory_space<hbm>>) dst(%arg11 : memref<48x128xf32, #tpu.memory_space<vmem>>)
    %dma_start3A_486 = arith.constant 99 : i32
    %dma_start3A_487 = arith.constant 0 : i32
    %dma_start3A_488 = tpu.memref_slice %arg7[%dma_start3A_486, %dma_start3A_487] : memref<108x48xi32, #tpu.memory_space<vmem>> -> memref<1x48xi32, #tpu.memory_space<vmem>>
    %dma_start3A_489 = tpu.memref_squeeze %dma_start3A_488 : memref<1x48xi32, #tpu.memory_space<vmem>> -> memref<48xi32, #tpu.memory_space<vmem>>
    %dma_start3A_490 = arith.constant 0 : i32
    %dma_start3A_491 = arith.constant 0 : i32
    %dma_start3A_492 = tpu.memref_slice %arg14[%dma_start3A_490, %dma_start3A_491] : memref<10448x128xf32, #tpu.memory_space<vmem_shared>> -> memref<10448x128xf32, #tpu.memory_space<vmem_shared>>
    tpu.enqueue_indirect_dma source(%arg11 : memref<48x128xf32, #tpu.memory_space<vmem>>) target(%dma_start3A_492 : memref<10448x128xf32, #tpu.memory_space<vmem_shared>>) offsets(%dma_start3A_489 : memref<48xi32, #tpu.memory_space<vmem>>) semaphore(%arg24 : memref<!tpu.dma_semaphore, #tpu.memory_space<semaphore_mem>>) {add = true}
    %dma_wait3A_493 = arith.constant 0 : i32
    %dma_wait3A_494 = arith.constant 0 : i32
    %dma_wait3A_495 = tpu.memref_slice %arg6[%dma_wait3A_493, %dma_wait3A_494] : memref<108x48xi32, #tpu.memory_space<vmem>> -> memref<1x48xi32, #tpu.memory_space<vmem>>
    %dma_wait3A_496 = tpu.memref_squeeze %dma_wait3A_495 : memref<1x48xi32, #tpu.memory_space<vmem>> -> memref<48xi32, #tpu.memory_space<vmem>>
    %dma_wait3A_497 = arith.constant 0 : i32
    %dma_wait3A_498 = arith.constant 0 : i32
    %dma_wait3A_499 = tpu.memref_slice %arg2[%dma_wait3A_497, %dma_wait3A_498] : memref<10000x128xf32, #tpu.memory_space<hbm>> -> memref<10000x128xf32, #tpu.memory_space<hbm>>
    tpu.wait_indirect_dma semaphore(%arg19 : memref<!tpu.dma_semaphore, #tpu.memory_space<semaphore_mem>>) src(%dma_wait3A_499 : memref<10000x128xf32, #tpu.memory_space<hbm>>) dst(%arg12 : memref<48x128xf32, #tpu.memory_space<vmem>>)
    %dma_start3A_500 = arith.constant 100 : i32
    %dma_start3A_501 = arith.constant 0 : i32
    %dma_start3A_502 = tpu.memref_slice %arg7[%dma_start3A_500, %dma_start3A_501] : memref<108x48xi32, #tpu.memory_space<vmem>> -> memref<1x48xi32, #tpu.memory_space<vmem>>
    %dma_start3A_503 = tpu.memref_squeeze %dma_start3A_502 : memref<1x48xi32, #tpu.memory_space<vmem>> -> memref<48xi32, #tpu.memory_space<vmem>>
    %dma_start3A_504 = arith.constant 0 : i32
    %dma_start3A_505 = arith.constant 0 : i32
    %dma_start3A_506 = tpu.memref_slice %arg14[%dma_start3A_504, %dma_start3A_505] : memref<10448x128xf32, #tpu.memory_space<vmem_shared>> -> memref<10448x128xf32, #tpu.memory_space<vmem_shared>>
    tpu.enqueue_indirect_dma source(%arg12 : memref<48x128xf32, #tpu.memory_space<vmem>>) target(%dma_start3A_506 : memref<10448x128xf32, #tpu.memory_space<vmem_shared>>) offsets(%dma_start3A_503 : memref<48xi32, #tpu.memory_space<vmem>>) semaphore(%arg25 : memref<!tpu.dma_semaphore, #tpu.memory_space<semaphore_mem>>) {add = true}
    %dma_wait3A_507 = arith.constant 0 : i32
    %dma_wait3A_508 = arith.constant 0 : i32
    %dma_wait3A_509 = tpu.memref_slice %arg6[%dma_wait3A_507, %dma_wait3A_508] : memref<108x48xi32, #tpu.memory_space<vmem>> -> memref<1x48xi32, #tpu.memory_space<vmem>>
    %dma_wait3A_510 = tpu.memref_squeeze %dma_wait3A_509 : memref<1x48xi32, #tpu.memory_space<vmem>> -> memref<48xi32, #tpu.memory_space<vmem>>
    %dma_wait3A_511 = arith.constant 0 : i32
    %dma_wait3A_512 = arith.constant 0 : i32
    %dma_wait3A_513 = tpu.memref_slice %arg2[%dma_wait3A_511, %dma_wait3A_512] : memref<10000x128xf32, #tpu.memory_space<hbm>> -> memref<10000x128xf32, #tpu.memory_space<hbm>>
    tpu.wait_indirect_dma semaphore(%arg20 : memref<!tpu.dma_semaphore, #tpu.memory_space<semaphore_mem>>) src(%dma_wait3A_513 : memref<10000x128xf32, #tpu.memory_space<hbm>>) dst(%arg13 : memref<48x128xf32, #tpu.memory_space<vmem>>)
    %dma_start3A_514 = arith.constant 101 : i32
    %dma_start3A_515 = arith.constant 0 : i32
    %dma_start3A_516 = tpu.memref_slice %arg7[%dma_start3A_514, %dma_start3A_515] : memref<108x48xi32, #tpu.memory_space<vmem>> -> memref<1x48xi32, #tpu.memory_space<vmem>>
    %dma_start3A_517 = tpu.memref_squeeze %dma_start3A_516 : memref<1x48xi32, #tpu.memory_space<vmem>> -> memref<48xi32, #tpu.memory_space<vmem>>
    %dma_start3A_518 = arith.constant 0 : i32
    %dma_start3A_519 = arith.constant 0 : i32
    %dma_start3A_520 = tpu.memref_slice %arg14[%dma_start3A_518, %dma_start3A_519] : memref<10448x128xf32, #tpu.memory_space<vmem_shared>> -> memref<10448x128xf32, #tpu.memory_space<vmem_shared>>
    tpu.enqueue_indirect_dma source(%arg13 : memref<48x128xf32, #tpu.memory_space<vmem>>) target(%dma_start3A_520 : memref<10448x128xf32, #tpu.memory_space<vmem_shared>>) offsets(%dma_start3A_517 : memref<48xi32, #tpu.memory_space<vmem>>) semaphore(%arg26 : memref<!tpu.dma_semaphore, #tpu.memory_space<semaphore_mem>>) {add = true}
    %dma_wait3A_521 = arith.constant 0 : i32
    %dma_wait3A_522 = arith.constant 0 : i32
    %dma_wait3A_523 = tpu.memref_slice %arg7[%dma_wait3A_521, %dma_wait3A_522] : memref<108x48xi32, #tpu.memory_space<vmem>> -> memref<1x48xi32, #tpu.memory_space<vmem>>
    %dma_wait3A_524 = tpu.memref_squeeze %dma_wait3A_523 : memref<1x48xi32, #tpu.memory_space<vmem>> -> memref<48xi32, #tpu.memory_space<vmem>>
    %dma_wait3A_525 = arith.constant 0 : i32
    %dma_wait3A_526 = arith.constant 0 : i32
    %dma_wait3A_527 = tpu.memref_slice %arg14[%dma_wait3A_525, %dma_wait3A_526] : memref<10448x128xf32, #tpu.memory_space<vmem_shared>> -> memref<10448x128xf32, #tpu.memory_space<vmem_shared>>
    tpu.wait_indirect_dma semaphore(%arg21 : memref<!tpu.dma_semaphore, #tpu.memory_space<semaphore_mem>>) src(%arg8 : memref<48x128xf32, #tpu.memory_space<vmem>>) dst(%dma_wait3A_527 : memref<10448x128xf32, #tpu.memory_space<vmem_shared>>)
    %dma_wait3A_528 = arith.constant 0 : i32
    %dma_wait3A_529 = arith.constant 0 : i32
    %dma_wait3A_530 = tpu.memref_slice %arg7[%dma_wait3A_528, %dma_wait3A_529] : memref<108x48xi32, #tpu.memory_space<vmem>> -> memref<1x48xi32, #tpu.memory_space<vmem>>
    %dma_wait3A_531 = tpu.memref_squeeze %dma_wait3A_530 : memref<1x48xi32, #tpu.memory_space<vmem>> -> memref<48xi32, #tpu.memory_space<vmem>>
    %dma_wait3A_532 = arith.constant 0 : i32
    %dma_wait3A_533 = arith.constant 0 : i32
    %dma_wait3A_534 = tpu.memref_slice %arg14[%dma_wait3A_532, %dma_wait3A_533] : memref<10448x128xf32, #tpu.memory_space<vmem_shared>> -> memref<10448x128xf32, #tpu.memory_space<vmem_shared>>
    tpu.wait_indirect_dma semaphore(%arg22 : memref<!tpu.dma_semaphore, #tpu.memory_space<semaphore_mem>>) src(%arg9 : memref<48x128xf32, #tpu.memory_space<vmem>>) dst(%dma_wait3A_534 : memref<10448x128xf32, #tpu.memory_space<vmem_shared>>)
    %dma_wait3A_535 = arith.constant 0 : i32
    %dma_wait3A_536 = arith.constant 0 : i32
    %dma_wait3A_537 = tpu.memref_slice %arg7[%dma_wait3A_535, %dma_wait3A_536] : memref<108x48xi32, #tpu.memory_space<vmem>> -> memref<1x48xi32, #tpu.memory_space<vmem>>
    %dma_wait3A_538 = tpu.memref_squeeze %dma_wait3A_537 : memref<1x48xi32, #tpu.memory_space<vmem>> -> memref<48xi32, #tpu.memory_space<vmem>>
    %dma_wait3A_539 = arith.constant 0 : i32
    %dma_wait3A_540 = arith.constant 0 : i32
    %dma_wait3A_541 = tpu.memref_slice %arg14[%dma_wait3A_539, %dma_wait3A_540] : memref<10448x128xf32, #tpu.memory_space<vmem_shared>> -> memref<10448x128xf32, #tpu.memory_space<vmem_shared>>
    tpu.wait_indirect_dma semaphore(%arg23 : memref<!tpu.dma_semaphore, #tpu.memory_space<semaphore_mem>>) src(%arg10 : memref<48x128xf32, #tpu.memory_space<vmem>>) dst(%dma_wait3A_541 : memref<10448x128xf32, #tpu.memory_space<vmem_shared>>)
    %dma_wait3A_542 = arith.constant 0 : i32
    %dma_wait3A_543 = arith.constant 0 : i32
    %dma_wait3A_544 = tpu.memref_slice %arg7[%dma_wait3A_542, %dma_wait3A_543] : memref<108x48xi32, #tpu.memory_space<vmem>> -> memref<1x48xi32, #tpu.memory_space<vmem>>
    %dma_wait3A_545 = tpu.memref_squeeze %dma_wait3A_544 : memref<1x48xi32, #tpu.memory_space<vmem>> -> memref<48xi32, #tpu.memory_space<vmem>>
    %dma_wait3A_546 = arith.constant 0 : i32
    %dma_wait3A_547 = arith.constant 0 : i32
    %dma_wait3A_548 = tpu.memref_slice %arg14[%dma_wait3A_546, %dma_wait3A_547] : memref<10448x128xf32, #tpu.memory_space<vmem_shared>> -> memref<10448x128xf32, #tpu.memory_space<vmem_shared>>
    tpu.wait_indirect_dma semaphore(%arg24 : memref<!tpu.dma_semaphore, #tpu.memory_space<semaphore_mem>>) src(%arg11 : memref<48x128xf32, #tpu.memory_space<vmem>>) dst(%dma_wait3A_548 : memref<10448x128xf32, #tpu.memory_space<vmem_shared>>)
    %dma_wait3A_549 = arith.constant 0 : i32
    %dma_wait3A_550 = arith.constant 0 : i32
    %dma_wait3A_551 = tpu.memref_slice %arg7[%dma_wait3A_549, %dma_wait3A_550] : memref<108x48xi32, #tpu.memory_space<vmem>> -> memref<1x48xi32, #tpu.memory_space<vmem>>
    %dma_wait3A_552 = tpu.memref_squeeze %dma_wait3A_551 : memref<1x48xi32, #tpu.memory_space<vmem>> -> memref<48xi32, #tpu.memory_space<vmem>>
    %dma_wait3A_553 = arith.constant 0 : i32
    %dma_wait3A_554 = arith.constant 0 : i32
    %dma_wait3A_555 = tpu.memref_slice %arg14[%dma_wait3A_553, %dma_wait3A_554] : memref<10448x128xf32, #tpu.memory_space<vmem_shared>> -> memref<10448x128xf32, #tpu.memory_space<vmem_shared>>
    tpu.wait_indirect_dma semaphore(%arg25 : memref<!tpu.dma_semaphore, #tpu.memory_space<semaphore_mem>>) src(%arg12 : memref<48x128xf32, #tpu.memory_space<vmem>>) dst(%dma_wait3A_555 : memref<10448x128xf32, #tpu.memory_space<vmem_shared>>)
    %dma_wait3A_556 = arith.constant 0 : i32
    %dma_wait3A_557 = arith.constant 0 : i32
    %dma_wait3A_558 = tpu.memref_slice %arg7[%dma_wait3A_556, %dma_wait3A_557] : memref<108x48xi32, #tpu.memory_space<vmem>> -> memref<1x48xi32, #tpu.memory_space<vmem>>
    %dma_wait3A_559 = tpu.memref_squeeze %dma_wait3A_558 : memref<1x48xi32, #tpu.memory_space<vmem>> -> memref<48xi32, #tpu.memory_space<vmem>>
    %dma_wait3A_560 = arith.constant 0 : i32
    %dma_wait3A_561 = arith.constant 0 : i32
    %dma_wait3A_562 = tpu.memref_slice %arg14[%dma_wait3A_560, %dma_wait3A_561] : memref<10448x128xf32, #tpu.memory_space<vmem_shared>> -> memref<10448x128xf32, #tpu.memory_space<vmem_shared>>
    tpu.wait_indirect_dma semaphore(%arg26 : memref<!tpu.dma_semaphore, #tpu.memory_space<semaphore_mem>>) src(%arg13 : memref<48x128xf32, #tpu.memory_space<vmem>>) dst(%dma_wait3A_562 : memref<10448x128xf32, #tpu.memory_space<vmem_shared>>)
    %barrier3A_563 = arith.constant 0 : index
    tpu.barrier barrier_id(%barrier3A_563)
    %mul3A_564 = arith.constant 624 : i32
    %mul3A_565 = arith.muli %arg1, %mul3A_564 : i32
    "tpu.region"() ({
      %run_scoped3A = tpu.sem_alloc : memref<!tpu.dma_semaphore, #tpu.memory_space<semaphore_mem>>
      %dma_start3A_571 = arith.constant 0 : i32
      %dma_start3A_572 = tpu.memref_slice %arg5[%arg0, %mul3A_565, %dma_start3A_571] : memref<2x10000x128xf32, #tpu.memory_space<hbm>> -> memref<1x624x128xf32, #tpu.memory_space<hbm>>
      %dma_start3A_573 = tpu.memref_squeeze %dma_start3A_572 : memref<1x624x128xf32, #tpu.memory_space<hbm>> -> memref<624x128xf32, #tpu.memory_space<hbm>>
      %dma_start3A_574 = arith.constant 0 : i32
      %dma_start3A_575 = tpu.memref_slice %arg14[%mul3A_565, %dma_start3A_574] : memref<10448x128xf32, #tpu.memory_space<vmem_shared>> -> memref<624x128xf32, #tpu.memory_space<vmem_shared>>
      tpu.enqueue_dma source(%dma_start3A_575 : memref<624x128xf32, #tpu.memory_space<vmem_shared>>) target(%dma_start3A_573 : memref<624x128xf32, #tpu.memory_space<hbm>>) target_semaphore(%run_scoped3A : memref<!tpu.dma_semaphore, #tpu.memory_space<semaphore_mem>>)
      %dma_wait3A_576 = arith.constant 0 : i32
      %dma_wait3A_577 = tpu.memref_slice %arg5[%arg0, %mul3A_565, %dma_wait3A_576] : memref<2x10000x128xf32, #tpu.memory_space<hbm>> -> memref<1x624x128xf32, #tpu.memory_space<hbm>>
      %dma_wait3A_578 = tpu.memref_squeeze %dma_wait3A_577 : memref<1x624x128xf32, #tpu.memory_space<hbm>> -> memref<624x128xf32, #tpu.memory_space<hbm>>
      %dma_wait3A_579 = arith.constant 0 : i32
      %dma_wait3A_580 = tpu.memref_slice %arg14[%mul3A_565, %dma_wait3A_579] : memref<10448x128xf32, #tpu.memory_space<vmem_shared>> -> memref<624x128xf32, #tpu.memory_space<vmem_shared>>
      tpu.wait_dma2 semaphore(%run_scoped3A : memref<!tpu.dma_semaphore, #tpu.memory_space<semaphore_mem>>) src(%dma_wait3A_580 : memref<624x128xf32, #tpu.memory_space<vmem_shared>>) dst(%dma_wait3A_578 : memref<624x128xf32, #tpu.memory_space<hbm>>)
      tpu.yield
    }) : () -> ()
    %eq3A_566 = arith.constant 15 : i32
    %eq3A_567 = arith.cmpi eq, %arg1, %eq3A_566 : i32
    %convert_element_type3A_568 = arith.extui %eq3A_567 : i1 to i32
    %cond3A_569 = arith.constant 0 : i32
    %cond3A_570 = arith.cmpi ne, %convert_element_type3A_568, %cond3A_569 : i32
    scf.if %cond3A_570 {
      "tpu.region"() ({
        %run_scoped3A = tpu.sem_alloc : memref<!tpu.dma_semaphore, #tpu.memory_space<semaphore_mem>>
        %dma_start3A_571 = arith.constant 9984 : i32
        %dma_start3A_572 = arith.constant 0 : i32
        %dma_start3A_573 = tpu.memref_slice %arg5[%arg0, %dma_start3A_571, %dma_start3A_572] : memref<2x10000x128xf32, #tpu.memory_space<hbm>> -> memref<1x16x128xf32, #tpu.memory_space<hbm>>
        %dma_start3A_574 = tpu.memref_squeeze %dma_start3A_573 : memref<1x16x128xf32, #tpu.memory_space<hbm>> -> memref<16x128xf32, #tpu.memory_space<hbm>>
        %dma_start3A_575 = arith.constant 9984 : i32
        %dma_start3A_576 = arith.constant 0 : i32
        %dma_start3A_577 = tpu.memref_slice %arg14[%dma_start3A_575, %dma_start3A_576] : memref<10448x128xf32, #tpu.memory_space<vmem_shared>> -> memref<16x128xf32, #tpu.memory_space<vmem_shared>>
        tpu.enqueue_dma source(%dma_start3A_577 : memref<16x128xf32, #tpu.memory_space<vmem_shared>>) target(%dma_start3A_574 : memref<16x128xf32, #tpu.memory_space<hbm>>) target_semaphore(%run_scoped3A : memref<!tpu.dma_semaphore, #tpu.memory_space<semaphore_mem>>)
        %dma_wait3A_578 = arith.constant 9984 : i32
        %dma_wait3A_579 = arith.constant 0 : i32
        %dma_wait3A_580 = tpu.memref_slice %arg5[%arg0, %dma_wait3A_578, %dma_wait3A_579] : memref<2x10000x128xf32, #tpu.memory_space<hbm>> -> memref<1x16x128xf32, #tpu.memory_space<hbm>>
        %dma_wait3A_581 = tpu.memref_squeeze %dma_wait3A_580 : memref<1x16x128xf32, #tpu.memory_space<hbm>> -> memref<16x128xf32, #tpu.memory_space<hbm>>
        %dma_wait3A_582 = arith.constant 9984 : i32
        %dma_wait3A_583 = arith.constant 0 : i32
        %dma_wait3A_584 = tpu.memref_slice %arg14[%dma_wait3A_582, %dma_wait3A_583] : memref<10448x128xf32, #tpu.memory_space<vmem_shared>> -> memref<16x128xf32, #tpu.memory_space<vmem_shared>>
        tpu.wait_dma2 semaphore(%run_scoped3A : memref<!tpu.dma_semaphore, #tpu.memory_space<semaphore_mem>>) src(%dma_wait3A_584 : memref<16x128xf32, #tpu.memory_space<vmem_shared>>) dst(%dma_wait3A_581 : memref<16x128xf32, #tpu.memory_space<hbm>>)
        tpu.yield
      }) : () -> ()
    } else {
    }
    return
  }
}

module attributes {stable_mosaic.version = 14 : i64} {
  func.func @_tc1_body(%arg0: i32, %arg1: memref<2x1000x16xf32, #tpu.memory_space<vmem>>, %arg2: memref<1000x128xf32, #tpu.memory_space<vmem>>, %arg3: memref<128x128xf32, #tpu.memory_space<vmem>>, %arg4: memref<1000x128xf32, #tpu.memory_space<vmem>>, %arg5: memref<1000x1xf32, #tpu.memory_space<vmem>>) attributes {dimension_semantics = [#tpu.dimension_semantics<arbitrary>], iteration_bounds = array<i64: 10>, scalar_prefetch = 0 : i64, scratch_operands = 0 : i64, tpu.core_type = #tpu.core_type<tc>, window_params = [{transform_indices = @transform_0, window_bounds = array<i64: 2, 1000, 16>}, {transform_indices = @transform_1, window_bounds = array<i64: 1000, 128>}, {pipeline_mode = #tpu.pipeline_mode<synchronous>, transform_indices = @transform_2, window_bounds = array<i64: 128, 128>}, {transform_indices = @transform_3, window_bounds = array<i64: 1000, 128>}, {transform_indices = @transform_4, window_bounds = array<i64: 1000, 1>}]} {
    %get3A = arith.constant 0 : index
    %get3A_0 = arith.constant 0 : index
    %get3A_1 = arith.constant 0 : index
    %get3A_2 = vector.load %arg1[%get3A, %get3A_0, %get3A_1] : memref<2x1000x16xf32, #tpu.memory_space<vmem>>, vector<1x1000x16xf32>
    %get3A_3 = vector.shape_cast %get3A_2 : vector<1x1000x16xf32> to vector<1000x16xf32>
    %get3A_4 = arith.constant 1 : index
    %get3A_5 = arith.constant 0 : index
    %get3A_6 = arith.constant 0 : index
    %get3A_7 = vector.load %arg1[%get3A_4, %get3A_5, %get3A_6] : memref<2x1000x16xf32, #tpu.memory_space<vmem>>, vector<1x1000x16xf32>
    %get3A_8 = vector.shape_cast %get3A_7 : vector<1x1000x16xf32> to vector<1000x16xf32>
    %add3A = arith.addf %get3A_3, %get3A_8 : vector<1000x16xf32>
    %add3A_9 = arith.constant 1.000000e+00 : f32
    %add3A_10 = vector.broadcast %add3A_9 : f32 to vector<1000x16xf32>
    %add3A_11 = arith.addf %add3A, %add3A_10 : vector<1000x16xf32>
    %rsqrt3A = math.rsqrt %add3A_11 : vector<1000x16xf32>
    %slice3A = vector.extract_strided_slice %rsqrt3A {offsets = [0, 0], sizes = [1000, 1], strides = [1, 1]} : vector<1000x16xf32> to vector<1000x1xf32>
    %swap3A = arith.constant 0 : index
    %swap3A_12 = arith.constant 0 : index
    %swap3A_13 = vector.load %arg5[%swap3A, %swap3A_12] : memref<1000x1xf32, #tpu.memory_space<vmem>>, vector<1000x1xf32>
    tpu.vector_store %arg5[%swap3A, %swap3A_12], %slice3A {strides = array<i32>} : memref<1000x1xf32, #tpu.memory_space<vmem>>, vector<1000x1xf32>,
    %get3A_14 = arith.constant 0 : index
    %get3A_15 = arith.constant 0 : index
    %get3A_16 = vector.load %arg2[%get3A_14, %get3A_15] : memref<1000x128xf32, #tpu.memory_space<vmem>>, vector<1000x128xf32>
    %get3A_17 = arith.constant 0 : index
    %get3A_18 = arith.constant 0 : index
    %get3A_19 = vector.load %arg3[%get3A_17, %get3A_18] : memref<128x128xf32, #tpu.memory_space<vmem>>, vector<128x128xf32>
    %dot_general3A = arith.constant dense<0.000000e+00> : vector<1000x128xf32>
    %dot_general3A_20 = tpu.matmul %get3A_16, %get3A_19, %dot_general3A {dimension_numbers = #tpu.dot_dimension_numbers<[1], [0], [0], [1], [0, 0, 1, 1], [], []>, transpose_lhs_hint = false} : vector<1000x128xf32>, vector<128x128xf32>, vector<1000x128xf32> -> vector<1000x128xf32>
    %mul3A = vector.broadcast %slice3A : vector<1000x1xf32> to vector<1000x128xf32>
    %mul3A_21 = arith.mulf %dot_general3A_20, %mul3A : vector<1000x128xf32>
    %swap3A_22 = arith.constant 0 : index
    %swap3A_23 = arith.constant 0 : index
    %swap3A_24 = vector.load %arg4[%swap3A_22, %swap3A_23] : memref<1000x128xf32, #tpu.memory_space<vmem>>, vector<1000x128xf32>
    tpu.vector_store %arg4[%swap3A_22, %swap3A_23], %mul3A_21 {strides = array<i32>} : memref<1000x128xf32, #tpu.memory_space<vmem>>, vector<1000x128xf32>,
    return
  }
  func.func @transform_0(%arg0: i32) -> (i32, i32, i32) {
    %c0_i32 = arith.constant 0 : i32
    %c0_i32_0 = arith.constant 0 : i32
    %c0_i32_1 = arith.constant 0 : i32
    return %c0_i32, %arg0, %c0_i32_0 : i32, i32, i32
  }
  func.func @transform_1(%arg0: i32) -> (i32, i32) {
    %c0_i32 = arith.constant 0 : i32
    %c0_i32_0 = arith.constant 0 : i32
    return %arg0, %c0_i32 : i32, i32
  }
  func.func @transform_2(%arg0: i32) -> (i32, i32) {
    %c0_i32 = arith.constant 0 : i32
    %c0_i32_0 = arith.constant 0 : i32
    %c0_i32_1 = arith.constant 0 : i32
    return %c0_i32, %c0_i32_0 : i32, i32
  }
  func.func @transform_3(%arg0: i32) -> (i32, i32) {
    %c0_i32 = arith.constant 0 : i32
    %c0_i32_0 = arith.constant 0 : i32
    return %arg0, %c0_i32 : i32, i32
  }
  func.func @transform_4(%arg0: i32) -> (i32, i32) {
    %c0_i32 = arith.constant 0 : i32
    %c0_i32_0 = arith.constant 0 : i32
    return %arg0, %c0_i32 : i32, i32
  }
}

module attributes {stable_mosaic.version = 14 : i64} {
  func.func @_tc2_body(%arg0: i32, %arg1: memref<2x1000x128xf32, #tpu.memory_space<vmem>>, %arg2: memref<1000x128xf32, #tpu.memory_space<vmem>>, %arg3: memref<1000x1xf32, #tpu.memory_space<vmem>>, %arg4: memref<1x128xf32, #tpu.memory_space<vmem>>, %arg5: memref<1000x128xf32, #tpu.memory_space<vmem>>) attributes {dimension_semantics = [#tpu.dimension_semantics<arbitrary>], iteration_bounds = array<i64: 10>, scalar_prefetch = 0 : i64, scratch_operands = 0 : i64, tpu.core_type = #tpu.core_type<tc>, window_params = [{transform_indices = @transform_0, window_bounds = array<i64: 2, 1000, 128>}, {transform_indices = @transform_1, window_bounds = array<i64: 1000, 128>}, {transform_indices = @transform_2, window_bounds = array<i64: 1000, 1>}, {pipeline_mode = #tpu.pipeline_mode<synchronous>, transform_indices = @transform_3, window_bounds = array<i64: 1, 128>}, {transform_indices = @transform_4, window_bounds = array<i64: 1000, 128>}]} {
    %get3A = arith.constant 0 : index
    %get3A_0 = arith.constant 0 : index
    %get3A_1 = vector.load %arg3[%get3A, %get3A_0] : memref<1000x1xf32, #tpu.memory_space<vmem>>, vector<1000x1xf32>
    %get3A_2 = arith.constant 0 : index
    %get3A_3 = arith.constant 0 : index
    %get3A_4 = arith.constant 0 : index
    %get3A_5 = vector.load %arg1[%get3A_2, %get3A_3, %get3A_4] : memref<2x1000x128xf32, #tpu.memory_space<vmem>>, vector<1x1000x128xf32>
    %get3A_6 = vector.shape_cast %get3A_5 : vector<1x1000x128xf32> to vector<1000x128xf32>
    %get3A_7 = arith.constant 1 : index
    %get3A_8 = arith.constant 0 : index
    %get3A_9 = arith.constant 0 : index
    %get3A_10 = vector.load %arg1[%get3A_7, %get3A_8, %get3A_9] : memref<2x1000x128xf32, #tpu.memory_space<vmem>>, vector<1x1000x128xf32>
    %get3A_11 = vector.shape_cast %get3A_10 : vector<1x1000x128xf32> to vector<1000x128xf32>
    %add3A = arith.addf %get3A_6, %get3A_11 : vector<1000x128xf32>
    %get3A_12 = arith.constant 0 : index
    %get3A_13 = arith.constant 0 : index
    %get3A_14 = vector.load %arg2[%get3A_12, %get3A_13] : memref<1000x128xf32, #tpu.memory_space<vmem>>, vector<1000x128xf32>
    %add3A_15 = arith.addf %add3A, %get3A_14 : vector<1000x128xf32>
    %mul3A = vector.broadcast %get3A_1 : vector<1000x1xf32> to vector<1000x128xf32>
    %mul3A_16 = arith.mulf %add3A_15, %mul3A : vector<1000x128xf32>
    %get3A_17 = arith.constant 0 : index
    %get3A_18 = arith.constant 0 : index
    %get3A_19 = vector.load %arg4[%get3A_17, %get3A_18] : memref<1x128xf32, #tpu.memory_space<vmem>>, vector<1x128xf32>
    %add3A_20 = vector.broadcast %get3A_19 : vector<1x128xf32> to vector<1000x128xf32>
    %add3A_21 = arith.addf %mul3A_16, %add3A_20 : vector<1000x128xf32>
    %max3A = arith.constant 0.000000e+00 : f32
    %max3A_22 = vector.broadcast %max3A : f32 to vector<1000x128xf32>
    %max3A_23 = arith.maximumf %add3A_21, %max3A_22 : vector<1000x128xf32>
    %mul3A_24 = vector.broadcast %get3A_1 : vector<1000x1xf32> to vector<1000x128xf32>
    %mul3A_25 = arith.mulf %max3A_23, %mul3A_24 : vector<1000x128xf32>
    %swap3A = arith.constant 0 : index
    %swap3A_26 = arith.constant 0 : index
    %swap3A_27 = vector.load %arg5[%swap3A, %swap3A_26] : memref<1000x128xf32, #tpu.memory_space<vmem>>, vector<1000x128xf32>
    tpu.vector_store %arg5[%swap3A, %swap3A_26], %mul3A_25 {strides = array<i32>} : memref<1000x128xf32, #tpu.memory_space<vmem>>, vector<1000x128xf32>,
    return
  }
  func.func @transform_0(%arg0: i32) -> (i32, i32, i32) {
    %c0_i32 = arith.constant 0 : i32
    %c0_i32_0 = arith.constant 0 : i32
    %c0_i32_1 = arith.constant 0 : i32
    return %c0_i32, %arg0, %c0_i32_0 : i32, i32, i32
  }
  func.func @transform_1(%arg0: i32) -> (i32, i32) {
    %c0_i32 = arith.constant 0 : i32
    %c0_i32_0 = arith.constant 0 : i32
    return %arg0, %c0_i32 : i32, i32
  }
  func.func @transform_2(%arg0: i32) -> (i32, i32) {
    %c0_i32 = arith.constant 0 : i32
    %c0_i32_0 = arith.constant 0 : i32
    return %arg0, %c0_i32 : i32, i32
  }
  func.func @transform_3(%arg0: i32) -> (i32, i32) {
    %c0_i32 = arith.constant 0 : i32
    %c0_i32_0 = arith.constant 0 : i32
    %c0_i32_1 = arith.constant 0 : i32
    return %c0_i32, %c0_i32_0 : i32, i32
  }
  func.func @transform_4(%arg0: i32) -> (i32, i32) {
    %c0_i32 = arith.constant 0 : i32
    %c0_i32_0 = arith.constant 0 : i32
    return %arg0, %c0_i32 : i32, i32
  }
}

module attributes {stable_mosaic.version = 14 : i64} {
  func.func @_tc3_body(%arg0: i32, %arg1: memref<2x1000x128xf32, #tpu.memory_space<vmem>>, %arg2: memref<1000x128xf32, #tpu.memory_space<vmem>>, %arg3: memref<1000x1xf32, #tpu.memory_space<vmem>>, %arg4: memref<128x128xf32, #tpu.memory_space<vmem>>, %arg5: memref<128x128xf32, #tpu.memory_space<vmem>>, %arg6: memref<1x128xf32, #tpu.memory_space<vmem>>, %arg7: memref<1x128xf32, #tpu.memory_space<vmem>>, %arg8: memref<1000x128xf32, #tpu.memory_space<vmem>>, %arg9: memref<1000x128xf32, #tpu.memory_space<vmem>>) attributes {dimension_semantics = [#tpu.dimension_semantics<arbitrary>], iteration_bounds = array<i64: 10>, scalar_prefetch = 0 : i64, scratch_operands = 0 : i64, tpu.core_type = #tpu.core_type<tc>, window_params = [{transform_indices = @transform_0, window_bounds = array<i64: 2, 1000, 128>}, {transform_indices = @transform_1, window_bounds = array<i64: 1000, 128>}, {transform_indices = @transform_2, window_bounds = array<i64: 1000, 1>}, {pipeline_mode = #tpu.pipeline_mode<synchronous>, transform_indices = @transform_3, window_bounds = array<i64: 128, 128>}, {pipeline_mode = #tpu.pipeline_mode<synchronous>, transform_indices = @transform_4, window_bounds = array<i64: 128, 128>}, {pipeline_mode = #tpu.pipeline_mode<synchronous>, transform_indices = @transform_5, window_bounds = array<i64: 1, 128>}, {pipeline_mode = #tpu.pipeline_mode<synchronous>, transform_indices = @transform_6, window_bounds = array<i64: 1, 128>}, {transform_indices = @transform_7, window_bounds = array<i64: 1000, 128>}, {transform_indices = @transform_8, window_bounds = array<i64: 1000, 128>}]} {
    %get3A = arith.constant 0 : index
    %get3A_0 = arith.constant 0 : index
    %get3A_1 = arith.constant 0 : index
    %get3A_2 = vector.load %arg1[%get3A, %get3A_0, %get3A_1] : memref<2x1000x128xf32, #tpu.memory_space<vmem>>, vector<1x1000x128xf32>
    %get3A_3 = vector.shape_cast %get3A_2 : vector<1x1000x128xf32> to vector<1000x128xf32>
    %get3A_4 = arith.constant 1 : index
    %get3A_5 = arith.constant 0 : index
    %get3A_6 = arith.constant 0 : index
    %get3A_7 = vector.load %arg1[%get3A_4, %get3A_5, %get3A_6] : memref<2x1000x128xf32, #tpu.memory_space<vmem>>, vector<1x1000x128xf32>
    %get3A_8 = vector.shape_cast %get3A_7 : vector<1x1000x128xf32> to vector<1000x128xf32>
    %add3A = arith.addf %get3A_3, %get3A_8 : vector<1000x128xf32>
    %get3A_9 = arith.constant 0 : index
    %get3A_10 = arith.constant 0 : index
    %get3A_11 = vector.load %arg2[%get3A_9, %get3A_10] : memref<1000x128xf32, #tpu.memory_space<vmem>>, vector<1000x128xf32>
    %add3A_12 = arith.addf %add3A, %get3A_11 : vector<1000x128xf32>
    %get3A_13 = arith.constant 0 : index
    %get3A_14 = arith.constant 0 : index
    %get3A_15 = vector.load %arg3[%get3A_13, %get3A_14] : memref<1000x1xf32, #tpu.memory_space<vmem>>, vector<1000x1xf32>
    %mul3A = vector.broadcast %get3A_15 : vector<1000x1xf32> to vector<1000x128xf32>
    %mul3A_16 = arith.mulf %add3A_12, %mul3A : vector<1000x128xf32>
    %get3A_17 = arith.constant 0 : index
    %get3A_18 = arith.constant 0 : index
    %get3A_19 = vector.load %arg4[%get3A_17, %get3A_18] : memref<128x128xf32, #tpu.memory_space<vmem>>, vector<128x128xf32>
    %dot_general3A = arith.constant dense<0.000000e+00> : vector<1000x128xf32>
    %dot_general3A_20 = tpu.matmul %mul3A_16, %get3A_19, %dot_general3A {dimension_numbers = #tpu.dot_dimension_numbers<[1], [0], [0], [1], [0, 0, 1, 1], [], []>, transpose_lhs_hint = false} : vector<1000x128xf32>, vector<128x128xf32>, vector<1000x128xf32> -> vector<1000x128xf32>
    %get3A_21 = arith.constant 0 : index
    %get3A_22 = arith.constant 0 : index
    %get3A_23 = vector.load %arg6[%get3A_21, %get3A_22] : memref<1x128xf32, #tpu.memory_space<vmem>>, vector<1x128xf32>
    %add3A_24 = vector.broadcast %get3A_23 : vector<1x128xf32> to vector<1000x128xf32>
    %add3A_25 = arith.addf %dot_general3A_20, %add3A_24 : vector<1000x128xf32>
    %swap3A = arith.constant 0 : index
    %swap3A_26 = arith.constant 0 : index
    %swap3A_27 = vector.load %arg8[%swap3A, %swap3A_26] : memref<1000x128xf32, #tpu.memory_space<vmem>>, vector<1000x128xf32>
    tpu.vector_store %arg8[%swap3A, %swap3A_26], %add3A_25 {strides = array<i32>} : memref<1000x128xf32, #tpu.memory_space<vmem>>, vector<1000x128xf32>,
    %get3A_28 = arith.constant 0 : index
    %get3A_29 = arith.constant 0 : index
    %get3A_30 = vector.load %arg5[%get3A_28, %get3A_29] : memref<128x128xf32, #tpu.memory_space<vmem>>, vector<128x128xf32>
    %dot_general3A_31 = arith.constant dense<0.000000e+00> : vector<1000x128xf32>
    %dot_general3A_32 = tpu.matmul %mul3A_16, %get3A_30, %dot_general3A_31 {dimension_numbers = #tpu.dot_dimension_numbers<[1], [0], [0], [1], [0, 0, 1, 1], [], []>, transpose_lhs_hint = false} : vector<1000x128xf32>, vector<128x128xf32>, vector<1000x128xf32> -> vector<1000x128xf32>
    %get3A_33 = arith.constant 0 : index
    %get3A_34 = arith.constant 0 : index
    %get3A_35 = vector.load %arg7[%get3A_33, %get3A_34] : memref<1x128xf32, #tpu.memory_space<vmem>>, vector<1x128xf32>
    %add3A_36 = vector.broadcast %get3A_35 : vector<1x128xf32> to vector<1000x128xf32>
    %add3A_37 = arith.addf %dot_general3A_32, %add3A_36 : vector<1000x128xf32>
    %swap3A_38 = arith.constant 0 : index
    %swap3A_39 = arith.constant 0 : index
    %swap3A_40 = vector.load %arg9[%swap3A_38, %swap3A_39] : memref<1000x128xf32, #tpu.memory_space<vmem>>, vector<1000x128xf32>
    tpu.vector_store %arg9[%swap3A_38, %swap3A_39], %add3A_37 {strides = array<i32>} : memref<1000x128xf32, #tpu.memory_space<vmem>>, vector<1000x128xf32>,
    return
  }
  func.func @transform_0(%arg0: i32) -> (i32, i32, i32) {
    %c0_i32 = arith.constant 0 : i32
    %c0_i32_0 = arith.constant 0 : i32
    %c0_i32_1 = arith.constant 0 : i32
    return %c0_i32, %arg0, %c0_i32_0 : i32, i32, i32
  }
  func.func @transform_1(%arg0: i32) -> (i32, i32) {
    %c0_i32 = arith.constant 0 : i32
    %c0_i32_0 = arith.constant 0 : i32
    return %arg0, %c0_i32 : i32, i32
  }
  func.func @transform_2(%arg0: i32) -> (i32, i32) {
    %c0_i32 = arith.constant 0 : i32
    %c0_i32_0 = arith.constant 0 : i32
    return %arg0, %c0_i32 : i32, i32
  }
  func.func @transform_3(%arg0: i32) -> (i32, i32) {
    %c0_i32 = arith.constant 0 : i32
    %c0_i32_0 = arith.constant 0 : i32
    %c0_i32_1 = arith.constant 0 : i32
    return %c0_i32, %c0_i32_0 : i32, i32
  }
  func.func @transform_4(%arg0: i32) -> (i32, i32) {
    %c0_i32 = arith.constant 0 : i32
    %c0_i32_0 = arith.constant 0 : i32
    %c0_i32_1 = arith.constant 0 : i32
    return %c0_i32, %c0_i32_0 : i32, i32
  }
  func.func @transform_5(%arg0: i32) -> (i32, i32) {
    %c0_i32 = arith.constant 0 : i32
    %c0_i32_0 = arith.constant 0 : i32
    %c0_i32_1 = arith.constant 0 : i32
    return %c0_i32, %c0_i32_0 : i32, i32
  }
  func.func @transform_6(%arg0: i32) -> (i32, i32) {
    %c0_i32 = arith.constant 0 : i32
    %c0_i32_0 = arith.constant 0 : i32
    %c0_i32_1 = arith.constant 0 : i32
    return %c0_i32, %c0_i32_0 : i32, i32
  }
  func.func @transform_7(%arg0: i32) -> (i32, i32) {
    %c0_i32 = arith.constant 0 : i32
    %c0_i32_0 = arith.constant 0 : i32
    return %arg0, %c0_i32 : i32, i32
  }
  func.func @transform_8(%arg0: i32) -> (i32, i32) {
    %c0_i32 = arith.constant 0 : i32
    %c0_i32_0 = arith.constant 0 : i32
    return %arg0, %c0_i32 : i32, i32
  }
}

</mosaic_0001>

<sc_bundles>
// kernel: kernel.11.cloned.1.call-start
scs
__scs_entry_jumppad:
0x0: {  	(pc) =	sbr.rel $0x88, $3  }
0x1: {  	(tag) =	ssettag $0x0;
	lr =	simm.s32 $0x1  }
0x2: {  	[smem:$0x3F99] =	sst lr;
	_ =	strace $0xD0000000  }
0x3: {  	_ = 	snop  }
0x4: {  	_ = 	snop  }
0x5: {  	_ = 	snop  }
0x6: {  	_ = 	snop  }
0x7: {  	_ = 	snop  }
__scs_overlays_trampoline_lowered:
0x8: {  	[smem:$0x3FA8] =	sst s0  }
0x9: {  	[smem:$0x3FA9] =	sst s1  }
0xa: {  	[smem:$0x3FAA] =	sst s2  }
0xb: {  	[smem:$0x3FAB] =	sst s3  }
0xc: {  	[smem:$0x3FAC] =	sst s4  }
0xd: {  	[smem:$0x3FAD] =	sst s5  }
0xe: {  	[smem:$0x3FAE] =	sst s6  }
0xf: {  	[smem:$0x3FAF] =	sst s7  }
0x10: {  	[smem:$0x3FB0] =	sst s8  }
0x11: {  	[smem:$0x3FB1] =	sst s9;
	s0 =	simm.s32 @!p0 $0x0  }
0x12: {  	s1 =	sld [smem:$0x3F97];
	s0 =	simm.s32 @p0 $0x1  }
0x13: {  	[smem:$0x3FB2] =	sst s0;
	s0 =	simm.s32 @!p1 $0x0  }
0x14: {  	s2 =	sld [smem:$0x3F96];
	s0 =	simm.s32 @p1 $0x1  }
0x15: {  	[smem:$0x3FB3] =	sst s0;
	s0 =	simm.s32 @!p2 $0x0  }
0x16: {  	s3 =	sld [smem:$0x3FDB];
	s0 =	simm.s32 @p2 $0x1  }
0x17: {  	s4 =	simm.s32 $0x1BF5;
	[smem:$0x3FB5] =	sst s0  }
0x18: {  	s0 =	sld [smem:$0x3F98];
	_ =	swait.ge [sflag:s4], $0x0  }
0x19: {  	s7 =	sld [smem:$0x3F99]  }
0x1a: {  	s8 =	sadd.s32 $0xFFFFE003, lr  }
0x1b: {  	s9 =	sadd.s32 $0xFFFFFEF7, lr;
	s5 =	simm.s32 $0xFFFFFFFF;
	p2 =	slt.u32 s8, $0xFFFFF086  }
0x1c: {  	p1 =	slt.u32 s9, $0xF7A;
	s5 =	simm.s32 @!p2 $0x0  }
0x1d: {  	s5 =	simm.s32 @p1 $0x1;
	p0 =	seq.s32 s7, s2  }
0x1e: {  	s7 =	smul.u32 @!p0 $0xF7A, s2;
	p2 =	seq.s32 @!p0 s5, $0x0  }
0x1f: {  	s9 =	smul.u32 $0xF7A, s1;
	s8 =	simm.s32 @!p0 $0x1BF5;
	p2 =	por !p2, p0  }
0x20: {  	[sflag:s8] =	ssyncset.s32 @!p0 $0xFFFFF086;
	s6 =	sadd.s32 @!p0 s3, s7;
	s7 =	simm.s32 @!p0 $0x108  }
0x21: {  	s3 =	sadd.s32 s3, s9;
	s6 =	sadd.s32 @!p0 $0x88, s6;
	s7 =	simm.s32 @p2 $0x1082  }
0x22: {  	[simem:s7], [sflag:s8] =	dma.local @!p0 [hbm:s6], $0xF7A  }
0x23: {  	s9 =	sor.u32 $0xD0000000, s2;
	s6 =	simm.s32 $0x108;
	_ =	swait.ge @!p0 [sflag:s8], $0x0  }
0x24: {  	s3 =	sadd.s32 $0x88, s3;
	s6 =	simm.s32 @!p1 $0x1082;
	[sflag:s4] =	ssyncset.s32 $0xFFFFF086  }
0x25: {  	[simem:s6], [sflag:s4] =	dma.local [hbm:s3], $0xF7A  }
0x26: {  	[smem:$0x3F99] =	sst s1;
	(tag) =	ssettag s2;
	_ =	strace s9  }
0x27: {  	s1 =	sld [smem:$0x3FA9]  }
0x28: {  	s2 =	sld [smem:$0x3FAA]  }
0x29: {  	s4 =	sld [smem:$0x3FAC]  }
0x2a: {  	p0 =	seq.s32 s5, $0x0;
	s5 =	sld [smem:$0x3FAD]  }
0x2b: {  	s6 =	sld [smem:$0x3FAE]  }
0x2c: {  	s7 =	sld [smem:$0x3FAF]  }
0x2d: {  	s3 =	simm.s32 $0x108;
	s8 =	sld [smem:$0x3FB0]  }
0x2e: {  	s3 =	simm.s32 @!p0 $0x1082;
	s9 =	sld [smem:$0x3FB1]  }
0x2f: {  	lr =	sadd.s32 s0, s3;
	s0 =	sld [smem:$0x3FA8]  }
0x30: {  	s3 =	sld [smem:$0x3FAB]  }
0x31: {  	[smem:$0x3FB4] =	sst s10  }
0x32: {  	s10 =	sld [smem:$0x3FB2];
	_ =	sdelay $0x3  }
0x33: {  	p0 =	seq.s32 s10, $0x1;
	s10 =	sld [smem:$0x3FB4];
	_ =	sdelay $0x3  }
0x34: {  	[smem:$0x3FB4] =	sst s10  }
0x35: {  	s10 =	sld [smem:$0x3FB3];
	_ =	sdelay $0x3  }
0x36: {  	p1 =	seq.s32 s10, $0x1;
	s10 =	sld [smem:$0x3FB4];
	_ =	sdelay $0x3  }
0x37: {  	[smem:$0x3FB4] =	sst s10  }
0x38: {  	s10 =	sld [smem:$0x3FB5]  }
0x39: {  	_ = 	snop;
	(pc) =	sbr.ind lr, $3  }
0x3a: {  	_ = 	snop  }
0x3b: {  	_ = 	snop  }
0x3c: {  	p2 =	seq.s32 s10, $0x1;
	s10 =	sld [smem:$0x3FB4]  }
0x3d: {  	_ =	shalt  }
0x3e: {  	_ =	shalt  }
0x3f: {  	_ =	shalt  }
0x40: {  	_ =	shalt  }
0x41: {  	_ =	shalt  }
0x42: {  	_ =	shalt  }
0x43: {  	_ =	shalt  }
0x44: {  	_ =	shalt  }
0x45: {  	_ =	shalt  }
0x46: {  	_ =	shalt  }
0x47: {  	_ =	shalt  }
0x48: {  	_ =	shalt  }
0x49: {  	_ =	shalt  }
0x4a: {  	_ =	shalt  }
0x4b: {  	_ =	shalt  }
0x4c: {  	_ =	shalt  }
0x4d: {  	_ =	shalt  }
0x4e: {  	_ =	shalt  }
0x4f: {  	_ =	shalt  }
0x50: {  	_ =	shalt  }
0x51: {  	_ =	shalt  }
0x52: {  	_ =	shalt  }
0x53: {  	_ =	shalt  }
0x54: {  	_ =	shalt  }
0x55: {  	_ =	shalt  }
0x56: {  	_ =	shalt  }
0x57: {  	_ =	shalt  }
0x58: {  	_ =	shalt  }
0x59: {  	_ =	shalt  }
0x5a: {  	_ =	shalt  }
0x5b: {  	_ =	shalt  }
0x5c: {  	_ =	shalt  }
0x5d: {  	_ =	shalt  }
0x5e: {  	_ =	shalt  }
0x5f: {  	_ =	shalt  }
0x60: {  	_ =	shalt  }
0x61: {  	_ =	shalt  }
0x62: {  	_ =	shalt  }
0x63: {  	_ =	shalt  }
0x64: {  	_ =	shalt  }
0x65: {  	_ =	shalt  }
0x66: {  	_ =	shalt  }
0x67: {  	_ =	shalt  }
0x68: {  	_ =	shalt  }
0x69: {  	_ =	shalt  }
0x6a: {  	_ =	shalt  }
0x6b: {  	_ =	shalt  }
0x6c: {  	_ =	shalt  }
0x6d: {  	_ =	shalt  }
0x6e: {  	_ =	shalt  }
0x6f: {  	_ =	shalt  }
0x70: {  	_ =	shalt  }
0x71: {  	_ =	shalt  }
0x72: {  	_ =	shalt  }
0x73: {  	_ =	shalt  }
0x74: {  	_ =	shalt  }
0x75: {  	_ =	shalt  }
0x76: {  	_ =	shalt  }
0x77: {  	_ =	shalt  }
0x78: {  	_ =	shalt  }
0x79: {  	_ =	shalt  }
0x7a: {  	_ =	shalt  }
0x7b: {  	_ =	shalt  }
0x7c: {  	_ =	shalt  }
0x7d: {  	_ =	shalt  }
0x7e: {  	_ =	shalt  }
0x7f: {  	_ =	shalt  }
0x80: {  	_ =	shalt  }
0x81: {  	_ =	shalt  }
0x82: {  	_ =	shalt  }
0x83: {  	_ =	shalt  }
0x84: {  	_ =	shalt  }
0x85: {  	_ =	shalt  }
0x86: {  	_ =	shalt  }
0x87: {  	_ =	shalt  }
.Lfunc_end0:
.L_simem_size_0:
called_computation.1_lowered:
.L_overlay_start_0:
0x88: {  	s2 =	sld [smem:$0x3FD9]  }
0x89: {  	s3 =	sld [smem:$0x3FFE];
	_ =	sdelay $0x1  }
0x8a: {  	s1 =	srdreg.scid  }
0x8b: {  	s0 =	sand.u32 $0x1, s1  }
0x8c: {  	s14 =	sshll.u32 s0, $0xA;
	s2 =	sadd.s32 s3, s2  }
0x8d: {  	s2 =	sadd.s32 s2, s14  }
0x8e: {  	[smem:$0x3FC0] =	sst s2  }
0x8f: {  	_ = 	snop  }
0x90: {  	s2 =	sld [smem:$0x3FD0];
	_ =	sdelay $0x2  }
0x91: {  	s15 =	simm.s32 $0xA;
	s4 =	simm.s32 $0x10  }
0x92: {  	[smem:s4], [sflag:s15] =	dma.local [hbm:s2], $0x1  }
0x93: {  	_ =	swait.eq [sflag:s15], $0x1  }
0x94: {  	[sflag:s15] =	ssyncset.done $0x0  }
0x95: {  	s16 =	sld [smem:$0x10];
	[sflag:s15] =	ssyncadd.s32 $0xFFFFFFFF  }
0x96: {  	s17 =	sld [smem:$0x11];
	(tm) =	ssettm $0x1  }
0x97: {  	s18 =	sld [smem:$0x3FFB];
	_ =	sdelay $0x3  }
0x98: {  	_ =	strace s18  }
0x99: {  	s4 =	sld [smem:$0x3FFC];
	_ =	sdelay $0x3  }
0x9a: {  	_ =	strace s4  }
0x9b: {  	s4 =	sld [smem:$0x3FFD];
	_ =	sdelay $0x3  }
0x9c: {  	_ =	strace s4  }
0x9d: {  	_ =	strace $0x8FFFFFFF  }
0x9e: {  	s19 =	sld [smem:$0x3FDB];
	_ =	sdelay $0x1  }
0x9f: {  	s5 =	simm.s32 $_scs_section_size  }
0xa0: {  	s6 =	simm.s32 $_size__tile_overlayer_lowered;
	s7 =	simm.s32 $_tile_overlayer_lowered  }
0xa1: {  	s22 =	simm.s32 $0x1BFF;
	s21 =	sshll.u32 s7, $0x1;
	s4 =	sadd.s32 s5, s19  }
0xa2: {  	s8 =	simm.s32 $0x0;
	s20 =	sshll.u32 s6, $0x1;
	s6 =	sadd.s32 s21, s4  }
0xa3: {  	[timem:s8], [sflag:s22] =	dma.local [hbm:s6], s20  }
0xa4: {  	_ =	swait.ge [sflag:s22], s20  }
0xa5: {  	s5 =	ssub.s32 $0x0, s20;
	[sflag:s22] =	ssyncset.done $0x0  }
0xa6: {  	[sflag:s22] =	ssyncadd.s32 s5;
	_ =	sdelay $0x1  }
0xa7: {  	s23 =	simm.s32 $0x1B8B  }
0xa8: {  	_ =	swait.ge [sflag:s23], $0x1  }
0xa9: {  	[sflag:s23] =	ssyncset.done $0x0  }
0xaa: {  	s25 =	simm.s32 $0x1B8E;
	s24 =	sld [smem:$0x3FFE];
	[sflag:s23] =	ssyncadd.s32 $0xFFFFFFFF  }
0xab: {  	s26 =	simm.s32 $execute0_lowered;
	[smem:$0x3FD2] =	sst s25  }
0xac: {  	s6 =	sshll.u32 s26, $0x1;
	_ =	strace $0x80000049;
	[dreg:$0x1] =	wrdreg $0xFFFFFFFF  }
0xad: {  	s28 =	simm.s32 $_size_execute0_lowered;
	s4 =	sadd.s32 s4, s6;
	[dreg:$0x0] =	wrdreg $0x0  }
0xae: {  	s6 =	sshll.u32 s28, $0x1;
	[dreg:$0x2] =	wrdreg s4  }
0xaf: {  	[dreg:$0x3] =	wrdreg s6  }
0xb0: {  	[dreg:$0x4] =	wrdreg $0xC0  }
0xb1: {  	_ =	task [dreg:s8], $0x5FFFF  }
0xb2: {  	[dreg:$0x1] =	wrdreg $0xFFFFFFFF  }
0xb3: {  	[dreg:$0x0] =	wrdreg $0x60  }
0xb4: {  	[dreg:$0x2] =	wrdreg s17  }
0xb5: {  	[dreg:$0x3] =	wrdreg s24  }
0xb6: {  	[dreg:$0x4] =	wrdreg s16  }
0xb7: {  	[dreg:$0x5] =	wrdreg $0xB8800  }
0xb8: {  	[dreg:$0x6] =	wrdreg $0x9  }
0xb9: {  	_ =	task.clear_ibuf [dreg:s8], $0x7FFFF;
	_ =	strace $0x90000049  }
0xba: {  	s29 =	simm.s32 $0x9;
	_ =	strace $0x8000004B  }
0xbb: {  	_ =	swait.ge [sflag:s29], $0x1  }
0xbc: {  	[sflag:s29] =	ssyncadd.s32 $0xFFFFFFFF  }
0xbd: {  	_ =	strace $0x9000004B  }
0xbe: {  	_ =	sfence  }
0xbf: {  	s30 =	sld [smem:$0x0];
	_ =	sdelay $0x2  }
0xc0: {  	s31 =	sshll.u32 s1, $0xD;
	s1 =	sshrl.u32 s1, $0x2  }
0xc1: {  	s3 =	sand.u32 $0x4000, s31;
	s1 =	sadd.s32 s1, s30  }
0xc2: {  	s0 =	sor.u32 s3, s0;
	s1 =	sshll.u32 s1, $0x11  }
0xc3: {  	s0 =	sor.u32 s1, s0  }
0xc4: {  	s0 =	sadd.s32 $0x8F2B, s0  }
0xc5: {  	[sflag:s0] =	ssyncadd.remote.s32 $0x1  }
0xc6: {  	_ =	sfence.sel $0xFFFF  }
0xc7: {  	[dreg:$0x0] =	wrdreg $0xFFFFFFFF;
	(pc) =	sbr.abs _section_cstart, $3  }
0xc8: {  	[dreg:$0x1] =	wrdreg $0xFFFFFFFF  }
0xc9: {  	_ =	task.clear_ibuf [dreg:s8], $0x2FFFF;
	_ =	strace $0x9FFFFFFF  }
0xca: {  	(tm) =	ssettm $0x7FFFFFFF  }
0xcb: {  	_ =	shalt  }
tec
execute0_lowered:
.L_overlay_start_1:
0x0: {  	(tag) =	ssettag $0x1  }
0x1: {  	s1 =	rddreg [dreg:$0x0]  }
0x2: {  	s0 =	rddreg [dreg:$0x1]  }
0x3: {  	s3 =	rddreg [dreg:$0x2]  }
0x4: {  	s2 =	rddreg [dreg:$0x3];
	s4 =	simm.s32 $0x0  }
0x5: {  	s5 =	srdreg.scid;
	s13 =	stileid.u32;
	s28 =	simm.s32 $0x4080  }
0x6: {  	s29 =	simm.s32 $0x5880;
	s30 =	simm.s32 $0x7080;
	s7 =	smul.u32 $0x4E000, s13  }
0x7: {  	s31 =	simm.s32 $0x8880;
	[smem:$0x7FF] =	sst s4;
	s10 =	smul.u32 $0xD2, s13  }
0x8: {  	s6 =	sand.u32 $0x1, s5;
	s8 =	sadd.s32 $0x3200, s0;
	s12 =	smul.u32 $0x13800, s13  }
0x9: {  	s0 =	sadd.s32 $0xD000, s0;
	p0 =	sne.s32 s13, $0xF;
	s7 =	sshrl.u32 s7, $0x2  }
0xa: {  	s13 =	simm.s32 $0x30;
	s5 =	smul.u32 $0xD20, s6;
	s7 =	sadd.s32 s7, s2  }
0xb: {  	_ =	strace $0x8000004A;
	s9 =	ssub.s32 $0x2, s6;
	s25 =	sadd.s32 $0x1800, s7  }
0xc: {  	s6 =	smul.u32 $0x138800, s6;
	s26 =	sadd.s32 $0x3000, s7;
	[dreg:$0x5] =	wrdreg s25  }
0xd: {  	s11 =	sshrl.u32 s9, $0x1;
	s14 =	sadd.s32 $0x4800, s7;
	[dreg:$0x6] =	wrdreg s26  }
0xe: {  	s9 =	ssub.s32 s9, s11;
	s15 =	sadd.s32 $0x6000, s7;
	[dreg:$0x7] =	wrdreg s14  }
0xf: {  	s10 =	sadd.s32 s10, s5;
	s16 =	sadd.s32 $0x7800, s7;
	[dreg:$0x8] =	wrdreg s15  }
0x10: {  	s5 =	sadd.s32 s12, s2;
	s17 =	sadd.s32 $0x9000, s7;
	[dreg:$0x9] =	wrdreg s16  }
0x11: {  	s24 =	sadd.s32 s12, s6;
	s19 =	sadd.s32 $0xC000, s7;
	[dreg:$0xa] =	wrdreg s17  }
0x12: {  	s6 =	sshrl.u32 s6, $0x3;
	s20 =	sadd.s32 $0xD800, s7;
	[dreg:$0xc] =	wrdreg s19  }
0x13: {  	s18 =	smul.u32 $0x30, s10;
	s21 =	sadd.s32 $0xF000, s7;
	[dreg:$0xd] =	wrdreg s20  }
0x14: {  	s10 =	smul.u32 $0x6, s10;
	s23 =	sadd.s32 $0x10800, s7;
	[dreg:$0xe] =	wrdreg s21  }
0x15: {  	s6 =	sadd.s32 s0, s6;
	s14 =	sadd.s32 $0xA800, s7;
	[dreg:$0x13] =	wrdreg s23  }
0x16: {  	s7 =	sadd.s32 $0x12000, s7;
	s23 =	sadd.s32 $0x138000, s2;
	s25 =	sadd.s32 $0x27000, s6  }
0x17: {  	s26 =	smax.u32 s9, $0x1;
	s6 =	simm.s32 $0x2;
	s9 =	simm.s32 $0x5  }
0x18: {  	s15 =	simm.s32 $0x90;
	s16 =	simm.s32 $0xC0;
	s17 =	simm.s32 $0xF0  }
0x19: {  	s19 =	simm.s32 $0x8;
	s20 =	simm.s32 $0x9;
	[dreg:$0xb] =	wrdreg s14  }
0x1a: {  	s21 =	simm.s32 $0xA;
	s11 =	sshrl.u32 s18, $0x3;
	[dreg:$0x14] =	wrdreg s7  }
0x1b: {  	s22 =	sadd.s32 s8, s10;
	s10 =	sadd.s32 s3, s10;
	[dreg:$0x16] =	wrdreg s25  }
0x1c: {  	[dreg:$0x17] =	wrdreg s26;
	s26 =	simm.s32 $0x2880;
	s7 =	simm.s32 $0x3  }
0x1d: {  	s18 =	simm.s32 $0x7;
	[dreg:$0xf] =	wrdreg s22;
	s11 =	sadd.s32 $0x288, s11  }
0x1e: {  	[dreg:$0x10] =	wrdreg s10;
	s10 =	simm.s32 $0x6;
	s8 =	sadd.s32 s8, s11  }
0x1f: {  	s22 =	simm.s32 $0xB;
	s3 =	sadd.s32 s3, s11;
	[dreg:$0x11] =	wrdreg s8  }
0x20: {  	s11 =	simm.s32 $0xD;
	[dreg:$0x12] =	wrdreg s3;
	s3 =	sshrl.u32 s24, $0x3  }
0x21: {  	s8 =	simm.s32 $0x4;
	s24 =	simm.s32 $0xC;
	s0 =	sadd.s32 s0, s3  }
0x22: {  	v0 =	vimm.f32 $0.0e+00;
	s3 =	simm.s32 $0x1;
	[dreg:$0x15] =	wrdreg s0;
	s0 =	simm.s32 $0xA080  }
.LBB2_1:
0x23: {  	s12 =	simm.s32 $0x0;
	s25 =	simm.s32 $0x200  }
.LBB2_2:
0x24: {  	p1 =	sne.s32 s25, $0x5E00;
	[tilespmem:s12+$0x28F0] =	vst v0  }
0x25: {  	[tilespmem:s12+$0x2880] =	vst v0  }
0x26: {  	[tilespmem:s12+$0x2890] =	vst v0  }
.Ltmp0:
0x27: {  	[tilespmem:s12+$0x28A0] =	vst v0;
	(pc) =	sbr.rel @p1 .LBB2_2-.Ltmp0, $4  }
0x28: {  	[tilespmem:s12+$0x28B0] =	vst v0  }
0x29: {  	[tilespmem:s12+$0x28C0] =	vst v0  }
0x2a: {  	[tilespmem:s12+$0x28D0] =	vst v0  }
0x2b: {  	[tilespmem:s12+$0x28E0] =	vst v0;
	s12 =	sshra.s32 s25, $0x2;
	s25 =	sadd.s32 $0x200, s25  }
0x2c: {  	[tilespmem:s12+$0x28F0] =	vst v0  }
0x2d: {  	[tilespmem:s12+$0x2880] =	vst v0  }
0x2e: {  	[tilespmem:s12+$0x2890] =	vst v0  }
0x2f: {  	[tilespmem:s12+$0x28A0] =	vst v0  }
0x30: {  	[tilespmem:s12+$0x28B0] =	vst v0  }
0x31: {  	[tilespmem:s12+$0x28C0] =	vst v0  }
0x32: {  	[tilespmem:s12+$0x28D0] =	vst v0  }
0x33: {  	[tilespmem:s12+$0x28E0] =	vst v0;
	s12 =	simm.s32 $0x0;
	s25 =	simm.s32 $0x200  }
.LBB2_4:
0x34: {  	p1 =	sne.s32 s25, $0x5E00;
	[tilespmem:s12+$0x40F0] =	vst v0  }
0x35: {  	[tilespmem:s12+$0x4080] =	vst v0  }
0x36: {  	[tilespmem:s12+$0x4090] =	vst v0  }
.Ltmp1:
0x37: {  	[tilespmem:s12+$0x40A0] =	vst v0;
	(pc) =	sbr.rel @p1 .LBB2_4-.Ltmp1, $4  }
0x38: {  	[tilespmem:s12+$0x40B0] =	vst v0  }
0x39: {  	[tilespmem:s12+$0x40C0] =	vst v0  }
0x3a: {  	[tilespmem:s12+$0x40D0] =	vst v0  }
0x3b: {  	[tilespmem:s12+$0x40E0] =	vst v0;
	s12 =	sshra.s32 s25, $0x2;
	s25 =	sadd.s32 $0x200, s25  }
0x3c: {  	[tilespmem:s12+$0x40F0] =	vst v0  }
0x3d: {  	[tilespmem:s12+$0x4080] =	vst v0  }
0x3e: {  	[tilespmem:s12+$0x4090] =	vst v0  }
0x3f: {  	[tilespmem:s12+$0x40A0] =	vst v0  }
0x40: {  	[tilespmem:s12+$0x40B0] =	vst v0  }
0x41: {  	[tilespmem:s12+$0x40C0] =	vst v0  }
0x42: {  	[tilespmem:s12+$0x40D0] =	vst v0  }
0x43: {  	[tilespmem:s12+$0x40E0] =	vst v0;
	s12 =	simm.s32 $0x0;
	s25 =	simm.s32 $0x200  }
.LBB2_6:
0x44: {  	p1 =	sne.s32 s25, $0x5E00;
	[tilespmem:s12+$0x58F0] =	vst v0  }
0x45: {  	[tilespmem:s12+$0x5880] =	vst v0  }
0x46: {  	[tilespmem:s12+$0x5890] =	vst v0  }
.Ltmp2:
0x47: {  	[tilespmem:s12+$0x58A0] =	vst v0;
	(pc) =	sbr.rel @p1 .LBB2_6-.Ltmp2, $4  }
0x48: {  	[tilespmem:s12+$0x58B0] =	vst v0  }
0x49: {  	[tilespmem:s12+$0x58C0] =	vst v0  }
0x4a: {  	[tilespmem:s12+$0x58D0] =	vst v0  }
0x4b: {  	[tilespmem:s12+$0x58E0] =	vst v0;
	s12 =	sshra.s32 s25, $0x2;
	s25 =	sadd.s32 $0x200, s25  }
0x4c: {  	[tilespmem:s12+$0x58F0] =	vst v0  }
0x4d: {  	[tilespmem:s12+$0x5880] =	vst v0  }
0x4e: {  	[tilespmem:s12+$0x5890] =	vst v0  }
0x4f: {  	[tilespmem:s12+$0x58A0] =	vst v0  }
0x50: {  	[tilespmem:s12+$0x58B0] =	vst v0  }
0x51: {  	[tilespmem:s12+$0x58C0] =	vst v0  }
0x52: {  	[tilespmem:s12+$0x58D0] =	vst v0  }
0x53: {  	[tilespmem:s12+$0x58E0] =	vst v0;
	s12 =	simm.s32 $0x0;
	s25 =	simm.s32 $0x200  }
.LBB2_8:
0x54: {  	p1 =	sne.s32 s25, $0x5E00;
	[tilespmem:s12+$0x70F0] =	vst v0  }
0x55: {  	[tilespmem:s12+$0x7080] =	vst v0  }
0x56: {  	[tilespmem:s12+$0x7090] =	vst v0  }
.Ltmp3:
0x57: {  	[tilespmem:s12+$0x70A0] =	vst v0;
	(pc) =	sbr.rel @p1 .LBB2_8-.Ltmp3, $4  }
0x58: {  	[tilespmem:s12+$0x70B0] =	vst v0  }
0x59: {  	[tilespmem:s12+$0x70C0] =	vst v0  }
0x5a: {  	[tilespmem:s12+$0x70D0] =	vst v0  }
0x5b: {  	[tilespmem:s12+$0x70E0] =	vst v0;
	s12 =	sshra.s32 s25, $0x2;
	s25 =	sadd.s32 $0x200, s25  }
0x5c: {  	[tilespmem:s12+$0x70F0] =	vst v0  }
0x5d: {  	[tilespmem:s12+$0x7080] =	vst v0  }
0x5e: {  	[tilespmem:s12+$0x7090] =	vst v0  }
0x5f: {  	[tilespmem:s12+$0x70A0] =	vst v0  }
0x60: {  	[tilespmem:s12+$0x70B0] =	vst v0  }
0x61: {  	[tilespmem:s12+$0x70C0] =	vst v0  }
0x62: {  	[tilespmem:s12+$0x70D0] =	vst v0  }
0x63: {  	[tilespmem:s12+$0x70E0] =	vst v0;
	s12 =	simm.s32 $0x0;
	s25 =	simm.s32 $0x200  }
.LBB2_10:
0x64: {  	p1 =	sne.s32 s25, $0x5E00;
	[tilespmem:s12+$0x88F0] =	vst v0  }
0x65: {  	[tilespmem:s12+$0x8880] =	vst v0  }
0x66: {  	[tilespmem:s12+$0x8890] =	vst v0  }
.Ltmp4:
0x67: {  	[tilespmem:s12+$0x88A0] =	vst v0;
	(pc) =	sbr.rel @p1 .LBB2_10-.Ltmp4, $4  }
0x68: {  	[tilespmem:s12+$0x88B0] =	vst v0  }
0x69: {  	[tilespmem:s12+$0x88C0] =	vst v0  }
0x6a: {  	[tilespmem:s12+$0x88D0] =	vst v0  }
0x6b: {  	[tilespmem:s12+$0x88E0] =	vst v0;
	s12 =	sshra.s32 s25, $0x2;
	s25 =	sadd.s32 $0x200, s25  }
0x6c: {  	[tilespmem:s12+$0x88F0] =	vst v0  }
0x6d: {  	[tilespmem:s12+$0x8880] =	vst v0  }
0x6e: {  	[tilespmem:s12+$0x8890] =	vst v0  }
0x6f: {  	[tilespmem:s12+$0x88A0] =	vst v0  }
0x70: {  	[tilespmem:s12+$0x88B0] =	vst v0  }
0x71: {  	[tilespmem:s12+$0x88C0] =	vst v0  }
0x72: {  	[tilespmem:s12+$0x88D0] =	vst v0  }
0x73: {  	[tilespmem:s12+$0x88E0] =	vst v0;
	s12 =	simm.s32 $0x0;
	s25 =	simm.s32 $0x200  }
.LBB2_12:
0x74: {  	p1 =	sne.s32 s25, $0x5E00;
	[tilespmem:s12+$0xA0F0] =	vst v0  }
0x75: {  	[tilespmem:s12+$0xA080] =	vst v0  }
0x76: {  	[tilespmem:s12+$0xA090] =	vst v0  }
.Ltmp5:
0x77: {  	[tilespmem:s12+$0xA0A0] =	vst v0;
	(pc) =	sbr.rel @p1 .LBB2_12-.Ltmp5, $4  }
0x78: {  	[tilespmem:s12+$0xA0B0] =	vst v0  }
0x79: {  	[tilespmem:s12+$0xA0C0] =	vst v0  }
0x7a: {  	[tilespmem:s12+$0xA0D0] =	vst v0  }
0x7b: {  	[tilespmem:s12+$0xA0E0] =	vst v0;
	s12 =	sshra.s32 s25, $0x2;
	s25 =	sadd.s32 $0x200, s25  }
0x7c: {  	[tilespmem:s12+$0xA0F0] =	vst v0  }
0x7d: {  	[tilespmem:s12+$0xA080] =	vst v0  }
0x7e: {  	[tilespmem:s12+$0xA090] =	vst v0  }
0x7f: {  	[tilespmem:s12+$0xA0A0] =	vst v0  }
0x80: {  	[tilespmem:s12+$0xA0B0] =	vst v0  }
0x81: {  	[tilespmem:s12+$0xA0C0] =	vst v0  }
0x82: {  	[tilespmem:s12+$0xA0D0] =	vst v0  }
0x83: {  	[tilespmem:s12+$0xA0E0] =	vst v0  }
0x84: {  	[spmem:s5] =	stream.linear.scatter [tilespmem:s26], [sflag:$0x1], $0x1800, $0x38;
	[tilespmem:$0x1FF00] =	vst v63  }
0x85: {  	s14 =	rddreg [dreg:$0x5]  }
0x86: {  	[spmem:s14] =	stream.linear.scatter [tilespmem:s28], [sflag:$0x2], $0x1800, $0x38;
	[tilespmem:$0x1FF00] =	vst v63  }
0x87: {  	s25 =	rddreg [dreg:$0x6]  }
0x88: {  	[spmem:s25] =	stream.linear.scatter [tilespmem:s29], [sflag:$0x3], $0x1800, $0x38;
	[tilespmem:$0x1FF00] =	vst v63  }
0x89: {  	s14 =	rddreg [dreg:$0x7]  }
0x8a: {  	[spmem:s14] =	stream.linear.scatter [tilespmem:s30], [sflag:$0x4], $0x1800, $0x38;
	[tilespmem:$0x1FF00] =	vst v63  }
0x8b: {  	s25 =	rddreg [dreg:$0x8]  }
0x8c: {  	[spmem:s25] =	stream.linear.scatter [tilespmem:s31], [sflag:$0x5], $0x1800, $0x38;
	[tilespmem:$0x1FF00] =	vst v63  }
0x8d: {  	s14 =	rddreg [dreg:$0x9]  }
0x8e: {  	[spmem:s14] =	stream.linear.scatter [tilespmem:s0], [sflag:$0x6], $0x1800, $0x38;
	[tilespmem:$0x1FF00] =	vst v63  }
0x8f: {  	s25 =	rddreg [dreg:$0xa]  }
0x90: {  	[spmem:s25] =	stream.linear.scatter [tilespmem:s26], [sflag:$0x1], $0x1800, $0x38;
	[tilespmem:$0x1FF00] =	vst v63  }
0x91: {  	s14 =	rddreg [dreg:$0xb]  }
0x92: {  	[spmem:s14] =	stream.linear.scatter [tilespmem:s28], [sflag:$0x2], $0x1800, $0x38;
	[tilespmem:$0x1FF00] =	vst v63  }
0x93: {  	s25 =	rddreg [dreg:$0xc]  }
0x94: {  	[spmem:s25] =	stream.linear.scatter [tilespmem:s29], [sflag:$0x3], $0x1800, $0x38;
	[tilespmem:$0x1FF00] =	vst v63  }
0x95: {  	s14 =	rddreg [dreg:$0xd]  }
0x96: {  	[spmem:s14] =	stream.linear.scatter [tilespmem:s30], [sflag:$0x4], $0x1800, $0x38;
	[tilespmem:$0x1FF00] =	vst v63  }
0x97: {  	s25 =	rddreg [dreg:$0xe]  }
0x98: {  	[spmem:s25] =	stream.linear.scatter [tilespmem:s31], [sflag:$0x5], $0x1800, $0x38;
	[tilespmem:$0x1FF00] =	vst v63  }
0x99: {  	s14 =	rddreg [dreg:$0x13]  }
0x9a: {  	[spmem:s14] =	stream.linear.scatter [tilespmem:s0], [sflag:$0x6], $0x1800, $0x38;
	[tilespmem:$0x1FF00] =	vst v63  }
0x9b: {  	s25 =	rddreg [dreg:$0x14]  }
0x9c: {  	[spmem:s25] =	stream.linear.scatter [tilespmem:s26], [sflag:$0x1], $0x1800, $0x38;
	[tilespmem:$0x1FF00] =	vst v63  }
0x9d: {  	_ =	swait.ge [sflag:s3], $0x1800  }
0x9e: {  	[sflag:s3] =	ssyncset.done $0x0  }
0x9f: {  	[sflag:s3] =	ssyncadd.s32 $0xFFFFE800  }
0xa0: {  	_ =	swait.ge [sflag:s6], $0x1800  }
0xa1: {  	[sflag:s6] =	ssyncset.done $0x0  }
0xa2: {  	[sflag:s6] =	ssyncadd.s32 $0xFFFFE800  }
0xa3: {  	_ =	swait.ge [sflag:s7], $0x1800  }
0xa4: {  	[sflag:s7] =	ssyncset.done $0x0  }
0xa5: {  	[sflag:s7] =	ssyncadd.s32 $0xFFFFE800  }
0xa6: {  	_ =	swait.ge [sflag:s8], $0x1800  }
0xa7: {  	[sflag:s8] =	ssyncset.done $0x0  }
0xa8: {  	[sflag:s8] =	ssyncadd.s32 $0xFFFFE800  }
0xa9: {  	_ =	swait.ge [sflag:s9], $0x1800  }
0xaa: {  	[sflag:s9] =	ssyncset.done $0x0  }
0xab: {  	[sflag:s9] =	ssyncadd.s32 $0xFFFFE800  }
0xac: {  	_ =	swait.ge [sflag:s10], $0x1800  }
0xad: {  	[sflag:s10] =	ssyncset.done $0x0  }
0xae: {  	[sflag:s10] =	ssyncadd.s32 $0xFFFFE800  }
0xaf: {  	_ =	swait.ge [sflag:s3], $0x1800  }
0xb0: {  	[sflag:s3] =	ssyncset.done $0x0  }
0xb1: {  	[sflag:s3] =	ssyncadd.s32 $0xFFFFE800  }
0xb2: {  	_ =	swait.ge [sflag:s6], $0x1800  }
0xb3: {  	[sflag:s6] =	ssyncset.done $0x0  }
0xb4: {  	[sflag:s6] =	ssyncadd.s32 $0xFFFFE800  }
0xb5: {  	_ =	swait.ge [sflag:s7], $0x1800  }
0xb6: {  	[sflag:s7] =	ssyncset.done $0x0  }
0xb7: {  	[sflag:s7] =	ssyncadd.s32 $0xFFFFE800  }
0xb8: {  	_ =	swait.ge [sflag:s8], $0x1800  }
0xb9: {  	[sflag:s8] =	ssyncset.done $0x0  }
0xba: {  	[sflag:s8] =	ssyncadd.s32 $0xFFFFE800  }
0xbb: {  	_ =	swait.ge [sflag:s9], $0x1800  }
0xbc: {  	[sflag:s9] =	ssyncset.done $0x0  }
0xbd: {  	[sflag:s9] =	ssyncadd.s32 $0xFFFFE800  }
0xbe: {  	_ =	swait.ge [sflag:s10], $0x1800  }
0xbf: {  	[sflag:s10] =	ssyncset.done $0x0  }
0xc0: {  	[sflag:s10] =	ssyncadd.s32 $0xFFFFE800  }
0xc1: {  	_ =	swait.ge [sflag:s3], $0x1800  }
0xc2: {  	[sflag:s3] =	ssyncset.done $0x0  }
0xc3: {  	s12 =	simm.s32 @!p0 $0x2880;
	[sflag:s3] =	ssyncadd.s32 $0xFFFFE800  }
0xc4: {  	[spmem:s23] =	stream.linear.scatter @!p0 [tilespmem:s12], [sflag:$0xD], $0x800, $0x38;
	[tilespmem:$0x1FF00] =	vst v63  }
0xc5: {  	s12 =	simm.s32 @!p0 $0xD  }
0xc6: {  	_ =	swait.ge @!p0 [sflag:s12], $0x800  }
0xc7: {  	[sflag:s12] =	ssyncset.done @!p0 $0x0  }
0xc8: {  	[sflag:s12] =	ssyncadd.s32 @!p0 $0xFFFFF800  }
0xc9: {  	[bflag:$0x0] =	sbarrier.arrive $0xFFFF  }
0xca: {  	s12 =	simm.s32 $0x0;
	s14 =	rddreg [dreg:$0xf]  }
0xcb: {  	[tilespmem:s12], [sflag:$0xD] =	stream.linear.gather [hbm4b:s14+s12], $0x1440, $0x38;
	[tilespmem:$0x1FF00] =	vst v63  }
0xcc: {  	_ =	swait.ge [sflag:s11], $0x1440  }
0xcd: {  	[sflag:s11] =	ssyncset.done $0x0  }
0xce: {  	s25 =	simm.s32 $0x1440;
	s14 =	rddreg [dreg:$0x10];
	[sflag:s11] =	ssyncadd.s32 $0xFFFFEBC0  }
0xcf: {  	[tilespmem:s25], [sflag:$0xD] =	stream.linear.gather [hbm4b:s14+s12], $0x1440, $0x38;
	[tilespmem:$0x1FF00] =	vst v63  }
0xd0: {  	_ =	swait.ge [sflag:s11], $0x1440  }
0xd1: {  	[sflag:s11] =	ssyncset.done $0x0  }
0xd2: {  	[sflag:s11] =	ssyncadd.s32 $0xFFFFEBC0  }
0xd3: {  	[tilespmem:s26], [sflag:$0x1] =	stream.indirect.gather [hbm4b:s1+s13], $0x80, s12, s13, $0xb8;
	[tilespmem:$0x1FF00] =	vst v63  }
0xd4: {  	_ = 	snop  }
0xd5: {  	[tilespmem:s28], [sflag:$0x2] =	stream.indirect.gather [hbm4b:s1+s13], $0x80, s13, s13, $0xb8;
	[tilespmem:$0x1FF00] =	vst v63  }
0xd6: {  	s14 =	simm.s32 $0x60  }
0xd7: {  	[tilespmem:s29], [sflag:$0x3] =	stream.indirect.gather [hbm4b:s1+s13], $0x80, s14, s13, $0xb8;
	[tilespmem:$0x1FF00] =	vst v63  }
0xd8: {  	_ = 	snop  }
0xd9: {  	[tilespmem:s30], [sflag:$0x4] =	stream.indirect.gather [hbm4b:s1+s13], $0x80, s15, s13, $0xb8;
	[tilespmem:$0x1FF00] =	vst v63  }
0xda: {  	_ = 	snop  }
0xdb: {  	[tilespmem:s31], [sflag:$0x5] =	stream.indirect.gather [hbm4b:s1+s13], $0x80, s16, s13, $0xb8;
	[tilespmem:$0x1FF00] =	vst v63  }
0xdc: {  	_ = 	snop  }
0xdd: {  	[tilespmem:s0], [sflag:$0x6] =	stream.indirect.gather [hbm4b:s1+s13], $0x80, s17, s13, $0xb8;
	[tilespmem:$0x1FF00] =	vst v63  }
0xde: {  	_ =	swait.ge [sflag:s3], $0x1800  }
0xdf: {  	[sflag:s3] =	ssyncset.done $0x0  }
0xe0: {  	s25 =	simm.s32 $0x1440;
	[sflag:s3] =	ssyncadd.s32 $0xFFFFE800  }
0xe1: {  	[spmem:s2] =	stream.indirect.scatter.add.f32 [tilespmem:s26], [sflag:$0x7], $0x80, s25, s13, $0xb8;
	[tilespmem:$0x1FF00] =	vst v63  }
0xe2: {  	_ =	swait.ge [sflag:s6], $0x1800  }
0xe3: {  	[sflag:s6] =	ssyncset.done $0x0  }
0xe4: {  	s14 =	simm.s32 $0x1470;
	[sflag:s6] =	ssyncadd.s32 $0xFFFFE800  }
0xe5: {  	[spmem:s2] =	stream.indirect.scatter.add.f32 [tilespmem:s28], [sflag:$0x8], $0x80, s14, s13, $0xb8;
	[tilespmem:$0x1FF00] =	vst v63  }
0xe6: {  	_ =	swait.ge [sflag:s7], $0x1800  }
0xe7: {  	[sflag:s7] =	ssyncset.done $0x0  }
0xe8: {  	s25 =	simm.s32 $0x14A0;
	[sflag:s7] =	ssyncadd.s32 $0xFFFFE800  }
0xe9: {  	[spmem:s2] =	stream.indirect.scatter.add.f32 [tilespmem:s29], [sflag:$0x9], $0x80, s25, s13, $0xb8;
	[tilespmem:$0x1FF00] =	vst v63  }
0xea: {  	_ =	swait.ge [sflag:s8], $0x1800  }
0xeb: {  	[sflag:s8] =	ssyncset.done $0x0  }
0xec: {  	s14 =	simm.s32 $0x14D0;
	[sflag:s8] =	ssyncadd.s32 $0xFFFFE800  }
0xed: {  	[spmem:s2] =	stream.indirect.scatter.add.f32 [tilespmem:s30], [sflag:$0xA], $0x80, s14, s13, $0xb8;
	[tilespmem:$0x1FF00] =	vst v63  }
0xee: {  	_ =	swait.ge [sflag:s9], $0x1800  }
0xef: {  	[sflag:s9] =	ssyncset.done $0x0  }
0xf0: {  	s25 =	simm.s32 $0x1500;
	[sflag:s9] =	ssyncadd.s32 $0xFFFFE800  }
0xf1: {  	[spmem:s2] =	stream.indirect.scatter.add.f32 [tilespmem:s31], [sflag:$0xB], $0x80, s25, s13, $0xb8;
	[tilespmem:$0x1FF00] =	vst v63  }
0xf2: {  	_ =	swait.ge [sflag:s10], $0x1800  }
0xf3: {  	[sflag:s10] =	ssyncset.done $0x0  }
0xf4: {  	s14 =	simm.s32 $0x1530;
	[sflag:s10] =	ssyncadd.s32 $0xFFFFE800  }
0xf5: {  	[spmem:s2] =	stream.indirect.scatter.add.f32 [tilespmem:s0], [sflag:$0xC], $0x80, s14, s13, $0xb8;
	[tilespmem:$0x1FF00] =	vst v63  }
0xf6: {  	_ =	swait.ge [sflag:s18], $0x1800  }
0xf7: {  	[sflag:s18] =	ssyncset.done $0x0  }
0xf8: {  	s25 =	simm.s32 $0x120;
	[sflag:s18] =	ssyncadd.s32 $0xFFFFE800  }
0xf9: {  	[tilespmem:s26], [sflag:$0x1] =	stream.indirect.gather [hbm4b:s1+s13], $0x80, s25, s13, $0xb8;
	[tilespmem:$0x1FF00] =	vst v63  }
0xfa: {  	_ =	swait.ge [sflag:s19], $0x1800  }
0xfb: {  	[sflag:s19] =	ssyncset.done $0x0  }
0xfc: {  	s14 =	simm.s32 $0x150;
	[sflag:s19] =	ssyncadd.s32 $0xFFFFE800  }
0xfd: {  	[tilespmem:s28], [sflag:$0x2] =	stream.indirect.gather [hbm4b:s1+s13], $0x80, s14, s13, $0xb8;
	[tilespmem:$0x1FF00] =	vst v63  }
0xfe: {  	_ =	swait.ge [sflag:s20], $0x1800  }
0xff: {  	[sflag:s20] =	ssyncset.done $0x0  }
0x100: {  	s25 =	simm.s32 $0x180;
	[sflag:s20] =	ssyncadd.s32 $0xFFFFE800  }
0x101: {  	[tilespmem:s29], [sflag:$0x3] =	stream.indirect.gather [hbm4b:s1+s13], $0x80, s25, s13, $0xb8;
	[tilespmem:$0x1FF00] =	vst v63  }
0x102: {  	_ =	swait.ge [sflag:s21], $0x1800  }
0x103: {  	[sflag:s21] =	ssyncset.done $0x0  }
0x104: {  	s14 =	simm.s32 $0x1B0;
	[sflag:s21] =	ssyncadd.s32 $0xFFFFE800  }
0x105: {  	[tilespmem:s30], [sflag:$0x4] =	stream.indirect.gather [hbm4b:s1+s13], $0x80, s14, s13, $0xb8;
	[tilespmem:$0x1FF00] =	vst v63  }
0x106: {  	_ =	swait.ge [sflag:s22], $0x1800  }
0x107: {  	[sflag:s22] =	ssyncset.done $0x0  }
0x108: {  	s25 =	simm.s32 $0x1E0;
	[sflag:s22] =	ssyncadd.s32 $0xFFFFE800  }
0x109: {  	[tilespmem:s31], [sflag:$0x5] =	stream.indirect.gather [hbm4b:s1+s13], $0x80, s25, s13, $0xb8;
	[tilespmem:$0x1FF00] =	vst v63  }
0x10a: {  	_ =	swait.ge [sflag:s24], $0x1800  }
0x10b: {  	[sflag:s24] =	ssyncset.done $0x0  }
0x10c: {  	s12 =	simm.s32 $0x210;
	s25 =	simm.s32 $0x480;
	[sflag:s24] =	ssyncadd.s32 $0xFFFFE800  }
.LBB2_14:
0x10d: {  	[tilespmem:s0], [sflag:$0x6] =	stream.indirect.gather [hbm4b:s1+s13], $0x80, s12, s13, $0xb8;
	[tilespmem:$0x1FF00] =	vst v63  }
0x10e: {  	s12 =	smov.u32 s25  }
0x10f: {  	p1 =	sne.s32 s25, $0x4800;
	s25 =	sadd.s32 $0x480, s25;
	_ =	swait.ge [sflag:s3], $0x1800  }
0x110: {  	s12 =	sshra.s32 s12, $0x2;
	[sflag:s3] =	ssyncset.done $0x0  }
0x111: {  	s14 =	sadd.s32 $0x1440, s12;
	[sflag:s3] =	ssyncadd.s32 $0xFFFFE800  }
0x112: {  	[spmem:s2] =	stream.indirect.scatter.add.f32 [tilespmem:s26], [sflag:$0x7], $0x80, s14, s13, $0xb8;
	[tilespmem:$0x1FF00] =	vst v63  }
0x113: {  	_ =	swait.ge [sflag:s6], $0x1800  }
0x114: {  	[sflag:s6] =	ssyncset.done $0x0  }
0x115: {  	s14 =	sadd.s32 $0x1470, s12;
	[sflag:s6] =	ssyncadd.s32 $0xFFFFE800  }
0x116: {  	[spmem:s2] =	stream.indirect.scatter.add.f32 [tilespmem:s28], [sflag:$0x8], $0x80, s14, s13, $0xb8;
	[tilespmem:$0x1FF00] =	vst v63  }
0x117: {  	_ =	swait.ge [sflag:s7], $0x1800  }
0x118: {  	[sflag:s7] =	ssyncset.done $0x0  }
0x119: {  	s14 =	sadd.s32 $0x14A0, s12;
	[sflag:s7] =	ssyncadd.s32 $0xFFFFE800  }
0x11a: {  	[spmem:s2] =	stream.indirect.scatter.add.f32 [tilespmem:s29], [sflag:$0x9], $0x80, s14, s13, $0xb8;
	[tilespmem:$0x1FF00] =	vst v63  }
0x11b: {  	_ =	swait.ge [sflag:s8], $0x1800  }
0x11c: {  	[sflag:s8] =	ssyncset.done $0x0  }
0x11d: {  	s14 =	sadd.s32 $0x14D0, s12;
	[sflag:s8] =	ssyncadd.s32 $0xFFFFE800  }
0x11e: {  	[spmem:s2] =	stream.indirect.scatter.add.f32 [tilespmem:s30], [sflag:$0xA], $0x80, s14, s13, $0xb8;
	[tilespmem:$0x1FF00] =	vst v63  }
0x11f: {  	_ =	swait.ge [sflag:s9], $0x1800  }
0x120: {  	[sflag:s9] =	ssyncset.done $0x0  }
0x121: {  	s14 =	sadd.s32 $0x1500, s12;
	[sflag:s9] =	ssyncadd.s32 $0xFFFFE800  }
0x122: {  	[spmem:s2] =	stream.indirect.scatter.add.f32 [tilespmem:s31], [sflag:$0xB], $0x80, s14, s13, $0xb8;
	[tilespmem:$0x1FF00] =	vst v63  }
0x123: {  	_ =	swait.ge [sflag:s10], $0x1800  }
0x124: {  	[sflag:s10] =	ssyncset.done $0x0  }
0x125: {  	s14 =	sadd.s32 $0x1530, s12;
	[sflag:s10] =	ssyncadd.s32 $0xFFFFE800  }
0x126: {  	[spmem:s2] =	stream.indirect.scatter.add.f32 [tilespmem:s0], [sflag:$0xC], $0x80, s14, s13, $0xb8;
	[tilespmem:$0x1FF00] =	vst v63  }
0x127: {  	_ =	swait.ge [sflag:s18], $0x1800  }
0x128: {  	[sflag:s18] =	ssyncset.done $0x0  }
0x129: {  	s14 =	sadd.s32 $0x120, s12;
	[sflag:s18] =	ssyncadd.s32 $0xFFFFE800  }
0x12a: {  	[tilespmem:s26], [sflag:$0x1] =	stream.indirect.gather [hbm4b:s1+s13], $0x80, s14, s13, $0xb8;
	[tilespmem:$0x1FF00] =	vst v63  }
0x12b: {  	_ =	swait.ge [sflag:s19], $0x1800  }
0x12c: {  	[sflag:s19] =	ssyncset.done $0x0  }
0x12d: {  	s14 =	sadd.s32 $0x150, s12;
	[sflag:s19] =	ssyncadd.s32 $0xFFFFE800  }
0x12e: {  	[tilespmem:s28], [sflag:$0x2] =	stream.indirect.gather [hbm4b:s1+s13], $0x80, s14, s13, $0xb8;
	[tilespmem:$0x1FF00] =	vst v63  }
0x12f: {  	_ =	swait.ge [sflag:s20], $0x1800  }
0x130: {  	[sflag:s20] =	ssyncset.done $0x0  }
0x131: {  	s14 =	sadd.s32 $0x180, s12;
	[sflag:s20] =	ssyncadd.s32 $0xFFFFE800  }
0x132: {  	[tilespmem:s29], [sflag:$0x3] =	stream.indirect.gather [hbm4b:s1+s13], $0x80, s14, s13, $0xb8;
	[tilespmem:$0x1FF00] =	vst v63  }
0x133: {  	_ =	swait.ge [sflag:s21], $0x1800  }
0x134: {  	[sflag:s21] =	ssyncset.done $0x0  }
0x135: {  	s14 =	sadd.s32 $0x1B0, s12;
	[sflag:s21] =	ssyncadd.s32 $0xFFFFE800  }
0x136: {  	[tilespmem:s30], [sflag:$0x4] =	stream.indirect.gather [hbm4b:s1+s13], $0x80, s14, s13, $0xb8;
	[tilespmem:$0x1FF00] =	vst v63  }
0x137: {  	_ =	swait.ge [sflag:s22], $0x1800  }
0x138: {  	[sflag:s22] =	ssyncset.done $0x0  }
.Ltmp6:
0x139: {  	s14 =	sadd.s32 $0x1E0, s12;
	[sflag:s22] =	ssyncadd.s32 $0xFFFFE800;
	(pc) =	sbr.rel @p1 .LBB2_14-.Ltmp6, $4  }
0x13a: {  	[tilespmem:s31], [sflag:$0x5] =	stream.indirect.gather [hbm4b:s1+s13], $0x80, s14, s13, $0xb8;
	[tilespmem:$0x1FF00] =	vst v63  }
0x13b: {  	_ =	swait.ge [sflag:s24], $0x1800  }
0x13c: {  	[sflag:s24] =	ssyncset.done $0x0  }
0x13d: {  	s12 =	sadd.s32 $0x210, s12;
	[sflag:s24] =	ssyncadd.s32 $0xFFFFE800  }
0x13e: {  	[tilespmem:s0], [sflag:$0x6] =	stream.indirect.gather [hbm4b:s1+s13], $0x80, s12, s13, $0xb8;
	[tilespmem:$0x1FF00] =	vst v63  }
0x13f: {  	_ =	swait.ge [sflag:s3], $0x1800  }
0x140: {  	[sflag:s3] =	ssyncset.done $0x0  }
0x141: {  	s14 =	simm.s32 $0x2760;
	[sflag:s3] =	ssyncadd.s32 $0xFFFFE800  }
0x142: {  	[spmem:s2] =	stream.indirect.scatter.add.f32 [tilespmem:s26], [sflag:$0x7], $0x80, s14, s13, $0xb8;
	[tilespmem:$0x1FF00] =	vst v63  }
0x143: {  	_ =	swait.ge [sflag:s6], $0x1800  }
0x144: {  	[sflag:s6] =	ssyncset.done $0x0  }
0x145: {  	s25 =	simm.s32 $0x2790;
	[sflag:s6] =	ssyncadd.s32 $0xFFFFE800  }
0x146: {  	[spmem:s2] =	stream.indirect.scatter.add.f32 [tilespmem:s28], [sflag:$0x8], $0x80, s25, s13, $0xb8;
	[tilespmem:$0x1FF00] =	vst v63  }
0x147: {  	_ =	swait.ge [sflag:s7], $0x1800  }
0x148: {  	[sflag:s7] =	ssyncset.done $0x0  }
0x149: {  	s14 =	simm.s32 $0x27C0;
	[sflag:s7] =	ssyncadd.s32 $0xFFFFE800  }
0x14a: {  	[spmem:s2] =	stream.indirect.scatter.add.f32 [tilespmem:s29], [sflag:$0x9], $0x80, s14, s13, $0xb8;
	[tilespmem:$0x1FF00] =	vst v63  }
0x14b: {  	_ =	swait.ge [sflag:s8], $0x1800  }
0x14c: {  	[sflag:s8] =	ssyncset.done $0x0  }
0x14d: {  	s25 =	simm.s32 $0x27F0;
	[sflag:s8] =	ssyncadd.s32 $0xFFFFE800  }
0x14e: {  	[spmem:s2] =	stream.indirect.scatter.add.f32 [tilespmem:s30], [sflag:$0xA], $0x80, s25, s13, $0xb8;
	[tilespmem:$0x1FF00] =	vst v63  }
0x14f: {  	_ =	swait.ge [sflag:s9], $0x1800  }
0x150: {  	[sflag:s9] =	ssyncset.done $0x0  }
0x151: {  	s14 =	simm.s32 $0x2820;
	[sflag:s9] =	ssyncadd.s32 $0xFFFFE800  }
0x152: {  	[spmem:s2] =	stream.indirect.scatter.add.f32 [tilespmem:s31], [sflag:$0xB], $0x80, s14, s13, $0xb8;
	[tilespmem:$0x1FF00] =	vst v63  }
0x153: {  	_ =	swait.ge [sflag:s10], $0x1800  }
0x154: {  	[sflag:s10] =	ssyncset.done $0x0  }
0x155: {  	s25 =	simm.s32 $0x2850;
	[sflag:s10] =	ssyncadd.s32 $0xFFFFE800  }
0x156: {  	[spmem:s2] =	stream.indirect.scatter.add.f32 [tilespmem:s0], [sflag:$0xC], $0x80, s25, s13, $0xb8;
	[tilespmem:$0x1FF00] =	vst v63  }
0x157: {  	_ =	swait.ge [sflag:s18], $0x1800  }
0x158: {  	[sflag:s18] =	ssyncset.done $0x0  }
0x159: {  	[sflag:s18] =	ssyncadd.s32 $0xFFFFE800  }
0x15a: {  	_ =	swait.ge [sflag:s19], $0x1800  }
0x15b: {  	[sflag:s19] =	ssyncset.done $0x0  }
0x15c: {  	[sflag:s19] =	ssyncadd.s32 $0xFFFFE800  }
0x15d: {  	_ =	swait.ge [sflag:s20], $0x1800  }
0x15e: {  	[sflag:s20] =	ssyncset.done $0x0  }
0x15f: {  	[sflag:s20] =	ssyncadd.s32 $0xFFFFE800  }
0x160: {  	_ =	swait.ge [sflag:s21], $0x1800  }
0x161: {  	[sflag:s21] =	ssyncset.done $0x0  }
0x162: {  	[sflag:s21] =	ssyncadd.s32 $0xFFFFE800  }
0x163: {  	_ =	swait.ge [sflag:s22], $0x1800  }
0x164: {  	[sflag:s22] =	ssyncset.done $0x0  }
0x165: {  	[sflag:s22] =	ssyncadd.s32 $0xFFFFE800  }
0x166: {  	_ =	swait.ge [sflag:s24], $0x1800  }
0x167: {  	[sflag:s24] =	ssyncset.done $0x0  }
0x168: {  	s12 =	simm.s32 $0x0;
	s14 =	rddreg [dreg:$0x11];
	[sflag:s24] =	ssyncadd.s32 $0xFFFFE800  }
0x169: {  	[tilespmem:s12], [sflag:$0xD] =	stream.linear.gather [hbm4b:s14+s12], $0x1320, $0x38;
	[tilespmem:$0x1FF00] =	vst v63  }
0x16a: {  	_ =	swait.ge [sflag:s11], $0x1320  }
0x16b: {  	[sflag:s11] =	ssyncset.done $0x0  }
0x16c: {  	s25 =	simm.s32 $0x1440;
	s14 =	rddreg [dreg:$0x12];
	[sflag:s11] =	ssyncadd.s32 $0xFFFFECE0  }
0x16d: {  	[tilespmem:s25], [sflag:$0xD] =	stream.linear.gather [hbm4b:s14+s12], $0x1320, $0x38;
	[tilespmem:$0x1FF00] =	vst v63  }
0x16e: {  	_ =	swait.ge [sflag:s11], $0x1320  }
0x16f: {  	[sflag:s11] =	ssyncset.done $0x0  }
0x170: {  	[sflag:s11] =	ssyncadd.s32 $0xFFFFECE0  }
0x171: {  	[tilespmem:s26], [sflag:$0x1] =	stream.indirect.gather [hbm4b:s1+s13], $0x80, s12, s13, $0xb8;
	[tilespmem:$0x1FF00] =	vst v63  }
0x172: {  	_ = 	snop  }
0x173: {  	[tilespmem:s28], [sflag:$0x2] =	stream.indirect.gather [hbm4b:s1+s13], $0x80, s13, s13, $0xb8;
	[tilespmem:$0x1FF00] =	vst v63  }
0x174: {  	s14 =	simm.s32 $0x60  }
0x175: {  	[tilespmem:s29], [sflag:$0x3] =	stream.indirect.gather [hbm4b:s1+s13], $0x80, s14, s13, $0xb8;
	[tilespmem:$0x1FF00] =	vst v63  }
0x176: {  	_ = 	snop  }
0x177: {  	[tilespmem:s30], [sflag:$0x4] =	stream.indirect.gather [hbm4b:s1+s13], $0x80, s15, s13, $0xb8;
	[tilespmem:$0x1FF00] =	vst v63  }
0x178: {  	_ = 	snop  }
0x179: {  	[tilespmem:s31], [sflag:$0x5] =	stream.indirect.gather [hbm4b:s1+s13], $0x80, s16, s13, $0xb8;
	[tilespmem:$0x1FF00] =	vst v63  }
0x17a: {  	_ = 	snop  }
0x17b: {  	[tilespmem:s0], [sflag:$0x6] =	stream.indirect.gather [hbm4b:s1+s13], $0x80, s17, s13, $0xb8;
	[tilespmem:$0x1FF00] =	vst v63  }
0x17c: {  	_ =	swait.ge [sflag:s3], $0x1800  }
0x17d: {  	[sflag:s3] =	ssyncset.done $0x0  }
0x17e: {  	s25 =	simm.s32 $0x1440;
	[sflag:s3] =	ssyncadd.s32 $0xFFFFE800  }
0x17f: {  	[spmem:s2] =	stream.indirect.scatter.add.f32 [tilespmem:s26], [sflag:$0x7], $0x80, s25, s13, $0xb8;
	[tilespmem:$0x1FF00] =	vst v63  }
0x180: {  	_ =	swait.ge [sflag:s6], $0x1800  }
0x181: {  	[sflag:s6] =	ssyncset.done $0x0  }
0x182: {  	s14 =	simm.s32 $0x1470;
	[sflag:s6] =	ssyncadd.s32 $0xFFFFE800  }
0x183: {  	[spmem:s2] =	stream.indirect.scatter.add.f32 [tilespmem:s28], [sflag:$0x8], $0x80, s14, s13, $0xb8;
	[tilespmem:$0x1FF00] =	vst v63  }
0x184: {  	_ =	swait.ge [sflag:s7], $0x1800  }
0x185: {  	[sflag:s7] =	ssyncset.done $0x0  }
0x186: {  	s25 =	simm.s32 $0x14A0;
	[sflag:s7] =	ssyncadd.s32 $0xFFFFE800  }
0x187: {  	[spmem:s2] =	stream.indirect.scatter.add.f32 [tilespmem:s29], [sflag:$0x9], $0x80, s25, s13, $0xb8;
	[tilespmem:$0x1FF00] =	vst v63  }
0x188: {  	_ =	swait.ge [sflag:s8], $0x1800  }
0x189: {  	[sflag:s8] =	ssyncset.done $0x0  }
0x18a: {  	s14 =	simm.s32 $0x14D0;
	[sflag:s8] =	ssyncadd.s32 $0xFFFFE800  }
0x18b: {  	[spmem:s2] =	stream.indirect.scatter.add.f32 [tilespmem:s30], [sflag:$0xA], $0x80, s14, s13, $0xb8;
	[tilespmem:$0x1FF00] =	vst v63  }
0x18c: {  	_ =	swait.ge [sflag:s9], $0x1800  }
0x18d: {  	[sflag:s9] =	ssyncset.done $0x0  }
0x18e: {  	s25 =	simm.s32 $0x1500;
	[sflag:s9] =	ssyncadd.s32 $0xFFFFE800  }
0x18f: {  	[spmem:s2] =	stream.indirect.scatter.add.f32 [tilespmem:s31], [sflag:$0xB], $0x80, s25, s13, $0xb8;
	[tilespmem:$0x1FF00] =	vst v63  }
0x190: {  	_ =	swait.ge [sflag:s10], $0x1800  }
0x191: {  	[sflag:s10] =	ssyncset.done $0x0  }
0x192: {  	s14 =	simm.s32 $0x1530;
	[sflag:s10] =	ssyncadd.s32 $0xFFFFE800  }
0x193: {  	[spmem:s2] =	stream.indirect.scatter.add.f32 [tilespmem:s0], [sflag:$0xC], $0x80, s14, s13, $0xb8;
	[tilespmem:$0x1FF00] =	vst v63  }
0x194: {  	_ =	swait.ge [sflag:s18], $0x1800  }
0x195: {  	[sflag:s18] =	ssyncset.done $0x0  }
0x196: {  	s25 =	simm.s32 $0x120;
	[sflag:s18] =	ssyncadd.s32 $0xFFFFE800  }
0x197: {  	[tilespmem:s26], [sflag:$0x1] =	stream.indirect.gather [hbm4b:s1+s13], $0x80, s25, s13, $0xb8;
	[tilespmem:$0x1FF00] =	vst v63  }
0x198: {  	_ =	swait.ge [sflag:s19], $0x1800  }
0x199: {  	[sflag:s19] =	ssyncset.done $0x0  }
0x19a: {  	s14 =	simm.s32 $0x150;
	[sflag:s19] =	ssyncadd.s32 $0xFFFFE800  }
0x19b: {  	[tilespmem:s28], [sflag:$0x2] =	stream.indirect.gather [hbm4b:s1+s13], $0x80, s14, s13, $0xb8;
	[tilespmem:$0x1FF00] =	vst v63  }
0x19c: {  	_ =	swait.ge [sflag:s20], $0x1800  }
0x19d: {  	[sflag:s20] =	ssyncset.done $0x0  }
0x19e: {  	s25 =	simm.s32 $0x180;
	[sflag:s20] =	ssyncadd.s32 $0xFFFFE800  }
0x19f: {  	[tilespmem:s29], [sflag:$0x3] =	stream.indirect.gather [hbm4b:s1+s13], $0x80, s25, s13, $0xb8;
	[tilespmem:$0x1FF00] =	vst v63  }
0x1a0: {  	_ =	swait.ge [sflag:s21], $0x1800  }
0x1a1: {  	[sflag:s21] =	ssyncset.done $0x0  }
0x1a2: {  	s14 =	simm.s32 $0x1B0;
	[sflag:s21] =	ssyncadd.s32 $0xFFFFE800  }
0x1a3: {  	[tilespmem:s30], [sflag:$0x4] =	stream.indirect.gather [hbm4b:s1+s13], $0x80, s14, s13, $0xb8;
	[tilespmem:$0x1FF00] =	vst v63  }
0x1a4: {  	_ =	swait.ge [sflag:s22], $0x1800  }
0x1a5: {  	[sflag:s22] =	ssyncset.done $0x0  }
0x1a6: {  	s25 =	simm.s32 $0x1E0;
	[sflag:s22] =	ssyncadd.s32 $0xFFFFE800  }
0x1a7: {  	[tilespmem:s31], [sflag:$0x5] =	stream.indirect.gather [hbm4b:s1+s13], $0x80, s25, s13, $0xb8;
	[tilespmem:$0x1FF00] =	vst v63  }
0x1a8: {  	_ =	swait.ge [sflag:s24], $0x1800  }
0x1a9: {  	[sflag:s24] =	ssyncset.done $0x0  }
0x1aa: {  	s12 =	simm.s32 $0x210;
	s25 =	simm.s32 $0x480;
	[sflag:s24] =	ssyncadd.s32 $0xFFFFE800  }
.LBB2_16:
0x1ab: {  	[tilespmem:s0], [sflag:$0x6] =	stream.indirect.gather [hbm4b:s1+s13], $0x80, s12, s13, $0xb8;
	[tilespmem:$0x1FF00] =	vst v63  }
0x1ac: {  	s12 =	smov.u32 s25  }
0x1ad: {  	p1 =	sne.s32 s25, $0x4380;
	s25 =	sadd.s32 $0x480, s25;
	_ =	swait.ge [sflag:s3], $0x1800  }
0x1ae: {  	s12 =	sshra.s32 s12, $0x2;
	[sflag:s3] =	ssyncset.done $0x0  }
0x1af: {  	s14 =	sadd.s32 $0x1440, s12;
	[sflag:s3] =	ssyncadd.s32 $0xFFFFE800  }
0x1b0: {  	[spmem:s2] =	stream.indirect.scatter.add.f32 [tilespmem:s26], [sflag:$0x7], $0x80, s14, s13, $0xb8;
	[tilespmem:$0x1FF00] =	vst v63  }
0x1b1: {  	_ =	swait.ge [sflag:s6], $0x1800  }
0x1b2: {  	[sflag:s6] =	ssyncset.done $0x0  }
0x1b3: {  	s14 =	sadd.s32 $0x1470, s12;
	[sflag:s6] =	ssyncadd.s32 $0xFFFFE800  }
0x1b4: {  	[spmem:s2] =	stream.indirect.scatter.add.f32 [tilespmem:s28], [sflag:$0x8], $0x80, s14, s13, $0xb8;
	[tilespmem:$0x1FF00] =	vst v63  }
0x1b5: {  	_ =	swait.ge [sflag:s7], $0x1800  }
0x1b6: {  	[sflag:s7] =	ssyncset.done $0x0  }
0x1b7: {  	s14 =	sadd.s32 $0x14A0, s12;
	[sflag:s7] =	ssyncadd.s32 $0xFFFFE800  }
0x1b8: {  	[spmem:s2] =	stream.indirect.scatter.add.f32 [tilespmem:s29], [sflag:$0x9], $0x80, s14, s13, $0xb8;
	[tilespmem:$0x1FF00] =	vst v63  }
0x1b9: {  	_ =	swait.ge [sflag:s8], $0x1800  }
0x1ba: {  	[sflag:s8] =	ssyncset.done $0x0  }
0x1bb: {  	s14 =	sadd.s32 $0x14D0, s12;
	[sflag:s8] =	ssyncadd.s32 $0xFFFFE800  }
0x1bc: {  	[spmem:s2] =	stream.indirect.scatter.add.f32 [tilespmem:s30], [sflag:$0xA], $0x80, s14, s13, $0xb8;
	[tilespmem:$0x1FF00] =	vst v63  }
0x1bd: {  	_ =	swait.ge [sflag:s9], $0x1800  }
0x1be: {  	[sflag:s9] =	ssyncset.done $0x0  }
0x1bf: {  	s14 =	sadd.s32 $0x1500, s12;
	[sflag:s9] =	ssyncadd.s32 $0xFFFFE800  }
0x1c0: {  	[spmem:s2] =	stream.indirect.scatter.add.f32 [tilespmem:s31], [sflag:$0xB], $0x80, s14, s13, $0xb8;
	[tilespmem:$0x1FF00] =	vst v63  }
0x1c1: {  	_ =	swait.ge [sflag:s10], $0x1800  }
0x1c2: {  	[sflag:s10] =	ssyncset.done $0x0  }
0x1c3: {  	s14 =	sadd.s32 $0x1530, s12;
	[sflag:s10] =	ssyncadd.s32 $0xFFFFE800  }
0x1c4: {  	[spmem:s2] =	stream.indirect.scatter.add.f32 [tilespmem:s0], [sflag:$0xC], $0x80, s14, s13, $0xb8;
	[tilespmem:$0x1FF00] =	vst v63  }
0x1c5: {  	_ =	swait.ge [sflag:s18], $0x1800  }
0x1c6: {  	[sflag:s18] =	ssyncset.done $0x0  }
0x1c7: {  	s14 =	sadd.s32 $0x120, s12;
	[sflag:s18] =	ssyncadd.s32 $0xFFFFE800  }
0x1c8: {  	[tilespmem:s26], [sflag:$0x1] =	stream.indirect.gather [hbm4b:s1+s13], $0x80, s14, s13, $0xb8;
	[tilespmem:$0x1FF00] =	vst v63  }
0x1c9: {  	_ =	swait.ge [sflag:s19], $0x1800  }
0x1ca: {  	[sflag:s19] =	ssyncset.done $0x0  }
0x1cb: {  	s14 =	sadd.s32 $0x150, s12;
	[sflag:s19] =	ssyncadd.s32 $0xFFFFE800  }
0x1cc: {  	[tilespmem:s28], [sflag:$0x2] =	stream.indirect.gather [hbm4b:s1+s13], $0x80, s14, s13, $0xb8;
	[tilespmem:$0x1FF00] =	vst v63  }
0x1cd: {  	_ =	swait.ge [sflag:s20], $0x1800  }
0x1ce: {  	[sflag:s20] =	ssyncset.done $0x0  }
0x1cf: {  	s14 =	sadd.s32 $0x180, s12;
	[sflag:s20] =	ssyncadd.s32 $0xFFFFE800  }
0x1d0: {  	[tilespmem:s29], [sflag:$0x3] =	stream.indirect.gather [hbm4b:s1+s13], $0x80, s14, s13, $0xb8;
	[tilespmem:$0x1FF00] =	vst v63  }
0x1d1: {  	_ =	swait.ge [sflag:s21], $0x1800  }
0x1d2: {  	[sflag:s21] =	ssyncset.done $0x0  }
0x1d3: {  	s14 =	sadd.s32 $0x1B0, s12;
	[sflag:s21] =	ssyncadd.s32 $0xFFFFE800  }
0x1d4: {  	[tilespmem:s30], [sflag:$0x4] =	stream.indirect.gather [hbm4b:s1+s13], $0x80, s14, s13, $0xb8;
	[tilespmem:$0x1FF00] =	vst v63  }
0x1d5: {  	_ =	swait.ge [sflag:s22], $0x1800  }
0x1d6: {  	[sflag:s22] =	ssyncset.done $0x0  }
.Ltmp7:
0x1d7: {  	s14 =	sadd.s32 $0x1E0, s12;
	[sflag:s22] =	ssyncadd.s32 $0xFFFFE800;
	(pc) =	sbr.rel @p1 .LBB2_16-.Ltmp7, $4  }
0x1d8: {  	[tilespmem:s31], [sflag:$0x5] =	stream.indirect.gather [hbm4b:s1+s13], $0x80, s14, s13, $0xb8;
	[tilespmem:$0x1FF00] =	vst v63  }
0x1d9: {  	_ =	swait.ge [sflag:s24], $0x1800  }
0x1da: {  	[sflag:s24] =	ssyncset.done $0x0  }
0x1db: {  	s12 =	sadd.s32 $0x210, s12;
	[sflag:s24] =	ssyncadd.s32 $0xFFFFE800  }
0x1dc: {  	[tilespmem:s0], [sflag:$0x6] =	stream.indirect.gather [hbm4b:s1+s13], $0x80, s12, s13, $0xb8;
	[tilespmem:$0x1FF00] =	vst v63  }
0x1dd: {  	_ =	swait.ge [sflag:s3], $0x1800  }
0x1de: {  	[sflag:s3] =	ssyncset.done $0x0  }
0x1df: {  	s14 =	simm.s32 $0x2640;
	[sflag:s3] =	ssyncadd.s32 $0xFFFFE800  }
0x1e0: {  	[spmem:s2] =	stream.indirect.scatter.add.f32 [tilespmem:s26], [sflag:$0x7], $0x80, s14, s13, $0xb8;
	[tilespmem:$0x1FF00] =	vst v63  }
0x1e1: {  	_ =	swait.ge [sflag:s6], $0x1800  }
0x1e2: {  	[sflag:s6] =	ssyncset.done $0x0  }
0x1e3: {  	s25 =	simm.s32 $0x2670;
	[sflag:s6] =	ssyncadd.s32 $0xFFFFE800  }
0x1e4: {  	[spmem:s2] =	stream.indirect.scatter.add.f32 [tilespmem:s28], [sflag:$0x8], $0x80, s25, s13, $0xb8;
	[tilespmem:$0x1FF00] =	vst v63  }
0x1e5: {  	_ =	swait.ge [sflag:s7], $0x1800  }
0x1e6: {  	[sflag:s7] =	ssyncset.done $0x0  }
0x1e7: {  	s14 =	simm.s32 $0x26A0;
	[sflag:s7] =	ssyncadd.s32 $0xFFFFE800  }
0x1e8: {  	[spmem:s2] =	stream.indirect.scatter.add.f32 [tilespmem:s29], [sflag:$0x9], $0x80, s14, s13, $0xb8;
	[tilespmem:$0x1FF00] =	vst v63  }
0x1e9: {  	_ =	swait.ge [sflag:s8], $0x1800  }
0x1ea: {  	[sflag:s8] =	ssyncset.done $0x0  }
0x1eb: {  	s25 =	simm.s32 $0x26D0;
	[sflag:s8] =	ssyncadd.s32 $0xFFFFE800  }
0x1ec: {  	[spmem:s2] =	stream.indirect.scatter.add.f32 [tilespmem:s30], [sflag:$0xA], $0x80, s25, s13, $0xb8;
	[tilespmem:$0x1FF00] =	vst v63  }
0x1ed: {  	_ =	swait.ge [sflag:s9], $0x1800  }
0x1ee: {  	[sflag:s9] =	ssyncset.done $0x0  }
0x1ef: {  	s14 =	simm.s32 $0x2700;
	[sflag:s9] =	ssyncadd.s32 $0xFFFFE800  }
0x1f0: {  	[spmem:s2] =	stream.indirect.scatter.add.f32 [tilespmem:s31], [sflag:$0xB], $0x80, s14, s13, $0xb8;
	[tilespmem:$0x1FF00] =	vst v63  }
0x1f1: {  	_ =	swait.ge [sflag:s10], $0x1800  }
0x1f2: {  	[sflag:s10] =	ssyncset.done $0x0  }
0x1f3: {  	s25 =	simm.s32 $0x2730;
	[sflag:s10] =	ssyncadd.s32 $0xFFFFE800  }
0x1f4: {  	[spmem:s2] =	stream.indirect.scatter.add.f32 [tilespmem:s0], [sflag:$0xC], $0x80, s25, s13, $0xb8;
	[tilespmem:$0x1FF00] =	vst v63  }
0x1f5: {  	_ =	swait.ge [sflag:s18], $0x1800  }
0x1f6: {  	[sflag:s18] =	ssyncset.done $0x0  }
0x1f7: {  	[sflag:s18] =	ssyncadd.s32 $0xFFFFE800  }
0x1f8: {  	_ =	swait.ge [sflag:s19], $0x1800  }
0x1f9: {  	[sflag:s19] =	ssyncset.done $0x0  }
0x1fa: {  	[sflag:s19] =	ssyncadd.s32 $0xFFFFE800  }
0x1fb: {  	_ =	swait.ge [sflag:s20], $0x1800  }
0x1fc: {  	[sflag:s20] =	ssyncset.done $0x0  }
0x1fd: {  	[sflag:s20] =	ssyncadd.s32 $0xFFFFE800  }
0x1fe: {  	_ =	swait.ge [sflag:s21], $0x1800  }
0x1ff: {  	[sflag:s21] =	ssyncset.done $0x0  }
0x200: {  	[sflag:s21] =	ssyncadd.s32 $0xFFFFE800  }
0x201: {  	_ =	swait.ge [sflag:s22], $0x1800  }
0x202: {  	[sflag:s22] =	ssyncset.done $0x0  }
0x203: {  	[sflag:s22] =	ssyncadd.s32 $0xFFFFE800  }
0x204: {  	_ =	swait.ge [sflag:s24], $0x1800  }
0x205: {  	[sflag:s24] =	ssyncset.done $0x0  }
0x206: {  	s14 =	stileid.u32;
	[sflag:s24] =	ssyncadd.s32 $0xFFFFE800  }
0x207: {  	s12 =	sshll.u32 s14, $0x6;
	[bflag:$0x0] =	sbarrier.arrive $0xFFFF  }
0x208: {  	s14 =	sshrl.u32 s5, $0x3;
	s12 =	sor.u32 $0x1C0D, s12;
	s25 =	rddreg [dreg:$0x15]  }
0x209: {  	[hbm:s25], [sflag:s12] =	dma.local [spmem:s14], $0x2700  }
0x20a: {  	_ =	swait.ge [sflag:s11], $0x2700  }
0x20b: {  	[sflag:s11] =	ssyncset.done $0x0  }
0x20c: {  	s14 =	sshrl.u32 @!p0 s23, $0x3;
	s25 =	rddreg [dreg:$0x16];
	[sflag:s11] =	ssyncadd.s32 $0xFFFFD900  }
0x20d: {  	[hbm:s25], [sflag:s12] =	dma.local @!p0 [spmem:s14], $0x100  }
0x20e: {  	s12 =	simm.s32 @!p0 $0xD  }
0x20f: {  	_ =	swait.ge @!p0 [sflag:s12], $0x100  }
0x210: {  	s4 =	sadd.s32 $0x1, s4;
	s25 =	rddreg [dreg:$0x17]  }
0x211: {  	p1 =	sne.s32 s4, s25  }
.Ltmp8:
0x212: {  	_ = 	snop;
	(pc) =	sbr.rel @p1 .LBB2_1-.Ltmp8, $3  }
0x213: {  	_ =	sdelay $0x1  }
0x214: {  	[sflag:s12] =	ssyncset.done @!p0 $0x0  }
0x215: {  	[sflag:s12] =	ssyncadd.s32 @!p0 $0xFFFFFF00  }
0x216: {  	_ =	sfence.sel $0x180000  }
0x217: {  	[bflag:$0x0] =	sbarrier.arrive $0xFFFF  }
0x218: {  	_ =	strace $0x9000004A  }
0x219: {  	s0 =	stileid.u32;
	[bflag:$0x2] =	sbarrier.arrive $0xFFFF  }
0x21a: {  	p0 =	sne.s32 s0, $0x0;
	s0 =	rddreg [dreg:$0x4]  }
0x21b: {  	s0 =	sadd.s32 @!p0 $0x100000, s0  }
0x21c: {  	[sflag:s0] =	ssyncadd.tile.s32 @!p0 $0x1;
	_ =	shalt  }
.Lfunc_end2:
_tile_overlayer_lowered:
.L_overlay_start_2:
0x21d: {  	(tag) =	ssettag $0x2  }
0x21e: {  	s0 =	rddreg [dreg:$0x0];
	s2 =	stileid.u32  }
0x21f: {  	s1 =	rddreg [dreg:$0x1];
	p0 =	sne.s32 s2, $0x0  }
0x220: {  	s3 =	rddreg [dreg:$0x2];
	[bflag:$0x3] =	sbarrier.arrive $0xFFFF;
	s2 =	simm.s32 @!p0 $0x1C0D  }
0x221: {  	[timem:s3], [sflag:s2] =	dma.local @!p0 [hbm:s0], s1  }
0x222: {  	s0 =	simm.s32 @!p0 $0xD  }
0x223: {  	_ =	swait.ge @!p0 [sflag:s0], s1  }
0x224: {  	s1 =	ssub.s32 @!p0 $0x0, s1;
	[sflag:s0] =	ssyncset.done @!p0 $0x0  }
0x225: {  	[sflag:s0] =	ssyncadd.s32 @!p0 s1  }
0x226: {  	[bflag:$0x3] =	sbarrier.arrive $0xFFFF  }
0x227: {  	_ =	shalt  }

// kernel: kernel.14.cloned.1.call-start
scs
__scs_entry_jumppad:
0x0: {  	(pc) =	sbr.rel $0x88, $3  }
0x1: {  	(tag) =	ssettag $0x0;
	lr =	simm.s32 $0x1  }
0x2: {  	[smem:$0x3F99] =	sst lr;
	_ =	strace $0xD0000000  }
0x3: {  	_ = 	snop  }
0x4: {  	_ = 	snop  }
0x5: {  	_ = 	snop  }
0x6: {  	_ = 	snop  }
0x7: {  	_ = 	snop  }
__scs_overlays_trampoline_lowered:
0x8: {  	[smem:$0x3FA8] =	sst s0  }
0x9: {  	[smem:$0x3FA9] =	sst s1  }
0xa: {  	[smem:$0x3FAA] =	sst s2  }
0xb: {  	[smem:$0x3FAB] =	sst s3  }
0xc: {  	[smem:$0x3FAC] =	sst s4  }
0xd: {  	[smem:$0x3FAD] =	sst s5  }
0xe: {  	[smem:$0x3FAE] =	sst s6  }
0xf: {  	[smem:$0x3FAF] =	sst s7  }
0x10: {  	[smem:$0x3FB0] =	sst s8  }
0x11: {  	[smem:$0x3FB1] =	sst s9;
	s0 =	simm.s32 @!p0 $0x0  }
0x12: {  	s1 =	sld [smem:$0x3F97];
	s0 =	simm.s32 @p0 $0x1  }
0x13: {  	[smem:$0x3FB2] =	sst s0;
	s0 =	simm.s32 @!p1 $0x0  }
0x14: {  	s2 =	sld [smem:$0x3F96];
	s0 =	simm.s32 @p1 $0x1  }
0x15: {  	[smem:$0x3FB3] =	sst s0;
	s0 =	simm.s32 @!p2 $0x0  }
0x16: {  	s3 =	sld [smem:$0x3FDB];
	s0 =	simm.s32 @p2 $0x1  }
0x17: {  	s4 =	simm.s32 $0x1BF5;
	[smem:$0x3FB5] =	sst s0  }
0x18: {  	s0 =	sld [smem:$0x3F98];
	_ =	swait.ge [sflag:s4], $0x0  }
0x19: {  	s7 =	sld [smem:$0x3F99]  }
0x1a: {  	s8 =	sadd.s32 $0xFFFFE003, lr  }
0x1b: {  	s9 =	sadd.s32 $0xFFFFFEF7, lr;
	s5 =	simm.s32 $0xFFFFFFFF;
	p2 =	slt.u32 s8, $0xFFFFF086  }
0x1c: {  	p1 =	slt.u32 s9, $0xF7A;
	s5 =	simm.s32 @!p2 $0x0  }
0x1d: {  	s5 =	simm.s32 @p1 $0x1;
	p0 =	seq.s32 s7, s2  }
0x1e: {  	s7 =	smul.u32 @!p0 $0xF7A, s2;
	p2 =	seq.s32 @!p0 s5, $0x0  }
0x1f: {  	s9 =	smul.u32 $0xF7A, s1;
	s8 =	simm.s32 @!p0 $0x1BF5;
	p2 =	por !p2, p0  }
0x20: {  	[sflag:s8] =	ssyncset.s32 @!p0 $0xFFFFF086;
	s6 =	sadd.s32 @!p0 s3, s7;
	s7 =	simm.s32 @!p0 $0x108  }
0x21: {  	s3 =	sadd.s32 s3, s9;
	s6 =	sadd.s32 @!p0 $0x88, s6;
	s7 =	simm.s32 @p2 $0x1082  }
0x22: {  	[simem:s7], [sflag:s8] =	dma.local @!p0 [hbm:s6], $0xF7A  }
0x23: {  	s9 =	sor.u32 $0xD0000000, s2;
	s6 =	simm.s32 $0x108;
	_ =	swait.ge @!p0 [sflag:s8], $0x0  }
0x24: {  	s3 =	sadd.s32 $0x88, s3;
	s6 =	simm.s32 @!p1 $0x1082;
	[sflag:s4] =	ssyncset.s32 $0xFFFFF086  }
0x25: {  	[simem:s6], [sflag:s4] =	dma.local [hbm:s3], $0xF7A  }
0x26: {  	[smem:$0x3F99] =	sst s1;
	(tag) =	ssettag s2;
	_ =	strace s9  }
0x27: {  	s1 =	sld [smem:$0x3FA9]  }
0x28: {  	s2 =	sld [smem:$0x3FAA]  }
0x29: {  	s4 =	sld [smem:$0x3FAC]  }
0x2a: {  	p0 =	seq.s32 s5, $0x0;
	s5 =	sld [smem:$0x3FAD]  }
0x2b: {  	s6 =	sld [smem:$0x3FAE]  }
0x2c: {  	s7 =	sld [smem:$0x3FAF]  }
0x2d: {  	s3 =	simm.s32 $0x108;
	s8 =	sld [smem:$0x3FB0]  }
0x2e: {  	s3 =	simm.s32 @!p0 $0x1082;
	s9 =	sld [smem:$0x3FB1]  }
0x2f: {  	lr =	sadd.s32 s0, s3;
	s0 =	sld [smem:$0x3FA8]  }
0x30: {  	s3 =	sld [smem:$0x3FAB]  }
0x31: {  	[smem:$0x3FB4] =	sst s10  }
0x32: {  	s10 =	sld [smem:$0x3FB2];
	_ =	sdelay $0x3  }
0x33: {  	p0 =	seq.s32 s10, $0x1;
	s10 =	sld [smem:$0x3FB4];
	_ =	sdelay $0x3  }
0x34: {  	[smem:$0x3FB4] =	sst s10  }
0x35: {  	s10 =	sld [smem:$0x3FB3];
	_ =	sdelay $0x3  }
0x36: {  	p1 =	seq.s32 s10, $0x1;
	s10 =	sld [smem:$0x3FB4];
	_ =	sdelay $0x3  }
0x37: {  	[smem:$0x3FB4] =	sst s10  }
0x38: {  	s10 =	sld [smem:$0x3FB5]  }
0x39: {  	_ = 	snop;
	(pc) =	sbr.ind lr, $3  }
0x3a: {  	_ = 	snop  }
0x3b: {  	_ = 	snop  }
0x3c: {  	p2 =	seq.s32 s10, $0x1;
	s10 =	sld [smem:$0x3FB4]  }
0x3d: {  	_ =	shalt  }
0x3e: {  	_ =	shalt  }
0x3f: {  	_ =	shalt  }
0x40: {  	_ =	shalt  }
0x41: {  	_ =	shalt  }
0x42: {  	_ =	shalt  }
0x43: {  	_ =	shalt  }
0x44: {  	_ =	shalt  }
0x45: {  	_ =	shalt  }
0x46: {  	_ =	shalt  }
0x47: {  	_ =	shalt  }
0x48: {  	_ =	shalt  }
0x49: {  	_ =	shalt  }
0x4a: {  	_ =	shalt  }
0x4b: {  	_ =	shalt  }
0x4c: {  	_ =	shalt  }
0x4d: {  	_ =	shalt  }
0x4e: {  	_ =	shalt  }
0x4f: {  	_ =	shalt  }
0x50: {  	_ =	shalt  }
0x51: {  	_ =	shalt  }
0x52: {  	_ =	shalt  }
0x53: {  	_ =	shalt  }
0x54: {  	_ =	shalt  }
0x55: {  	_ =	shalt  }
0x56: {  	_ =	shalt  }
0x57: {  	_ =	shalt  }
0x58: {  	_ =	shalt  }
0x59: {  	_ =	shalt  }
0x5a: {  	_ =	shalt  }
0x5b: {  	_ =	shalt  }
0x5c: {  	_ =	shalt  }
0x5d: {  	_ =	shalt  }
0x5e: {  	_ =	shalt  }
0x5f: {  	_ =	shalt  }
0x60: {  	_ =	shalt  }
0x61: {  	_ =	shalt  }
0x62: {  	_ =	shalt  }
0x63: {  	_ =	shalt  }
0x64: {  	_ =	shalt  }
0x65: {  	_ =	shalt  }
0x66: {  	_ =	shalt  }
0x67: {  	_ =	shalt  }
0x68: {  	_ =	shalt  }
0x69: {  	_ =	shalt  }
0x6a: {  	_ =	shalt  }
0x6b: {  	_ =	shalt  }
0x6c: {  	_ =	shalt  }
0x6d: {  	_ =	shalt  }
0x6e: {  	_ =	shalt  }
0x6f: {  	_ =	shalt  }
0x70: {  	_ =	shalt  }
0x71: {  	_ =	shalt  }
0x72: {  	_ =	shalt  }
0x73: {  	_ =	shalt  }
0x74: {  	_ =	shalt  }
0x75: {  	_ =	shalt  }
0x76: {  	_ =	shalt  }
0x77: {  	_ =	shalt  }
0x78: {  	_ =	shalt  }
0x79: {  	_ =	shalt  }
0x7a: {  	_ =	shalt  }
0x7b: {  	_ =	shalt  }
0x7c: {  	_ =	shalt  }
0x7d: {  	_ =	shalt  }
0x7e: {  	_ =	shalt  }
0x7f: {  	_ =	shalt  }
0x80: {  	_ =	shalt  }
0x81: {  	_ =	shalt  }
0x82: {  	_ =	shalt  }
0x83: {  	_ =	shalt  }
0x84: {  	_ =	shalt  }
0x85: {  	_ =	shalt  }
0x86: {  	_ =	shalt  }
0x87: {  	_ =	shalt  }
.Lfunc_end0:
.L_simem_size_0:
called_computation.2_lowered:
.L_overlay_start_0:
0x88: {  	s2 =	sld [smem:$0x3FD9]  }
0x89: {  	s3 =	sld [smem:$0x3FFE];
	_ =	sdelay $0x1  }
0x8a: {  	s1 =	srdreg.scid  }
0x8b: {  	s0 =	sand.u32 $0x1, s1  }
0x8c: {  	s14 =	sshll.u32 s0, $0xA;
	s2 =	sadd.s32 s3, s2  }
0x8d: {  	s2 =	sadd.s32 s2, s14  }
0x8e: {  	[smem:$0x3FC0] =	sst s2  }
0x8f: {  	_ = 	snop  }
0x90: {  	s2 =	sld [smem:$0x3FD0];
	_ =	sdelay $0x2  }
0x91: {  	s15 =	simm.s32 $0xA;
	s4 =	simm.s32 $0x10  }
0x92: {  	[smem:s4], [sflag:s15] =	dma.local [hbm:s2], $0x1  }
0x93: {  	_ =	swait.eq [sflag:s15], $0x1  }
0x94: {  	[sflag:s15] =	ssyncset.done $0x0  }
0x95: {  	s16 =	sld [smem:$0x10];
	[sflag:s15] =	ssyncadd.s32 $0xFFFFFFFF  }
0x96: {  	s17 =	sld [smem:$0x11];
	(tm) =	ssettm $0x1  }
0x97: {  	s18 =	sld [smem:$0x3FFB];
	_ =	sdelay $0x3  }
0x98: {  	_ =	strace s18  }
0x99: {  	s4 =	sld [smem:$0x3FFC];
	_ =	sdelay $0x3  }
0x9a: {  	_ =	strace s4  }
0x9b: {  	s4 =	sld [smem:$0x3FFD];
	_ =	sdelay $0x3  }
0x9c: {  	_ =	strace s4  }
0x9d: {  	_ =	strace $0x8FFFFFFF  }
0x9e: {  	s19 =	sld [smem:$0x3FDB];
	_ =	sdelay $0x1  }
0x9f: {  	s5 =	simm.s32 $_scs_section_size  }
0xa0: {  	s6 =	simm.s32 $_size__tile_overlayer_lowered;
	s7 =	simm.s32 $_tile_overlayer_lowered  }
0xa1: {  	s22 =	simm.s32 $0x1BFF;
	s21 =	sshll.u32 s7, $0x1;
	s4 =	sadd.s32 s5, s19  }
0xa2: {  	s8 =	simm.s32 $0x0;
	s20 =	sshll.u32 s6, $0x1;
	s6 =	sadd.s32 s21, s4  }
0xa3: {  	[timem:s8], [sflag:s22] =	dma.local [hbm:s6], s20  }
0xa4: {  	_ =	swait.ge [sflag:s22], s20  }
0xa5: {  	s5 =	ssub.s32 $0x0, s20;
	[sflag:s22] =	ssyncset.done $0x0  }
0xa6: {  	[sflag:s22] =	ssyncadd.s32 s5;
	_ =	sdelay $0x1  }
0xa7: {  	s23 =	simm.s32 $0x1B8B  }
0xa8: {  	_ =	swait.ge [sflag:s23], $0x1  }
0xa9: {  	[sflag:s23] =	ssyncset.done $0x0  }
0xaa: {  	s25 =	simm.s32 $0x1B8E;
	s24 =	sld [smem:$0x3FFE];
	[sflag:s23] =	ssyncadd.s32 $0xFFFFFFFF  }
0xab: {  	s26 =	simm.s32 $execute0_lowered;
	[smem:$0x3FD2] =	sst s25  }
0xac: {  	s6 =	sshll.u32 s26, $0x1;
	_ =	strace $0x8000004C;
	[dreg:$0x1] =	wrdreg $0xFFFFFFFF  }
0xad: {  	s28 =	simm.s32 $_size_execute0_lowered;
	s4 =	sadd.s32 s4, s6;
	[dreg:$0x0] =	wrdreg $0x0  }
0xae: {  	s6 =	sshll.u32 s28, $0x1;
	[dreg:$0x2] =	wrdreg s4  }
0xaf: {  	[dreg:$0x3] =	wrdreg s6  }
0xb0: {  	[dreg:$0x4] =	wrdreg $0xC0  }
0xb1: {  	_ =	task [dreg:s8], $0x5FFFF  }
0xb2: {  	[dreg:$0x1] =	wrdreg $0xFFFFFFFF  }
0xb3: {  	[dreg:$0x0] =	wrdreg $0x60  }
0xb4: {  	[dreg:$0x2] =	wrdreg s17  }
0xb5: {  	[dreg:$0x3] =	wrdreg s24  }
0xb6: {  	[dreg:$0x4] =	wrdreg s16  }
0xb7: {  	[dreg:$0x5] =	wrdreg $0xB8800  }
0xb8: {  	[dreg:$0x6] =	wrdreg $0x9  }
0xb9: {  	_ =	task.clear_ibuf [dreg:s8], $0x7FFFF;
	_ =	strace $0x9000004C  }
0xba: {  	s29 =	simm.s32 $0x9;
	_ =	strace $0x8000004E  }
0xbb: {  	_ =	swait.ge [sflag:s29], $0x1  }
0xbc: {  	[sflag:s29] =	ssyncadd.s32 $0xFFFFFFFF  }
0xbd: {  	_ =	strace $0x9000004E  }
0xbe: {  	_ =	sfence  }
0xbf: {  	s30 =	sld [smem:$0x0];
	_ =	sdelay $0x2  }
0xc0: {  	s31 =	sshll.u32 s1, $0xD;
	s1 =	sshrl.u32 s1, $0x2  }
0xc1: {  	s3 =	sand.u32 $0x4000, s31;
	s1 =	sadd.s32 s1, s30  }
0xc2: {  	s0 =	sor.u32 s3, s0;
	s1 =	sshll.u32 s1, $0x11  }
0xc3: {  	s0 =	sor.u32 s1, s0  }
0xc4: {  	s0 =	sadd.s32 $0x8F2B, s0  }
0xc5: {  	[sflag:s0] =	ssyncadd.remote.s32 $0x1  }
0xc6: {  	_ =	sfence.sel $0xFFFF  }
0xc7: {  	[dreg:$0x0] =	wrdreg $0xFFFFFFFF;
	(pc) =	sbr.abs _section_cstart, $3  }
0xc8: {  	[dreg:$0x1] =	wrdreg $0xFFFFFFFF  }
0xc9: {  	_ =	task.clear_ibuf [dreg:s8], $0x2FFFF;
	_ =	strace $0x9FFFFFFF  }
0xca: {  	(tm) =	ssettm $0x7FFFFFFF  }
0xcb: {  	_ =	shalt  }
tec
execute0_lowered:
.L_overlay_start_1:
0x0: {  	(tag) =	ssettag $0x1  }
0x1: {  	s1 =	rddreg [dreg:$0x0]  }
0x2: {  	s0 =	rddreg [dreg:$0x1]  }
0x3: {  	s3 =	rddreg [dreg:$0x2]  }
0x4: {  	s2 =	rddreg [dreg:$0x3];
	s4 =	simm.s32 $0x0  }
0x5: {  	s5 =	srdreg.scid;
	s13 =	stileid.u32;
	s28 =	simm.s32 $0x4080  }
0x6: {  	s29 =	simm.s32 $0x5880;
	s30 =	simm.s32 $0x7080;
	s7 =	smul.u32 $0x4E000, s13  }
0x7: {  	s31 =	simm.s32 $0x8880;
	[smem:$0x7FF] =	sst s4;
	s10 =	smul.u32 $0xD2, s13  }
0x8: {  	s6 =	sand.u32 $0x1, s5;
	s8 =	sadd.s32 $0x3200, s0;
	s12 =	smul.u32 $0x13800, s13  }
0x9: {  	s0 =	sadd.s32 $0xD000, s0;
	p0 =	sne.s32 s13, $0xF;
	s7 =	sshrl.u32 s7, $0x2  }
0xa: {  	s13 =	simm.s32 $0x30;
	s5 =	smul.u32 $0xD20, s6;
	s7 =	sadd.s32 s7, s2  }
0xb: {  	_ =	strace $0x8000004D;
	s9 =	ssub.s32 $0x2, s6;
	s25 =	sadd.s32 $0x1800, s7  }
0xc: {  	s6 =	smul.u32 $0x138800, s6;
	s26 =	sadd.s32 $0x3000, s7;
	[dreg:$0x5] =	wrdreg s25  }
0xd: {  	s11 =	sshrl.u32 s9, $0x1;
	s14 =	sadd.s32 $0x4800, s7;
	[dreg:$0x6] =	wrdreg s26  }
0xe: {  	s9 =	ssub.s32 s9, s11;
	s15 =	sadd.s32 $0x6000, s7;
	[dreg:$0x7] =	wrdreg s14  }
0xf: {  	s10 =	sadd.s32 s10, s5;
	s16 =	sadd.s32 $0x7800, s7;
	[dreg:$0x8] =	wrdreg s15  }
0x10: {  	s5 =	sadd.s32 s12, s2;
	s17 =	sadd.s32 $0x9000, s7;
	[dreg:$0x9] =	wrdreg s16  }
0x11: {  	s24 =	sadd.s32 s12, s6;
	s19 =	sadd.s32 $0xC000, s7;
	[dreg:$0xa] =	wrdreg s17  }
0x12: {  	s6 =	sshrl.u32 s6, $0x3;
	s20 =	sadd.s32 $0xD800, s7;
	[dreg:$0xc] =	wrdreg s19  }
0x13: {  	s18 =	smul.u32 $0x30, s10;
	s21 =	sadd.s32 $0xF000, s7;
	[dreg:$0xd] =	wrdreg s20  }
0x14: {  	s10 =	smul.u32 $0x6, s10;
	s23 =	sadd.s32 $0x10800, s7;
	[dreg:$0xe] =	wrdreg s21  }
0x15: {  	s6 =	sadd.s32 s0, s6;
	s14 =	sadd.s32 $0xA800, s7;
	[dreg:$0x13] =	wrdreg s23  }
0x16: {  	s7 =	sadd.s32 $0x12000, s7;
	s23 =	sadd.s32 $0x138000, s2;
	s25 =	sadd.s32 $0x27000, s6  }
0x17: {  	s26 =	smax.u32 s9, $0x1;
	s6 =	simm.s32 $0x2;
	s9 =	simm.s32 $0x5  }
0x18: {  	s15 =	simm.s32 $0x90;
	s16 =	simm.s32 $0xC0;
	s17 =	simm.s32 $0xF0  }
0x19: {  	s19 =	simm.s32 $0x8;
	s20 =	simm.s32 $0x9;
	[dreg:$0xb] =	wrdreg s14  }
0x1a: {  	s21 =	simm.s32 $0xA;
	s11 =	sshrl.u32 s18, $0x3;
	[dreg:$0x14] =	wrdreg s7  }
0x1b: {  	s22 =	sadd.s32 s8, s10;
	s10 =	sadd.s32 s3, s10;
	[dreg:$0x16] =	wrdreg s25  }
0x1c: {  	[dreg:$0x17] =	wrdreg s26;
	s26 =	simm.s32 $0x2880;
	s7 =	simm.s32 $0x3  }
0x1d: {  	s18 =	simm.s32 $0x7;
	[dreg:$0xf] =	wrdreg s22;
	s11 =	sadd.s32 $0x288, s11  }
0x1e: {  	[dreg:$0x10] =	wrdreg s10;
	s10 =	simm.s32 $0x6;
	s8 =	sadd.s32 s8, s11  }
0x1f: {  	s22 =	simm.s32 $0xB;
	s3 =	sadd.s32 s3, s11;
	[dreg:$0x11] =	wrdreg s8  }
0x20: {  	s11 =	simm.s32 $0xD;
	[dreg:$0x12] =	wrdreg s3;
	s3 =	sshrl.u32 s24, $0x3  }
0x21: {  	s8 =	simm.s32 $0x4;
	s24 =	simm.s32 $0xC;
	s0 =	sadd.s32 s0, s3  }
0x22: {  	v0 =	vimm.f32 $0.0e+00;
	s3 =	simm.s32 $0x1;
	[dreg:$0x15] =	wrdreg s0;
	s0 =	simm.s32 $0xA080  }
.LBB2_1:
0x23: {  	s12 =	simm.s32 $0x0;
	s25 =	simm.s32 $0x200  }
.LBB2_2:
0x24: {  	p1 =	sne.s32 s25, $0x5E00;
	[tilespmem:s12+$0x28F0] =	vst v0  }
0x25: {  	[tilespmem:s12+$0x2880] =	vst v0  }
0x26: {  	[tilespmem:s12+$0x2890] =	vst v0  }
.Ltmp0:
0x27: {  	[tilespmem:s12+$0x28A0] =	vst v0;
	(pc) =	sbr.rel @p1 .LBB2_2-.Ltmp0, $4  }
0x28: {  	[tilespmem:s12+$0x28B0] =	vst v0  }
0x29: {  	[tilespmem:s12+$0x28C0] =	vst v0  }
0x2a: {  	[tilespmem:s12+$0x28D0] =	vst v0  }
0x2b: {  	[tilespmem:s12+$0x28E0] =	vst v0;
	s12 =	sshra.s32 s25, $0x2;
	s25 =	sadd.s32 $0x200, s25  }
0x2c: {  	[tilespmem:s12+$0x28F0] =	vst v0  }
0x2d: {  	[tilespmem:s12+$0x2880] =	vst v0  }
0x2e: {  	[tilespmem:s12+$0x2890] =	vst v0  }
0x2f: {  	[tilespmem:s12+$0x28A0] =	vst v0  }
0x30: {  	[tilespmem:s12+$0x28B0] =	vst v0  }
0x31: {  	[tilespmem:s12+$0x28C0] =	vst v0  }
0x32: {  	[tilespmem:s12+$0x28D0] =	vst v0  }
0x33: {  	[tilespmem:s12+$0x28E0] =	vst v0;
	s12 =	simm.s32 $0x0;
	s25 =	simm.s32 $0x200  }
.LBB2_4:
0x34: {  	p1 =	sne.s32 s25, $0x5E00;
	[tilespmem:s12+$0x40F0] =	vst v0  }
0x35: {  	[tilespmem:s12+$0x4080] =	vst v0  }
0x36: {  	[tilespmem:s12+$0x4090] =	vst v0  }
.Ltmp1:
0x37: {  	[tilespmem:s12+$0x40A0] =	vst v0;
	(pc) =	sbr.rel @p1 .LBB2_4-.Ltmp1, $4  }
0x38: {  	[tilespmem:s12+$0x40B0] =	vst v0  }
0x39: {  	[tilespmem:s12+$0x40C0] =	vst v0  }
0x3a: {  	[tilespmem:s12+$0x40D0] =	vst v0  }
0x3b: {  	[tilespmem:s12+$0x40E0] =	vst v0;
	s12 =	sshra.s32 s25, $0x2;
	s25 =	sadd.s32 $0x200, s25  }
0x3c: {  	[tilespmem:s12+$0x40F0] =	vst v0  }
0x3d: {  	[tilespmem:s12+$0x4080] =	vst v0  }
0x3e: {  	[tilespmem:s12+$0x4090] =	vst v0  }
0x3f: {  	[tilespmem:s12+$0x40A0] =	vst v0  }
0x40: {  	[tilespmem:s12+$0x40B0] =	vst v0  }
0x41: {  	[tilespmem:s12+$0x40C0] =	vst v0  }
0x42: {  	[tilespmem:s12+$0x40D0] =	vst v0  }
0x43: {  	[tilespmem:s12+$0x40E0] =	vst v0;
	s12 =	simm.s32 $0x0;
	s25 =	simm.s32 $0x200  }
.LBB2_6:
0x44: {  	p1 =	sne.s32 s25, $0x5E00;
	[tilespmem:s12+$0x58F0] =	vst v0  }
0x45: {  	[tilespmem:s12+$0x5880] =	vst v0  }
0x46: {  	[tilespmem:s12+$0x5890] =	vst v0  }
.Ltmp2:
0x47: {  	[tilespmem:s12+$0x58A0] =	vst v0;
	(pc) =	sbr.rel @p1 .LBB2_6-.Ltmp2, $4  }
0x48: {  	[tilespmem:s12+$0x58B0] =	vst v0  }
0x49: {  	[tilespmem:s12+$0x58C0] =	vst v0  }
0x4a: {  	[tilespmem:s12+$0x58D0] =	vst v0  }
0x4b: {  	[tilespmem:s12+$0x58E0] =	vst v0;
	s12 =	sshra.s32 s25, $0x2;
	s25 =	sadd.s32 $0x200, s25  }
0x4c: {  	[tilespmem:s12+$0x58F0] =	vst v0  }
0x4d: {  	[tilespmem:s12+$0x5880] =	vst v0  }
0x4e: {  	[tilespmem:s12+$0x5890] =	vst v0  }
0x4f: {  	[tilespmem:s12+$0x58A0] =	vst v0  }
0x50: {  	[tilespmem:s12+$0x58B0] =	vst v0  }
0x51: {  	[tilespmem:s12+$0x58C0] =	vst v0  }
0x52: {  	[tilespmem:s12+$0x58D0] =	vst v0  }
0x53: {  	[tilespmem:s12+$0x58E0] =	vst v0;
	s12 =	simm.s32 $0x0;
	s25 =	simm.s32 $0x200  }
.LBB2_8:
0x54: {  	p1 =	sne.s32 s25, $0x5E00;
	[tilespmem:s12+$0x70F0] =	vst v0  }
0x55: {  	[tilespmem:s12+$0x7080] =	vst v0  }
0x56: {  	[tilespmem:s12+$0x7090] =	vst v0  }
.Ltmp3:
0x57: {  	[tilespmem:s12+$0x70A0] =	vst v0;
	(pc) =	sbr.rel @p1 .LBB2_8-.Ltmp3, $4  }
0x58: {  	[tilespmem:s12+$0x70B0] =	vst v0  }
0x59: {  	[tilespmem:s12+$0x70C0] =	vst v0  }
0x5a: {  	[tilespmem:s12+$0x70D0] =	vst v0  }
0x5b: {  	[tilespmem:s12+$0x70E0] =	vst v0;
	s12 =	sshra.s32 s25, $0x2;
	s25 =	sadd.s32 $0x200, s25  }
0x5c: {  	[tilespmem:s12+$0x70F0] =	vst v0  }
0x5d: {  	[tilespmem:s12+$0x7080] =	vst v0  }
0x5e: {  	[tilespmem:s12+$0x7090] =	vst v0  }
0x5f: {  	[tilespmem:s12+$0x70A0] =	vst v0  }
0x60: {  	[tilespmem:s12+$0x70B0] =	vst v0  }
0x61: {  	[tilespmem:s12+$0x70C0] =	vst v0  }
0x62: {  	[tilespmem:s12+$0x70D0] =	vst v0  }
0x63: {  	[tilespmem:s12+$0x70E0] =	vst v0;
	s12 =	simm.s32 $0x0;
	s25 =	simm.s32 $0x200  }
.LBB2_10:
0x64: {  	p1 =	sne.s32 s25, $0x5E00;
	[tilespmem:s12+$0x88F0] =	vst v0  }
0x65: {  	[tilespmem:s12+$0x8880] =	vst v0  }
0x66: {  	[tilespmem:s12+$0x8890] =	vst v0  }
.Ltmp4:
0x67: {  	[tilespmem:s12+$0x88A0] =	vst v0;
	(pc) =	sbr.rel @p1 .LBB2_10-.Ltmp4, $4  }
0x68: {  	[tilespmem:s12+$0x88B0] =	vst v0  }
0x69: {  	[tilespmem:s12+$0x88C0] =	vst v0  }
0x6a: {  	[tilespmem:s12+$0x88D0] =	vst v0  }
0x6b: {  	[tilespmem:s12+$0x88E0] =	vst v0;
	s12 =	sshra.s32 s25, $0x2;
	s25 =	sadd.s32 $0x200, s25  }
0x6c: {  	[tilespmem:s12+$0x88F0] =	vst v0  }
0x6d: {  	[tilespmem:s12+$0x8880] =	vst v0  }
0x6e: {  	[tilespmem:s12+$0x8890] =	vst v0  }
0x6f: {  	[tilespmem:s12+$0x88A0] =	vst v0  }
0x70: {  	[tilespmem:s12+$0x88B0] =	vst v0  }
0x71: {  	[tilespmem:s12+$0x88C0] =	vst v0  }
0x72: {  	[tilespmem:s12+$0x88D0] =	vst v0  }
0x73: {  	[tilespmem:s12+$0x88E0] =	vst v0;
	s12 =	simm.s32 $0x0;
	s25 =	simm.s32 $0x200  }
.LBB2_12:
0x74: {  	p1 =	sne.s32 s25, $0x5E00;
	[tilespmem:s12+$0xA0F0] =	vst v0  }
0x75: {  	[tilespmem:s12+$0xA080] =	vst v0  }
0x76: {  	[tilespmem:s12+$0xA090] =	vst v0  }
.Ltmp5:
0x77: {  	[tilespmem:s12+$0xA0A0] =	vst v0;
	(pc) =	sbr.rel @p1 .LBB2_12-.Ltmp5, $4  }
0x78: {  	[tilespmem:s12+$0xA0B0] =	vst v0  }
0x79: {  	[tilespmem:s12+$0xA0C0] =	vst v0  }
0x7a: {  	[tilespmem:s12+$0xA0D0] =	vst v0  }
0x7b: {  	[tilespmem:s12+$0xA0E0] =	vst v0;
	s12 =	sshra.s32 s25, $0x2;
	s25 =	sadd.s32 $0x200, s25  }
0x7c: {  	[tilespmem:s12+$0xA0F0] =	vst v0  }
0x7d: {  	[tilespmem:s12+$0xA080] =	vst v0  }
0x7e: {  	[tilespmem:s12+$0xA090] =	vst v0  }
0x7f: {  	[tilespmem:s12+$0xA0A0] =	vst v0  }
0x80: {  	[tilespmem:s12+$0xA0B0] =	vst v0  }
0x81: {  	[tilespmem:s12+$0xA0C0] =	vst v0  }
0x82: {  	[tilespmem:s12+$0xA0D0] =	vst v0  }
0x83: {  	[tilespmem:s12+$0xA0E0] =	vst v0  }
0x84: {  	[spmem:s5] =	stream.linear.scatter [tilespmem:s26], [sflag:$0x1], $0x1800, $0x38;
	[tilespmem:$0x1FF00] =	vst v63  }
0x85: {  	s14 =	rddreg [dreg:$0x5]  }
0x86: {  	[spmem:s14] =	stream.linear.scatter [tilespmem:s28], [sflag:$0x2], $0x1800, $0x38;
	[tilespmem:$0x1FF00] =	vst v63  }
0x87: {  	s25 =	rddreg [dreg:$0x6]  }
0x88: {  	[spmem:s25] =	stream.linear.scatter [tilespmem:s29], [sflag:$0x3], $0x1800, $0x38;
	[tilespmem:$0x1FF00] =	vst v63  }
0x89: {  	s14 =	rddreg [dreg:$0x7]  }
0x8a: {  	[spmem:s14] =	stream.linear.scatter [tilespmem:s30], [sflag:$0x4], $0x1800, $0x38;
	[tilespmem:$0x1FF00] =	vst v63  }
0x8b: {  	s25 =	rddreg [dreg:$0x8]  }
0x8c: {  	[spmem:s25] =	stream.linear.scatter [tilespmem:s31], [sflag:$0x5], $0x1800, $0x38;
	[tilespmem:$0x1FF00] =	vst v63  }
0x8d: {  	s14 =	rddreg [dreg:$0x9]  }
0x8e: {  	[spmem:s14] =	stream.linear.scatter [tilespmem:s0], [sflag:$0x6], $0x1800, $0x38;
	[tilespmem:$0x1FF00] =	vst v63  }
0x8f: {  	s25 =	rddreg [dreg:$0xa]  }
0x90: {  	[spmem:s25] =	stream.linear.scatter [tilespmem:s26], [sflag:$0x1], $0x1800, $0x38;
	[tilespmem:$0x1FF00] =	vst v63  }
0x91: {  	s14 =	rddreg [dreg:$0xb]  }
0x92: {  	[spmem:s14] =	stream.linear.scatter [tilespmem:s28], [sflag:$0x2], $0x1800, $0x38;
	[tilespmem:$0x1FF00] =	vst v63  }
0x93: {  	s25 =	rddreg [dreg:$0xc]  }
0x94: {  	[spmem:s25] =	stream.linear.scatter [tilespmem:s29], [sflag:$0x3], $0x1800, $0x38;
	[tilespmem:$0x1FF00] =	vst v63  }
0x95: {  	s14 =	rddreg [dreg:$0xd]  }
0x96: {  	[spmem:s14] =	stream.linear.scatter [tilespmem:s30], [sflag:$0x4], $0x1800, $0x38;
	[tilespmem:$0x1FF00] =	vst v63  }
0x97: {  	s25 =	rddreg [dreg:$0xe]  }
0x98: {  	[spmem:s25] =	stream.linear.scatter [tilespmem:s31], [sflag:$0x5], $0x1800, $0x38;
	[tilespmem:$0x1FF00] =	vst v63  }
0x99: {  	s14 =	rddreg [dreg:$0x13]  }
0x9a: {  	[spmem:s14] =	stream.linear.scatter [tilespmem:s0], [sflag:$0x6], $0x1800, $0x38;
	[tilespmem:$0x1FF00] =	vst v63  }
0x9b: {  	s25 =	rddreg [dreg:$0x14]  }
0x9c: {  	[spmem:s25] =	stream.linear.scatter [tilespmem:s26], [sflag:$0x1], $0x1800, $0x38;
	[tilespmem:$0x1FF00] =	vst v63  }
0x9d: {  	_ =	swait.ge [sflag:s3], $0x1800  }
0x9e: {  	[sflag:s3] =	ssyncset.done $0x0  }
0x9f: {  	[sflag:s3] =	ssyncadd.s32 $0xFFFFE800  }
0xa0: {  	_ =	swait.ge [sflag:s6], $0x1800  }
0xa1: {  	[sflag:s6] =	ssyncset.done $0x0  }
0xa2: {  	[sflag:s6] =	ssyncadd.s32 $0xFFFFE800  }
0xa3: {  	_ =	swait.ge [sflag:s7], $0x1800  }
0xa4: {  	[sflag:s7] =	ssyncset.done $0x0  }
0xa5: {  	[sflag:s7] =	ssyncadd.s32 $0xFFFFE800  }
0xa6: {  	_ =	swait.ge [sflag:s8], $0x1800  }
0xa7: {  	[sflag:s8] =	ssyncset.done $0x0  }
0xa8: {  	[sflag:s8] =	ssyncadd.s32 $0xFFFFE800  }
0xa9: {  	_ =	swait.ge [sflag:s9], $0x1800  }
0xaa: {  	[sflag:s9] =	ssyncset.done $0x0  }
0xab: {  	[sflag:s9] =	ssyncadd.s32 $0xFFFFE800  }
0xac: {  	_ =	swait.ge [sflag:s10], $0x1800  }
0xad: {  	[sflag:s10] =	ssyncset.done $0x0  }
0xae: {  	[sflag:s10] =	ssyncadd.s32 $0xFFFFE800  }
0xaf: {  	_ =	swait.ge [sflag:s3], $0x1800  }
0xb0: {  	[sflag:s3] =	ssyncset.done $0x0  }
0xb1: {  	[sflag:s3] =	ssyncadd.s32 $0xFFFFE800  }
0xb2: {  	_ =	swait.ge [sflag:s6], $0x1800  }
0xb3: {  	[sflag:s6] =	ssyncset.done $0x0  }
0xb4: {  	[sflag:s6] =	ssyncadd.s32 $0xFFFFE800  }
0xb5: {  	_ =	swait.ge [sflag:s7], $0x1800  }
0xb6: {  	[sflag:s7] =	ssyncset.done $0x0  }
0xb7: {  	[sflag:s7] =	ssyncadd.s32 $0xFFFFE800  }
0xb8: {  	_ =	swait.ge [sflag:s8], $0x1800  }
0xb9: {  	[sflag:s8] =	ssyncset.done $0x0  }
0xba: {  	[sflag:s8] =	ssyncadd.s32 $0xFFFFE800  }
0xbb: {  	_ =	swait.ge [sflag:s9], $0x1800  }
0xbc: {  	[sflag:s9] =	ssyncset.done $0x0  }
0xbd: {  	[sflag:s9] =	ssyncadd.s32 $0xFFFFE800  }
0xbe: {  	_ =	swait.ge [sflag:s10], $0x1800  }
0xbf: {  	[sflag:s10] =	ssyncset.done $0x0  }
0xc0: {  	[sflag:s10] =	ssyncadd.s32 $0xFFFFE800  }
0xc1: {  	_ =	swait.ge [sflag:s3], $0x1800  }
0xc2: {  	[sflag:s3] =	ssyncset.done $0x0  }
0xc3: {  	s12 =	simm.s32 @!p0 $0x2880;
	[sflag:s3] =	ssyncadd.s32 $0xFFFFE800  }
0xc4: {  	[spmem:s23] =	stream.linear.scatter @!p0 [tilespmem:s12], [sflag:$0xD], $0x800, $0x38;
	[tilespmem:$0x1FF00] =	vst v63  }
0xc5: {  	s12 =	simm.s32 @!p0 $0xD  }
0xc6: {  	_ =	swait.ge @!p0 [sflag:s12], $0x800  }
0xc7: {  	[sflag:s12] =	ssyncset.done @!p0 $0x0  }
0xc8: {  	[sflag:s12] =	ssyncadd.s32 @!p0 $0xFFFFF800  }
0xc9: {  	[bflag:$0x0] =	sbarrier.arrive $0xFFFF  }
0xca: {  	s12 =	simm.s32 $0x0;
	s14 =	rddreg [dreg:$0xf]  }
0xcb: {  	[tilespmem:s12], [sflag:$0xD] =	stream.linear.gather [hbm4b:s14+s12], $0x1440, $0x38;
	[tilespmem:$0x1FF00] =	vst v63  }
0xcc: {  	_ =	swait.ge [sflag:s11], $0x1440  }
0xcd: {  	[sflag:s11] =	ssyncset.done $0x0  }
0xce: {  	s25 =	simm.s32 $0x1440;
	s14 =	rddreg [dreg:$0x10];
	[sflag:s11] =	ssyncadd.s32 $0xFFFFEBC0  }
0xcf: {  	[tilespmem:s25], [sflag:$0xD] =	stream.linear.gather [hbm4b:s14+s12], $0x1440, $0x38;
	[tilespmem:$0x1FF00] =	vst v63  }
0xd0: {  	_ =	swait.ge [sflag:s11], $0x1440  }
0xd1: {  	[sflag:s11] =	ssyncset.done $0x0  }
0xd2: {  	[sflag:s11] =	ssyncadd.s32 $0xFFFFEBC0  }
0xd3: {  	[tilespmem:s26], [sflag:$0x1] =	stream.indirect.gather [hbm4b:s1+s13], $0x80, s12, s13, $0xb8;
	[tilespmem:$0x1FF00] =	vst v63  }
0xd4: {  	_ = 	snop  }
0xd5: {  	[tilespmem:s28], [sflag:$0x2] =	stream.indirect.gather [hbm4b:s1+s13], $0x80, s13, s13, $0xb8;
	[tilespmem:$0x1FF00] =	vst v63  }
0xd6: {  	s14 =	simm.s32 $0x60  }
0xd7: {  	[tilespmem:s29], [sflag:$0x3] =	stream.indirect.gather [hbm4b:s1+s13], $0x80, s14, s13, $0xb8;
	[tilespmem:$0x1FF00] =	vst v63  }
0xd8: {  	_ = 	snop  }
0xd9: {  	[tilespmem:s30], [sflag:$0x4] =	stream.indirect.gather [hbm4b:s1+s13], $0x80, s15, s13, $0xb8;
	[tilespmem:$0x1FF00] =	vst v63  }
0xda: {  	_ = 	snop  }
0xdb: {  	[tilespmem:s31], [sflag:$0x5] =	stream.indirect.gather [hbm4b:s1+s13], $0x80, s16, s13, $0xb8;
	[tilespmem:$0x1FF00] =	vst v63  }
0xdc: {  	_ = 	snop  }
0xdd: {  	[tilespmem:s0], [sflag:$0x6] =	stream.indirect.gather [hbm4b:s1+s13], $0x80, s17, s13, $0xb8;
	[tilespmem:$0x1FF00] =	vst v63  }
0xde: {  	_ =	swait.ge [sflag:s3], $0x1800  }
0xdf: {  	[sflag:s3] =	ssyncset.done $0x0  }
0xe0: {  	s25 =	simm.s32 $0x1440;
	[sflag:s3] =	ssyncadd.s32 $0xFFFFE800  }
0xe1: {  	[spmem:s2] =	stream.indirect.scatter.add.f32 [tilespmem:s26], [sflag:$0x7], $0x80, s25, s13, $0xb8;
	[tilespmem:$0x1FF00] =	vst v63  }
0xe2: {  	_ =	swait.ge [sflag:s6], $0x1800  }
0xe3: {  	[sflag:s6] =	ssyncset.done $0x0  }
0xe4: {  	s14 =	simm.s32 $0x1470;
	[sflag:s6] =	ssyncadd.s32 $0xFFFFE800  }
0xe5: {  	[spmem:s2] =	stream.indirect.scatter.add.f32 [tilespmem:s28], [sflag:$0x8], $0x80, s14, s13, $0xb8;
	[tilespmem:$0x1FF00] =	vst v63  }
0xe6: {  	_ =	swait.ge [sflag:s7], $0x1800  }
0xe7: {  	[sflag:s7] =	ssyncset.done $0x0  }
0xe8: {  	s25 =	simm.s32 $0x14A0;
	[sflag:s7] =	ssyncadd.s32 $0xFFFFE800  }
0xe9: {  	[spmem:s2] =	stream.indirect.scatter.add.f32 [tilespmem:s29], [sflag:$0x9], $0x80, s25, s13, $0xb8;
	[tilespmem:$0x1FF00] =	vst v63  }
0xea: {  	_ =	swait.ge [sflag:s8], $0x1800  }
0xeb: {  	[sflag:s8] =	ssyncset.done $0x0  }
0xec: {  	s14 =	simm.s32 $0x14D0;
	[sflag:s8] =	ssyncadd.s32 $0xFFFFE800  }
0xed: {  	[spmem:s2] =	stream.indirect.scatter.add.f32 [tilespmem:s30], [sflag:$0xA], $0x80, s14, s13, $0xb8;
	[tilespmem:$0x1FF00] =	vst v63  }
0xee: {  	_ =	swait.ge [sflag:s9], $0x1800  }
0xef: {  	[sflag:s9] =	ssyncset.done $0x0  }
0xf0: {  	s25 =	simm.s32 $0x1500;
	[sflag:s9] =	ssyncadd.s32 $0xFFFFE800  }
0xf1: {  	[spmem:s2] =	stream.indirect.scatter.add.f32 [tilespmem:s31], [sflag:$0xB], $0x80, s25, s13, $0xb8;
	[tilespmem:$0x1FF00] =	vst v63  }
0xf2: {  	_ =	swait.ge [sflag:s10], $0x1800  }
0xf3: {  	[sflag:s10] =	ssyncset.done $0x0  }
0xf4: {  	s14 =	simm.s32 $0x1530;
	[sflag:s10] =	ssyncadd.s32 $0xFFFFE800  }
0xf5: {  	[spmem:s2] =	stream.indirect.scatter.add.f32 [tilespmem:s0], [sflag:$0xC], $0x80, s14, s13, $0xb8;
	[tilespmem:$0x1FF00] =	vst v63  }
0xf6: {  	_ =	swait.ge [sflag:s18], $0x1800  }
0xf7: {  	[sflag:s18] =	ssyncset.done $0x0  }
0xf8: {  	s25 =	simm.s32 $0x120;
	[sflag:s18] =	ssyncadd.s32 $0xFFFFE800  }
0xf9: {  	[tilespmem:s26], [sflag:$0x1] =	stream.indirect.gather [hbm4b:s1+s13], $0x80, s25, s13, $0xb8;
	[tilespmem:$0x1FF00] =	vst v63  }
0xfa: {  	_ =	swait.ge [sflag:s19], $0x1800  }
0xfb: {  	[sflag:s19] =	ssyncset.done $0x0  }
0xfc: {  	s14 =	simm.s32 $0x150;
	[sflag:s19] =	ssyncadd.s32 $0xFFFFE800  }
0xfd: {  	[tilespmem:s28], [sflag:$0x2] =	stream.indirect.gather [hbm4b:s1+s13], $0x80, s14, s13, $0xb8;
	[tilespmem:$0x1FF00] =	vst v63  }
0xfe: {  	_ =	swait.ge [sflag:s20], $0x1800  }
0xff: {  	[sflag:s20] =	ssyncset.done $0x0  }
0x100: {  	s25 =	simm.s32 $0x180;
	[sflag:s20] =	ssyncadd.s32 $0xFFFFE800  }
0x101: {  	[tilespmem:s29], [sflag:$0x3] =	stream.indirect.gather [hbm4b:s1+s13], $0x80, s25, s13, $0xb8;
	[tilespmem:$0x1FF00] =	vst v63  }
0x102: {  	_ =	swait.ge [sflag:s21], $0x1800  }
0x103: {  	[sflag:s21] =	ssyncset.done $0x0  }
0x104: {  	s14 =	simm.s32 $0x1B0;
	[sflag:s21] =	ssyncadd.s32 $0xFFFFE800  }
0x105: {  	[tilespmem:s30], [sflag:$0x4] =	stream.indirect.gather [hbm4b:s1+s13], $0x80, s14, s13, $0xb8;
	[tilespmem:$0x1FF00] =	vst v63  }
0x106: {  	_ =	swait.ge [sflag:s22], $0x1800  }
0x107: {  	[sflag:s22] =	ssyncset.done $0x0  }
0x108: {  	s25 =	simm.s32 $0x1E0;
	[sflag:s22] =	ssyncadd.s32 $0xFFFFE800  }
0x109: {  	[tilespmem:s31], [sflag:$0x5] =	stream.indirect.gather [hbm4b:s1+s13], $0x80, s25, s13, $0xb8;
	[tilespmem:$0x1FF00] =	vst v63  }
0x10a: {  	_ =	swait.ge [sflag:s24], $0x1800  }
0x10b: {  	[sflag:s24] =	ssyncset.done $0x0  }
0x10c: {  	s12 =	simm.s32 $0x210;
	s25 =	simm.s32 $0x480;
	[sflag:s24] =	ssyncadd.s32 $0xFFFFE800  }
.LBB2_14:
0x10d: {  	[tilespmem:s0], [sflag:$0x6] =	stream.indirect.gather [hbm4b:s1+s13], $0x80, s12, s13, $0xb8;
	[tilespmem:$0x1FF00] =	vst v63  }
0x10e: {  	s12 =	smov.u32 s25  }
0x10f: {  	p1 =	sne.s32 s25, $0x4800;
	s25 =	sadd.s32 $0x480, s25;
	_ =	swait.ge [sflag:s3], $0x1800  }
0x110: {  	s12 =	sshra.s32 s12, $0x2;
	[sflag:s3] =	ssyncset.done $0x0  }
0x111: {  	s14 =	sadd.s32 $0x1440, s12;
	[sflag:s3] =	ssyncadd.s32 $0xFFFFE800  }
0x112: {  	[spmem:s2] =	stream.indirect.scatter.add.f32 [tilespmem:s26], [sflag:$0x7], $0x80, s14, s13, $0xb8;
	[tilespmem:$0x1FF00] =	vst v63  }
0x113: {  	_ =	swait.ge [sflag:s6], $0x1800  }
0x114: {  	[sflag:s6] =	ssyncset.done $0x0  }
0x115: {  	s14 =	sadd.s32 $0x1470, s12;
	[sflag:s6] =	ssyncadd.s32 $0xFFFFE800  }
0x116: {  	[spmem:s2] =	stream.indirect.scatter.add.f32 [tilespmem:s28], [sflag:$0x8], $0x80, s14, s13, $0xb8;
	[tilespmem:$0x1FF00] =	vst v63  }
0x117: {  	_ =	swait.ge [sflag:s7], $0x1800  }
0x118: {  	[sflag:s7] =	ssyncset.done $0x0  }
0x119: {  	s14 =	sadd.s32 $0x14A0, s12;
	[sflag:s7] =	ssyncadd.s32 $0xFFFFE800  }
0x11a: {  	[spmem:s2] =	stream.indirect.scatter.add.f32 [tilespmem:s29], [sflag:$0x9], $0x80, s14, s13, $0xb8;
	[tilespmem:$0x1FF00] =	vst v63  }
0x11b: {  	_ =	swait.ge [sflag:s8], $0x1800  }
0x11c: {  	[sflag:s8] =	ssyncset.done $0x0  }
0x11d: {  	s14 =	sadd.s32 $0x14D0, s12;
	[sflag:s8] =	ssyncadd.s32 $0xFFFFE800  }
0x11e: {  	[spmem:s2] =	stream.indirect.scatter.add.f32 [tilespmem:s30], [sflag:$0xA], $0x80, s14, s13, $0xb8;
	[tilespmem:$0x1FF00] =	vst v63  }
0x11f: {  	_ =	swait.ge [sflag:s9], $0x1800  }
0x120: {  	[sflag:s9] =	ssyncset.done $0x0  }
0x121: {  	s14 =	sadd.s32 $0x1500, s12;
	[sflag:s9] =	ssyncadd.s32 $0xFFFFE800  }
0x122: {  	[spmem:s2] =	stream.indirect.scatter.add.f32 [tilespmem:s31], [sflag:$0xB], $0x80, s14, s13, $0xb8;
	[tilespmem:$0x1FF00] =	vst v63  }
0x123: {  	_ =	swait.ge [sflag:s10], $0x1800  }
0x124: {  	[sflag:s10] =	ssyncset.done $0x0  }
0x125: {  	s14 =	sadd.s32 $0x1530, s12;
	[sflag:s10] =	ssyncadd.s32 $0xFFFFE800  }
0x126: {  	[spmem:s2] =	stream.indirect.scatter.add.f32 [tilespmem:s0], [sflag:$0xC], $0x80, s14, s13, $0xb8;
	[tilespmem:$0x1FF00] =	vst v63  }
0x127: {  	_ =	swait.ge [sflag:s18], $0x1800  }
0x128: {  	[sflag:s18] =	ssyncset.done $0x0  }
0x129: {  	s14 =	sadd.s32 $0x120, s12;
	[sflag:s18] =	ssyncadd.s32 $0xFFFFE800  }
0x12a: {  	[tilespmem:s26], [sflag:$0x1] =	stream.indirect.gather [hbm4b:s1+s13], $0x80, s14, s13, $0xb8;
	[tilespmem:$0x1FF00] =	vst v63  }
0x12b: {  	_ =	swait.ge [sflag:s19], $0x1800  }
0x12c: {  	[sflag:s19] =	ssyncset.done $0x0  }
0x12d: {  	s14 =	sadd.s32 $0x150, s12;
	[sflag:s19] =	ssyncadd.s32 $0xFFFFE800  }
0x12e: {  	[tilespmem:s28], [sflag:$0x2] =	stream.indirect.gather [hbm4b:s1+s13], $0x80, s14, s13, $0xb8;
	[tilespmem:$0x1FF00] =	vst v63  }
0x12f: {  	_ =	swait.ge [sflag:s20], $0x1800  }
0x130: {  	[sflag:s20] =	ssyncset.done $0x0  }
0x131: {  	s14 =	sadd.s32 $0x180, s12;
	[sflag:s20] =	ssyncadd.s32 $0xFFFFE800  }
0x132: {  	[tilespmem:s29], [sflag:$0x3] =	stream.indirect.gather [hbm4b:s1+s13], $0x80, s14, s13, $0xb8;
	[tilespmem:$0x1FF00] =	vst v63  }
0x133: {  	_ =	swait.ge [sflag:s21], $0x1800  }
0x134: {  	[sflag:s21] =	ssyncset.done $0x0  }
0x135: {  	s14 =	sadd.s32 $0x1B0, s12;
	[sflag:s21] =	ssyncadd.s32 $0xFFFFE800  }
0x136: {  	[tilespmem:s30], [sflag:$0x4] =	stream.indirect.gather [hbm4b:s1+s13], $0x80, s14, s13, $0xb8;
	[tilespmem:$0x1FF00] =	vst v63  }
0x137: {  	_ =	swait.ge [sflag:s22], $0x1800  }
0x138: {  	[sflag:s22] =	ssyncset.done $0x0  }
.Ltmp6:
0x139: {  	s14 =	sadd.s32 $0x1E0, s12;
	[sflag:s22] =	ssyncadd.s32 $0xFFFFE800;
	(pc) =	sbr.rel @p1 .LBB2_14-.Ltmp6, $4  }
0x13a: {  	[tilespmem:s31], [sflag:$0x5] =	stream.indirect.gather [hbm4b:s1+s13], $0x80, s14, s13, $0xb8;
	[tilespmem:$0x1FF00] =	vst v63  }
0x13b: {  	_ =	swait.ge [sflag:s24], $0x1800  }
0x13c: {  	[sflag:s24] =	ssyncset.done $0x0  }
0x13d: {  	s12 =	sadd.s32 $0x210, s12;
	[sflag:s24] =	ssyncadd.s32 $0xFFFFE800  }
0x13e: {  	[tilespmem:s0], [sflag:$0x6] =	stream.indirect.gather [hbm4b:s1+s13], $0x80, s12, s13, $0xb8;
	[tilespmem:$0x1FF00] =	vst v63  }
0x13f: {  	_ =	swait.ge [sflag:s3], $0x1800  }
0x140: {  	[sflag:s3] =	ssyncset.done $0x0  }
0x141: {  	s14 =	simm.s32 $0x2760;
	[sflag:s3] =	ssyncadd.s32 $0xFFFFE800  }
0x142: {  	[spmem:s2] =	stream.indirect.scatter.add.f32 [tilespmem:s26], [sflag:$0x7], $0x80, s14, s13, $0xb8;
	[tilespmem:$0x1FF00] =	vst v63  }
0x143: {  	_ =	swait.ge [sflag:s6], $0x1800  }
0x144: {  	[sflag:s6] =	ssyncset.done $0x0  }
0x145: {  	s25 =	simm.s32 $0x2790;
	[sflag:s6] =	ssyncadd.s32 $0xFFFFE800  }
0x146: {  	[spmem:s2] =	stream.indirect.scatter.add.f32 [tilespmem:s28], [sflag:$0x8], $0x80, s25, s13, $0xb8;
	[tilespmem:$0x1FF00] =	vst v63  }
0x147: {  	_ =	swait.ge [sflag:s7], $0x1800  }
0x148: {  	[sflag:s7] =	ssyncset.done $0x0  }
0x149: {  	s14 =	simm.s32 $0x27C0;
	[sflag:s7] =	ssyncadd.s32 $0xFFFFE800  }
0x14a: {  	[spmem:s2] =	stream.indirect.scatter.add.f32 [tilespmem:s29], [sflag:$0x9], $0x80, s14, s13, $0xb8;
	[tilespmem:$0x1FF00] =	vst v63  }
0x14b: {  	_ =	swait.ge [sflag:s8], $0x1800  }
0x14c: {  	[sflag:s8] =	ssyncset.done $0x0  }
0x14d: {  	s25 =	simm.s32 $0x27F0;
	[sflag:s8] =	ssyncadd.s32 $0xFFFFE800  }
0x14e: {  	[spmem:s2] =	stream.indirect.scatter.add.f32 [tilespmem:s30], [sflag:$0xA], $0x80, s25, s13, $0xb8;
	[tilespmem:$0x1FF00] =	vst v63  }
0x14f: {  	_ =	swait.ge [sflag:s9], $0x1800  }
0x150: {  	[sflag:s9] =	ssyncset.done $0x0  }
0x151: {  	s14 =	simm.s32 $0x2820;
	[sflag:s9] =	ssyncadd.s32 $0xFFFFE800  }
0x152: {  	[spmem:s2] =	stream.indirect.scatter.add.f32 [tilespmem:s31], [sflag:$0xB], $0x80, s14, s13, $0xb8;
	[tilespmem:$0x1FF00] =	vst v63  }
0x153: {  	_ =	swait.ge [sflag:s10], $0x1800  }
0x154: {  	[sflag:s10] =	ssyncset.done $0x0  }
0x155: {  	s25 =	simm.s32 $0x2850;
	[sflag:s10] =	ssyncadd.s32 $0xFFFFE800  }
0x156: {  	[spmem:s2] =	stream.indirect.scatter.add.f32 [tilespmem:s0], [sflag:$0xC], $0x80, s25, s13, $0xb8;
	[tilespmem:$0x1FF00] =	vst v63  }
0x157: {  	_ =	swait.ge [sflag:s18], $0x1800  }
0x158: {  	[sflag:s18] =	ssyncset.done $0x0  }
0x159: {  	[sflag:s18] =	ssyncadd.s32 $0xFFFFE800  }
0x15a: {  	_ =	swait.ge [sflag:s19], $0x1800  }
0x15b: {  	[sflag:s19] =	ssyncset.done $0x0  }
0x15c: {  	[sflag:s19] =	ssyncadd.s32 $0xFFFFE800  }
0x15d: {  	_ =	swait.ge [sflag:s20], $0x1800  }
0x15e: {  	[sflag:s20] =	ssyncset.done $0x0  }
0x15f: {  	[sflag:s20] =	ssyncadd.s32 $0xFFFFE800  }
0x160: {  	_ =	swait.ge [sflag:s21], $0x1800  }
0x161: {  	[sflag:s21] =	ssyncset.done $0x0  }
0x162: {  	[sflag:s21] =	ssyncadd.s32 $0xFFFFE800  }
0x163: {  	_ =	swait.ge [sflag:s22], $0x1800  }
0x164: {  	[sflag:s22] =	ssyncset.done $0x0  }
0x165: {  	[sflag:s22] =	ssyncadd.s32 $0xFFFFE800  }
0x166: {  	_ =	swait.ge [sflag:s24], $0x1800  }
0x167: {  	[sflag:s24] =	ssyncset.done $0x0  }
0x168: {  	s12 =	simm.s32 $0x0;
	s14 =	rddreg [dreg:$0x11];
	[sflag:s24] =	ssyncadd.s32 $0xFFFFE800  }
0x169: {  	[tilespmem:s12], [sflag:$0xD] =	stream.linear.gather [hbm4b:s14+s12], $0x1320, $0x38;
	[tilespmem:$0x1FF00] =	vst v63  }
0x16a: {  	_ =	swait.ge [sflag:s11], $0x1320  }
0x16b: {  	[sflag:s11] =	ssyncset.done $0x0  }
0x16c: {  	s25 =	simm.s32 $0x1440;
	s14 =	rddreg [dreg:$0x12];
	[sflag:s11] =	ssyncadd.s32 $0xFFFFECE0  }
0x16d: {  	[tilespmem:s25], [sflag:$0xD] =	stream.linear.gather [hbm4b:s14+s12], $0x1320, $0x38;
	[tilespmem:$0x1FF00] =	vst v63  }
0x16e: {  	_ =	swait.ge [sflag:s11], $0x1320  }
0x16f: {  	[sflag:s11] =	ssyncset.done $0x0  }
0x170: {  	[sflag:s11] =	ssyncadd.s32 $0xFFFFECE0  }
0x171: {  	[tilespmem:s26], [sflag:$0x1] =	stream.indirect.gather [hbm4b:s1+s13], $0x80, s12, s13, $0xb8;
	[tilespmem:$0x1FF00] =	vst v63  }
0x172: {  	_ = 	snop  }
0x173: {  	[tilespmem:s28], [sflag:$0x2] =	stream.indirect.gather [hbm4b:s1+s13], $0x80, s13, s13, $0xb8;
	[tilespmem:$0x1FF00] =	vst v63  }
0x174: {  	s14 =	simm.s32 $0x60  }
0x175: {  	[tilespmem:s29], [sflag:$0x3] =	stream.indirect.gather [hbm4b:s1+s13], $0x80, s14, s13, $0xb8;
	[tilespmem:$0x1FF00] =	vst v63  }
0x176: {  	_ = 	snop  }
0x177: {  	[tilespmem:s30], [sflag:$0x4] =	stream.indirect.gather [hbm4b:s1+s13], $0x80, s15, s13, $0xb8;
	[tilespmem:$0x1FF00] =	vst v63  }
0x178: {  	_ = 	snop  }
0x179: {  	[tilespmem:s31], [sflag:$0x5] =	stream.indirect.gather [hbm4b:s1+s13], $0x80, s16, s13, $0xb8;
	[tilespmem:$0x1FF00] =	vst v63  }
0x17a: {  	_ = 	snop  }
0x17b: {  	[tilespmem:s0], [sflag:$0x6] =	stream.indirect.gather [hbm4b:s1+s13], $0x80, s17, s13, $0xb8;
	[tilespmem:$0x1FF00] =	vst v63  }
0x17c: {  	_ =	swait.ge [sflag:s3], $0x1800  }
0x17d: {  	[sflag:s3] =	ssyncset.done $0x0  }
0x17e: {  	s25 =	simm.s32 $0x1440;
	[sflag:s3] =	ssyncadd.s32 $0xFFFFE800  }
0x17f: {  	[spmem:s2] =	stream.indirect.scatter.add.f32 [tilespmem:s26], [sflag:$0x7], $0x80, s25, s13, $0xb8;
	[tilespmem:$0x1FF00] =	vst v63  }
0x180: {  	_ =	swait.ge [sflag:s6], $0x1800  }
0x181: {  	[sflag:s6] =	ssyncset.done $0x0  }
0x182: {  	s14 =	simm.s32 $0x1470;
	[sflag:s6] =	ssyncadd.s32 $0xFFFFE800  }
0x183: {  	[spmem:s2] =	stream.indirect.scatter.add.f32 [tilespmem:s28], [sflag:$0x8], $0x80, s14, s13, $0xb8;
	[tilespmem:$0x1FF00] =	vst v63  }
0x184: {  	_ =	swait.ge [sflag:s7], $0x1800  }
0x185: {  	[sflag:s7] =	ssyncset.done $0x0  }
0x186: {  	s25 =	simm.s32 $0x14A0;
	[sflag:s7] =	ssyncadd.s32 $0xFFFFE800  }
0x187: {  	[spmem:s2] =	stream.indirect.scatter.add.f32 [tilespmem:s29], [sflag:$0x9], $0x80, s25, s13, $0xb8;
	[tilespmem:$0x1FF00] =	vst v63  }
0x188: {  	_ =	swait.ge [sflag:s8], $0x1800  }
0x189: {  	[sflag:s8] =	ssyncset.done $0x0  }
0x18a: {  	s14 =	simm.s32 $0x14D0;
	[sflag:s8] =	ssyncadd.s32 $0xFFFFE800  }
0x18b: {  	[spmem:s2] =	stream.indirect.scatter.add.f32 [tilespmem:s30], [sflag:$0xA], $0x80, s14, s13, $0xb8;
	[tilespmem:$0x1FF00] =	vst v63  }
0x18c: {  	_ =	swait.ge [sflag:s9], $0x1800  }
0x18d: {  	[sflag:s9] =	ssyncset.done $0x0  }
0x18e: {  	s25 =	simm.s32 $0x1500;
	[sflag:s9] =	ssyncadd.s32 $0xFFFFE800  }
0x18f: {  	[spmem:s2] =	stream.indirect.scatter.add.f32 [tilespmem:s31], [sflag:$0xB], $0x80, s25, s13, $0xb8;
	[tilespmem:$0x1FF00] =	vst v63  }
0x190: {  	_ =	swait.ge [sflag:s10], $0x1800  }
0x191: {  	[sflag:s10] =	ssyncset.done $0x0  }
0x192: {  	s14 =	simm.s32 $0x1530;
	[sflag:s10] =	ssyncadd.s32 $0xFFFFE800  }
0x193: {  	[spmem:s2] =	stream.indirect.scatter.add.f32 [tilespmem:s0], [sflag:$0xC], $0x80, s14, s13, $0xb8;
	[tilespmem:$0x1FF00] =	vst v63  }
0x194: {  	_ =	swait.ge [sflag:s18], $0x1800  }
0x195: {  	[sflag:s18] =	ssyncset.done $0x0  }
0x196: {  	s25 =	simm.s32 $0x120;
	[sflag:s18] =	ssyncadd.s32 $0xFFFFE800  }
0x197: {  	[tilespmem:s26], [sflag:$0x1] =	stream.indirect.gather [hbm4b:s1+s13], $0x80, s25, s13, $0xb8;
	[tilespmem:$0x1FF00] =	vst v63  }
0x198: {  	_ =	swait.ge [sflag:s19], $0x1800  }
0x199: {  	[sflag:s19] =	ssyncset.done $0x0  }
0x19a: {  	s14 =	simm.s32 $0x150;
	[sflag:s19] =	ssyncadd.s32 $0xFFFFE800  }
0x19b: {  	[tilespmem:s28], [sflag:$0x2] =	stream.indirect.gather [hbm4b:s1+s13], $0x80, s14, s13, $0xb8;
	[tilespmem:$0x1FF00] =	vst v63  }
0x19c: {  	_ =	swait.ge [sflag:s20], $0x1800  }
0x19d: {  	[sflag:s20] =	ssyncset.done $0x0  }
0x19e: {  	s25 =	simm.s32 $0x180;
	[sflag:s20] =	ssyncadd.s32 $0xFFFFE800  }
0x19f: {  	[tilespmem:s29], [sflag:$0x3] =	stream.indirect.gather [hbm4b:s1+s13], $0x80, s25, s13, $0xb8;
	[tilespmem:$0x1FF00] =	vst v63  }
0x1a0: {  	_ =	swait.ge [sflag:s21], $0x1800  }
0x1a1: {  	[sflag:s21] =	ssyncset.done $0x0  }
0x1a2: {  	s14 =	simm.s32 $0x1B0;
	[sflag:s21] =	ssyncadd.s32 $0xFFFFE800  }
0x1a3: {  	[tilespmem:s30], [sflag:$0x4] =	stream.indirect.gather [hbm4b:s1+s13], $0x80, s14, s13, $0xb8;
	[tilespmem:$0x1FF00] =	vst v63  }
0x1a4: {  	_ =	swait.ge [sflag:s22], $0x1800  }
0x1a5: {  	[sflag:s22] =	ssyncset.done $0x0  }
0x1a6: {  	s25 =	simm.s32 $0x1E0;
	[sflag:s22] =	ssyncadd.s32 $0xFFFFE800  }
0x1a7: {  	[tilespmem:s31], [sflag:$0x5] =	stream.indirect.gather [hbm4b:s1+s13], $0x80, s25, s13, $0xb8;
	[tilespmem:$0x1FF00] =	vst v63  }
0x1a8: {  	_ =	swait.ge [sflag:s24], $0x1800  }
0x1a9: {  	[sflag:s24] =	ssyncset.done $0x0  }
0x1aa: {  	s12 =	simm.s32 $0x210;
	s25 =	simm.s32 $0x480;
	[sflag:s24] =	ssyncadd.s32 $0xFFFFE800  }
.LBB2_16:
0x1ab: {  	[tilespmem:s0], [sflag:$0x6] =	stream.indirect.gather [hbm4b:s1+s13], $0x80, s12, s13, $0xb8;
	[tilespmem:$0x1FF00] =	vst v63  }
0x1ac: {  	s12 =	smov.u32 s25  }
0x1ad: {  	p1 =	sne.s32 s25, $0x4380;
	s25 =	sadd.s32 $0x480, s25;
	_ =	swait.ge [sflag:s3], $0x1800  }
0x1ae: {  	s12 =	sshra.s32 s12, $0x2;
	[sflag:s3] =	ssyncset.done $0x0  }
0x1af: {  	s14 =	sadd.s32 $0x1440, s12;
	[sflag:s3] =	ssyncadd.s32 $0xFFFFE800  }
0x1b0: {  	[spmem:s2] =	stream.indirect.scatter.add.f32 [tilespmem:s26], [sflag:$0x7], $0x80, s14, s13, $0xb8;
	[tilespmem:$0x1FF00] =	vst v63  }
0x1b1: {  	_ =	swait.ge [sflag:s6], $0x1800  }
0x1b2: {  	[sflag:s6] =	ssyncset.done $0x0  }
0x1b3: {  	s14 =	sadd.s32 $0x1470, s12;
	[sflag:s6] =	ssyncadd.s32 $0xFFFFE800  }
0x1b4: {  	[spmem:s2] =	stream.indirect.scatter.add.f32 [tilespmem:s28], [sflag:$0x8], $0x80, s14, s13, $0xb8;
	[tilespmem:$0x1FF00] =	vst v63  }
0x1b5: {  	_ =	swait.ge [sflag:s7], $0x1800  }
0x1b6: {  	[sflag:s7] =	ssyncset.done $0x0  }
0x1b7: {  	s14 =	sadd.s32 $0x14A0, s12;
	[sflag:s7] =	ssyncadd.s32 $0xFFFFE800  }
0x1b8: {  	[spmem:s2] =	stream.indirect.scatter.add.f32 [tilespmem:s29], [sflag:$0x9], $0x80, s14, s13, $0xb8;
	[tilespmem:$0x1FF00] =	vst v63  }
0x1b9: {  	_ =	swait.ge [sflag:s8], $0x1800  }
0x1ba: {  	[sflag:s8] =	ssyncset.done $0x0  }
0x1bb: {  	s14 =	sadd.s32 $0x14D0, s12;
	[sflag:s8] =	ssyncadd.s32 $0xFFFFE800  }
0x1bc: {  	[spmem:s2] =	stream.indirect.scatter.add.f32 [tilespmem:s30], [sflag:$0xA], $0x80, s14, s13, $0xb8;
	[tilespmem:$0x1FF00] =	vst v63  }
0x1bd: {  	_ =	swait.ge [sflag:s9], $0x1800  }
0x1be: {  	[sflag:s9] =	ssyncset.done $0x0  }
0x1bf: {  	s14 =	sadd.s32 $0x1500, s12;
	[sflag:s9] =	ssyncadd.s32 $0xFFFFE800  }
0x1c0: {  	[spmem:s2] =	stream.indirect.scatter.add.f32 [tilespmem:s31], [sflag:$0xB], $0x80, s14, s13, $0xb8;
	[tilespmem:$0x1FF00] =	vst v63  }
0x1c1: {  	_ =	swait.ge [sflag:s10], $0x1800  }
0x1c2: {  	[sflag:s10] =	ssyncset.done $0x0  }
0x1c3: {  	s14 =	sadd.s32 $0x1530, s12;
	[sflag:s10] =	ssyncadd.s32 $0xFFFFE800  }
0x1c4: {  	[spmem:s2] =	stream.indirect.scatter.add.f32 [tilespmem:s0], [sflag:$0xC], $0x80, s14, s13, $0xb8;
	[tilespmem:$0x1FF00] =	vst v63  }
0x1c5: {  	_ =	swait.ge [sflag:s18], $0x1800  }
0x1c6: {  	[sflag:s18] =	ssyncset.done $0x0  }
0x1c7: {  	s14 =	sadd.s32 $0x120, s12;
	[sflag:s18] =	ssyncadd.s32 $0xFFFFE800  }
0x1c8: {  	[tilespmem:s26], [sflag:$0x1] =	stream.indirect.gather [hbm4b:s1+s13], $0x80, s14, s13, $0xb8;
	[tilespmem:$0x1FF00] =	vst v63  }
0x1c9: {  	_ =	swait.ge [sflag:s19], $0x1800  }
0x1ca: {  	[sflag:s19] =	ssyncset.done $0x0  }
0x1cb: {  	s14 =	sadd.s32 $0x150, s12;
	[sflag:s19] =	ssyncadd.s32 $0xFFFFE800  }
0x1cc: {  	[tilespmem:s28], [sflag:$0x2] =	stream.indirect.gather [hbm4b:s1+s13], $0x80, s14, s13, $0xb8;
	[tilespmem:$0x1FF00] =	vst v63  }
0x1cd: {  	_ =	swait.ge [sflag:s20], $0x1800  }
0x1ce: {  	[sflag:s20] =	ssyncset.done $0x0  }
0x1cf: {  	s14 =	sadd.s32 $0x180, s12;
	[sflag:s20] =	ssyncadd.s32 $0xFFFFE800  }
0x1d0: {  	[tilespmem:s29], [sflag:$0x3] =	stream.indirect.gather [hbm4b:s1+s13], $0x80, s14, s13, $0xb8;
	[tilespmem:$0x1FF00] =	vst v63  }
0x1d1: {  	_ =	swait.ge [sflag:s21], $0x1800  }
0x1d2: {  	[sflag:s21] =	ssyncset.done $0x0  }
0x1d3: {  	s14 =	sadd.s32 $0x1B0, s12;
	[sflag:s21] =	ssyncadd.s32 $0xFFFFE800  }
0x1d4: {  	[tilespmem:s30], [sflag:$0x4] =	stream.indirect.gather [hbm4b:s1+s13], $0x80, s14, s13, $0xb8;
	[tilespmem:$0x1FF00] =	vst v63  }
0x1d5: {  	_ =	swait.ge [sflag:s22], $0x1800  }
0x1d6: {  	[sflag:s22] =	ssyncset.done $0x0  }
.Ltmp7:
0x1d7: {  	s14 =	sadd.s32 $0x1E0, s12;
	[sflag:s22] =	ssyncadd.s32 $0xFFFFE800;
	(pc) =	sbr.rel @p1 .LBB2_16-.Ltmp7, $4  }
0x1d8: {  	[tilespmem:s31], [sflag:$0x5] =	stream.indirect.gather [hbm4b:s1+s13], $0x80, s14, s13, $0xb8;
	[tilespmem:$0x1FF00] =	vst v63  }
0x1d9: {  	_ =	swait.ge [sflag:s24], $0x1800  }
0x1da: {  	[sflag:s24] =	ssyncset.done $0x0  }
0x1db: {  	s12 =	sadd.s32 $0x210, s12;
	[sflag:s24] =	ssyncadd.s32 $0xFFFFE800  }
0x1dc: {  	[tilespmem:s0], [sflag:$0x6] =	stream.indirect.gather [hbm4b:s1+s13], $0x80, s12, s13, $0xb8;
	[tilespmem:$0x1FF00] =	vst v63  }
0x1dd: {  	_ =	swait.ge [sflag:s3], $0x1800  }
0x1de: {  	[sflag:s3] =	ssyncset.done $0x0  }
0x1df: {  	s14 =	simm.s32 $0x2640;
	[sflag:s3] =	ssyncadd.s32 $0xFFFFE800  }
0x1e0: {  	[spmem:s2] =	stream.indirect.scatter.add.f32 [tilespmem:s26], [sflag:$0x7], $0x80, s14, s13, $0xb8;
	[tilespmem:$0x1FF00] =	vst v63  }
0x1e1: {  	_ =	swait.ge [sflag:s6], $0x1800  }
0x1e2: {  	[sflag:s6] =	ssyncset.done $0x0  }
0x1e3: {  	s25 =	simm.s32 $0x2670;
	[sflag:s6] =	ssyncadd.s32 $0xFFFFE800  }
0x1e4: {  	[spmem:s2] =	stream.indirect.scatter.add.f32 [tilespmem:s28], [sflag:$0x8], $0x80, s25, s13, $0xb8;
	[tilespmem:$0x1FF00] =	vst v63  }
0x1e5: {  	_ =	swait.ge [sflag:s7], $0x1800  }
0x1e6: {  	[sflag:s7] =	ssyncset.done $0x0  }
0x1e7: {  	s14 =	simm.s32 $0x26A0;
	[sflag:s7] =	ssyncadd.s32 $0xFFFFE800  }
0x1e8: {  	[spmem:s2] =	stream.indirect.scatter.add.f32 [tilespmem:s29], [sflag:$0x9], $0x80, s14, s13, $0xb8;
	[tilespmem:$0x1FF00] =	vst v63  }
0x1e9: {  	_ =	swait.ge [sflag:s8], $0x1800  }
0x1ea: {  	[sflag:s8] =	ssyncset.done $0x0  }
0x1eb: {  	s25 =	simm.s32 $0x26D0;
	[sflag:s8] =	ssyncadd.s32 $0xFFFFE800  }
0x1ec: {  	[spmem:s2] =	stream.indirect.scatter.add.f32 [tilespmem:s30], [sflag:$0xA], $0x80, s25, s13, $0xb8;
	[tilespmem:$0x1FF00] =	vst v63  }
0x1ed: {  	_ =	swait.ge [sflag:s9], $0x1800  }
0x1ee: {  	[sflag:s9] =	ssyncset.done $0x0  }
0x1ef: {  	s14 =	simm.s32 $0x2700;
	[sflag:s9] =	ssyncadd.s32 $0xFFFFE800  }
0x1f0: {  	[spmem:s2] =	stream.indirect.scatter.add.f32 [tilespmem:s31], [sflag:$0xB], $0x80, s14, s13, $0xb8;
	[tilespmem:$0x1FF00] =	vst v63  }
0x1f1: {  	_ =	swait.ge [sflag:s10], $0x1800  }
0x1f2: {  	[sflag:s10] =	ssyncset.done $0x0  }
0x1f3: {  	s25 =	simm.s32 $0x2730;
	[sflag:s10] =	ssyncadd.s32 $0xFFFFE800  }
0x1f4: {  	[spmem:s2] =	stream.indirect.scatter.add.f32 [tilespmem:s0], [sflag:$0xC], $0x80, s25, s13, $0xb8;
	[tilespmem:$0x1FF00] =	vst v63  }
0x1f5: {  	_ =	swait.ge [sflag:s18], $0x1800  }
0x1f6: {  	[sflag:s18] =	ssyncset.done $0x0  }
0x1f7: {  	[sflag:s18] =	ssyncadd.s32 $0xFFFFE800  }
0x1f8: {  	_ =	swait.ge [sflag:s19], $0x1800  }
0x1f9: {  	[sflag:s19] =	ssyncset.done $0x0  }
0x1fa: {  	[sflag:s19] =	ssyncadd.s32 $0xFFFFE800  }
0x1fb: {  	_ =	swait.ge [sflag:s20], $0x1800  }
0x1fc: {  	[sflag:s20] =	ssyncset.done $0x0  }
0x1fd: {  	[sflag:s20] =	ssyncadd.s32 $0xFFFFE800  }
0x1fe: {  	_ =	swait.ge [sflag:s21], $0x1800  }
0x1ff: {  	[sflag:s21] =	ssyncset.done $0x0  }
0x200: {  	[sflag:s21] =	ssyncadd.s32 $0xFFFFE800  }
0x201: {  	_ =	swait.ge [sflag:s22], $0x1800  }
0x202: {  	[sflag:s22] =	ssyncset.done $0x0  }
0x203: {  	[sflag:s22] =	ssyncadd.s32 $0xFFFFE800  }
0x204: {  	_ =	swait.ge [sflag:s24], $0x1800  }
0x205: {  	[sflag:s24] =	ssyncset.done $0x0  }
0x206: {  	s14 =	stileid.u32;
	[sflag:s24] =	ssyncadd.s32 $0xFFFFE800  }
0x207: {  	s12 =	sshll.u32 s14, $0x6;
	[bflag:$0x0] =	sbarrier.arrive $0xFFFF  }
0x208: {  	s14 =	sshrl.u32 s5, $0x3;
	s12 =	sor.u32 $0x1C0D, s12;
	s25 =	rddreg [dreg:$0x15]  }
0x209: {  	[hbm:s25], [sflag:s12] =	dma.local [spmem:s14], $0x2700  }
0x20a: {  	_ =	swait.ge [sflag:s11], $0x2700  }
0x20b: {  	[sflag:s11] =	ssyncset.done $0x0  }
0x20c: {  	s14 =	sshrl.u32 @!p0 s23, $0x3;
	s25 =	rddreg [dreg:$0x16];
	[sflag:s11] =	ssyncadd.s32 $0xFFFFD900  }
0x20d: {  	[hbm:s25], [sflag:s12] =	dma.local @!p0 [spmem:s14], $0x100  }
0x20e: {  	s12 =	simm.s32 @!p0 $0xD  }
0x20f: {  	_ =	swait.ge @!p0 [sflag:s12], $0x100  }
0x210: {  	s4 =	sadd.s32 $0x1, s4;
	s25 =	rddreg [dreg:$0x17]  }
0x211: {  	p1 =	sne.s32 s4, s25  }
.Ltmp8:
0x212: {  	_ = 	snop;
	(pc) =	sbr.rel @p1 .LBB2_1-.Ltmp8, $3  }
0x213: {  	_ =	sdelay $0x1  }
0x214: {  	[sflag:s12] =	ssyncset.done @!p0 $0x0  }
0x215: {  	[sflag:s12] =	ssyncadd.s32 @!p0 $0xFFFFFF00  }
0x216: {  	_ =	sfence.sel $0x180000  }
0x217: {  	[bflag:$0x0] =	sbarrier.arrive $0xFFFF  }
0x218: {  	_ =	strace $0x9000004D  }
0x219: {  	s0 =	stileid.u32;
	[bflag:$0x2] =	sbarrier.arrive $0xFFFF  }
0x21a: {  	p0 =	sne.s32 s0, $0x0;
	s0 =	rddreg [dreg:$0x4]  }
0x21b: {  	s0 =	sadd.s32 @!p0 $0x100000, s0  }
0x21c: {  	[sflag:s0] =	ssyncadd.tile.s32 @!p0 $0x1;
	_ =	shalt  }
.Lfunc_end2:
_tile_overlayer_lowered:
.L_overlay_start_2:
0x21d: {  	(tag) =	ssettag $0x2  }
0x21e: {  	s0 =	rddreg [dreg:$0x0];
	s2 =	stileid.u32  }
0x21f: {  	s1 =	rddreg [dreg:$0x1];
	p0 =	sne.s32 s2, $0x0  }
0x220: {  	s3 =	rddreg [dreg:$0x2];
	[bflag:$0x3] =	sbarrier.arrive $0xFFFF;
	s2 =	simm.s32 @!p0 $0x1C0D  }
0x221: {  	[timem:s3], [sflag:s2] =	dma.local @!p0 [hbm:s0], s1  }
0x222: {  	s0 =	simm.s32 @!p0 $0xD  }
0x223: {  	_ =	swait.ge @!p0 [sflag:s0], s1  }
0x224: {  	s1 =	ssub.s32 @!p0 $0x0, s1;
	[sflag:s0] =	ssyncset.done @!p0 $0x0  }
0x225: {  	[sflag:s0] =	ssyncadd.s32 @!p0 s1  }
0x226: {  	[bflag:$0x3] =	sbarrier.arrive $0xFFFF  }
0x227: {  	_ =	shalt  }

// kernel: kernel.8.cloned.1.call-start
scs
__scs_entry_jumppad:
0x0: {  	(pc) =	sbr.rel $0x88, $3  }
0x1: {  	(tag) =	ssettag $0x0;
	lr =	simm.s32 $0x1  }
0x2: {  	[smem:$0x3F99] =	sst lr;
	_ =	strace $0xD0000000  }
0x3: {  	_ = 	snop  }
0x4: {  	_ = 	snop  }
0x5: {  	_ = 	snop  }
0x6: {  	_ = 	snop  }
0x7: {  	_ = 	snop  }
__scs_overlays_trampoline_lowered:
0x8: {  	[smem:$0x3FA8] =	sst s0  }
0x9: {  	[smem:$0x3FA9] =	sst s1  }
0xa: {  	[smem:$0x3FAA] =	sst s2  }
0xb: {  	[smem:$0x3FAB] =	sst s3  }
0xc: {  	[smem:$0x3FAC] =	sst s4  }
0xd: {  	[smem:$0x3FAD] =	sst s5  }
0xe: {  	[smem:$0x3FAE] =	sst s6  }
0xf: {  	[smem:$0x3FAF] =	sst s7  }
0x10: {  	[smem:$0x3FB0] =	sst s8  }
0x11: {  	[smem:$0x3FB1] =	sst s9;
	s0 =	simm.s32 @!p0 $0x0  }
0x12: {  	s1 =	sld [smem:$0x3F97];
	s0 =	simm.s32 @p0 $0x1  }
0x13: {  	[smem:$0x3FB2] =	sst s0;
	s0 =	simm.s32 @!p1 $0x0  }
0x14: {  	s2 =	sld [smem:$0x3F96];
	s0 =	simm.s32 @p1 $0x1  }
0x15: {  	[smem:$0x3FB3] =	sst s0;
	s0 =	simm.s32 @!p2 $0x0  }
0x16: {  	s3 =	sld [smem:$0x3FDB];
	s0 =	simm.s32 @p2 $0x1  }
0x17: {  	s4 =	simm.s32 $0x1BF5;
	[smem:$0x3FB5] =	sst s0  }
0x18: {  	s0 =	sld [smem:$0x3F98];
	_ =	swait.ge [sflag:s4], $0x0  }
0x19: {  	s7 =	sld [smem:$0x3F99]  }
0x1a: {  	s8 =	sadd.s32 $0xFFFFE003, lr  }
0x1b: {  	s9 =	sadd.s32 $0xFFFFFEF7, lr;
	s5 =	simm.s32 $0xFFFFFFFF;
	p2 =	slt.u32 s8, $0xFFFFF086  }
0x1c: {  	p1 =	slt.u32 s9, $0xF7A;
	s5 =	simm.s32 @!p2 $0x0  }
0x1d: {  	s5 =	simm.s32 @p1 $0x1;
	p0 =	seq.s32 s7, s2  }
0x1e: {  	s7 =	smul.u32 @!p0 $0xF7A, s2;
	p2 =	seq.s32 @!p0 s5, $0x0  }
0x1f: {  	s9 =	smul.u32 $0xF7A, s1;
	s8 =	simm.s32 @!p0 $0x1BF5;
	p2 =	por !p2, p0  }
0x20: {  	[sflag:s8] =	ssyncset.s32 @!p0 $0xFFFFF086;
	s6 =	sadd.s32 @!p0 s3, s7;
	s7 =	simm.s32 @!p0 $0x108  }
0x21: {  	s3 =	sadd.s32 s3, s9;
	s6 =	sadd.s32 @!p0 $0x88, s6;
	s7 =	simm.s32 @p2 $0x1082  }
0x22: {  	[simem:s7], [sflag:s8] =	dma.local @!p0 [hbm:s6], $0xF7A  }
0x23: {  	s9 =	sor.u32 $0xD0000000, s2;
	s6 =	simm.s32 $0x108;
	_ =	swait.ge @!p0 [sflag:s8], $0x0  }
0x24: {  	s3 =	sadd.s32 $0x88, s3;
	s6 =	simm.s32 @!p1 $0x1082;
	[sflag:s4] =	ssyncset.s32 $0xFFFFF086  }
0x25: {  	[simem:s6], [sflag:s4] =	dma.local [hbm:s3], $0xF7A  }
0x26: {  	[smem:$0x3F99] =	sst s1;
	(tag) =	ssettag s2;
	_ =	strace s9  }
0x27: {  	s1 =	sld [smem:$0x3FA9]  }
0x28: {  	s2 =	sld [smem:$0x3FAA]  }
0x29: {  	s4 =	sld [smem:$0x3FAC]  }
0x2a: {  	p0 =	seq.s32 s5, $0x0;
	s5 =	sld [smem:$0x3FAD]  }
0x2b: {  	s6 =	sld [smem:$0x3FAE]  }
0x2c: {  	s7 =	sld [smem:$0x3FAF]  }
0x2d: {  	s3 =	simm.s32 $0x108;
	s8 =	sld [smem:$0x3FB0]  }
0x2e: {  	s3 =	simm.s32 @!p0 $0x1082;
	s9 =	sld [smem:$0x3FB1]  }
0x2f: {  	lr =	sadd.s32 s0, s3;
	s0 =	sld [smem:$0x3FA8]  }
0x30: {  	s3 =	sld [smem:$0x3FAB]  }
0x31: {  	[smem:$0x3FB4] =	sst s10  }
0x32: {  	s10 =	sld [smem:$0x3FB2];
	_ =	sdelay $0x3  }
0x33: {  	p0 =	seq.s32 s10, $0x1;
	s10 =	sld [smem:$0x3FB4];
	_ =	sdelay $0x3  }
0x34: {  	[smem:$0x3FB4] =	sst s10  }
0x35: {  	s10 =	sld [smem:$0x3FB3];
	_ =	sdelay $0x3  }
0x36: {  	p1 =	seq.s32 s10, $0x1;
	s10 =	sld [smem:$0x3FB4];
	_ =	sdelay $0x3  }
0x37: {  	[smem:$0x3FB4] =	sst s10  }
0x38: {  	s10 =	sld [smem:$0x3FB5]  }
0x39: {  	_ = 	snop;
	(pc) =	sbr.ind lr, $3  }
0x3a: {  	_ = 	snop  }
0x3b: {  	_ = 	snop  }
0x3c: {  	p2 =	seq.s32 s10, $0x1;
	s10 =	sld [smem:$0x3FB4]  }
0x3d: {  	_ =	shalt  }
0x3e: {  	_ =	shalt  }
0x3f: {  	_ =	shalt  }
0x40: {  	_ =	shalt  }
0x41: {  	_ =	shalt  }
0x42: {  	_ =	shalt  }
0x43: {  	_ =	shalt  }
0x44: {  	_ =	shalt  }
0x45: {  	_ =	shalt  }
0x46: {  	_ =	shalt  }
0x47: {  	_ =	shalt  }
0x48: {  	_ =	shalt  }
0x49: {  	_ =	shalt  }
0x4a: {  	_ =	shalt  }
0x4b: {  	_ =	shalt  }
0x4c: {  	_ =	shalt  }
0x4d: {  	_ =	shalt  }
0x4e: {  	_ =	shalt  }
0x4f: {  	_ =	shalt  }
0x50: {  	_ =	shalt  }
0x51: {  	_ =	shalt  }
0x52: {  	_ =	shalt  }
0x53: {  	_ =	shalt  }
0x54: {  	_ =	shalt  }
0x55: {  	_ =	shalt  }
0x56: {  	_ =	shalt  }
0x57: {  	_ =	shalt  }
0x58: {  	_ =	shalt  }
0x59: {  	_ =	shalt  }
0x5a: {  	_ =	shalt  }
0x5b: {  	_ =	shalt  }
0x5c: {  	_ =	shalt  }
0x5d: {  	_ =	shalt  }
0x5e: {  	_ =	shalt  }
0x5f: {  	_ =	shalt  }
0x60: {  	_ =	shalt  }
0x61: {  	_ =	shalt  }
0x62: {  	_ =	shalt  }
0x63: {  	_ =	shalt  }
0x64: {  	_ =	shalt  }
0x65: {  	_ =	shalt  }
0x66: {  	_ =	shalt  }
0x67: {  	_ =	shalt  }
0x68: {  	_ =	shalt  }
0x69: {  	_ =	shalt  }
0x6a: {  	_ =	shalt  }
0x6b: {  	_ =	shalt  }
0x6c: {  	_ =	shalt  }
0x6d: {  	_ =	shalt  }
0x6e: {  	_ =	shalt  }
0x6f: {  	_ =	shalt  }
0x70: {  	_ =	shalt  }
0x71: {  	_ =	shalt  }
0x72: {  	_ =	shalt  }
0x73: {  	_ =	shalt  }
0x74: {  	_ =	shalt  }
0x75: {  	_ =	shalt  }
0x76: {  	_ =	shalt  }
0x77: {  	_ =	shalt  }
0x78: {  	_ =	shalt  }
0x79: {  	_ =	shalt  }
0x7a: {  	_ =	shalt  }
0x7b: {  	_ =	shalt  }
0x7c: {  	_ =	shalt  }
0x7d: {  	_ =	shalt  }
0x7e: {  	_ =	shalt  }
0x7f: {  	_ =	shalt  }
0x80: {  	_ =	shalt  }
0x81: {  	_ =	shalt  }
0x82: {  	_ =	shalt  }
0x83: {  	_ =	shalt  }
0x84: {  	_ =	shalt  }
0x85: {  	_ =	shalt  }
0x86: {  	_ =	shalt  }
0x87: {  	_ =	shalt  }
.Lfunc_end0:
.L_simem_size_0:
called_computation_lowered:
.L_overlay_start_0:
0x88: {  	s2 =	sld [smem:$0x3FD9]  }
0x89: {  	s3 =	sld [smem:$0x3FFE];
	_ =	sdelay $0x1  }
0x8a: {  	s1 =	srdreg.scid  }
0x8b: {  	s0 =	sand.u32 $0x1, s1  }
0x8c: {  	s15 =	sshll.u32 s0, $0xA;
	s2 =	sadd.s32 s3, s2  }
0x8d: {  	s2 =	sadd.s32 s2, s15  }
0x8e: {  	[smem:$0x3FC0] =	sst s2  }
0x8f: {  	_ = 	snop  }
0x90: {  	s2 =	sld [smem:$0x3FD0];
	_ =	sdelay $0x2  }
0x91: {  	s16 =	simm.s32 $0xA;
	s4 =	simm.s32 $0x10  }
0x92: {  	[smem:s4], [sflag:s16] =	dma.local [hbm:s2], $0x1  }
0x93: {  	_ =	swait.eq [sflag:s16], $0x1  }
0x94: {  	[sflag:s16] =	ssyncset.done $0x0  }
0x95: {  	s17 =	sld [smem:$0x10];
	[sflag:s16] =	ssyncadd.s32 $0xFFFFFFFF  }
0x96: {  	s18 =	sld [smem:$0x11];
	(tm) =	ssettm $0x1  }
0x97: {  	s19 =	sld [smem:$0x3FFB];
	_ =	sdelay $0x3  }
0x98: {  	_ =	strace s19  }
0x99: {  	s4 =	sld [smem:$0x3FFC];
	_ =	sdelay $0x3  }
0x9a: {  	_ =	strace s4  }
0x9b: {  	s4 =	sld [smem:$0x3FFD];
	_ =	sdelay $0x3  }
0x9c: {  	_ =	strace s4  }
0x9d: {  	_ =	strace $0x8FFFFFFF  }
0x9e: {  	s20 =	sld [smem:$0x3FDB];
	_ =	sdelay $0x1  }
0x9f: {  	s5 =	simm.s32 $_scs_section_size  }
0xa0: {  	s6 =	simm.s32 $_size__tile_overlayer_lowered;
	s7 =	simm.s32 $_tile_overlayer_lowered  }
0xa1: {  	s23 =	simm.s32 $0x1BFF;
	s22 =	sshll.u32 s7, $0x1;
	s4 =	sadd.s32 s5, s20  }
0xa2: {  	s8 =	simm.s32 $0x0;
	s21 =	sshll.u32 s6, $0x1;
	s6 =	sadd.s32 s22, s4  }
0xa3: {  	[timem:s8], [sflag:s23] =	dma.local [hbm:s6], s21  }
0xa4: {  	_ =	swait.ge [sflag:s23], s21  }
0xa5: {  	s5 =	ssub.s32 $0x0, s21;
	[sflag:s23] =	ssyncset.done $0x0  }
0xa6: {  	[sflag:s23] =	ssyncadd.s32 s5;
	_ =	sdelay $0x1  }
0xa7: {  	s24 =	simm.s32 $0x1B8B  }
0xa8: {  	_ =	swait.ge [sflag:s24], $0x1  }
0xa9: {  	[sflag:s24] =	ssyncset.done $0x0  }
0xaa: {  	s25 =	simm.s32 $0x1B8E;
	[sflag:s24] =	ssyncadd.s32 $0xFFFFFFFF  }
0xab: {  	s26 =	simm.s32 $execute0_lowered;
	[smem:$0x3FD2] =	sst s25  }
0xac: {  	s5 =	sshll.u32 s26, $0x1;
	_ =	strace $0x80000046;
	[dreg:$0x1] =	wrdreg $0xFFFFFFFF  }
0xad: {  	s28 =	simm.s32 $_size_execute0_lowered;
	s4 =	sadd.s32 s4, s5;
	[dreg:$0x0] =	wrdreg $0x0  }
0xae: {  	s5 =	sshll.u32 s28, $0x1;
	[dreg:$0x2] =	wrdreg s4  }
0xaf: {  	[dreg:$0x3] =	wrdreg s5  }
0xb0: {  	[dreg:$0x4] =	wrdreg $0xC0  }
0xb1: {  	_ =	task [dreg:s8], $0x5FFFF  }
0xb2: {  	[dreg:$0x1] =	wrdreg $0xFFFFFFFF  }
0xb3: {  	[dreg:$0x0] =	wrdreg $0x60  }
0xb4: {  	[dreg:$0x2] =	wrdreg s17  }
0xb5: {  	[dreg:$0x3] =	wrdreg s18  }
0xb6: {  	[dreg:$0x4] =	wrdreg $0x37600  }
0xb7: {  	[dreg:$0x5] =	wrdreg $0x9  }
0xb8: {  	_ =	task.clear_ibuf [dreg:s8], $0x6FFFF;
	_ =	strace $0x90000046  }
0xb9: {  	s29 =	simm.s32 $0x9;
	_ =	strace $0x80000048  }
0xba: {  	_ =	swait.ge [sflag:s29], $0x1  }
0xbb: {  	[sflag:s29] =	ssyncadd.s32 $0xFFFFFFFF  }
0xbc: {  	_ =	strace $0x90000048  }
0xbd: {  	_ =	sfence  }
0xbe: {  	s30 =	sld [smem:$0x0];
	_ =	sdelay $0x2  }
0xbf: {  	s31 =	sshll.u32 s1, $0xD;
	s1 =	sshrl.u32 s1, $0x2  }
0xc0: {  	s3 =	sand.u32 $0x4000, s31;
	s1 =	sadd.s32 s1, s30  }
0xc1: {  	s0 =	sor.u32 s3, s0;
	s1 =	sshll.u32 s1, $0x11  }
0xc2: {  	s0 =	sor.u32 s1, s0  }
0xc3: {  	s0 =	sadd.s32 $0x8F2B, s0  }
0xc4: {  	[sflag:s0] =	ssyncadd.remote.s32 $0x1  }
0xc5: {  	_ =	sfence.sel $0xFFFF  }
0xc6: {  	[dreg:$0x0] =	wrdreg $0xFFFFFFFF;
	(pc) =	sbr.abs _section_cstart, $3  }
0xc7: {  	[dreg:$0x1] =	wrdreg $0xFFFFFFFF  }
0xc8: {  	_ =	task.clear_ibuf [dreg:s8], $0x2FFFF;
	_ =	strace $0x9FFFFFFF  }
0xc9: {  	(tm) =	ssettm $0x7FFFFFFF  }
tec
execute0_lowered:
.L_overlay_start_1:
0x0: {  	(tag) =	ssettag $0x1  }
0x1: {  	s8 =	rddreg [dreg:$0x0]  }
0x2: {  	s9 =	rddreg [dreg:$0x1]  }
0x3: {  	s1 =	rddreg [dreg:$0x2]  }
0x4: {  	s0 =	rddreg [dreg:$0x3];
	s3 =	simm.s32 $0x0;
	s4 =	srdreg.scid  }
0x5: {  	s2 =	stileid.u32;
	s14 =	simm.s32 $0x30;
	s15 =	simm.s32 $0x2760  }
0x6: {  	[smem:$0x7FF] =	sst s3;
	s5 =	sand.u32 $0x1, s4;
	s6 =	smul.u32 $0x9C00, s2  }
0x7: {  	s11 =	smul.u32 $0x2700, s2;
	p0 =	sne.s32 s2, $0xF;
	s16 =	sshll.u32 s2, $0x6  }
0x8: {  	_ =	strace $0x80000047;
	s4 =	ssub.s32 $0x2, s5;
	s10 =	sshll.u32 s5, $0x4  }
0x9: {  	s31 =	smul.u32 $0x27100, s5;
	s16 =	sor.u32 $0x1C01, s16;
	s7 =	sshrl.u32 s4, $0x1  }
0xa: {  	s30 =	sor.u32 s2, s10;
	s6 =	sshrl.u32 s6, $0x2;
	s12 =	ssub.s32 s4, s7  }
0xb: {  	s4 =	sadd.s32 s11, s1;
	s6 =	sadd.s32 s6, s1;
	s13 =	smul.u32 $0x4EC, s30  }
0xc: {  	s7 =	sadd.s32 $0x27000, s1;
	s11 =	sadd.s32 s11, s31;
	s10 =	sshrl.u32 s31, $0x3  }
0xd: {  	s5 =	sadd.s32 $0xD00, s6;
	s6 =	sadd.s32 $0x1A00, s6;
	s11 =	sshrl.u32 s11, $0x3  }
0xe: {  	s10 =	sadd.s32 s9, s10;
	s17 =	sshrl.u32 s4, $0x3;
	s18 =	sshrl.u32 @!p0 s7, $0x3  }
0xf: {  	s8 =	sadd.s32 s8, s13;
	s9 =	sadd.s32 s9, s11;
	s10 =	sadd.s32 $0x4E00, s10  }
0x10: {  	v0 =	vimm.f32 $1.000000000e+00;
	v1 =	vimm.f32 $0.0e+00;
	s11 =	smax.u32 s12, $0x1;
	s12 =	simm.s32 $0x2A60;
	s13 =	simm.s32 $0x1  }
.LBB2_1:
0x11: {  	[tilespmem:$0x2760] =	vst v0  }
0x12: {  	[tilespmem:$0x2770] =	vst v0  }
0x13: {  	[tilespmem:$0x2780] =	vst v0  }
0x14: {  	[tilespmem:$0x2790] =	vst v0  }
0x15: {  	[tilespmem:$0x27A0] =	vst v0  }
0x16: {  	[tilespmem:$0x27B0] =	vst v0  }
0x17: {  	[tilespmem:$0x27C0] =	vst v0  }
0x18: {  	[tilespmem:$0x27D0] =	vst v0  }
0x19: {  	[tilespmem:$0x27E0] =	vst v0  }
0x1a: {  	[tilespmem:$0x27F0] =	vst v0  }
0x1b: {  	[tilespmem:$0x2800] =	vst v0  }
0x1c: {  	[tilespmem:$0x2810] =	vst v0  }
0x1d: {  	[tilespmem:$0x2820] =	vst v0  }
0x1e: {  	[tilespmem:$0x2830] =	vst v0  }
0x1f: {  	[tilespmem:$0x2840] =	vst v0  }
0x20: {  	[tilespmem:$0x2850] =	vst v0  }
0x21: {  	[tilespmem:$0x2860] =	vst v0  }
0x22: {  	[tilespmem:$0x2870] =	vst v0  }
0x23: {  	[tilespmem:$0x2880] =	vst v0  }
0x24: {  	[tilespmem:$0x2890] =	vst v0  }
0x25: {  	[tilespmem:$0x28A0] =	vst v0  }
0x26: {  	[tilespmem:$0x28B0] =	vst v0  }
0x27: {  	[tilespmem:$0x28C0] =	vst v0  }
0x28: {  	[tilespmem:$0x28D0] =	vst v0  }
0x29: {  	[tilespmem:$0x28E0] =	vst v0  }
0x2a: {  	[tilespmem:$0x28F0] =	vst v0  }
0x2b: {  	[tilespmem:$0x2900] =	vst v0  }
0x2c: {  	[tilespmem:$0x2910] =	vst v0  }
0x2d: {  	[tilespmem:$0x2920] =	vst v0  }
0x2e: {  	[tilespmem:$0x2930] =	vst v0  }
0x2f: {  	[tilespmem:$0x2940] =	vst v0  }
0x30: {  	[tilespmem:$0x2950] =	vst v0  }
0x31: {  	[tilespmem:$0x2960] =	vst v0  }
0x32: {  	[tilespmem:$0x2970] =	vst v0  }
0x33: {  	[tilespmem:$0x2980] =	vst v0  }
0x34: {  	[tilespmem:$0x2990] =	vst v0  }
0x35: {  	[tilespmem:$0x29A0] =	vst v0  }
0x36: {  	[tilespmem:$0x29B0] =	vst v0  }
0x37: {  	[tilespmem:$0x29C0] =	vst v0  }
0x38: {  	[tilespmem:$0x29D0] =	vst v0  }
0x39: {  	[tilespmem:$0x29E0] =	vst v0  }
0x3a: {  	[tilespmem:$0x29F0] =	vst v0  }
0x3b: {  	[tilespmem:$0x2A00] =	vst v0  }
0x3c: {  	[tilespmem:$0x2A10] =	vst v0  }
0x3d: {  	[tilespmem:$0x2A20] =	vst v0  }
0x3e: {  	[tilespmem:$0x2A30] =	vst v0  }
0x3f: {  	[tilespmem:$0x2A40] =	vst v0  }
0x40: {  	[tilespmem:$0x2A50] =	vst v0;
	s19 =	simm.s32 $0x40;
	s20 =	simm.s32 $0x0  }
.LBB2_2:
0x41: {  	p1 =	sne.s32 s19, $0x33C0;
	[tilespmem:s20+$0x2A60] =	vst v1;
	s20 =	smov.u32 s19;
	s19 =	sadd.s32 $0x40, s19  }
.Ltmp0:
0x42: {  	(pc) =	sbr.rel @p1 .LBB2_2-.Ltmp0, $2  }
0x43: {  	_ =	sdelay $0x2  }
0x44: {  	s20 =	sshra.s32 s20, $0x2  }
0x45: {  	[tilespmem:s20+$0x2A60] =	vst v1  }
0x46: {  	[spmem:s4] =	stream.linear.scatter [tilespmem:s12], [sflag:$0x1], $0xD00, $0x38;
	[tilespmem:$0x6030] =	vst v63  }
0x47: {  	_ =	swait.ge [sflag:s13], $0xD00  }
0x48: {  	[sflag:s13] =	ssyncset.done $0x0  }
0x49: {  	[sflag:s13] =	ssyncadd.s32 $0xFFFFF300  }
0x4a: {  	[spmem:s5] =	stream.linear.scatter [tilespmem:s12], [sflag:$0x1], $0xD00, $0x38;
	[tilespmem:$0x6030] =	vst v63  }
0x4b: {  	_ =	swait.ge [sflag:s13], $0xD00  }
0x4c: {  	[sflag:s13] =	ssyncset.done $0x0  }
0x4d: {  	[sflag:s13] =	ssyncadd.s32 $0xFFFFF300  }
0x4e: {  	[spmem:s6] =	stream.linear.scatter [tilespmem:s12], [sflag:$0x1], $0xD00, $0x38;
	[tilespmem:$0x6030] =	vst v63  }
0x4f: {  	_ =	swait.ge [sflag:s13], $0xD00  }
0x50: {  	[sflag:s13] =	ssyncset.done $0x0  }
0x51: {  	s19 =	simm.s32 @!p0 $0x2A60;
	[sflag:s13] =	ssyncadd.s32 $0xFFFFF300  }
0x52: {  	[spmem:s7] =	stream.linear.scatter @!p0 [tilespmem:s19], [sflag:$0x1], $0x100, $0x38;
	[tilespmem:$0x6030] =	vst v63  }
0x53: {  	s19 =	simm.s32 @!p0 $0x1  }
0x54: {  	_ =	swait.ge @!p0 [sflag:s19], $0x100  }
0x55: {  	[sflag:s19] =	ssyncset.done @!p0 $0x0  }
0x56: {  	[sflag:s19] =	ssyncadd.s32 @!p0 $0xFFFFFF00  }
0x57: {  	s30 =	simm.s32 $0x0;
	[bflag:$0x0] =	sbarrier.arrive $0xFFFF  }
0x58: {  	[tilespmem:s30], [sflag:$0x1] =	stream.linear.gather [hbm4b:s8+s30], $0x2760, $0x38;
	[tilespmem:$0x6030] =	vst v63  }
0x59: {  	_ =	swait.ge [sflag:s13], $0x2760  }
0x5a: {  	[sflag:s13] =	ssyncset.done $0x0  }
0x5b: {  	s31 =	simm.s32 $0x0;
	[sflag:s13] =	ssyncadd.s32 $0xFFFFD8A0  }
0x5c: {  	[spmem:s1] =	stream.indirect.scatter.add.f32 [tilespmem:s15], [sflag:$0x1], $0x10, s31, s14, $0xb8;
	[tilespmem:$0x6030] =	vst v63  }
0x5d: {  	_ =	swait.ge [sflag:s13], $0x300  }
0x5e: {  	s19 =	simm.s32 $0xC0;
	[sflag:s13] =	ssyncset.done $0x0  }
.LBB2_4:
0x5f: {  	s20 =	sshra.s32 s19, $0x2;
	[sflag:s13] =	ssyncadd.s32 $0xFFFFFD00;
	p1 =	sne.s32 s19, $0x9CC0  }
0x60: {  	[spmem:s1] =	stream.indirect.scatter.add.f32 [tilespmem:s15], [sflag:$0x1], $0x10, s20, s14, $0xb8;
	[tilespmem:$0x6030] =	vst v63  }
.Ltmp1:
0x61: {  	_ = 	snop;
	(pc) =	sbr.rel @p1 .LBB2_4-.Ltmp1, $4  }
0x62: {  	_ = 	snop  }
0x63: {  	s19 =	sadd.s32 $0xC0, s19  }
0x64: {  	_ =	swait.ge [sflag:s13], $0x300  }
0x65: {  	[sflag:s13] =	ssyncset.done $0x0  }
0x66: {  	[sflag:s13] =	ssyncadd.s32 $0xFFFFFD00  }
0x67: {  	[bflag:$0x0] =	sbarrier.arrive $0xFFFF  }
0x68: {  	[hbm:s9], [sflag:s16] =	dma.local [spmem:s17], $0x4E0  }
0x69: {  	s3 =	sadd.s32 $0x1, s3;
	_ =	swait.ge [sflag:s13], $0x4E0  }
0x6a: {  	p1 =	sne.s32 s3, s11;
	[sflag:s13] =	ssyncset.done $0x0  }
.Ltmp2:
0x6b: {  	s19 =	simm.s32 @!p0 $0x1;
	[sflag:s13] =	ssyncadd.s32 $0xFFFFFB20;
	(pc) =	sbr.rel @p1 .LBB2_1-.Ltmp2, $4  }
0x6c: {  	[hbm:s10], [sflag:s16] =	dma.local @!p0 [spmem:s18], $0x20  }
0x6d: {  	_ =	swait.ge @!p0 [sflag:s19], $0x20  }
0x6e: {  	[sflag:s19] =	ssyncset.done @!p0 $0x0  }
0x6f: {  	[sflag:s19] =	ssyncadd.s32 @!p0 $0xFFFFFFE0  }
0x70: {  	_ =	sfence.sel $0x180000  }
0x71: {  	[bflag:$0x0] =	sbarrier.arrive $0xFFFF  }
0x72: {  	p0 =	sne.s32 s2, $0x0;
	_ =	strace $0x90000047  }
0x73: {  	s0 =	sadd.s32 @!p0 $0x100000, s0;
	[bflag:$0x2] =	sbarrier.arrive $0xFFFF  }
0x74: {  	[sflag:s0] =	ssyncadd.tile.s32 @!p0 $0x1;
	_ =	shalt  }
.Lfunc_end2:
_tile_overlayer_lowered:
.L_overlay_start_2:
0x75: {  	(tag) =	ssettag $0x2  }
0x76: {  	s0 =	rddreg [dreg:$0x0];
	s2 =	stileid.u32  }
0x77: {  	s1 =	rddreg [dreg:$0x1];
	p0 =	sne.s32 s2, $0x0  }
0x78: {  	s3 =	rddreg [dreg:$0x2];
	[bflag:$0x3] =	sbarrier.arrive $0xFFFF;
	s2 =	simm.s32 @!p0 $0x1C01  }
0x79: {  	[timem:s3], [sflag:s2] =	dma.local @!p0 [hbm:s0], s1  }
0x7a: {  	s0 =	simm.s32 @!p0 $0x1  }
0x7b: {  	_ =	swait.ge @!p0 [sflag:s0], s1  }
0x7c: {  	s1 =	ssub.s32 @!p0 $0x0, s1;
	[sflag:s0] =	ssyncset.done @!p0 $0x0  }
0x7d: {  	[sflag:s0] =	ssyncadd.s32 @!p0 s1  }
0x7e: {  	[bflag:$0x3] =	sbarrier.arrive $0xFFFF  }
0x7f: {  	_ =	shalt  }

</sc_bundles>
